<compile_context>
chip_gen: v7x
topology: tpu7x:2x2x1
jax: 0.10.2.dev20260603
libtpu: 0.0.44.dev20260713+nightly
codegen_flags: <defaults>
</compile_context>

<pallas_src>
import functools

import jax
import jax.numpy as jnp
import numpy as np
from jax import lax
from jax.experimental import pallas as pl
from jax.experimental.pallas import tpu as pltpu
from jax.experimental.pallas import tpu_sc as plsc

B, N, E, DN, DE, D = 4, 10000, 160000, 128, 16, 128

NTILE = 16
C = 80
EPT = E // NTILE
NCHUNK = EPT // C
RPT = 624
TAIL = N - NTILE * RPT
ZR = 16


def _linear_body(x_ref, w_ref, b_ref, o_ref, *, relu):
    y = jnp.dot(x_ref[...], w_ref[...], preferred_element_type=jnp.float32)
    y = y + b_ref[...]
    if relu:
        y = jnp.maximum(y, 0.0)
    o_ref[...] = y.astype(o_ref.dtype)


def _linear(x, w, b, relu=False, block_rows=5000, out_dtype=jnp.float32):
    R, K = x.shape
    Dout = w.shape[1]
    return pl.pallas_call(
        functools.partial(_linear_body, relu=relu),
        grid=(R // block_rows,),
        in_specs=[
            pl.BlockSpec((block_rows, K), lambda i: (i, 0)),
            pl.BlockSpec((K, Dout), lambda i: (0, 0)),
            pl.BlockSpec((1, Dout), lambda i: (0, 0)),
        ],
        out_specs=pl.BlockSpec((block_rows, Dout), lambda i: (i, 0)),
        out_shape=jax.ShapeDtypeStruct((R, Dout), out_dtype),
    )(x, w, b.reshape(1, Dout))


def _linear_pack_body(x_ref, w_ref, b_ref, o_ref):
    y = jnp.dot(x_ref[...], w_ref[...], preferred_element_type=jnp.float32)
    y = y + b_ref[...]
    bits = lax.bitcast_convert_type(y, jnp.int32) + 0x8000
    lo = lax.shift_right_logical(bits[:, : y.shape[1] // 2], 16)
    hi = bits[:, y.shape[1] // 2:] & jnp.int32(-65536)
    o_ref[...] = lo | hi


def _linear_pack(x, w, b, block_rows=5000):
    R, K = x.shape
    Dout = w.shape[1]
    return pl.pallas_call(
        _linear_pack_body,
        grid=(R // block_rows,),
        in_specs=[
            pl.BlockSpec((block_rows, K), lambda i: (i, 0)),
            pl.BlockSpec((K, Dout), lambda i: (0, 0)),
            pl.BlockSpec((1, Dout), lambda i: (0, 0)),
        ],
        out_specs=pl.BlockSpec((block_rows, Dout // 2), lambda i: (i, 0)),
        out_shape=jax.ShapeDtypeStruct((R, Dout // 2), jnp.int32),
    )(x, w, b.reshape(1, Dout))


NBUF = 2


def _sc_message_pass(xenc, ei_flat, eenc):
    mesh = plsc.VectorSubcoreMesh(core_axis_name="c", subcore_axis_name="s")

    @functools.partial(
        pl.kernel,
        out_type=jax.ShapeDtypeStruct((B * N, D), jnp.float32),
        mesh=mesh,
        scratch_types=[
            pltpu.VMEM((NBUF, C), jnp.int32),
            pltpu.VMEM((NBUF, C), jnp.int32),
            pltpu.VMEM((NBUF, C, D), jnp.float32),
            pltpu.VMEM((NBUF, C, D // 2), jnp.int32),
            pltpu.VMEM((ZR, D), jnp.float32),
            pltpu.VMEM_SHARED((N, D), jnp.float32),
        ]
        + [pltpu.SemaphoreType.DMA] * (3 * NBUF),
    )
    def k(xenc_hbm, ei_hbm, eenc_hbm, out_hbm,
          gidx, didx, rows, embuf, zbuf, agg, *sems):
        sem_i = sems[0:NBUF]
        sem_g = sems[NBUF:2 * NBUF]
        sem_e = sems[2 * NBUF:3 * NBUF]
        c = lax.axis_index("c")
        s = lax.axis_index("s")
        zvec = jnp.zeros((16,), jnp.float32)

        def zero_body(i, _):
            for j in range(D // 16):
                zbuf[i, pl.ds(j * 16, 16)] = zvec
            return 0
        lax.fori_loop(0, ZR, zero_body, 0)
        r0 = s * RPT

        def zero_agg():
            for kk in range(RPT // ZR):
                pltpu.sync_copy(zbuf, agg.at[pl.ds(r0 + kk * ZR, ZR)])
            @pl.when(s == NTILE - 1)
            def _():
                pltpu.sync_copy(zbuf.at[pl.ds(0, TAIL)],
                                agg.at[pl.ds(NTILE * RPT, TAIL)])

        zero_agg()

        for g in range(2):
            b = 2 * c + g
            tile0 = s * EPT
            sb = b * 2 * E + tile0
            db = sb + E
            eb = b * E + tile0
            bnv = b * N + jnp.zeros((16,), jnp.int32)

            def start_idx(j, bb):
                pltpu.async_copy(ei_hbm.at[pl.ds(sb + j * C, C)],
                                 gidx.at[bb], sem_i[bb])
                pltpu.async_copy(ei_hbm.at[pl.ds(db + j * C, C)],
                                 didx.at[bb], sem_i[bb])

            def start_ge(j, bb):
                pltpu.make_async_copy(ei_hbm.at[pl.ds(sb + j * C, C)],
                                      gidx.at[bb], sem_i[bb]).wait()
                pltpu.make_async_copy(ei_hbm.at[pl.ds(db + j * C, C)],
                                      didx.at[bb], sem_i[bb]).wait()
                for kk in range(C // 16):
                    sl = pl.ds(kk * 16, 16)
                    gidx[bb, sl] = gidx[bb, sl] + bnv
                pltpu.async_copy(xenc_hbm.at[gidx.at[bb]], rows.at[bb],
                                 sem_g[bb])
                pltpu.async_copy(eenc_hbm.at[pl.ds(eb + j * C, C)],
                                 embuf.at[bb], sem_e[bb])

            def phase(j, bb):
                nb = (bb + 1) % NBUF
                @pl.when(j + 1 < NCHUNK)
                def _():
                    start_ge(j + 1, nb)
                pltpu.make_async_copy(xenc_hbm.at[gidx.at[bb]],
                                      rows.at[bb], sem_g[bb]).wait()
                pltpu.make_async_copy(eenc_hbm.at[pl.ds(eb + j * C, C)],
                                      embuf.at[bb], sem_e[bb]).wait()

                himask = jnp.full((16,), -65536, jnp.int32)

                def mul_body(i, _):
                    for jj in range(D // 32):
                        ew = embuf[bb, i, pl.ds(jj * 16, 16)]
                        elo = lax.bitcast_convert_type(ew << 16, jnp.float32)
                        ehi = lax.bitcast_convert_type(ew & himask, jnp.float32)
                        sl_lo = pl.ds(jj * 32, 16)
                        sl_hi = pl.ds(jj * 32 + 16, 16)
                        rows[bb, i, sl_lo] = rows[bb, i, sl_lo] * elo
                        rows[bb, i, sl_hi] = rows[bb, i, sl_hi] * ehi
                    return 0
                lax.fori_loop(0, C, mul_body, 0)
                pltpu.sync_copy(rows.at[bb], agg.at[didx.at[bb]], add=True)
                @pl.when(j + 2 < NCHUNK)
                def _():
                    start_idx(j + 2, bb)

            plsc.subcore_barrier()

            start_idx(0, 0)
            start_ge(0, 0)
            start_idx(1, 1)

            def pair_body(jj, _):
                for ph in range(NBUF):
                    phase(jj * NBUF + ph, ph)
                return 0
            lax.fori_loop(0, NCHUNK // NBUF, pair_body, 0)
            for j in range(NCHUNK - NCHUNK % NBUF, NCHUNK):
                phase(jnp.int32(j), j % NBUF)

            plsc.subcore_barrier()
            pltpu.sync_copy(agg.at[pl.ds(r0, RPT)],
                            out_hbm.at[pl.ds(b * N + r0, RPT)])
            @pl.when(s == NTILE - 1)
            def _():
                pltpu.sync_copy(agg.at[pl.ds(NTILE * RPT, TAIL)],
                                out_hbm.at[pl.ds(b * N + NTILE * RPT, TAIL)])
            if g == 0:
                zero_agg()

    return k(xenc, ei_flat, eenc)


_Q = np.concatenate([np.concatenate([np.arange(16 * j, 16 * j + 16),
                                     64 + np.arange(16 * j, 16 * j + 16)])
                     for j in range(D // 32)])


def kernel(x, edge_index, edge_attr, W_node, b_node, W_edge, b_edge, W_out, b_out):
    xenc = _linear(x.reshape(B * N, DN), W_node[:, _Q], b_node[_Q])
    eenc_i = _linear_pack(edge_attr.reshape(B * E, DE), W_edge, b_edge)
    agg = _sc_message_pass(xenc, edge_index.reshape(-1), eenc_i)
    out = _linear(agg, W_out[_Q, :], b_out, relu=True)
    return out.reshape(B, N, D)

# --- scband reference (transcript-rebuilt; emitter-appended) ---
"""Pipeline reference for scband-encoder-15229954032170 (READ-ONLY COPY).

The authoritative reference and input builder live on the scoring server;
editing this copy changes nothing except your own understanding.
"""

import jax, jax.numpy as jnp
import numpy as np

B, N, E, DN, DE, D = 4, 10000, 160000, 128, 16, 128

def setup_inputs(seed: int = 0) -> dict:
    key = jax.random.key(seed)
    ks = jax.random.split(key, 8)
    x = jax.random.normal(ks[0], (B, N, DN), dtype=jnp.float32)
    edge_index = jax.random.randint(ks[1], (B, 2, E), 0, N, dtype=jnp.int32)
    edge_attr = jax.random.normal(ks[2], (B, E, DE), dtype=jnp.float32)
    W_node = jax.random.normal(ks[3], (DN, D), dtype=jnp.float32) / np.sqrt(DN)
    b_node = jnp.zeros((D,), dtype=jnp.float32)
    W_edge = jax.random.normal(ks[4], (DE, D), dtype=jnp.float32) / np.sqrt(DE)
    b_edge = jnp.zeros((D,), dtype=jnp.float32)
    W_out = jax.random.normal(ks[5], (D, D), dtype=jnp.float32) / np.sqrt(D)
    b_out = jnp.zeros((D,), dtype=jnp.float32)
    return {"x": x, "edge_index": edge_index, "edge_attr": edge_attr,
            "W_node": W_node, "b_node": b_node, "W_edge": W_edge, "b_edge": b_edge,
            "W_out": W_out, "b_out": b_out}

def reference(x, edge_index, edge_attr, W_node, b_node, W_edge, b_edge, W_out, b_out):
    # node_encoder: Linear(DN -> D), applied to all graphs at once
    x_enc = x @ W_node + b_node
    # edge_encoder: Linear(DE -> D)
    e_enc = edge_attr @ W_edge + b_edge

    def gnn_one(xi, ei, eai):
        # xi: [N, D] float, ei: [2, E] int, eai: [E, D] float
        src = ei[0]
        dst = ei[1]
        msg = jnp.take(xi, src, axis=0) * eai          # gather + edge gating
        agg = jax.ops.segment_sum(msg, dst, num_segments=N)  # scatter-add
        return jax.nn.relu(agg @ W_out + b_out)

    # torch.stack([gnn(i, j, k) for i, j, k in zip(x, edge_index, edge_attr)])
    out = jax.vmap(gnn_one)(x_enc, edge_index, e_enc)
    return out

if __name__ == "__main__":
    import jax
    _d = setup_inputs()
    print(jax.jit(kernel)(*tuple(_d.values())))

</pallas_src>

<mosaic_0001>
#map = affine_map<(d0, d1) -> (0, 0)>
#map1 = affine_map<(d0, d1) -> (0)>
module attributes {stable_mosaic.version = 14 : i64} {
  func.func @k(%arg0: i32, %arg1: i32, %arg2: memref<40000x128xf32, #tpu.memory_space<hbm>>, %arg3: memref<1280000xi32, #tpu.memory_space<hbm>>, %arg4: memref<640000x64xi32, #tpu.memory_space<hbm>>, %arg5: memref<40000x128xf32, #tpu.memory_space<hbm>>, %arg6: memref<2x80xi32, #tpu.memory_space<vmem>>, %arg7: memref<2x80xi32, #tpu.memory_space<vmem>>, %arg8: memref<2x80x128xf32, #tpu.memory_space<vmem>>, %arg9: memref<2x80x64xi32, #tpu.memory_space<vmem>>, %arg10: memref<16x128xf32, #tpu.memory_space<vmem>>, %arg11: memref<10000x128xf32, #tpu.memory_space<vmem_shared>>, %arg12: memref<!tpu.dma_semaphore, #tpu.memory_space<semaphore_mem>>, %arg13: memref<!tpu.dma_semaphore, #tpu.memory_space<semaphore_mem>>, %arg14: memref<!tpu.dma_semaphore, #tpu.memory_space<semaphore_mem>>, %arg15: memref<!tpu.dma_semaphore, #tpu.memory_space<semaphore_mem>>, %arg16: memref<!tpu.dma_semaphore, #tpu.memory_space<semaphore_mem>>, %arg17: memref<!tpu.dma_semaphore, #tpu.memory_space<semaphore_mem>>) attributes {dimension_semantics = [#tpu.dimension_semantics<core_parallel>, #tpu.dimension_semantics<subcore_parallel>], iteration_bounds = array<i64: 2, 16>, scalar_prefetch = 0 : i64, scratch_operands = 12 : i64, tpu.core_type = #tpu.core_type<sc_vector_subcore>, window_params = [{transform_indices = #map}, {transform_indices = #map1}, {transform_indices = #map}, {transform_indices = #map}]} {
    %broadcast_in_dim3A = arith.constant 0.000000e+00 : f32
    %broadcast_in_dim3A_0 = vector.broadcast %broadcast_in_dim3A : f32 to vector<16xf32>
    %scan3A = arith.constant 0 : i32
    %scan3A_1 = arith.constant 0 : i32
    %scan3A_2 = arith.constant 16 : i32
    %scan3A_3 = arith.addi %scan3A_1, %scan3A_2 : i32
    %scan3A_4 = arith.constant 1 : i32
    %scan3A_5 = scf.for %scan3A_663 = %scan3A_1 to %scan3A_3 step %scan3A_4 iter_args(%scan3A_664 = %scan3A) -> (i32)  : i32 {
      %swap3A_665 = arith.index_cast %scan3A_663 : i32 to index
      %swap3A_666 = arith.constant 0 : index
      %swap3A_667 = tpu.vector_load %arg10[%swap3A_665, %swap3A_666] {strides = array<i32>} : memref<16x128xf32, #tpu.memory_space<vmem>>, vector<1x16xf32>,
      %swap3A_668 = vector.shape_cast %swap3A_667 : vector<1x16xf32> to vector<16xf32>
      %swap3A_669 = vector.shape_cast %broadcast_in_dim3A_0 : vector<16xf32> to vector<1x16xf32>
      tpu.vector_store %arg10[%swap3A_665, %swap3A_666], %swap3A_669 {strides = array<i32>} : memref<16x128xf32, #tpu.memory_space<vmem>>, vector<1x16xf32>,
      %swap3A_670 = arith.index_cast %scan3A_663 : i32 to index
      %swap3A_671 = arith.constant 16 : index
      %swap3A_672 = tpu.vector_load %arg10[%swap3A_670, %swap3A_671] {strides = array<i32>} : memref<16x128xf32, #tpu.memory_space<vmem>>, vector<1x16xf32>,
      %swap3A_673 = vector.shape_cast %swap3A_672 : vector<1x16xf32> to vector<16xf32>
      %swap3A_674 = vector.shape_cast %broadcast_in_dim3A_0 : vector<16xf32> to vector<1x16xf32>
      tpu.vector_store %arg10[%swap3A_670, %swap3A_671], %swap3A_674 {strides = array<i32>} : memref<16x128xf32, #tpu.memory_space<vmem>>, vector<1x16xf32>,
      %swap3A_675 = arith.index_cast %scan3A_663 : i32 to index
      %swap3A_676 = arith.constant 32 : index
      %swap3A_677 = tpu.vector_load %arg10[%swap3A_675, %swap3A_676] {strides = array<i32>} : memref<16x128xf32, #tpu.memory_space<vmem>>, vector<1x16xf32>,
      %swap3A_678 = vector.shape_cast %swap3A_677 : vector<1x16xf32> to vector<16xf32>
      %swap3A_679 = vector.shape_cast %broadcast_in_dim3A_0 : vector<16xf32> to vector<1x16xf32>
      tpu.vector_store %arg10[%swap3A_675, %swap3A_676], %swap3A_679 {strides = array<i32>} : memref<16x128xf32, #tpu.memory_space<vmem>>, vector<1x16xf32>,
      %swap3A_680 = arith.index_cast %scan3A_663 : i32 to index
      %swap3A_681 = arith.constant 48 : index
      %swap3A_682 = tpu.vector_load %arg10[%swap3A_680, %swap3A_681] {strides = array<i32>} : memref<16x128xf32, #tpu.memory_space<vmem>>, vector<1x16xf32>,
      %swap3A_683 = vector.shape_cast %swap3A_682 : vector<1x16xf32> to vector<16xf32>
      %swap3A_684 = vector.shape_cast %broadcast_in_dim3A_0 : vector<16xf32> to vector<1x16xf32>
      tpu.vector_store %arg10[%swap3A_680, %swap3A_681], %swap3A_684 {strides = array<i32>} : memref<16x128xf32, #tpu.memory_space<vmem>>, vector<1x16xf32>,
      %swap3A_685 = arith.index_cast %scan3A_663 : i32 to index
      %swap3A_686 = arith.constant 64 : index
      %swap3A_687 = tpu.vector_load %arg10[%swap3A_685, %swap3A_686] {strides = array<i32>} : memref<16x128xf32, #tpu.memory_space<vmem>>, vector<1x16xf32>,
      %swap3A_688 = vector.shape_cast %swap3A_687 : vector<1x16xf32> to vector<16xf32>
      %swap3A_689 = vector.shape_cast %broadcast_in_dim3A_0 : vector<16xf32> to vector<1x16xf32>
      tpu.vector_store %arg10[%swap3A_685, %swap3A_686], %swap3A_689 {strides = array<i32>} : memref<16x128xf32, #tpu.memory_space<vmem>>, vector<1x16xf32>,
      %swap3A_690 = arith.index_cast %scan3A_663 : i32 to index
      %swap3A_691 = arith.constant 80 : index
      %swap3A_692 = tpu.vector_load %arg10[%swap3A_690, %swap3A_691] {strides = array<i32>} : memref<16x128xf32, #tpu.memory_space<vmem>>, vector<1x16xf32>,
      %swap3A_693 = vector.shape_cast %swap3A_692 : vector<1x16xf32> to vector<16xf32>
      %swap3A_694 = vector.shape_cast %broadcast_in_dim3A_0 : vector<16xf32> to vector<1x16xf32>
      tpu.vector_store %arg10[%swap3A_690, %swap3A_691], %swap3A_694 {strides = array<i32>} : memref<16x128xf32, #tpu.memory_space<vmem>>, vector<1x16xf32>,
      %swap3A_695 = arith.index_cast %scan3A_663 : i32 to index
      %swap3A_696 = arith.constant 96 : index
      %swap3A_697 = tpu.vector_load %arg10[%swap3A_695, %swap3A_696] {strides = array<i32>} : memref<16x128xf32, #tpu.memory_space<vmem>>, vector<1x16xf32>,
      %swap3A_698 = vector.shape_cast %swap3A_697 : vector<1x16xf32> to vector<16xf32>
      %swap3A_699 = vector.shape_cast %broadcast_in_dim3A_0 : vector<16xf32> to vector<1x16xf32>
      tpu.vector_store %arg10[%swap3A_695, %swap3A_696], %swap3A_699 {strides = array<i32>} : memref<16x128xf32, #tpu.memory_space<vmem>>, vector<1x16xf32>,
      %swap3A_700 = arith.index_cast %scan3A_663 : i32 to index
      %swap3A_701 = arith.constant 112 : index
      %swap3A_702 = tpu.vector_load %arg10[%swap3A_700, %swap3A_701] {strides = array<i32>} : memref<16x128xf32, #tpu.memory_space<vmem>>, vector<1x16xf32>,
      %swap3A_703 = vector.shape_cast %swap3A_702 : vector<1x16xf32> to vector<16xf32>
      %swap3A_704 = vector.shape_cast %broadcast_in_dim3A_0 : vector<16xf32> to vector<1x16xf32>
      tpu.vector_store %arg10[%swap3A_700, %swap3A_701], %swap3A_704 {strides = array<i32>} : memref<16x128xf32, #tpu.memory_space<vmem>>, vector<1x16xf32>,
      %scan3A_705 = arith.constant 0 : i32
      scf.yield %scan3A_705 : i32
    }
    %scan3A_6 = arith.constant 16 : i32
    %mul3A = arith.constant 624 : i32
    %mul3A_7 = arith.muli %arg1, %mul3A : i32
    %add3A = arith.constant 0 : i32
    %add3A_8 = arith.addi %mul3A_7, %add3A : i32
    "tpu.region"() ({
      %run_scoped3A_663 = tpu.sem_alloc : memref<!tpu.dma_semaphore, #tpu.memory_space<semaphore_mem>>
      %dma_start3A_664 = arith.constant 0 : i32
      %dma_start3A_665 = tpu.memref_slice %arg11[%add3A_8, %dma_start3A_664] : memref<10000x128xf32, #tpu.memory_space<vmem_shared>> -> memref<16x128xf32, #tpu.memory_space<vmem_shared>>
      %dma_start3A_666 = arith.constant 0 : i32
      %dma_start3A_667 = tpu.memref_slice %arg11[%add3A_8, %dma_start3A_666] : memref<10000x128xf32, #tpu.memory_space<vmem_shared>> -> memref<16x128xf32, #tpu.memory_space<vmem_shared>>
      tpu.enqueue_dma source(%arg10 : memref<16x128xf32, #tpu.memory_space<vmem>>) target(%dma_start3A_667 : memref<16x128xf32, #tpu.memory_space<vmem_shared>>) target_semaphore(%run_scoped3A_663 : memref<!tpu.dma_semaphore, #tpu.memory_space<semaphore_mem>>)
      %dma_wait3A_668 = arith.constant 0 : i32
      %dma_wait3A_669 = tpu.memref_slice %arg11[%add3A_8, %dma_wait3A_668] : memref<10000x128xf32, #tpu.memory_space<vmem_shared>> -> memref<16x128xf32, #tpu.memory_space<vmem_shared>>
      %dma_wait3A_670 = arith.constant 0 : i32
      %dma_wait3A_671 = tpu.memref_slice %arg11[%add3A_8, %dma_wait3A_670] : memref<10000x128xf32, #tpu.memory_space<vmem_shared>> -> memref<16x128xf32, #tpu.memory_space<vmem_shared>>
      tpu.wait_dma2 semaphore(%run_scoped3A_663 : memref<!tpu.dma_semaphore, #tpu.memory_space<semaphore_mem>>) src(%arg10 : memref<16x128xf32, #tpu.memory_space<vmem>>) dst(%dma_wait3A_671 : memref<16x128xf32, #tpu.memory_space<vmem_shared>>)
      tpu.yield
    }) : () -> ()
    %add3A_9 = arith.constant 16 : i32
    %add3A_10 = arith.addi %mul3A_7, %add3A_9 : i32
    "tpu.region"() ({
      %run_scoped3A_663 = tpu.sem_alloc : memref<!tpu.dma_semaphore, #tpu.memory_space<semaphore_mem>>
      %dma_start3A_664 = arith.constant 0 : i32
      %dma_start3A_665 = tpu.memref_slice %arg11[%add3A_10, %dma_start3A_664] : memref<10000x128xf32, #tpu.memory_space<vmem_shared>> -> memref<16x128xf32, #tpu.memory_space<vmem_shared>>
      %dma_start3A_666 = arith.constant 0 : i32
      %dma_start3A_667 = tpu.memref_slice %arg11[%add3A_10, %dma_start3A_666] : memref<10000x128xf32, #tpu.memory_space<vmem_shared>> -> memref<16x128xf32, #tpu.memory_space<vmem_shared>>
      tpu.enqueue_dma source(%arg10 : memref<16x128xf32, #tpu.memory_space<vmem>>) target(%dma_start3A_667 : memref<16x128xf32, #tpu.memory_space<vmem_shared>>) target_semaphore(%run_scoped3A_663 : memref<!tpu.dma_semaphore, #tpu.memory_space<semaphore_mem>>)
      %dma_wait3A_668 = arith.constant 0 : i32
      %dma_wait3A_669 = tpu.memref_slice %arg11[%add3A_10, %dma_wait3A_668] : memref<10000x128xf32, #tpu.memory_space<vmem_shared>> -> memref<16x128xf32, #tpu.memory_space<vmem_shared>>
      %dma_wait3A_670 = arith.constant 0 : i32
      %dma_wait3A_671 = tpu.memref_slice %arg11[%add3A_10, %dma_wait3A_670] : memref<10000x128xf32, #tpu.memory_space<vmem_shared>> -> memref<16x128xf32, #tpu.memory_space<vmem_shared>>
      tpu.wait_dma2 semaphore(%run_scoped3A_663 : memref<!tpu.dma_semaphore, #tpu.memory_space<semaphore_mem>>) src(%arg10 : memref<16x128xf32, #tpu.memory_space<vmem>>) dst(%dma_wait3A_671 : memref<16x128xf32, #tpu.memory_space<vmem_shared>>)
      tpu.yield
    }) : () -> ()
    %add3A_11 = arith.constant 32 : i32
    %add3A_12 = arith.addi %mul3A_7, %add3A_11 : i32
    "tpu.region"() ({
      %run_scoped3A_663 = tpu.sem_alloc : memref<!tpu.dma_semaphore, #tpu.memory_space<semaphore_mem>>
      %dma_start3A_664 = arith.constant 0 : i32
      %dma_start3A_665 = tpu.memref_slice %arg11[%add3A_12, %dma_start3A_664] : memref<10000x128xf32, #tpu.memory_space<vmem_shared>> -> memref<16x128xf32, #tpu.memory_space<vmem_shared>>
      %dma_start3A_666 = arith.constant 0 : i32
      %dma_start3A_667 = tpu.memref_slice %arg11[%add3A_12, %dma_start3A_666] : memref<10000x128xf32, #tpu.memory_space<vmem_shared>> -> memref<16x128xf32, #tpu.memory_space<vmem_shared>>
      tpu.enqueue_dma source(%arg10 : memref<16x128xf32, #tpu.memory_space<vmem>>) target(%dma_start3A_667 : memref<16x128xf32, #tpu.memory_space<vmem_shared>>) target_semaphore(%run_scoped3A_663 : memref<!tpu.dma_semaphore, #tpu.memory_space<semaphore_mem>>)
      %dma_wait3A_668 = arith.constant 0 : i32
      %dma_wait3A_669 = tpu.memref_slice %arg11[%add3A_12, %dma_wait3A_668] : memref<10000x128xf32, #tpu.memory_space<vmem_shared>> -> memref<16x128xf32, #tpu.memory_space<vmem_shared>>
      %dma_wait3A_670 = arith.constant 0 : i32
      %dma_wait3A_671 = tpu.memref_slice %arg11[%add3A_12, %dma_wait3A_670] : memref<10000x128xf32, #tpu.memory_space<vmem_shared>> -> memref<16x128xf32, #tpu.memory_space<vmem_shared>>
      tpu.wait_dma2 semaphore(%run_scoped3A_663 : memref<!tpu.dma_semaphore, #tpu.memory_space<semaphore_mem>>) src(%arg10 : memref<16x128xf32, #tpu.memory_space<vmem>>) dst(%dma_wait3A_671 : memref<16x128xf32, #tpu.memory_space<vmem_shared>>)
      tpu.yield
    }) : () -> ()
    %add3A_13 = arith.constant 48 : i32
    %add3A_14 = arith.addi %mul3A_7, %add3A_13 : i32
    "tpu.region"() ({
      %run_scoped3A_663 = tpu.sem_alloc : memref<!tpu.dma_semaphore, #tpu.memory_space<semaphore_mem>>
      %dma_start3A_664 = arith.constant 0 : i32
      %dma_start3A_665 = tpu.memref_slice %arg11[%add3A_14, %dma_start3A_664] : memref<10000x128xf32, #tpu.memory_space<vmem_shared>> -> memref<16x128xf32, #tpu.memory_space<vmem_shared>>
      %dma_start3A_666 = arith.constant 0 : i32
      %dma_start3A_667 = tpu.memref_slice %arg11[%add3A_14, %dma_start3A_666] : memref<10000x128xf32, #tpu.memory_space<vmem_shared>> -> memref<16x128xf32, #tpu.memory_space<vmem_shared>>
      tpu.enqueue_dma source(%arg10 : memref<16x128xf32, #tpu.memory_space<vmem>>) target(%dma_start3A_667 : memref<16x128xf32, #tpu.memory_space<vmem_shared>>) target_semaphore(%run_scoped3A_663 : memref<!tpu.dma_semaphore, #tpu.memory_space<semaphore_mem>>)
      %dma_wait3A_668 = arith.constant 0 : i32
      %dma_wait3A_669 = tpu.memref_slice %arg11[%add3A_14, %dma_wait3A_668] : memref<10000x128xf32, #tpu.memory_space<vmem_shared>> -> memref<16x128xf32, #tpu.memory_space<vmem_shared>>
      %dma_wait3A_670 = arith.constant 0 : i32
      %dma_wait3A_671 = tpu.memref_slice %arg11[%add3A_14, %dma_wait3A_670] : memref<10000x128xf32, #tpu.memory_space<vmem_shared>> -> memref<16x128xf32, #tpu.memory_space<vmem_shared>>
      tpu.wait_dma2 semaphore(%run_scoped3A_663 : memref<!tpu.dma_semaphore, #tpu.memory_space<semaphore_mem>>) src(%arg10 : memref<16x128xf32, #tpu.memory_space<vmem>>) dst(%dma_wait3A_671 : memref<16x128xf32, #tpu.memory_space<vmem_shared>>)
      tpu.yield
    }) : () -> ()
    %add3A_15 = arith.constant 64 : i32
    %add3A_16 = arith.addi %mul3A_7, %add3A_15 : i32
    "tpu.region"() ({
      %run_scoped3A_663 = tpu.sem_alloc : memref<!tpu.dma_semaphore, #tpu.memory_space<semaphore_mem>>
      %dma_start3A_664 = arith.constant 0 : i32
      %dma_start3A_665 = tpu.memref_slice %arg11[%add3A_16, %dma_start3A_664] : memref<10000x128xf32, #tpu.memory_space<vmem_shared>> -> memref<16x128xf32, #tpu.memory_space<vmem_shared>>
      %dma_start3A_666 = arith.constant 0 : i32
      %dma_start3A_667 = tpu.memref_slice %arg11[%add3A_16, %dma_start3A_666] : memref<10000x128xf32, #tpu.memory_space<vmem_shared>> -> memref<16x128xf32, #tpu.memory_space<vmem_shared>>
      tpu.enqueue_dma source(%arg10 : memref<16x128xf32, #tpu.memory_space<vmem>>) target(%dma_start3A_667 : memref<16x128xf32, #tpu.memory_space<vmem_shared>>) target_semaphore(%run_scoped3A_663 : memref<!tpu.dma_semaphore, #tpu.memory_space<semaphore_mem>>)
      %dma_wait3A_668 = arith.constant 0 : i32
      %dma_wait3A_669 = tpu.memref_slice %arg11[%add3A_16, %dma_wait3A_668] : memref<10000x128xf32, #tpu.memory_space<vmem_shared>> -> memref<16x128xf32, #tpu.memory_space<vmem_shared>>
      %dma_wait3A_670 = arith.constant 0 : i32
      %dma_wait3A_671 = tpu.memref_slice %arg11[%add3A_16, %dma_wait3A_670] : memref<10000x128xf32, #tpu.memory_space<vmem_shared>> -> memref<16x128xf32, #tpu.memory_space<vmem_shared>>
      tpu.wait_dma2 semaphore(%run_scoped3A_663 : memref<!tpu.dma_semaphore, #tpu.memory_space<semaphore_mem>>) src(%arg10 : memref<16x128xf32, #tpu.memory_space<vmem>>) dst(%dma_wait3A_671 : memref<16x128xf32, #tpu.memory_space<vmem_shared>>)
      tpu.yield
    }) : () -> ()
    %add3A_17 = arith.constant 80 : i32
    %add3A_18 = arith.addi %mul3A_7, %add3A_17 : i32
    "tpu.region"() ({
      %run_scoped3A_663 = tpu.sem_alloc : memref<!tpu.dma_semaphore, #tpu.memory_space<semaphore_mem>>
      %dma_start3A_664 = arith.constant 0 : i32
      %dma_start3A_665 = tpu.memref_slice %arg11[%add3A_18, %dma_start3A_664] : memref<10000x128xf32, #tpu.memory_space<vmem_shared>> -> memref<16x128xf32, #tpu.memory_space<vmem_shared>>
      %dma_start3A_666 = arith.constant 0 : i32
      %dma_start3A_667 = tpu.memref_slice %arg11[%add3A_18, %dma_start3A_666] : memref<10000x128xf32, #tpu.memory_space<vmem_shared>> -> memref<16x128xf32, #tpu.memory_space<vmem_shared>>
      tpu.enqueue_dma source(%arg10 : memref<16x128xf32, #tpu.memory_space<vmem>>) target(%dma_start3A_667 : memref<16x128xf32, #tpu.memory_space<vmem_shared>>) target_semaphore(%run_scoped3A_663 : memref<!tpu.dma_semaphore, #tpu.memory_space<semaphore_mem>>)
      %dma_wait3A_668 = arith.constant 0 : i32
      %dma_wait3A_669 = tpu.memref_slice %arg11[%add3A_18, %dma_wait3A_668] : memref<10000x128xf32, #tpu.memory_space<vmem_shared>> -> memref<16x128xf32, #tpu.memory_space<vmem_shared>>
      %dma_wait3A_670 = arith.constant 0 : i32
      %dma_wait3A_671 = tpu.memref_slice %arg11[%add3A_18, %dma_wait3A_670] : memref<10000x128xf32, #tpu.memory_space<vmem_shared>> -> memref<16x128xf32, #tpu.memory_space<vmem_shared>>
      tpu.wait_dma2 semaphore(%run_scoped3A_663 : memref<!tpu.dma_semaphore, #tpu.memory_space<semaphore_mem>>) src(%arg10 : memref<16x128xf32, #tpu.memory_space<vmem>>) dst(%dma_wait3A_671 : memref<16x128xf32, #tpu.memory_space<vmem_shared>>)
      tpu.yield
    }) : () -> ()
    %add3A_19 = arith.constant 96 : i32
    %add3A_20 = arith.addi %mul3A_7, %add3A_19 : i32
    "tpu.region"() ({
      %run_scoped3A_663 = tpu.sem_alloc : memref<!tpu.dma_semaphore, #tpu.memory_space<semaphore_mem>>
      %dma_start3A_664 = arith.constant 0 : i32
      %dma_start3A_665 = tpu.memref_slice %arg11[%add3A_20, %dma_start3A_664] : memref<10000x128xf32, #tpu.memory_space<vmem_shared>> -> memref<16x128xf32, #tpu.memory_space<vmem_shared>>
      %dma_start3A_666 = arith.constant 0 : i32
      %dma_start3A_667 = tpu.memref_slice %arg11[%add3A_20, %dma_start3A_666] : memref<10000x128xf32, #tpu.memory_space<vmem_shared>> -> memref<16x128xf32, #tpu.memory_space<vmem_shared>>
      tpu.enqueue_dma source(%arg10 : memref<16x128xf32, #tpu.memory_space<vmem>>) target(%dma_start3A_667 : memref<16x128xf32, #tpu.memory_space<vmem_shared>>) target_semaphore(%run_scoped3A_663 : memref<!tpu.dma_semaphore, #tpu.memory_space<semaphore_mem>>)
      %dma_wait3A_668 = arith.constant 0 : i32
      %dma_wait3A_669 = tpu.memref_slice %arg11[%add3A_20, %dma_wait3A_668] : memref<10000x128xf32, #tpu.memory_space<vmem_shared>> -> memref<16x128xf32, #tpu.memory_space<vmem_shared>>
      %dma_wait3A_670 = arith.constant 0 : i32
      %dma_wait3A_671 = tpu.memref_slice %arg11[%add3A_20, %dma_wait3A_670] : memref<10000x128xf32, #tpu.memory_space<vmem_shared>> -> memref<16x128xf32, #tpu.memory_space<vmem_shared>>
      tpu.wait_dma2 semaphore(%run_scoped3A_663 : memref<!tpu.dma_semaphore, #tpu.memory_space<semaphore_mem>>) src(%arg10 : memref<16x128xf32, #tpu.memory_space<vmem>>) dst(%dma_wait3A_671 : memref<16x128xf32, #tpu.memory_space<vmem_shared>>)
      tpu.yield
    }) : () -> ()
    %add3A_21 = arith.constant 112 : i32
    %add3A_22 = arith.addi %mul3A_7, %add3A_21 : i32
    "tpu.region"() ({
      %run_scoped3A_663 = tpu.sem_alloc : memref<!tpu.dma_semaphore, #tpu.memory_space<semaphore_mem>>
      %dma_start3A_664 = arith.constant 0 : i32
      %dma_start3A_665 = tpu.memref_slice %arg11[%add3A_22, %dma_start3A_664] : memref<10000x128xf32, #tpu.memory_space<vmem_shared>> -> memref<16x128xf32, #tpu.memory_space<vmem_shared>>
      %dma_start3A_666 = arith.constant 0 : i32
      %dma_start3A_667 = tpu.memref_slice %arg11[%add3A_22, %dma_start3A_666] : memref<10000x128xf32, #tpu.memory_space<vmem_shared>> -> memref<16x128xf32, #tpu.memory_space<vmem_shared>>
      tpu.enqueue_dma source(%arg10 : memref<16x128xf32, #tpu.memory_space<vmem>>) target(%dma_start3A_667 : memref<16x128xf32, #tpu.memory_space<vmem_shared>>) target_semaphore(%run_scoped3A_663 : memref<!tpu.dma_semaphore, #tpu.memory_space<semaphore_mem>>)
      %dma_wait3A_668 = arith.constant 0 : i32
      %dma_wait3A_669 = tpu.memref_slice %arg11[%add3A_22, %dma_wait3A_668] : memref<10000x128xf32, #tpu.memory_space<vmem_shared>> -> memref<16x128xf32, #tpu.memory_space<vmem_shared>>
      %dma_wait3A_670 = arith.constant 0 : i32
      %dma_wait3A_671 = tpu.memref_slice %arg11[%add3A_22, %dma_wait3A_670] : memref<10000x128xf32, #tpu.memory_space<vmem_shared>> -> memref<16x128xf32, #tpu.memory_space<vmem_shared>>
      tpu.wait_dma2 semaphore(%run_scoped3A_663 : memref<!tpu.dma_semaphore, #tpu.memory_space<semaphore_mem>>) src(%arg10 : memref<16x128xf32, #tpu.memory_space<vmem>>) dst(%dma_wait3A_671 : memref<16x128xf32, #tpu.memory_space<vmem_shared>>)
      tpu.yield
    }) : () -> ()
    %add3A_23 = arith.constant 128 : i32
    %add3A_24 = arith.addi %mul3A_7, %add3A_23 : i32
    "tpu.region"() ({
      %run_scoped3A_663 = tpu.sem_alloc : memref<!tpu.dma_semaphore, #tpu.memory_space<semaphore_mem>>
      %dma_start3A_664 = arith.constant 0 : i32
      %dma_start3A_665 = tpu.memref_slice %arg11[%add3A_24, %dma_start3A_664] : memref<10000x128xf32, #tpu.memory_space<vmem_shared>> -> memref<16x128xf32, #tpu.memory_space<vmem_shared>>
      %dma_start3A_666 = arith.constant 0 : i32
      %dma_start3A_667 = tpu.memref_slice %arg11[%add3A_24, %dma_start3A_666] : memref<10000x128xf32, #tpu.memory_space<vmem_shared>> -> memref<16x128xf32, #tpu.memory_space<vmem_shared>>
      tpu.enqueue_dma source(%arg10 : memref<16x128xf32, #tpu.memory_space<vmem>>) target(%dma_start3A_667 : memref<16x128xf32, #tpu.memory_space<vmem_shared>>) target_semaphore(%run_scoped3A_663 : memref<!tpu.dma_semaphore, #tpu.memory_space<semaphore_mem>>)
      %dma_wait3A_668 = arith.constant 0 : i32
      %dma_wait3A_669 = tpu.memref_slice %arg11[%add3A_24, %dma_wait3A_668] : memref<10000x128xf32, #tpu.memory_space<vmem_shared>> -> memref<16x128xf32, #tpu.memory_space<vmem_shared>>
      %dma_wait3A_670 = arith.constant 0 : i32
      %dma_wait3A_671 = tpu.memref_slice %arg11[%add3A_24, %dma_wait3A_670] : memref<10000x128xf32, #tpu.memory_space<vmem_shared>> -> memref<16x128xf32, #tpu.memory_space<vmem_shared>>
      tpu.wait_dma2 semaphore(%run_scoped3A_663 : memref<!tpu.dma_semaphore, #tpu.memory_space<semaphore_mem>>) src(%arg10 : memref<16x128xf32, #tpu.memory_space<vmem>>) dst(%dma_wait3A_671 : memref<16x128xf32, #tpu.memory_space<vmem_shared>>)
      tpu.yield
    }) : () -> ()
    %add3A_25 = arith.constant 144 : i32
    %add3A_26 = arith.addi %mul3A_7, %add3A_25 : i32
    "tpu.region"() ({
      %run_scoped3A_663 = tpu.sem_alloc : memref<!tpu.dma_semaphore, #tpu.memory_space<semaphore_mem>>
      %dma_start3A_664 = arith.constant 0 : i32
      %dma_start3A_665 = tpu.memref_slice %arg11[%add3A_26, %dma_start3A_664] : memref<10000x128xf32, #tpu.memory_space<vmem_shared>> -> memref<16x128xf32, #tpu.memory_space<vmem_shared>>
      %dma_start3A_666 = arith.constant 0 : i32
      %dma_start3A_667 = tpu.memref_slice %arg11[%add3A_26, %dma_start3A_666] : memref<10000x128xf32, #tpu.memory_space<vmem_shared>> -> memref<16x128xf32, #tpu.memory_space<vmem_shared>>
      tpu.enqueue_dma source(%arg10 : memref<16x128xf32, #tpu.memory_space<vmem>>) target(%dma_start3A_667 : memref<16x128xf32, #tpu.memory_space<vmem_shared>>) target_semaphore(%run_scoped3A_663 : memref<!tpu.dma_semaphore, #tpu.memory_space<semaphore_mem>>)
      %dma_wait3A_668 = arith.constant 0 : i32
      %dma_wait3A_669 = tpu.memref_slice %arg11[%add3A_26, %dma_wait3A_668] : memref<10000x128xf32, #tpu.memory_space<vmem_shared>> -> memref<16x128xf32, #tpu.memory_space<vmem_shared>>
      %dma_wait3A_670 = arith.constant 0 : i32
      %dma_wait3A_671 = tpu.memref_slice %arg11[%add3A_26, %dma_wait3A_670] : memref<10000x128xf32, #tpu.memory_space<vmem_shared>> -> memref<16x128xf32, #tpu.memory_space<vmem_shared>>
      tpu.wait_dma2 semaphore(%run_scoped3A_663 : memref<!tpu.dma_semaphore, #tpu.memory_space<semaphore_mem>>) src(%arg10 : memref<16x128xf32, #tpu.memory_space<vmem>>) dst(%dma_wait3A_671 : memref<16x128xf32, #tpu.memory_space<vmem_shared>>)
      tpu.yield
    }) : () -> ()
    %add3A_27 = arith.constant 160 : i32
    %add3A_28 = arith.addi %mul3A_7, %add3A_27 : i32
    "tpu.region"() ({
      %run_scoped3A_663 = tpu.sem_alloc : memref<!tpu.dma_semaphore, #tpu.memory_space<semaphore_mem>>
      %dma_start3A_664 = arith.constant 0 : i32
      %dma_start3A_665 = tpu.memref_slice %arg11[%add3A_28, %dma_start3A_664] : memref<10000x128xf32, #tpu.memory_space<vmem_shared>> -> memref<16x128xf32, #tpu.memory_space<vmem_shared>>
      %dma_start3A_666 = arith.constant 0 : i32
      %dma_start3A_667 = tpu.memref_slice %arg11[%add3A_28, %dma_start3A_666] : memref<10000x128xf32, #tpu.memory_space<vmem_shared>> -> memref<16x128xf32, #tpu.memory_space<vmem_shared>>
      tpu.enqueue_dma source(%arg10 : memref<16x128xf32, #tpu.memory_space<vmem>>) target(%dma_start3A_667 : memref<16x128xf32, #tpu.memory_space<vmem_shared>>) target_semaphore(%run_scoped3A_663 : memref<!tpu.dma_semaphore, #tpu.memory_space<semaphore_mem>>)
      %dma_wait3A_668 = arith.constant 0 : i32
      %dma_wait3A_669 = tpu.memref_slice %arg11[%add3A_28, %dma_wait3A_668] : memref<10000x128xf32, #tpu.memory_space<vmem_shared>> -> memref<16x128xf32, #tpu.memory_space<vmem_shared>>
      %dma_wait3A_670 = arith.constant 0 : i32
      %dma_wait3A_671 = tpu.memref_slice %arg11[%add3A_28, %dma_wait3A_670] : memref<10000x128xf32, #tpu.memory_space<vmem_shared>> -> memref<16x128xf32, #tpu.memory_space<vmem_shared>>
      tpu.wait_dma2 semaphore(%run_scoped3A_663 : memref<!tpu.dma_semaphore, #tpu.memory_space<semaphore_mem>>) src(%arg10 : memref<16x128xf32, #tpu.memory_space<vmem>>) dst(%dma_wait3A_671 : memref<16x128xf32, #tpu.memory_space<vmem_shared>>)
      tpu.yield
    }) : () -> ()
    %add3A_29 = arith.constant 176 : i32
    %add3A_30 = arith.addi %mul3A_7, %add3A_29 : i32
    "tpu.region"() ({
      %run_scoped3A_663 = tpu.sem_alloc : memref<!tpu.dma_semaphore, #tpu.memory_space<semaphore_mem>>
      %dma_start3A_664 = arith.constant 0 : i32
      %dma_start3A_665 = tpu.memref_slice %arg11[%add3A_30, %dma_start3A_664] : memref<10000x128xf32, #tpu.memory_space<vmem_shared>> -> memref<16x128xf32, #tpu.memory_space<vmem_shared>>
      %dma_start3A_666 = arith.constant 0 : i32
      %dma_start3A_667 = tpu.memref_slice %arg11[%add3A_30, %dma_start3A_666] : memref<10000x128xf32, #tpu.memory_space<vmem_shared>> -> memref<16x128xf32, #tpu.memory_space<vmem_shared>>
      tpu.enqueue_dma source(%arg10 : memref<16x128xf32, #tpu.memory_space<vmem>>) target(%dma_start3A_667 : memref<16x128xf32, #tpu.memory_space<vmem_shared>>) target_semaphore(%run_scoped3A_663 : memref<!tpu.dma_semaphore, #tpu.memory_space<semaphore_mem>>)
      %dma_wait3A_668 = arith.constant 0 : i32
      %dma_wait3A_669 = tpu.memref_slice %arg11[%add3A_30, %dma_wait3A_668] : memref<10000x128xf32, #tpu.memory_space<vmem_shared>> -> memref<16x128xf32, #tpu.memory_space<vmem_shared>>
      %dma_wait3A_670 = arith.constant 0 : i32
      %dma_wait3A_671 = tpu.memref_slice %arg11[%add3A_30, %dma_wait3A_670] : memref<10000x128xf32, #tpu.memory_space<vmem_shared>> -> memref<16x128xf32, #tpu.memory_space<vmem_shared>>
      tpu.wait_dma2 semaphore(%run_scoped3A_663 : memref<!tpu.dma_semaphore, #tpu.memory_space<semaphore_mem>>) src(%arg10 : memref<16x128xf32, #tpu.memory_space<vmem>>) dst(%dma_wait3A_671 : memref<16x128xf32, #tpu.memory_space<vmem_shared>>)
      tpu.yield
    }) : () -> ()
    %add3A_31 = arith.constant 192 : i32
    %add3A_32 = arith.addi %mul3A_7, %add3A_31 : i32
    "tpu.region"() ({
      %run_scoped3A_663 = tpu.sem_alloc : memref<!tpu.dma_semaphore, #tpu.memory_space<semaphore_mem>>
      %dma_start3A_664 = arith.constant 0 : i32
      %dma_start3A_665 = tpu.memref_slice %arg11[%add3A_32, %dma_start3A_664] : memref<10000x128xf32, #tpu.memory_space<vmem_shared>> -> memref<16x128xf32, #tpu.memory_space<vmem_shared>>
      %dma_start3A_666 = arith.constant 0 : i32
      %dma_start3A_667 = tpu.memref_slice %arg11[%add3A_32, %dma_start3A_666] : memref<10000x128xf32, #tpu.memory_space<vmem_shared>> -> memref<16x128xf32, #tpu.memory_space<vmem_shared>>
      tpu.enqueue_dma source(%arg10 : memref<16x128xf32, #tpu.memory_space<vmem>>) target(%dma_start3A_667 : memref<16x128xf32, #tpu.memory_space<vmem_shared>>) target_semaphore(%run_scoped3A_663 : memref<!tpu.dma_semaphore, #tpu.memory_space<semaphore_mem>>)
      %dma_wait3A_668 = arith.constant 0 : i32
      %dma_wait3A_669 = tpu.memref_slice %arg11[%add3A_32, %dma_wait3A_668] : memref<10000x128xf32, #tpu.memory_space<vmem_shared>> -> memref<16x128xf32, #tpu.memory_space<vmem_shared>>
      %dma_wait3A_670 = arith.constant 0 : i32
      %dma_wait3A_671 = tpu.memref_slice %arg11[%add3A_32, %dma_wait3A_670] : memref<10000x128xf32, #tpu.memory_space<vmem_shared>> -> memref<16x128xf32, #tpu.memory_space<vmem_shared>>
      tpu.wait_dma2 semaphore(%run_scoped3A_663 : memref<!tpu.dma_semaphore, #tpu.memory_space<semaphore_mem>>) src(%arg10 : memref<16x128xf32, #tpu.memory_space<vmem>>) dst(%dma_wait3A_671 : memref<16x128xf32, #tpu.memory_space<vmem_shared>>)
      tpu.yield
    }) : () -> ()
    %add3A_33 = arith.constant 208 : i32
    %add3A_34 = arith.addi %mul3A_7, %add3A_33 : i32
    "tpu.region"() ({
      %run_scoped3A_663 = tpu.sem_alloc : memref<!tpu.dma_semaphore, #tpu.memory_space<semaphore_mem>>
      %dma_start3A_664 = arith.constant 0 : i32
      %dma_start3A_665 = tpu.memref_slice %arg11[%add3A_34, %dma_start3A_664] : memref<10000x128xf32, #tpu.memory_space<vmem_shared>> -> memref<16x128xf32, #tpu.memory_space<vmem_shared>>
      %dma_start3A_666 = arith.constant 0 : i32
      %dma_start3A_667 = tpu.memref_slice %arg11[%add3A_34, %dma_start3A_666] : memref<10000x128xf32, #tpu.memory_space<vmem_shared>> -> memref<16x128xf32, #tpu.memory_space<vmem_shared>>
      tpu.enqueue_dma source(%arg10 : memref<16x128xf32, #tpu.memory_space<vmem>>) target(%dma_start3A_667 : memref<16x128xf32, #tpu.memory_space<vmem_shared>>) target_semaphore(%run_scoped3A_663 : memref<!tpu.dma_semaphore, #tpu.memory_space<semaphore_mem>>)
      %dma_wait3A_668 = arith.constant 0 : i32
      %dma_wait3A_669 = tpu.memref_slice %arg11[%add3A_34, %dma_wait3A_668] : memref<10000x128xf32, #tpu.memory_space<vmem_shared>> -> memref<16x128xf32, #tpu.memory_space<vmem_shared>>
      %dma_wait3A_670 = arith.constant 0 : i32
      %dma_wait3A_671 = tpu.memref_slice %arg11[%add3A_34, %dma_wait3A_670] : memref<10000x128xf32, #tpu.memory_space<vmem_shared>> -> memref<16x128xf32, #tpu.memory_space<vmem_shared>>
      tpu.wait_dma2 semaphore(%run_scoped3A_663 : memref<!tpu.dma_semaphore, #tpu.memory_space<semaphore_mem>>) src(%arg10 : memref<16x128xf32, #tpu.memory_space<vmem>>) dst(%dma_wait3A_671 : memref<16x128xf32, #tpu.memory_space<vmem_shared>>)
      tpu.yield
    }) : () -> ()
    %add3A_35 = arith.constant 224 : i32
    %add3A_36 = arith.addi %mul3A_7, %add3A_35 : i32
    "tpu.region"() ({
      %run_scoped3A_663 = tpu.sem_alloc : memref<!tpu.dma_semaphore, #tpu.memory_space<semaphore_mem>>
      %dma_start3A_664 = arith.constant 0 : i32
      %dma_start3A_665 = tpu.memref_slice %arg11[%add3A_36, %dma_start3A_664] : memref<10000x128xf32, #tpu.memory_space<vmem_shared>> -> memref<16x128xf32, #tpu.memory_space<vmem_shared>>
      %dma_start3A_666 = arith.constant 0 : i32
      %dma_start3A_667 = tpu.memref_slice %arg11[%add3A_36, %dma_start3A_666] : memref<10000x128xf32, #tpu.memory_space<vmem_shared>> -> memref<16x128xf32, #tpu.memory_space<vmem_shared>>
      tpu.enqueue_dma source(%arg10 : memref<16x128xf32, #tpu.memory_space<vmem>>) target(%dma_start3A_667 : memref<16x128xf32, #tpu.memory_space<vmem_shared>>) target_semaphore(%run_scoped3A_663 : memref<!tpu.dma_semaphore, #tpu.memory_space<semaphore_mem>>)
      %dma_wait3A_668 = arith.constant 0 : i32
      %dma_wait3A_669 = tpu.memref_slice %arg11[%add3A_36, %dma_wait3A_668] : memref<10000x128xf32, #tpu.memory_space<vmem_shared>> -> memref<16x128xf32, #tpu.memory_space<vmem_shared>>
      %dma_wait3A_670 = arith.constant 0 : i32
      %dma_wait3A_671 = tpu.memref_slice %arg11[%add3A_36, %dma_wait3A_670] : memref<10000x128xf32, #tpu.memory_space<vmem_shared>> -> memref<16x128xf32, #tpu.memory_space<vmem_shared>>
      tpu.wait_dma2 semaphore(%run_scoped3A_663 : memref<!tpu.dma_semaphore, #tpu.memory_space<semaphore_mem>>) src(%arg10 : memref<16x128xf32, #tpu.memory_space<vmem>>) dst(%dma_wait3A_671 : memref<16x128xf32, #tpu.memory_space<vmem_shared>>)
      tpu.yield
    }) : () -> ()
    %add3A_37 = arith.constant 240 : i32
    %add3A_38 = arith.addi %mul3A_7, %add3A_37 : i32
    "tpu.region"() ({
      %run_scoped3A_663 = tpu.sem_alloc : memref<!tpu.dma_semaphore, #tpu.memory_space<semaphore_mem>>
      %dma_start3A_664 = arith.constant 0 : i32
      %dma_start3A_665 = tpu.memref_slice %arg11[%add3A_38, %dma_start3A_664] : memref<10000x128xf32, #tpu.memory_space<vmem_shared>> -> memref<16x128xf32, #tpu.memory_space<vmem_shared>>
      %dma_start3A_666 = arith.constant 0 : i32
      %dma_start3A_667 = tpu.memref_slice %arg11[%add3A_38, %dma_start3A_666] : memref<10000x128xf32, #tpu.memory_space<vmem_shared>> -> memref<16x128xf32, #tpu.memory_space<vmem_shared>>
      tpu.enqueue_dma source(%arg10 : memref<16x128xf32, #tpu.memory_space<vmem>>) target(%dma_start3A_667 : memref<16x128xf32, #tpu.memory_space<vmem_shared>>) target_semaphore(%run_scoped3A_663 : memref<!tpu.dma_semaphore, #tpu.memory_space<semaphore_mem>>)
      %dma_wait3A_668 = arith.constant 0 : i32
      %dma_wait3A_669 = tpu.memref_slice %arg11[%add3A_38, %dma_wait3A_668] : memref<10000x128xf32, #tpu.memory_space<vmem_shared>> -> memref<16x128xf32, #tpu.memory_space<vmem_shared>>
      %dma_wait3A_670 = arith.constant 0 : i32
      %dma_wait3A_671 = tpu.memref_slice %arg11[%add3A_38, %dma_wait3A_670] : memref<10000x128xf32, #tpu.memory_space<vmem_shared>> -> memref<16x128xf32, #tpu.memory_space<vmem_shared>>
      tpu.wait_dma2 semaphore(%run_scoped3A_663 : memref<!tpu.dma_semaphore, #tpu.memory_space<semaphore_mem>>) src(%arg10 : memref<16x128xf32, #tpu.memory_space<vmem>>) dst(%dma_wait3A_671 : memref<16x128xf32, #tpu.memory_space<vmem_shared>>)
      tpu.yield
    }) : () -> ()
    %add3A_39 = arith.constant 256 : i32
    %add3A_40 = arith.addi %mul3A_7, %add3A_39 : i32
    "tpu.region"() ({
      %run_scoped3A_663 = tpu.sem_alloc : memref<!tpu.dma_semaphore, #tpu.memory_space<semaphore_mem>>
      %dma_start3A_664 = arith.constant 0 : i32
      %dma_start3A_665 = tpu.memref_slice %arg11[%add3A_40, %dma_start3A_664] : memref<10000x128xf32, #tpu.memory_space<vmem_shared>> -> memref<16x128xf32, #tpu.memory_space<vmem_shared>>
      %dma_start3A_666 = arith.constant 0 : i32
      %dma_start3A_667 = tpu.memref_slice %arg11[%add3A_40, %dma_start3A_666] : memref<10000x128xf32, #tpu.memory_space<vmem_shared>> -> memref<16x128xf32, #tpu.memory_space<vmem_shared>>
      tpu.enqueue_dma source(%arg10 : memref<16x128xf32, #tpu.memory_space<vmem>>) target(%dma_start3A_667 : memref<16x128xf32, #tpu.memory_space<vmem_shared>>) target_semaphore(%run_scoped3A_663 : memref<!tpu.dma_semaphore, #tpu.memory_space<semaphore_mem>>)
      %dma_wait3A_668 = arith.constant 0 : i32
      %dma_wait3A_669 = tpu.memref_slice %arg11[%add3A_40, %dma_wait3A_668] : memref<10000x128xf32, #tpu.memory_space<vmem_shared>> -> memref<16x128xf32, #tpu.memory_space<vmem_shared>>
      %dma_wait3A_670 = arith.constant 0 : i32
      %dma_wait3A_671 = tpu.memref_slice %arg11[%add3A_40, %dma_wait3A_670] : memref<10000x128xf32, #tpu.memory_space<vmem_shared>> -> memref<16x128xf32, #tpu.memory_space<vmem_shared>>
      tpu.wait_dma2 semaphore(%run_scoped3A_663 : memref<!tpu.dma_semaphore, #tpu.memory_space<semaphore_mem>>) src(%arg10 : memref<16x128xf32, #tpu.memory_space<vmem>>) dst(%dma_wait3A_671 : memref<16x128xf32, #tpu.memory_space<vmem_shared>>)
      tpu.yield
    }) : () -> ()
    %add3A_41 = arith.constant 272 : i32
    %add3A_42 = arith.addi %mul3A_7, %add3A_41 : i32
    "tpu.region"() ({
      %run_scoped3A_663 = tpu.sem_alloc : memref<!tpu.dma_semaphore, #tpu.memory_space<semaphore_mem>>
      %dma_start3A_664 = arith.constant 0 : i32
      %dma_start3A_665 = tpu.memref_slice %arg11[%add3A_42, %dma_start3A_664] : memref<10000x128xf32, #tpu.memory_space<vmem_shared>> -> memref<16x128xf32, #tpu.memory_space<vmem_shared>>
      %dma_start3A_666 = arith.constant 0 : i32
      %dma_start3A_667 = tpu.memref_slice %arg11[%add3A_42, %dma_start3A_666] : memref<10000x128xf32, #tpu.memory_space<vmem_shared>> -> memref<16x128xf32, #tpu.memory_space<vmem_shared>>
      tpu.enqueue_dma source(%arg10 : memref<16x128xf32, #tpu.memory_space<vmem>>) target(%dma_start3A_667 : memref<16x128xf32, #tpu.memory_space<vmem_shared>>) target_semaphore(%run_scoped3A_663 : memref<!tpu.dma_semaphore, #tpu.memory_space<semaphore_mem>>)
      %dma_wait3A_668 = arith.constant 0 : i32
      %dma_wait3A_669 = tpu.memref_slice %arg11[%add3A_42, %dma_wait3A_668] : memref<10000x128xf32, #tpu.memory_space<vmem_shared>> -> memref<16x128xf32, #tpu.memory_space<vmem_shared>>
      %dma_wait3A_670 = arith.constant 0 : i32
      %dma_wait3A_671 = tpu.memref_slice %arg11[%add3A_42, %dma_wait3A_670] : memref<10000x128xf32, #tpu.memory_space<vmem_shared>> -> memref<16x128xf32, #tpu.memory_space<vmem_shared>>
      tpu.wait_dma2 semaphore(%run_scoped3A_663 : memref<!tpu.dma_semaphore, #tpu.memory_space<semaphore_mem>>) src(%arg10 : memref<16x128xf32, #tpu.memory_space<vmem>>) dst(%dma_wait3A_671 : memref<16x128xf32, #tpu.memory_space<vmem_shared>>)
      tpu.yield
    }) : () -> ()
    %add3A_43 = arith.constant 288 : i32
    %add3A_44 = arith.addi %mul3A_7, %add3A_43 : i32
    "tpu.region"() ({
      %run_scoped3A_663 = tpu.sem_alloc : memref<!tpu.dma_semaphore, #tpu.memory_space<semaphore_mem>>
      %dma_start3A_664 = arith.constant 0 : i32
      %dma_start3A_665 = tpu.memref_slice %arg11[%add3A_44, %dma_start3A_664] : memref<10000x128xf32, #tpu.memory_space<vmem_shared>> -> memref<16x128xf32, #tpu.memory_space<vmem_shared>>
      %dma_start3A_666 = arith.constant 0 : i32
      %dma_start3A_667 = tpu.memref_slice %arg11[%add3A_44, %dma_start3A_666] : memref<10000x128xf32, #tpu.memory_space<vmem_shared>> -> memref<16x128xf32, #tpu.memory_space<vmem_shared>>
      tpu.enqueue_dma source(%arg10 : memref<16x128xf32, #tpu.memory_space<vmem>>) target(%dma_start3A_667 : memref<16x128xf32, #tpu.memory_space<vmem_shared>>) target_semaphore(%run_scoped3A_663 : memref<!tpu.dma_semaphore, #tpu.memory_space<semaphore_mem>>)
      %dma_wait3A_668 = arith.constant 0 : i32
      %dma_wait3A_669 = tpu.memref_slice %arg11[%add3A_44, %dma_wait3A_668] : memref<10000x128xf32, #tpu.memory_space<vmem_shared>> -> memref<16x128xf32, #tpu.memory_space<vmem_shared>>
      %dma_wait3A_670 = arith.constant 0 : i32
      %dma_wait3A_671 = tpu.memref_slice %arg11[%add3A_44, %dma_wait3A_670] : memref<10000x128xf32, #tpu.memory_space<vmem_shared>> -> memref<16x128xf32, #tpu.memory_space<vmem_shared>>
      tpu.wait_dma2 semaphore(%run_scoped3A_663 : memref<!tpu.dma_semaphore, #tpu.memory_space<semaphore_mem>>) src(%arg10 : memref<16x128xf32, #tpu.memory_space<vmem>>) dst(%dma_wait3A_671 : memref<16x128xf32, #tpu.memory_space<vmem_shared>>)
      tpu.yield
    }) : () -> ()
    %add3A_45 = arith.constant 304 : i32
    %add3A_46 = arith.addi %mul3A_7, %add3A_45 : i32
    "tpu.region"() ({
      %run_scoped3A_663 = tpu.sem_alloc : memref<!tpu.dma_semaphore, #tpu.memory_space<semaphore_mem>>
      %dma_start3A_664 = arith.constant 0 : i32
      %dma_start3A_665 = tpu.memref_slice %arg11[%add3A_46, %dma_start3A_664] : memref<10000x128xf32, #tpu.memory_space<vmem_shared>> -> memref<16x128xf32, #tpu.memory_space<vmem_shared>>
      %dma_start3A_666 = arith.constant 0 : i32
      %dma_start3A_667 = tpu.memref_slice %arg11[%add3A_46, %dma_start3A_666] : memref<10000x128xf32, #tpu.memory_space<vmem_shared>> -> memref<16x128xf32, #tpu.memory_space<vmem_shared>>
      tpu.enqueue_dma source(%arg10 : memref<16x128xf32, #tpu.memory_space<vmem>>) target(%dma_start3A_667 : memref<16x128xf32, #tpu.memory_space<vmem_shared>>) target_semaphore(%run_scoped3A_663 : memref<!tpu.dma_semaphore, #tpu.memory_space<semaphore_mem>>)
      %dma_wait3A_668 = arith.constant 0 : i32
      %dma_wait3A_669 = tpu.memref_slice %arg11[%add3A_46, %dma_wait3A_668] : memref<10000x128xf32, #tpu.memory_space<vmem_shared>> -> memref<16x128xf32, #tpu.memory_space<vmem_shared>>
      %dma_wait3A_670 = arith.constant 0 : i32
      %dma_wait3A_671 = tpu.memref_slice %arg11[%add3A_46, %dma_wait3A_670] : memref<10000x128xf32, #tpu.memory_space<vmem_shared>> -> memref<16x128xf32, #tpu.memory_space<vmem_shared>>
      tpu.wait_dma2 semaphore(%run_scoped3A_663 : memref<!tpu.dma_semaphore, #tpu.memory_space<semaphore_mem>>) src(%arg10 : memref<16x128xf32, #tpu.memory_space<vmem>>) dst(%dma_wait3A_671 : memref<16x128xf32, #tpu.memory_space<vmem_shared>>)
      tpu.yield
    }) : () -> ()
    %add3A_47 = arith.constant 320 : i32
    %add3A_48 = arith.addi %mul3A_7, %add3A_47 : i32
    "tpu.region"() ({
      %run_scoped3A_663 = tpu.sem_alloc : memref<!tpu.dma_semaphore, #tpu.memory_space<semaphore_mem>>
      %dma_start3A_664 = arith.constant 0 : i32
      %dma_start3A_665 = tpu.memref_slice %arg11[%add3A_48, %dma_start3A_664] : memref<10000x128xf32, #tpu.memory_space<vmem_shared>> -> memref<16x128xf32, #tpu.memory_space<vmem_shared>>
      %dma_start3A_666 = arith.constant 0 : i32
      %dma_start3A_667 = tpu.memref_slice %arg11[%add3A_48, %dma_start3A_666] : memref<10000x128xf32, #tpu.memory_space<vmem_shared>> -> memref<16x128xf32, #tpu.memory_space<vmem_shared>>
      tpu.enqueue_dma source(%arg10 : memref<16x128xf32, #tpu.memory_space<vmem>>) target(%dma_start3A_667 : memref<16x128xf32, #tpu.memory_space<vmem_shared>>) target_semaphore(%run_scoped3A_663 : memref<!tpu.dma_semaphore, #tpu.memory_space<semaphore_mem>>)
      %dma_wait3A_668 = arith.constant 0 : i32
      %dma_wait3A_669 = tpu.memref_slice %arg11[%add3A_48, %dma_wait3A_668] : memref<10000x128xf32, #tpu.memory_space<vmem_shared>> -> memref<16x128xf32, #tpu.memory_space<vmem_shared>>
      %dma_wait3A_670 = arith.constant 0 : i32
      %dma_wait3A_671 = tpu.memref_slice %arg11[%add3A_48, %dma_wait3A_670] : memref<10000x128xf32, #tpu.memory_space<vmem_shared>> -> memref<16x128xf32, #tpu.memory_space<vmem_shared>>
      tpu.wait_dma2 semaphore(%run_scoped3A_663 : memref<!tpu.dma_semaphore, #tpu.memory_space<semaphore_mem>>) src(%arg10 : memref<16x128xf32, #tpu.memory_space<vmem>>) dst(%dma_wait3A_671 : memref<16x128xf32, #tpu.memory_space<vmem_shared>>)
      tpu.yield
    }) : () -> ()
    %add3A_49 = arith.constant 336 : i32
    %add3A_50 = arith.addi %mul3A_7, %add3A_49 : i32
    "tpu.region"() ({
      %run_scoped3A_663 = tpu.sem_alloc : memref<!tpu.dma_semaphore, #tpu.memory_space<semaphore_mem>>
      %dma_start3A_664 = arith.constant 0 : i32
      %dma_start3A_665 = tpu.memref_slice %arg11[%add3A_50, %dma_start3A_664] : memref<10000x128xf32, #tpu.memory_space<vmem_shared>> -> memref<16x128xf32, #tpu.memory_space<vmem_shared>>
      %dma_start3A_666 = arith.constant 0 : i32
      %dma_start3A_667 = tpu.memref_slice %arg11[%add3A_50, %dma_start3A_666] : memref<10000x128xf32, #tpu.memory_space<vmem_shared>> -> memref<16x128xf32, #tpu.memory_space<vmem_shared>>
      tpu.enqueue_dma source(%arg10 : memref<16x128xf32, #tpu.memory_space<vmem>>) target(%dma_start3A_667 : memref<16x128xf32, #tpu.memory_space<vmem_shared>>) target_semaphore(%run_scoped3A_663 : memref<!tpu.dma_semaphore, #tpu.memory_space<semaphore_mem>>)
      %dma_wait3A_668 = arith.constant 0 : i32
      %dma_wait3A_669 = tpu.memref_slice %arg11[%add3A_50, %dma_wait3A_668] : memref<10000x128xf32, #tpu.memory_space<vmem_shared>> -> memref<16x128xf32, #tpu.memory_space<vmem_shared>>
      %dma_wait3A_670 = arith.constant 0 : i32
      %dma_wait3A_671 = tpu.memref_slice %arg11[%add3A_50, %dma_wait3A_670] : memref<10000x128xf32, #tpu.memory_space<vmem_shared>> -> memref<16x128xf32, #tpu.memory_space<vmem_shared>>
      tpu.wait_dma2 semaphore(%run_scoped3A_663 : memref<!tpu.dma_semaphore, #tpu.memory_space<semaphore_mem>>) src(%arg10 : memref<16x128xf32, #tpu.memory_space<vmem>>) dst(%dma_wait3A_671 : memref<16x128xf32, #tpu.memory_space<vmem_shared>>)
      tpu.yield
    }) : () -> ()
    %add3A_51 = arith.constant 352 : i32
    %add3A_52 = arith.addi %mul3A_7, %add3A_51 : i32
    "tpu.region"() ({
      %run_scoped3A_663 = tpu.sem_alloc : memref<!tpu.dma_semaphore, #tpu.memory_space<semaphore_mem>>
      %dma_start3A_664 = arith.constant 0 : i32
      %dma_start3A_665 = tpu.memref_slice %arg11[%add3A_52, %dma_start3A_664] : memref<10000x128xf32, #tpu.memory_space<vmem_shared>> -> memref<16x128xf32, #tpu.memory_space<vmem_shared>>
      %dma_start3A_666 = arith.constant 0 : i32
      %dma_start3A_667 = tpu.memref_slice %arg11[%add3A_52, %dma_start3A_666] : memref<10000x128xf32, #tpu.memory_space<vmem_shared>> -> memref<16x128xf32, #tpu.memory_space<vmem_shared>>
      tpu.enqueue_dma source(%arg10 : memref<16x128xf32, #tpu.memory_space<vmem>>) target(%dma_start3A_667 : memref<16x128xf32, #tpu.memory_space<vmem_shared>>) target_semaphore(%run_scoped3A_663 : memref<!tpu.dma_semaphore, #tpu.memory_space<semaphore_mem>>)
      %dma_wait3A_668 = arith.constant 0 : i32
      %dma_wait3A_669 = tpu.memref_slice %arg11[%add3A_52, %dma_wait3A_668] : memref<10000x128xf32, #tpu.memory_space<vmem_shared>> -> memref<16x128xf32, #tpu.memory_space<vmem_shared>>
      %dma_wait3A_670 = arith.constant 0 : i32
      %dma_wait3A_671 = tpu.memref_slice %arg11[%add3A_52, %dma_wait3A_670] : memref<10000x128xf32, #tpu.memory_space<vmem_shared>> -> memref<16x128xf32, #tpu.memory_space<vmem_shared>>
      tpu.wait_dma2 semaphore(%run_scoped3A_663 : memref<!tpu.dma_semaphore, #tpu.memory_space<semaphore_mem>>) src(%arg10 : memref<16x128xf32, #tpu.memory_space<vmem>>) dst(%dma_wait3A_671 : memref<16x128xf32, #tpu.memory_space<vmem_shared>>)
      tpu.yield
    }) : () -> ()
    %add3A_53 = arith.constant 368 : i32
    %add3A_54 = arith.addi %mul3A_7, %add3A_53 : i32
    "tpu.region"() ({
      %run_scoped3A_663 = tpu.sem_alloc : memref<!tpu.dma_semaphore, #tpu.memory_space<semaphore_mem>>
      %dma_start3A_664 = arith.constant 0 : i32
      %dma_start3A_665 = tpu.memref_slice %arg11[%add3A_54, %dma_start3A_664] : memref<10000x128xf32, #tpu.memory_space<vmem_shared>> -> memref<16x128xf32, #tpu.memory_space<vmem_shared>>
      %dma_start3A_666 = arith.constant 0 : i32
      %dma_start3A_667 = tpu.memref_slice %arg11[%add3A_54, %dma_start3A_666] : memref<10000x128xf32, #tpu.memory_space<vmem_shared>> -> memref<16x128xf32, #tpu.memory_space<vmem_shared>>
      tpu.enqueue_dma source(%arg10 : memref<16x128xf32, #tpu.memory_space<vmem>>) target(%dma_start3A_667 : memref<16x128xf32, #tpu.memory_space<vmem_shared>>) target_semaphore(%run_scoped3A_663 : memref<!tpu.dma_semaphore, #tpu.memory_space<semaphore_mem>>)
      %dma_wait3A_668 = arith.constant 0 : i32
      %dma_wait3A_669 = tpu.memref_slice %arg11[%add3A_54, %dma_wait3A_668] : memref<10000x128xf32, #tpu.memory_space<vmem_shared>> -> memref<16x128xf32, #tpu.memory_space<vmem_shared>>
      %dma_wait3A_670 = arith.constant 0 : i32
      %dma_wait3A_671 = tpu.memref_slice %arg11[%add3A_54, %dma_wait3A_670] : memref<10000x128xf32, #tpu.memory_space<vmem_shared>> -> memref<16x128xf32, #tpu.memory_space<vmem_shared>>
      tpu.wait_dma2 semaphore(%run_scoped3A_663 : memref<!tpu.dma_semaphore, #tpu.memory_space<semaphore_mem>>) src(%arg10 : memref<16x128xf32, #tpu.memory_space<vmem>>) dst(%dma_wait3A_671 : memref<16x128xf32, #tpu.memory_space<vmem_shared>>)
      tpu.yield
    }) : () -> ()
    %add3A_55 = arith.constant 384 : i32
    %add3A_56 = arith.addi %mul3A_7, %add3A_55 : i32
    "tpu.region"() ({
      %run_scoped3A_663 = tpu.sem_alloc : memref<!tpu.dma_semaphore, #tpu.memory_space<semaphore_mem>>
      %dma_start3A_664 = arith.constant 0 : i32
      %dma_start3A_665 = tpu.memref_slice %arg11[%add3A_56, %dma_start3A_664] : memref<10000x128xf32, #tpu.memory_space<vmem_shared>> -> memref<16x128xf32, #tpu.memory_space<vmem_shared>>
      %dma_start3A_666 = arith.constant 0 : i32
      %dma_start3A_667 = tpu.memref_slice %arg11[%add3A_56, %dma_start3A_666] : memref<10000x128xf32, #tpu.memory_space<vmem_shared>> -> memref<16x128xf32, #tpu.memory_space<vmem_shared>>
      tpu.enqueue_dma source(%arg10 : memref<16x128xf32, #tpu.memory_space<vmem>>) target(%dma_start3A_667 : memref<16x128xf32, #tpu.memory_space<vmem_shared>>) target_semaphore(%run_scoped3A_663 : memref<!tpu.dma_semaphore, #tpu.memory_space<semaphore_mem>>)
      %dma_wait3A_668 = arith.constant 0 : i32
      %dma_wait3A_669 = tpu.memref_slice %arg11[%add3A_56, %dma_wait3A_668] : memref<10000x128xf32, #tpu.memory_space<vmem_shared>> -> memref<16x128xf32, #tpu.memory_space<vmem_shared>>
      %dma_wait3A_670 = arith.constant 0 : i32
      %dma_wait3A_671 = tpu.memref_slice %arg11[%add3A_56, %dma_wait3A_670] : memref<10000x128xf32, #tpu.memory_space<vmem_shared>> -> memref<16x128xf32, #tpu.memory_space<vmem_shared>>
      tpu.wait_dma2 semaphore(%run_scoped3A_663 : memref<!tpu.dma_semaphore, #tpu.memory_space<semaphore_mem>>) src(%arg10 : memref<16x128xf32, #tpu.memory_space<vmem>>) dst(%dma_wait3A_671 : memref<16x128xf32, #tpu.memory_space<vmem_shared>>)
      tpu.yield
    }) : () -> ()
    %add3A_57 = arith.constant 400 : i32
    %add3A_58 = arith.addi %mul3A_7, %add3A_57 : i32
    "tpu.region"() ({
      %run_scoped3A_663 = tpu.sem_alloc : memref<!tpu.dma_semaphore, #tpu.memory_space<semaphore_mem>>
      %dma_start3A_664 = arith.constant 0 : i32
      %dma_start3A_665 = tpu.memref_slice %arg11[%add3A_58, %dma_start3A_664] : memref<10000x128xf32, #tpu.memory_space<vmem_shared>> -> memref<16x128xf32, #tpu.memory_space<vmem_shared>>
      %dma_start3A_666 = arith.constant 0 : i32
      %dma_start3A_667 = tpu.memref_slice %arg11[%add3A_58, %dma_start3A_666] : memref<10000x128xf32, #tpu.memory_space<vmem_shared>> -> memref<16x128xf32, #tpu.memory_space<vmem_shared>>
      tpu.enqueue_dma source(%arg10 : memref<16x128xf32, #tpu.memory_space<vmem>>) target(%dma_start3A_667 : memref<16x128xf32, #tpu.memory_space<vmem_shared>>) target_semaphore(%run_scoped3A_663 : memref<!tpu.dma_semaphore, #tpu.memory_space<semaphore_mem>>)
      %dma_wait3A_668 = arith.constant 0 : i32
      %dma_wait3A_669 = tpu.memref_slice %arg11[%add3A_58, %dma_wait3A_668] : memref<10000x128xf32, #tpu.memory_space<vmem_shared>> -> memref<16x128xf32, #tpu.memory_space<vmem_shared>>
      %dma_wait3A_670 = arith.constant 0 : i32
      %dma_wait3A_671 = tpu.memref_slice %arg11[%add3A_58, %dma_wait3A_670] : memref<10000x128xf32, #tpu.memory_space<vmem_shared>> -> memref<16x128xf32, #tpu.memory_space<vmem_shared>>
      tpu.wait_dma2 semaphore(%run_scoped3A_663 : memref<!tpu.dma_semaphore, #tpu.memory_space<semaphore_mem>>) src(%arg10 : memref<16x128xf32, #tpu.memory_space<vmem>>) dst(%dma_wait3A_671 : memref<16x128xf32, #tpu.memory_space<vmem_shared>>)
      tpu.yield
    }) : () -> ()
    %add3A_59 = arith.constant 416 : i32
    %add3A_60 = arith.addi %mul3A_7, %add3A_59 : i32
    "tpu.region"() ({
      %run_scoped3A_663 = tpu.sem_alloc : memref<!tpu.dma_semaphore, #tpu.memory_space<semaphore_mem>>
      %dma_start3A_664 = arith.constant 0 : i32
      %dma_start3A_665 = tpu.memref_slice %arg11[%add3A_60, %dma_start3A_664] : memref<10000x128xf32, #tpu.memory_space<vmem_shared>> -> memref<16x128xf32, #tpu.memory_space<vmem_shared>>
      %dma_start3A_666 = arith.constant 0 : i32
      %dma_start3A_667 = tpu.memref_slice %arg11[%add3A_60, %dma_start3A_666] : memref<10000x128xf32, #tpu.memory_space<vmem_shared>> -> memref<16x128xf32, #tpu.memory_space<vmem_shared>>
      tpu.enqueue_dma source(%arg10 : memref<16x128xf32, #tpu.memory_space<vmem>>) target(%dma_start3A_667 : memref<16x128xf32, #tpu.memory_space<vmem_shared>>) target_semaphore(%run_scoped3A_663 : memref<!tpu.dma_semaphore, #tpu.memory_space<semaphore_mem>>)
      %dma_wait3A_668 = arith.constant 0 : i32
      %dma_wait3A_669 = tpu.memref_slice %arg11[%add3A_60, %dma_wait3A_668] : memref<10000x128xf32, #tpu.memory_space<vmem_shared>> -> memref<16x128xf32, #tpu.memory_space<vmem_shared>>
      %dma_wait3A_670 = arith.constant 0 : i32
      %dma_wait3A_671 = tpu.memref_slice %arg11[%add3A_60, %dma_wait3A_670] : memref<10000x128xf32, #tpu.memory_space<vmem_shared>> -> memref<16x128xf32, #tpu.memory_space<vmem_shared>>
      tpu.wait_dma2 semaphore(%run_scoped3A_663 : memref<!tpu.dma_semaphore, #tpu.memory_space<semaphore_mem>>) src(%arg10 : memref<16x128xf32, #tpu.memory_space<vmem>>) dst(%dma_wait3A_671 : memref<16x128xf32, #tpu.memory_space<vmem_shared>>)
      tpu.yield
    }) : () -> ()
    %add3A_61 = arith.constant 432 : i32
    %add3A_62 = arith.addi %mul3A_7, %add3A_61 : i32
    "tpu.region"() ({
      %run_scoped3A_663 = tpu.sem_alloc : memref<!tpu.dma_semaphore, #tpu.memory_space<semaphore_mem>>
      %dma_start3A_664 = arith.constant 0 : i32
      %dma_start3A_665 = tpu.memref_slice %arg11[%add3A_62, %dma_start3A_664] : memref<10000x128xf32, #tpu.memory_space<vmem_shared>> -> memref<16x128xf32, #tpu.memory_space<vmem_shared>>
      %dma_start3A_666 = arith.constant 0 : i32
      %dma_start3A_667 = tpu.memref_slice %arg11[%add3A_62, %dma_start3A_666] : memref<10000x128xf32, #tpu.memory_space<vmem_shared>> -> memref<16x128xf32, #tpu.memory_space<vmem_shared>>
      tpu.enqueue_dma source(%arg10 : memref<16x128xf32, #tpu.memory_space<vmem>>) target(%dma_start3A_667 : memref<16x128xf32, #tpu.memory_space<vmem_shared>>) target_semaphore(%run_scoped3A_663 : memref<!tpu.dma_semaphore, #tpu.memory_space<semaphore_mem>>)
      %dma_wait3A_668 = arith.constant 0 : i32
      %dma_wait3A_669 = tpu.memref_slice %arg11[%add3A_62, %dma_wait3A_668] : memref<10000x128xf32, #tpu.memory_space<vmem_shared>> -> memref<16x128xf32, #tpu.memory_space<vmem_shared>>
      %dma_wait3A_670 = arith.constant 0 : i32
      %dma_wait3A_671 = tpu.memref_slice %arg11[%add3A_62, %dma_wait3A_670] : memref<10000x128xf32, #tpu.memory_space<vmem_shared>> -> memref<16x128xf32, #tpu.memory_space<vmem_shared>>
      tpu.wait_dma2 semaphore(%run_scoped3A_663 : memref<!tpu.dma_semaphore, #tpu.memory_space<semaphore_mem>>) src(%arg10 : memref<16x128xf32, #tpu.memory_space<vmem>>) dst(%dma_wait3A_671 : memref<16x128xf32, #tpu.memory_space<vmem_shared>>)
      tpu.yield
    }) : () -> ()
    %add3A_63 = arith.constant 448 : i32
    %add3A_64 = arith.addi %mul3A_7, %add3A_63 : i32
    "tpu.region"() ({
      %run_scoped3A_663 = tpu.sem_alloc : memref<!tpu.dma_semaphore, #tpu.memory_space<semaphore_mem>>
      %dma_start3A_664 = arith.constant 0 : i32
      %dma_start3A_665 = tpu.memref_slice %arg11[%add3A_64, %dma_start3A_664] : memref<10000x128xf32, #tpu.memory_space<vmem_shared>> -> memref<16x128xf32, #tpu.memory_space<vmem_shared>>
      %dma_start3A_666 = arith.constant 0 : i32
      %dma_start3A_667 = tpu.memref_slice %arg11[%add3A_64, %dma_start3A_666] : memref<10000x128xf32, #tpu.memory_space<vmem_shared>> -> memref<16x128xf32, #tpu.memory_space<vmem_shared>>
      tpu.enqueue_dma source(%arg10 : memref<16x128xf32, #tpu.memory_space<vmem>>) target(%dma_start3A_667 : memref<16x128xf32, #tpu.memory_space<vmem_shared>>) target_semaphore(%run_scoped3A_663 : memref<!tpu.dma_semaphore, #tpu.memory_space<semaphore_mem>>)
      %dma_wait3A_668 = arith.constant 0 : i32
      %dma_wait3A_669 = tpu.memref_slice %arg11[%add3A_64, %dma_wait3A_668] : memref<10000x128xf32, #tpu.memory_space<vmem_shared>> -> memref<16x128xf32, #tpu.memory_space<vmem_shared>>
      %dma_wait3A_670 = arith.constant 0 : i32
      %dma_wait3A_671 = tpu.memref_slice %arg11[%add3A_64, %dma_wait3A_670] : memref<10000x128xf32, #tpu.memory_space<vmem_shared>> -> memref<16x128xf32, #tpu.memory_space<vmem_shared>>
      tpu.wait_dma2 semaphore(%run_scoped3A_663 : memref<!tpu.dma_semaphore, #tpu.memory_space<semaphore_mem>>) src(%arg10 : memref<16x128xf32, #tpu.memory_space<vmem>>) dst(%dma_wait3A_671 : memref<16x128xf32, #tpu.memory_space<vmem_shared>>)
      tpu.yield
    }) : () -> ()
    %add3A_65 = arith.constant 464 : i32
    %add3A_66 = arith.addi %mul3A_7, %add3A_65 : i32
    "tpu.region"() ({
      %run_scoped3A_663 = tpu.sem_alloc : memref<!tpu.dma_semaphore, #tpu.memory_space<semaphore_mem>>
      %dma_start3A_664 = arith.constant 0 : i32
      %dma_start3A_665 = tpu.memref_slice %arg11[%add3A_66, %dma_start3A_664] : memref<10000x128xf32, #tpu.memory_space<vmem_shared>> -> memref<16x128xf32, #tpu.memory_space<vmem_shared>>
      %dma_start3A_666 = arith.constant 0 : i32
      %dma_start3A_667 = tpu.memref_slice %arg11[%add3A_66, %dma_start3A_666] : memref<10000x128xf32, #tpu.memory_space<vmem_shared>> -> memref<16x128xf32, #tpu.memory_space<vmem_shared>>
      tpu.enqueue_dma source(%arg10 : memref<16x128xf32, #tpu.memory_space<vmem>>) target(%dma_start3A_667 : memref<16x128xf32, #tpu.memory_space<vmem_shared>>) target_semaphore(%run_scoped3A_663 : memref<!tpu.dma_semaphore, #tpu.memory_space<semaphore_mem>>)
      %dma_wait3A_668 = arith.constant 0 : i32
      %dma_wait3A_669 = tpu.memref_slice %arg11[%add3A_66, %dma_wait3A_668] : memref<10000x128xf32, #tpu.memory_space<vmem_shared>> -> memref<16x128xf32, #tpu.memory_space<vmem_shared>>
      %dma_wait3A_670 = arith.constant 0 : i32
      %dma_wait3A_671 = tpu.memref_slice %arg11[%add3A_66, %dma_wait3A_670] : memref<10000x128xf32, #tpu.memory_space<vmem_shared>> -> memref<16x128xf32, #tpu.memory_space<vmem_shared>>
      tpu.wait_dma2 semaphore(%run_scoped3A_663 : memref<!tpu.dma_semaphore, #tpu.memory_space<semaphore_mem>>) src(%arg10 : memref<16x128xf32, #tpu.memory_space<vmem>>) dst(%dma_wait3A_671 : memref<16x128xf32, #tpu.memory_space<vmem_shared>>)
      tpu.yield
    }) : () -> ()
    %add3A_67 = arith.constant 480 : i32
    %add3A_68 = arith.addi %mul3A_7, %add3A_67 : i32
    "tpu.region"() ({
      %run_scoped3A_663 = tpu.sem_alloc : memref<!tpu.dma_semaphore, #tpu.memory_space<semaphore_mem>>
      %dma_start3A_664 = arith.constant 0 : i32
      %dma_start3A_665 = tpu.memref_slice %arg11[%add3A_68, %dma_start3A_664] : memref<10000x128xf32, #tpu.memory_space<vmem_shared>> -> memref<16x128xf32, #tpu.memory_space<vmem_shared>>
      %dma_start3A_666 = arith.constant 0 : i32
      %dma_start3A_667 = tpu.memref_slice %arg11[%add3A_68, %dma_start3A_666] : memref<10000x128xf32, #tpu.memory_space<vmem_shared>> -> memref<16x128xf32, #tpu.memory_space<vmem_shared>>
      tpu.enqueue_dma source(%arg10 : memref<16x128xf32, #tpu.memory_space<vmem>>) target(%dma_start3A_667 : memref<16x128xf32, #tpu.memory_space<vmem_shared>>) target_semaphore(%run_scoped3A_663 : memref<!tpu.dma_semaphore, #tpu.memory_space<semaphore_mem>>)
      %dma_wait3A_668 = arith.constant 0 : i32
      %dma_wait3A_669 = tpu.memref_slice %arg11[%add3A_68, %dma_wait3A_668] : memref<10000x128xf32, #tpu.memory_space<vmem_shared>> -> memref<16x128xf32, #tpu.memory_space<vmem_shared>>
      %dma_wait3A_670 = arith.constant 0 : i32
      %dma_wait3A_671 = tpu.memref_slice %arg11[%add3A_68, %dma_wait3A_670] : memref<10000x128xf32, #tpu.memory_space<vmem_shared>> -> memref<16x128xf32, #tpu.memory_space<vmem_shared>>
      tpu.wait_dma2 semaphore(%run_scoped3A_663 : memref<!tpu.dma_semaphore, #tpu.memory_space<semaphore_mem>>) src(%arg10 : memref<16x128xf32, #tpu.memory_space<vmem>>) dst(%dma_wait3A_671 : memref<16x128xf32, #tpu.memory_space<vmem_shared>>)
      tpu.yield
    }) : () -> ()
    %add3A_69 = arith.constant 496 : i32
    %add3A_70 = arith.addi %mul3A_7, %add3A_69 : i32
    "tpu.region"() ({
      %run_scoped3A_663 = tpu.sem_alloc : memref<!tpu.dma_semaphore, #tpu.memory_space<semaphore_mem>>
      %dma_start3A_664 = arith.constant 0 : i32
      %dma_start3A_665 = tpu.memref_slice %arg11[%add3A_70, %dma_start3A_664] : memref<10000x128xf32, #tpu.memory_space<vmem_shared>> -> memref<16x128xf32, #tpu.memory_space<vmem_shared>>
      %dma_start3A_666 = arith.constant 0 : i32
      %dma_start3A_667 = tpu.memref_slice %arg11[%add3A_70, %dma_start3A_666] : memref<10000x128xf32, #tpu.memory_space<vmem_shared>> -> memref<16x128xf32, #tpu.memory_space<vmem_shared>>
      tpu.enqueue_dma source(%arg10 : memref<16x128xf32, #tpu.memory_space<vmem>>) target(%dma_start3A_667 : memref<16x128xf32, #tpu.memory_space<vmem_shared>>) target_semaphore(%run_scoped3A_663 : memref<!tpu.dma_semaphore, #tpu.memory_space<semaphore_mem>>)
      %dma_wait3A_668 = arith.constant 0 : i32
      %dma_wait3A_669 = tpu.memref_slice %arg11[%add3A_70, %dma_wait3A_668] : memref<10000x128xf32, #tpu.memory_space<vmem_shared>> -> memref<16x128xf32, #tpu.memory_space<vmem_shared>>
      %dma_wait3A_670 = arith.constant 0 : i32
      %dma_wait3A_671 = tpu.memref_slice %arg11[%add3A_70, %dma_wait3A_670] : memref<10000x128xf32, #tpu.memory_space<vmem_shared>> -> memref<16x128xf32, #tpu.memory_space<vmem_shared>>
      tpu.wait_dma2 semaphore(%run_scoped3A_663 : memref<!tpu.dma_semaphore, #tpu.memory_space<semaphore_mem>>) src(%arg10 : memref<16x128xf32, #tpu.memory_space<vmem>>) dst(%dma_wait3A_671 : memref<16x128xf32, #tpu.memory_space<vmem_shared>>)
      tpu.yield
    }) : () -> ()
    %add3A_71 = arith.constant 512 : i32
    %add3A_72 = arith.addi %mul3A_7, %add3A_71 : i32
    "tpu.region"() ({
      %run_scoped3A_663 = tpu.sem_alloc : memref<!tpu.dma_semaphore, #tpu.memory_space<semaphore_mem>>
      %dma_start3A_664 = arith.constant 0 : i32
      %dma_start3A_665 = tpu.memref_slice %arg11[%add3A_72, %dma_start3A_664] : memref<10000x128xf32, #tpu.memory_space<vmem_shared>> -> memref<16x128xf32, #tpu.memory_space<vmem_shared>>
      %dma_start3A_666 = arith.constant 0 : i32
      %dma_start3A_667 = tpu.memref_slice %arg11[%add3A_72, %dma_start3A_666] : memref<10000x128xf32, #tpu.memory_space<vmem_shared>> -> memref<16x128xf32, #tpu.memory_space<vmem_shared>>
      tpu.enqueue_dma source(%arg10 : memref<16x128xf32, #tpu.memory_space<vmem>>) target(%dma_start3A_667 : memref<16x128xf32, #tpu.memory_space<vmem_shared>>) target_semaphore(%run_scoped3A_663 : memref<!tpu.dma_semaphore, #tpu.memory_space<semaphore_mem>>)
      %dma_wait3A_668 = arith.constant 0 : i32
      %dma_wait3A_669 = tpu.memref_slice %arg11[%add3A_72, %dma_wait3A_668] : memref<10000x128xf32, #tpu.memory_space<vmem_shared>> -> memref<16x128xf32, #tpu.memory_space<vmem_shared>>
      %dma_wait3A_670 = arith.constant 0 : i32
      %dma_wait3A_671 = tpu.memref_slice %arg11[%add3A_72, %dma_wait3A_670] : memref<10000x128xf32, #tpu.memory_space<vmem_shared>> -> memref<16x128xf32, #tpu.memory_space<vmem_shared>>
      tpu.wait_dma2 semaphore(%run_scoped3A_663 : memref<!tpu.dma_semaphore, #tpu.memory_space<semaphore_mem>>) src(%arg10 : memref<16x128xf32, #tpu.memory_space<vmem>>) dst(%dma_wait3A_671 : memref<16x128xf32, #tpu.memory_space<vmem_shared>>)
      tpu.yield
    }) : () -> ()
    %add3A_73 = arith.constant 528 : i32
    %add3A_74 = arith.addi %mul3A_7, %add3A_73 : i32
    "tpu.region"() ({
      %run_scoped3A_663 = tpu.sem_alloc : memref<!tpu.dma_semaphore, #tpu.memory_space<semaphore_mem>>
      %dma_start3A_664 = arith.constant 0 : i32
      %dma_start3A_665 = tpu.memref_slice %arg11[%add3A_74, %dma_start3A_664] : memref<10000x128xf32, #tpu.memory_space<vmem_shared>> -> memref<16x128xf32, #tpu.memory_space<vmem_shared>>
      %dma_start3A_666 = arith.constant 0 : i32
      %dma_start3A_667 = tpu.memref_slice %arg11[%add3A_74, %dma_start3A_666] : memref<10000x128xf32, #tpu.memory_space<vmem_shared>> -> memref<16x128xf32, #tpu.memory_space<vmem_shared>>
      tpu.enqueue_dma source(%arg10 : memref<16x128xf32, #tpu.memory_space<vmem>>) target(%dma_start3A_667 : memref<16x128xf32, #tpu.memory_space<vmem_shared>>) target_semaphore(%run_scoped3A_663 : memref<!tpu.dma_semaphore, #tpu.memory_space<semaphore_mem>>)
      %dma_wait3A_668 = arith.constant 0 : i32
      %dma_wait3A_669 = tpu.memref_slice %arg11[%add3A_74, %dma_wait3A_668] : memref<10000x128xf32, #tpu.memory_space<vmem_shared>> -> memref<16x128xf32, #tpu.memory_space<vmem_shared>>
      %dma_wait3A_670 = arith.constant 0 : i32
      %dma_wait3A_671 = tpu.memref_slice %arg11[%add3A_74, %dma_wait3A_670] : memref<10000x128xf32, #tpu.memory_space<vmem_shared>> -> memref<16x128xf32, #tpu.memory_space<vmem_shared>>
      tpu.wait_dma2 semaphore(%run_scoped3A_663 : memref<!tpu.dma_semaphore, #tpu.memory_space<semaphore_mem>>) src(%arg10 : memref<16x128xf32, #tpu.memory_space<vmem>>) dst(%dma_wait3A_671 : memref<16x128xf32, #tpu.memory_space<vmem_shared>>)
      tpu.yield
    }) : () -> ()
    %add3A_75 = arith.constant 544 : i32
    %add3A_76 = arith.addi %mul3A_7, %add3A_75 : i32
    "tpu.region"() ({
      %run_scoped3A_663 = tpu.sem_alloc : memref<!tpu.dma_semaphore, #tpu.memory_space<semaphore_mem>>
      %dma_start3A_664 = arith.constant 0 : i32
      %dma_start3A_665 = tpu.memref_slice %arg11[%add3A_76, %dma_start3A_664] : memref<10000x128xf32, #tpu.memory_space<vmem_shared>> -> memref<16x128xf32, #tpu.memory_space<vmem_shared>>
      %dma_start3A_666 = arith.constant 0 : i32
      %dma_start3A_667 = tpu.memref_slice %arg11[%add3A_76, %dma_start3A_666] : memref<10000x128xf32, #tpu.memory_space<vmem_shared>> -> memref<16x128xf32, #tpu.memory_space<vmem_shared>>
      tpu.enqueue_dma source(%arg10 : memref<16x128xf32, #tpu.memory_space<vmem>>) target(%dma_start3A_667 : memref<16x128xf32, #tpu.memory_space<vmem_shared>>) target_semaphore(%run_scoped3A_663 : memref<!tpu.dma_semaphore, #tpu.memory_space<semaphore_mem>>)
      %dma_wait3A_668 = arith.constant 0 : i32
      %dma_wait3A_669 = tpu.memref_slice %arg11[%add3A_76, %dma_wait3A_668] : memref<10000x128xf32, #tpu.memory_space<vmem_shared>> -> memref<16x128xf32, #tpu.memory_space<vmem_shared>>
      %dma_wait3A_670 = arith.constant 0 : i32
      %dma_wait3A_671 = tpu.memref_slice %arg11[%add3A_76, %dma_wait3A_670] : memref<10000x128xf32, #tpu.memory_space<vmem_shared>> -> memref<16x128xf32, #tpu.memory_space<vmem_shared>>
      tpu.wait_dma2 semaphore(%run_scoped3A_663 : memref<!tpu.dma_semaphore, #tpu.memory_space<semaphore_mem>>) src(%arg10 : memref<16x128xf32, #tpu.memory_space<vmem>>) dst(%dma_wait3A_671 : memref<16x128xf32, #tpu.memory_space<vmem_shared>>)
      tpu.yield
    }) : () -> ()
    %add3A_77 = arith.constant 560 : i32
    %add3A_78 = arith.addi %mul3A_7, %add3A_77 : i32
    "tpu.region"() ({
      %run_scoped3A_663 = tpu.sem_alloc : memref<!tpu.dma_semaphore, #tpu.memory_space<semaphore_mem>>
      %dma_start3A_664 = arith.constant 0 : i32
      %dma_start3A_665 = tpu.memref_slice %arg11[%add3A_78, %dma_start3A_664] : memref<10000x128xf32, #tpu.memory_space<vmem_shared>> -> memref<16x128xf32, #tpu.memory_space<vmem_shared>>
      %dma_start3A_666 = arith.constant 0 : i32
      %dma_start3A_667 = tpu.memref_slice %arg11[%add3A_78, %dma_start3A_666] : memref<10000x128xf32, #tpu.memory_space<vmem_shared>> -> memref<16x128xf32, #tpu.memory_space<vmem_shared>>
      tpu.enqueue_dma source(%arg10 : memref<16x128xf32, #tpu.memory_space<vmem>>) target(%dma_start3A_667 : memref<16x128xf32, #tpu.memory_space<vmem_shared>>) target_semaphore(%run_scoped3A_663 : memref<!tpu.dma_semaphore, #tpu.memory_space<semaphore_mem>>)
      %dma_wait3A_668 = arith.constant 0 : i32
      %dma_wait3A_669 = tpu.memref_slice %arg11[%add3A_78, %dma_wait3A_668] : memref<10000x128xf32, #tpu.memory_space<vmem_shared>> -> memref<16x128xf32, #tpu.memory_space<vmem_shared>>
      %dma_wait3A_670 = arith.constant 0 : i32
      %dma_wait3A_671 = tpu.memref_slice %arg11[%add3A_78, %dma_wait3A_670] : memref<10000x128xf32, #tpu.memory_space<vmem_shared>> -> memref<16x128xf32, #tpu.memory_space<vmem_shared>>
      tpu.wait_dma2 semaphore(%run_scoped3A_663 : memref<!tpu.dma_semaphore, #tpu.memory_space<semaphore_mem>>) src(%arg10 : memref<16x128xf32, #tpu.memory_space<vmem>>) dst(%dma_wait3A_671 : memref<16x128xf32, #tpu.memory_space<vmem_shared>>)
      tpu.yield
    }) : () -> ()
    %add3A_79 = arith.constant 576 : i32
    %add3A_80 = arith.addi %mul3A_7, %add3A_79 : i32
    "tpu.region"() ({
      %run_scoped3A_663 = tpu.sem_alloc : memref<!tpu.dma_semaphore, #tpu.memory_space<semaphore_mem>>
      %dma_start3A_664 = arith.constant 0 : i32
      %dma_start3A_665 = tpu.memref_slice %arg11[%add3A_80, %dma_start3A_664] : memref<10000x128xf32, #tpu.memory_space<vmem_shared>> -> memref<16x128xf32, #tpu.memory_space<vmem_shared>>
      %dma_start3A_666 = arith.constant 0 : i32
      %dma_start3A_667 = tpu.memref_slice %arg11[%add3A_80, %dma_start3A_666] : memref<10000x128xf32, #tpu.memory_space<vmem_shared>> -> memref<16x128xf32, #tpu.memory_space<vmem_shared>>
      tpu.enqueue_dma source(%arg10 : memref<16x128xf32, #tpu.memory_space<vmem>>) target(%dma_start3A_667 : memref<16x128xf32, #tpu.memory_space<vmem_shared>>) target_semaphore(%run_scoped3A_663 : memref<!tpu.dma_semaphore, #tpu.memory_space<semaphore_mem>>)
      %dma_wait3A_668 = arith.constant 0 : i32
      %dma_wait3A_669 = tpu.memref_slice %arg11[%add3A_80, %dma_wait3A_668] : memref<10000x128xf32, #tpu.memory_space<vmem_shared>> -> memref<16x128xf32, #tpu.memory_space<vmem_shared>>
      %dma_wait3A_670 = arith.constant 0 : i32
      %dma_wait3A_671 = tpu.memref_slice %arg11[%add3A_80, %dma_wait3A_670] : memref<10000x128xf32, #tpu.memory_space<vmem_shared>> -> memref<16x128xf32, #tpu.memory_space<vmem_shared>>
      tpu.wait_dma2 semaphore(%run_scoped3A_663 : memref<!tpu.dma_semaphore, #tpu.memory_space<semaphore_mem>>) src(%arg10 : memref<16x128xf32, #tpu.memory_space<vmem>>) dst(%dma_wait3A_671 : memref<16x128xf32, #tpu.memory_space<vmem_shared>>)
      tpu.yield
    }) : () -> ()
    %add3A_81 = arith.constant 592 : i32
    %add3A_82 = arith.addi %mul3A_7, %add3A_81 : i32
    "tpu.region"() ({
      %run_scoped3A_663 = tpu.sem_alloc : memref<!tpu.dma_semaphore, #tpu.memory_space<semaphore_mem>>
      %dma_start3A_664 = arith.constant 0 : i32
      %dma_start3A_665 = tpu.memref_slice %arg11[%add3A_82, %dma_start3A_664] : memref<10000x128xf32, #tpu.memory_space<vmem_shared>> -> memref<16x128xf32, #tpu.memory_space<vmem_shared>>
      %dma_start3A_666 = arith.constant 0 : i32
      %dma_start3A_667 = tpu.memref_slice %arg11[%add3A_82, %dma_start3A_666] : memref<10000x128xf32, #tpu.memory_space<vmem_shared>> -> memref<16x128xf32, #tpu.memory_space<vmem_shared>>
      tpu.enqueue_dma source(%arg10 : memref<16x128xf32, #tpu.memory_space<vmem>>) target(%dma_start3A_667 : memref<16x128xf32, #tpu.memory_space<vmem_shared>>) target_semaphore(%run_scoped3A_663 : memref<!tpu.dma_semaphore, #tpu.memory_space<semaphore_mem>>)
      %dma_wait3A_668 = arith.constant 0 : i32
      %dma_wait3A_669 = tpu.memref_slice %arg11[%add3A_82, %dma_wait3A_668] : memref<10000x128xf32, #tpu.memory_space<vmem_shared>> -> memref<16x128xf32, #tpu.memory_space<vmem_shared>>
      %dma_wait3A_670 = arith.constant 0 : i32
      %dma_wait3A_671 = tpu.memref_slice %arg11[%add3A_82, %dma_wait3A_670] : memref<10000x128xf32, #tpu.memory_space<vmem_shared>> -> memref<16x128xf32, #tpu.memory_space<vmem_shared>>
      tpu.wait_dma2 semaphore(%run_scoped3A_663 : memref<!tpu.dma_semaphore, #tpu.memory_space<semaphore_mem>>) src(%arg10 : memref<16x128xf32, #tpu.memory_space<vmem>>) dst(%dma_wait3A_671 : memref<16x128xf32, #tpu.memory_space<vmem_shared>>)
      tpu.yield
    }) : () -> ()
    %add3A_83 = arith.constant 608 : i32
    %add3A_84 = arith.addi %mul3A_7, %add3A_83 : i32
    "tpu.region"() ({
      %run_scoped3A_663 = tpu.sem_alloc : memref<!tpu.dma_semaphore, #tpu.memory_space<semaphore_mem>>
      %dma_start3A_664 = arith.constant 0 : i32
      %dma_start3A_665 = tpu.memref_slice %arg11[%add3A_84, %dma_start3A_664] : memref<10000x128xf32, #tpu.memory_space<vmem_shared>> -> memref<16x128xf32, #tpu.memory_space<vmem_shared>>
      %dma_start3A_666 = arith.constant 0 : i32
      %dma_start3A_667 = tpu.memref_slice %arg11[%add3A_84, %dma_start3A_666] : memref<10000x128xf32, #tpu.memory_space<vmem_shared>> -> memref<16x128xf32, #tpu.memory_space<vmem_shared>>
      tpu.enqueue_dma source(%arg10 : memref<16x128xf32, #tpu.memory_space<vmem>>) target(%dma_start3A_667 : memref<16x128xf32, #tpu.memory_space<vmem_shared>>) target_semaphore(%run_scoped3A_663 : memref<!tpu.dma_semaphore, #tpu.memory_space<semaphore_mem>>)
      %dma_wait3A_668 = arith.constant 0 : i32
      %dma_wait3A_669 = tpu.memref_slice %arg11[%add3A_84, %dma_wait3A_668] : memref<10000x128xf32, #tpu.memory_space<vmem_shared>> -> memref<16x128xf32, #tpu.memory_space<vmem_shared>>
      %dma_wait3A_670 = arith.constant 0 : i32
      %dma_wait3A_671 = tpu.memref_slice %arg11[%add3A_84, %dma_wait3A_670] : memref<10000x128xf32, #tpu.memory_space<vmem_shared>> -> memref<16x128xf32, #tpu.memory_space<vmem_shared>>
      tpu.wait_dma2 semaphore(%run_scoped3A_663 : memref<!tpu.dma_semaphore, #tpu.memory_space<semaphore_mem>>) src(%arg10 : memref<16x128xf32, #tpu.memory_space<vmem>>) dst(%dma_wait3A_671 : memref<16x128xf32, #tpu.memory_space<vmem_shared>>)
      tpu.yield
    }) : () -> ()
    %eq3A = arith.constant 15 : i32
    %eq3A_85 = arith.cmpi eq, %arg1, %eq3A : i32
    %convert_element_type3A = arith.extui %eq3A_85 : i1 to i32
    %cond3A = arith.constant 0 : i32
    %cond3A_86 = arith.cmpi ne, %convert_element_type3A, %cond3A : i32
    scf.if %cond3A_86 {
      "tpu.region"() ({
        %run_scoped3A_663 = tpu.sem_alloc : memref<!tpu.dma_semaphore, #tpu.memory_space<semaphore_mem>>
        %dma_start3A_664 = arith.constant 0 : i32
        %dma_start3A_665 = arith.constant 0 : i32
        %dma_start3A_666 = tpu.memref_slice %arg10[%dma_start3A_664, %dma_start3A_665] : memref<16x128xf32, #tpu.memory_space<vmem>> -> memref<16x128xf32, #tpu.memory_space<vmem>>
        %dma_start3A_667 = arith.constant 9984 : i32
        %dma_start3A_668 = arith.constant 0 : i32
        %dma_start3A_669 = tpu.memref_slice %arg11[%dma_start3A_667, %dma_start3A_668] : memref<10000x128xf32, #tpu.memory_space<vmem_shared>> -> memref<16x128xf32, #tpu.memory_space<vmem_shared>>
        %dma_start3A_670 = arith.constant 9984 : i32
        %dma_start3A_671 = arith.constant 0 : i32
        %dma_start3A_672 = tpu.memref_slice %arg11[%dma_start3A_670, %dma_start3A_671] : memref<10000x128xf32, #tpu.memory_space<vmem_shared>> -> memref<16x128xf32, #tpu.memory_space<vmem_shared>>
        %dma_start3A_673 = arith.constant 0 : i32
        %dma_start3A_674 = arith.constant 0 : i32
        %dma_start3A_675 = tpu.memref_slice %arg10[%dma_start3A_673, %dma_start3A_674] : memref<16x128xf32, #tpu.memory_space<vmem>> -> memref<16x128xf32, #tpu.memory_space<vmem>>
        tpu.enqueue_dma source(%dma_start3A_675 : memref<16x128xf32, #tpu.memory_space<vmem>>) target(%dma_start3A_672 : memref<16x128xf32, #tpu.memory_space<vmem_shared>>) target_semaphore(%run_scoped3A_663 : memref<!tpu.dma_semaphore, #tpu.memory_space<semaphore_mem>>)
        %dma_wait3A_676 = arith.constant 0 : i32
        %dma_wait3A_677 = arith.constant 0 : i32
        %dma_wait3A_678 = tpu.memref_slice %arg10[%dma_wait3A_676, %dma_wait3A_677] : memref<16x128xf32, #tpu.memory_space<vmem>> -> memref<16x128xf32, #tpu.memory_space<vmem>>
        %dma_wait3A_679 = arith.constant 9984 : i32
        %dma_wait3A_680 = arith.constant 0 : i32
        %dma_wait3A_681 = tpu.memref_slice %arg11[%dma_wait3A_679, %dma_wait3A_680] : memref<10000x128xf32, #tpu.memory_space<vmem_shared>> -> memref<16x128xf32, #tpu.memory_space<vmem_shared>>
        %dma_wait3A_682 = arith.constant 9984 : i32
        %dma_wait3A_683 = arith.constant 0 : i32
        %dma_wait3A_684 = tpu.memref_slice %arg11[%dma_wait3A_682, %dma_wait3A_683] : memref<10000x128xf32, #tpu.memory_space<vmem_shared>> -> memref<16x128xf32, #tpu.memory_space<vmem_shared>>
        %dma_wait3A_685 = arith.constant 0 : i32
        %dma_wait3A_686 = arith.constant 0 : i32
        %dma_wait3A_687 = tpu.memref_slice %arg10[%dma_wait3A_685, %dma_wait3A_686] : memref<16x128xf32, #tpu.memory_space<vmem>> -> memref<16x128xf32, #tpu.memory_space<vmem>>
        tpu.wait_dma2 semaphore(%run_scoped3A_663 : memref<!tpu.dma_semaphore, #tpu.memory_space<semaphore_mem>>) src(%dma_wait3A_687 : memref<16x128xf32, #tpu.memory_space<vmem>>) dst(%dma_wait3A_684 : memref<16x128xf32, #tpu.memory_space<vmem_shared>>)
        tpu.yield
      }) : () -> ()
    } else {
    }
    %mul3A_87 = arith.constant 2 : i32
    %mul3A_88 = arith.muli %mul3A_87, %arg0 : i32
    %add3A_89 = arith.constant 0 : i32
    %add3A_90 = arith.addi %mul3A_88, %add3A_89 : i32
    %mul3A_91 = arith.constant 10000 : i32
    %mul3A_92 = arith.muli %arg1, %mul3A_91 : i32
    %mul3A_93 = arith.constant 2 : i32
    %mul3A_94 = arith.muli %add3A_90, %mul3A_93 : i32
    %mul3A_95 = arith.constant 160000 : i32
    %mul3A_96 = arith.muli %mul3A_94, %mul3A_95 : i32
    %add3A_97 = arith.addi %mul3A_96, %mul3A_92 : i32
    %add3A_98 = arith.constant 160000 : i32
    %add3A_99 = arith.addi %add3A_97, %add3A_98 : i32
    %mul3A_100 = arith.constant 160000 : i32
    %mul3A_101 = arith.muli %add3A_90, %mul3A_100 : i32
    %add3A_102 = arith.addi %mul3A_101, %mul3A_92 : i32
    %mul3A_103 = arith.constant 10000 : i32
    %mul3A_104 = arith.muli %add3A_90, %mul3A_103 : i32
    %broadcast_in_dim3A_105 = arith.constant 0 : i32
    %broadcast_in_dim3A_106 = vector.broadcast %broadcast_in_dim3A_105 : i32 to vector<16xi32>
    %add3A_107 = vector.broadcast %mul3A_104 : i32 to vector<16xi32>
    %add3A_108 = arith.addi %add3A_107, %broadcast_in_dim3A_106 : vector<16xi32>
    %barrier3A = arith.constant 0 : index
    tpu.barrier barrier_id(%barrier3A)
    %add3A_109 = arith.constant 0 : i32
    %add3A_110 = arith.addi %add3A_97, %add3A_109 : i32
    %dma_start3A = arith.constant 0 : i32
    %dma_start3A_111 = arith.constant 0 : i32
    %dma_start3A_112 = tpu.memref_slice %arg6[%dma_start3A, %dma_start3A_111] : memref<2x80xi32, #tpu.memory_space<vmem>> -> memref<1x80xi32, #tpu.memory_space<vmem>>
    %dma_start3A_113 = tpu.memref_squeeze %dma_start3A_112 : memref<1x80xi32, #tpu.memory_space<vmem>> -> memref<80xi32, #tpu.memory_space<vmem>>
    %dma_start3A_114 = tpu.memref_slice %arg3[%add3A_110] : memref<1280000xi32, #tpu.memory_space<hbm>> -> memref<80xi32, #tpu.memory_space<hbm>>
    %dma_start3A_115 = arith.constant 0 : i32
    %dma_start3A_116 = tpu.memref_slice %arg6[%dma_start3A, %dma_start3A_115] : memref<2x80xi32, #tpu.memory_space<vmem>> -> memref<1x80xi32, #tpu.memory_space<vmem>>
    %dma_start3A_117 = tpu.memref_squeeze %dma_start3A_116 : memref<1x80xi32, #tpu.memory_space<vmem>> -> memref<80xi32, #tpu.memory_space<vmem>>
    %dma_start3A_118 = tpu.memref_slice %arg3[%add3A_110] : memref<1280000xi32, #tpu.memory_space<hbm>> -> memref<80xi32, #tpu.memory_space<hbm>>
    tpu.enqueue_dma source(%dma_start3A_118 : memref<80xi32, #tpu.memory_space<hbm>>) target(%dma_start3A_117 : memref<80xi32, #tpu.memory_space<vmem>>) target_semaphore(%arg12 : memref<!tpu.dma_semaphore, #tpu.memory_space<semaphore_mem>>)
    %add3A_119 = arith.constant 0 : i32
    %add3A_120 = arith.addi %add3A_99, %add3A_119 : i32
    %dma_start3A_121 = arith.constant 0 : i32
    %dma_start3A_122 = arith.constant 0 : i32
    %dma_start3A_123 = tpu.memref_slice %arg7[%dma_start3A_121, %dma_start3A_122] : memref<2x80xi32, #tpu.memory_space<vmem>> -> memref<1x80xi32, #tpu.memory_space<vmem>>
    %dma_start3A_124 = tpu.memref_squeeze %dma_start3A_123 : memref<1x80xi32, #tpu.memory_space<vmem>> -> memref<80xi32, #tpu.memory_space<vmem>>
    %dma_start3A_125 = tpu.memref_slice %arg3[%add3A_120] : memref<1280000xi32, #tpu.memory_space<hbm>> -> memref<80xi32, #tpu.memory_space<hbm>>
    %dma_start3A_126 = arith.constant 0 : i32
    %dma_start3A_127 = tpu.memref_slice %arg7[%dma_start3A_121, %dma_start3A_126] : memref<2x80xi32, #tpu.memory_space<vmem>> -> memref<1x80xi32, #tpu.memory_space<vmem>>
    %dma_start3A_128 = tpu.memref_squeeze %dma_start3A_127 : memref<1x80xi32, #tpu.memory_space<vmem>> -> memref<80xi32, #tpu.memory_space<vmem>>
    %dma_start3A_129 = tpu.memref_slice %arg3[%add3A_120] : memref<1280000xi32, #tpu.memory_space<hbm>> -> memref<80xi32, #tpu.memory_space<hbm>>
    tpu.enqueue_dma source(%dma_start3A_129 : memref<80xi32, #tpu.memory_space<hbm>>) target(%dma_start3A_128 : memref<80xi32, #tpu.memory_space<vmem>>) target_semaphore(%arg12 : memref<!tpu.dma_semaphore, #tpu.memory_space<semaphore_mem>>)
    %add3A_130 = arith.constant 0 : i32
    %add3A_131 = arith.addi %add3A_97, %add3A_130 : i32
    %dma_wait3A = arith.constant 0 : i32
    %dma_wait3A_132 = arith.constant 0 : i32
    %dma_wait3A_133 = tpu.memref_slice %arg6[%dma_wait3A, %dma_wait3A_132] : memref<2x80xi32, #tpu.memory_space<vmem>> -> memref<1x80xi32, #tpu.memory_space<vmem>>
    %dma_wait3A_134 = tpu.memref_squeeze %dma_wait3A_133 : memref<1x80xi32, #tpu.memory_space<vmem>> -> memref<80xi32, #tpu.memory_space<vmem>>
    %dma_wait3A_135 = tpu.memref_slice %arg3[%add3A_131] : memref<1280000xi32, #tpu.memory_space<hbm>> -> memref<80xi32, #tpu.memory_space<hbm>>
    %dma_wait3A_136 = arith.constant 0 : i32
    %dma_wait3A_137 = tpu.memref_slice %arg6[%dma_wait3A, %dma_wait3A_136] : memref<2x80xi32, #tpu.memory_space<vmem>> -> memref<1x80xi32, #tpu.memory_space<vmem>>
    %dma_wait3A_138 = tpu.memref_squeeze %dma_wait3A_137 : memref<1x80xi32, #tpu.memory_space<vmem>> -> memref<80xi32, #tpu.memory_space<vmem>>
    %dma_wait3A_139 = tpu.memref_slice %arg3[%add3A_131] : memref<1280000xi32, #tpu.memory_space<hbm>> -> memref<80xi32, #tpu.memory_space<hbm>>
    tpu.wait_dma2 semaphore(%arg12 : memref<!tpu.dma_semaphore, #tpu.memory_space<semaphore_mem>>) src(%dma_wait3A_139 : memref<80xi32, #tpu.memory_space<hbm>>) dst(%dma_wait3A_138 : memref<80xi32, #tpu.memory_space<vmem>>)
    %add3A_140 = arith.constant 0 : i32
    %add3A_141 = arith.addi %add3A_99, %add3A_140 : i32
    %dma_wait3A_142 = arith.constant 0 : i32
    %dma_wait3A_143 = arith.constant 0 : i32
    %dma_wait3A_144 = tpu.memref_slice %arg7[%dma_wait3A_142, %dma_wait3A_143] : memref<2x80xi32, #tpu.memory_space<vmem>> -> memref<1x80xi32, #tpu.memory_space<vmem>>
    %dma_wait3A_145 = tpu.memref_squeeze %dma_wait3A_144 : memref<1x80xi32, #tpu.memory_space<vmem>> -> memref<80xi32, #tpu.memory_space<vmem>>
    %dma_wait3A_146 = tpu.memref_slice %arg3[%add3A_141] : memref<1280000xi32, #tpu.memory_space<hbm>> -> memref<80xi32, #tpu.memory_space<hbm>>
    %dma_wait3A_147 = arith.constant 0 : i32
    %dma_wait3A_148 = tpu.memref_slice %arg7[%dma_wait3A_142, %dma_wait3A_147] : memref<2x80xi32, #tpu.memory_space<vmem>> -> memref<1x80xi32, #tpu.memory_space<vmem>>
    %dma_wait3A_149 = tpu.memref_squeeze %dma_wait3A_148 : memref<1x80xi32, #tpu.memory_space<vmem>> -> memref<80xi32, #tpu.memory_space<vmem>>
    %dma_wait3A_150 = tpu.memref_slice %arg3[%add3A_141] : memref<1280000xi32, #tpu.memory_space<hbm>> -> memref<80xi32, #tpu.memory_space<hbm>>
    tpu.wait_dma2 semaphore(%arg12 : memref<!tpu.dma_semaphore, #tpu.memory_space<semaphore_mem>>) src(%dma_wait3A_150 : memref<80xi32, #tpu.memory_space<hbm>>) dst(%dma_wait3A_149 : memref<80xi32, #tpu.memory_space<vmem>>)
    %get3A = arith.constant 0 : i32
    %get3A_151 = arith.index_cast %get3A : i32 to index
    %get3A_152 = arith.constant 0 : index
    %get3A_153 = tpu.vector_load %arg6[%get3A_151, %get3A_152] {strides = array<i32>} : memref<2x80xi32, #tpu.memory_space<vmem>>, vector<1x16xi32>,
    %get3A_154 = vector.shape_cast %get3A_153 : vector<1x16xi32> to vector<16xi32>
    %add3A_155 = arith.addi %get3A_154, %add3A_108 : vector<16xi32>
    %swap3A = arith.constant 0 : i32
    %swap3A_156 = arith.index_cast %swap3A : i32 to index
    %swap3A_157 = arith.constant 0 : index
    %swap3A_158 = tpu.vector_load %arg6[%swap3A_156, %swap3A_157] {strides = array<i32>} : memref<2x80xi32, #tpu.memory_space<vmem>>, vector<1x16xi32>,
    %swap3A_159 = vector.shape_cast %swap3A_158 : vector<1x16xi32> to vector<16xi32>
    %swap3A_160 = vector.shape_cast %add3A_155 : vector<16xi32> to vector<1x16xi32>
    tpu.vector_store %arg6[%swap3A_156, %swap3A_157], %swap3A_160 {strides = array<i32>} : memref<2x80xi32, #tpu.memory_space<vmem>>, vector<1x16xi32>,
    %get3A_161 = arith.constant 0 : i32
    %get3A_162 = arith.index_cast %get3A_161 : i32 to index
    %get3A_163 = arith.constant 16 : index
    %get3A_164 = tpu.vector_load %arg6[%get3A_162, %get3A_163] {strides = array<i32>} : memref<2x80xi32, #tpu.memory_space<vmem>>, vector<1x16xi32>,
    %get3A_165 = vector.shape_cast %get3A_164 : vector<1x16xi32> to vector<16xi32>
    %add3A_166 = arith.addi %get3A_165, %add3A_108 : vector<16xi32>
    %swap3A_167 = arith.constant 0 : i32
    %swap3A_168 = arith.index_cast %swap3A_167 : i32 to index
    %swap3A_169 = arith.constant 16 : index
    %swap3A_170 = tpu.vector_load %arg6[%swap3A_168, %swap3A_169] {strides = array<i32>} : memref<2x80xi32, #tpu.memory_space<vmem>>, vector<1x16xi32>,
    %swap3A_171 = vector.shape_cast %swap3A_170 : vector<1x16xi32> to vector<16xi32>
    %swap3A_172 = vector.shape_cast %add3A_166 : vector<16xi32> to vector<1x16xi32>
    tpu.vector_store %arg6[%swap3A_168, %swap3A_169], %swap3A_172 {strides = array<i32>} : memref<2x80xi32, #tpu.memory_space<vmem>>, vector<1x16xi32>,
    %get3A_173 = arith.constant 0 : i32
    %get3A_174 = arith.index_cast %get3A_173 : i32 to index
    %get3A_175 = arith.constant 32 : index
    %get3A_176 = tpu.vector_load %arg6[%get3A_174, %get3A_175] {strides = array<i32>} : memref<2x80xi32, #tpu.memory_space<vmem>>, vector<1x16xi32>,
    %get3A_177 = vector.shape_cast %get3A_176 : vector<1x16xi32> to vector<16xi32>
    %add3A_178 = arith.addi %get3A_177, %add3A_108 : vector<16xi32>
    %swap3A_179 = arith.constant 0 : i32
    %swap3A_180 = arith.index_cast %swap3A_179 : i32 to index
    %swap3A_181 = arith.constant 32 : index
    %swap3A_182 = tpu.vector_load %arg6[%swap3A_180, %swap3A_181] {strides = array<i32>} : memref<2x80xi32, #tpu.memory_space<vmem>>, vector<1x16xi32>,
    %swap3A_183 = vector.shape_cast %swap3A_182 : vector<1x16xi32> to vector<16xi32>
    %swap3A_184 = vector.shape_cast %add3A_178 : vector<16xi32> to vector<1x16xi32>
    tpu.vector_store %arg6[%swap3A_180, %swap3A_181], %swap3A_184 {strides = array<i32>} : memref<2x80xi32, #tpu.memory_space<vmem>>, vector<1x16xi32>,
    %get3A_185 = arith.constant 0 : i32
    %get3A_186 = arith.index_cast %get3A_185 : i32 to index
    %get3A_187 = arith.constant 48 : index
    %get3A_188 = tpu.vector_load %arg6[%get3A_186, %get3A_187] {strides = array<i32>} : memref<2x80xi32, #tpu.memory_space<vmem>>, vector<1x16xi32>,
    %get3A_189 = vector.shape_cast %get3A_188 : vector<1x16xi32> to vector<16xi32>
    %add3A_190 = arith.addi %get3A_189, %add3A_108 : vector<16xi32>
    %swap3A_191 = arith.constant 0 : i32
    %swap3A_192 = arith.index_cast %swap3A_191 : i32 to index
    %swap3A_193 = arith.constant 48 : index
    %swap3A_194 = tpu.vector_load %arg6[%swap3A_192, %swap3A_193] {strides = array<i32>} : memref<2x80xi32, #tpu.memory_space<vmem>>, vector<1x16xi32>,
    %swap3A_195 = vector.shape_cast %swap3A_194 : vector<1x16xi32> to vector<16xi32>
    %swap3A_196 = vector.shape_cast %add3A_190 : vector<16xi32> to vector<1x16xi32>
    tpu.vector_store %arg6[%swap3A_192, %swap3A_193], %swap3A_196 {strides = array<i32>} : memref<2x80xi32, #tpu.memory_space<vmem>>, vector<1x16xi32>,
    %get3A_197 = arith.constant 0 : i32
    %get3A_198 = arith.index_cast %get3A_197 : i32 to index
    %get3A_199 = arith.constant 64 : index
    %get3A_200 = tpu.vector_load %arg6[%get3A_198, %get3A_199] {strides = array<i32>} : memref<2x80xi32, #tpu.memory_space<vmem>>, vector<1x16xi32>,
    %get3A_201 = vector.shape_cast %get3A_200 : vector<1x16xi32> to vector<16xi32>
    %add3A_202 = arith.addi %get3A_201, %add3A_108 : vector<16xi32>
    %swap3A_203 = arith.constant 0 : i32
    %swap3A_204 = arith.index_cast %swap3A_203 : i32 to index
    %swap3A_205 = arith.constant 64 : index
    %swap3A_206 = tpu.vector_load %arg6[%swap3A_204, %swap3A_205] {strides = array<i32>} : memref<2x80xi32, #tpu.memory_space<vmem>>, vector<1x16xi32>,
    %swap3A_207 = vector.shape_cast %swap3A_206 : vector<1x16xi32> to vector<16xi32>
    %swap3A_208 = vector.shape_cast %add3A_202 : vector<16xi32> to vector<1x16xi32>
    tpu.vector_store %arg6[%swap3A_204, %swap3A_205], %swap3A_208 {strides = array<i32>} : memref<2x80xi32, #tpu.memory_space<vmem>>, vector<1x16xi32>,
    %dma_start3A_209 = arith.constant 0 : i32
    %dma_start3A_210 = arith.constant 0 : i32
    %dma_start3A_211 = arith.constant 0 : i32
    %dma_start3A_212 = arith.constant 0 : i32
    %dma_start3A_213 = tpu.memref_slice %arg8[%dma_start3A_210, %dma_start3A_211, %dma_start3A_212] : memref<2x80x128xf32, #tpu.memory_space<vmem>> -> memref<1x80x128xf32, #tpu.memory_space<vmem>>
    %dma_start3A_214 = tpu.memref_squeeze %dma_start3A_213 : memref<1x80x128xf32, #tpu.memory_space<vmem>> -> memref<80x128xf32, #tpu.memory_space<vmem>>
    %dma_start3A_215 = arith.constant 0 : i32
    %dma_start3A_216 = tpu.memref_slice %arg6[%dma_start3A_209, %dma_start3A_215] : memref<2x80xi32, #tpu.memory_space<vmem>> -> memref<1x80xi32, #tpu.memory_space<vmem>>
    %dma_start3A_217 = tpu.memref_squeeze %dma_start3A_216 : memref<1x80xi32, #tpu.memory_space<vmem>> -> memref<80xi32, #tpu.memory_space<vmem>>
    %dma_start3A_218 = arith.constant 0 : i32
    %dma_start3A_219 = arith.constant 0 : i32
    %dma_start3A_220 = tpu.memref_slice %arg2[%dma_start3A_218, %dma_start3A_219] : memref<40000x128xf32, #tpu.memory_space<hbm>> -> memref<40000x128xf32, #tpu.memory_space<hbm>>
    tpu.enqueue_indirect_dma source(%dma_start3A_220 : memref<40000x128xf32, #tpu.memory_space<hbm>>) target(%dma_start3A_214 : memref<80x128xf32, #tpu.memory_space<vmem>>) offsets(%dma_start3A_217 : memref<80xi32, #tpu.memory_space<vmem>>) semaphore(%arg14 : memref<!tpu.dma_semaphore, #tpu.memory_space<semaphore_mem>>)
    %add3A_221 = arith.constant 0 : i32
    %add3A_222 = arith.addi %add3A_102, %add3A_221 : i32
    %dma_start3A_223 = arith.constant 0 : i32
    %dma_start3A_224 = arith.constant 0 : i32
    %dma_start3A_225 = arith.constant 0 : i32
    %dma_start3A_226 = tpu.memref_slice %arg9[%dma_start3A_223, %dma_start3A_224, %dma_start3A_225] : memref<2x80x64xi32, #tpu.memory_space<vmem>> -> memref<1x80x64xi32, #tpu.memory_space<vmem>>
    %dma_start3A_227 = tpu.memref_squeeze %dma_start3A_226 : memref<1x80x64xi32, #tpu.memory_space<vmem>> -> memref<80x64xi32, #tpu.memory_space<vmem>>
    %dma_start3A_228 = arith.constant 0 : i32
    %dma_start3A_229 = tpu.memref_slice %arg4[%add3A_222, %dma_start3A_228] : memref<640000x64xi32, #tpu.memory_space<hbm>> -> memref<80x64xi32, #tpu.memory_space<hbm>>
    %dma_start3A_230 = arith.constant 0 : i32
    %dma_start3A_231 = arith.constant 0 : i32
    %dma_start3A_232 = tpu.memref_slice %arg9[%dma_start3A_223, %dma_start3A_230, %dma_start3A_231] : memref<2x80x64xi32, #tpu.memory_space<vmem>> -> memref<1x80x64xi32, #tpu.memory_space<vmem>>
    %dma_start3A_233 = tpu.memref_squeeze %dma_start3A_232 : memref<1x80x64xi32, #tpu.memory_space<vmem>> -> memref<80x64xi32, #tpu.memory_space<vmem>>
    %dma_start3A_234 = arith.constant 0 : i32
    %dma_start3A_235 = tpu.memref_slice %arg4[%add3A_222, %dma_start3A_234] : memref<640000x64xi32, #tpu.memory_space<hbm>> -> memref<80x64xi32, #tpu.memory_space<hbm>>
    tpu.enqueue_dma source(%dma_start3A_235 : memref<80x64xi32, #tpu.memory_space<hbm>>) target(%dma_start3A_233 : memref<80x64xi32, #tpu.memory_space<vmem>>) target_semaphore(%arg16 : memref<!tpu.dma_semaphore, #tpu.memory_space<semaphore_mem>>)
    %add3A_236 = arith.constant 80 : i32
    %add3A_237 = arith.addi %add3A_97, %add3A_236 : i32
    %dma_start3A_238 = arith.constant 1 : i32
    %dma_start3A_239 = arith.constant 0 : i32
    %dma_start3A_240 = tpu.memref_slice %arg6[%dma_start3A_238, %dma_start3A_239] : memref<2x80xi32, #tpu.memory_space<vmem>> -> memref<1x80xi32, #tpu.memory_space<vmem>>
    %dma_start3A_241 = tpu.memref_squeeze %dma_start3A_240 : memref<1x80xi32, #tpu.memory_space<vmem>> -> memref<80xi32, #tpu.memory_space<vmem>>
    %dma_start3A_242 = tpu.memref_slice %arg3[%add3A_237] : memref<1280000xi32, #tpu.memory_space<hbm>> -> memref<80xi32, #tpu.memory_space<hbm>>
    %dma_start3A_243 = arith.constant 0 : i32
    %dma_start3A_244 = tpu.memref_slice %arg6[%dma_start3A_238, %dma_start3A_243] : memref<2x80xi32, #tpu.memory_space<vmem>> -> memref<1x80xi32, #tpu.memory_space<vmem>>
    %dma_start3A_245 = tpu.memref_squeeze %dma_start3A_244 : memref<1x80xi32, #tpu.memory_space<vmem>> -> memref<80xi32, #tpu.memory_space<vmem>>
    %dma_start3A_246 = tpu.memref_slice %arg3[%add3A_237] : memref<1280000xi32, #tpu.memory_space<hbm>> -> memref<80xi32, #tpu.memory_space<hbm>>
    tpu.enqueue_dma source(%dma_start3A_246 : memref<80xi32, #tpu.memory_space<hbm>>) target(%dma_start3A_245 : memref<80xi32, #tpu.memory_space<vmem>>) target_semaphore(%arg13 : memref<!tpu.dma_semaphore, #tpu.memory_space<semaphore_mem>>)
    %add3A_247 = arith.constant 80 : i32
    %add3A_248 = arith.addi %add3A_99, %add3A_247 : i32
    %dma_start3A_249 = arith.constant 1 : i32
    %dma_start3A_250 = arith.constant 0 : i32
    %dma_start3A_251 = tpu.memref_slice %arg7[%dma_start3A_249, %dma_start3A_250] : memref<2x80xi32, #tpu.memory_space<vmem>> -> memref<1x80xi32, #tpu.memory_space<vmem>>
    %dma_start3A_252 = tpu.memref_squeeze %dma_start3A_251 : memref<1x80xi32, #tpu.memory_space<vmem>> -> memref<80xi32, #tpu.memory_space<vmem>>
    %dma_start3A_253 = tpu.memref_slice %arg3[%add3A_248] : memref<1280000xi32, #tpu.memory_space<hbm>> -> memref<80xi32, #tpu.memory_space<hbm>>
    %dma_start3A_254 = arith.constant 0 : i32
    %dma_start3A_255 = tpu.memref_slice %arg7[%dma_start3A_249, %dma_start3A_254] : memref<2x80xi32, #tpu.memory_space<vmem>> -> memref<1x80xi32, #tpu.memory_space<vmem>>
    %dma_start3A_256 = tpu.memref_squeeze %dma_start3A_255 : memref<1x80xi32, #tpu.memory_space<vmem>> -> memref<80xi32, #tpu.memory_space<vmem>>
    %dma_start3A_257 = tpu.memref_slice %arg3[%add3A_248] : memref<1280000xi32, #tpu.memory_space<hbm>> -> memref<80xi32, #tpu.memory_space<hbm>>
    tpu.enqueue_dma source(%dma_start3A_257 : memref<80xi32, #tpu.memory_space<hbm>>) target(%dma_start3A_256 : memref<80xi32, #tpu.memory_space<vmem>>) target_semaphore(%arg13 : memref<!tpu.dma_semaphore, #tpu.memory_space<semaphore_mem>>)
    %scan3A_258 = arith.constant 0 : i32
    %scan3A_259 = arith.constant 0 : i32
    %scan3A_260 = arith.constant 62 : i32
    %scan3A_261 = arith.addi %scan3A_259, %scan3A_260 : i32
    %scan3A_262 = arith.constant 1 : i32
    %scan3A_263 = scf.for %scan3A_663 = %scan3A_259 to %scan3A_261 step %scan3A_262 iter_args(%scan3A_664 = %scan3A_258) -> (i32)  : i32 {
      %mul3A_665 = arith.constant 2 : i32
      %mul3A_666 = arith.muli %scan3A_663, %mul3A_665 : i32
      %add3A_667 = arith.constant 0 : i32
      %add3A_668 = arith.addi %mul3A_666, %add3A_667 : i32
      %add3A_669 = arith.constant 1 : i32
      %add3A_670 = arith.addi %add3A_668, %add3A_669 : i32
      %lt3A_671 = arith.constant 125 : i32
      %lt3A_672 = arith.cmpi slt, %add3A_670, %lt3A_671 : i32
      %convert_element_type3A_673 = arith.extui %lt3A_672 : i1 to i32
      %cond3A_674 = arith.constant 0 : i32
      %cond3A_675 = arith.cmpi ne, %convert_element_type3A_673, %cond3A_674 : i32
      scf.if %cond3A_675 {
        %add3A_780 = arith.constant 1 : i32
        %add3A_781 = arith.addi %add3A_668, %add3A_780 : i32
        %mul3A_782 = arith.constant 80 : i32
        %mul3A_783 = arith.muli %add3A_781, %mul3A_782 : i32
        %add3A_784 = arith.addi %add3A_97, %mul3A_783 : i32
        %dma_wait3A_785 = arith.constant 1 : i32
        %dma_wait3A_786 = arith.constant 0 : i32
        %dma_wait3A_787 = tpu.memref_slice %arg6[%dma_wait3A_785, %dma_wait3A_786] : memref<2x80xi32, #tpu.memory_space<vmem>> -> memref<1x80xi32, #tpu.memory_space<vmem>>
        %dma_wait3A_788 = tpu.memref_squeeze %dma_wait3A_787 : memref<1x80xi32, #tpu.memory_space<vmem>> -> memref<80xi32, #tpu.memory_space<vmem>>
        %dma_wait3A_789 = tpu.memref_slice %arg3[%add3A_784] : memref<1280000xi32, #tpu.memory_space<hbm>> -> memref<80xi32, #tpu.memory_space<hbm>>
        %dma_wait3A_790 = arith.constant 0 : i32
        %dma_wait3A_791 = tpu.memref_slice %arg6[%dma_wait3A_785, %dma_wait3A_790] : memref<2x80xi32, #tpu.memory_space<vmem>> -> memref<1x80xi32, #tpu.memory_space<vmem>>
        %dma_wait3A_792 = tpu.memref_squeeze %dma_wait3A_791 : memref<1x80xi32, #tpu.memory_space<vmem>> -> memref<80xi32, #tpu.memory_space<vmem>>
        %dma_wait3A_793 = tpu.memref_slice %arg3[%add3A_784] : memref<1280000xi32, #tpu.memory_space<hbm>> -> memref<80xi32, #tpu.memory_space<hbm>>
        tpu.wait_dma2 semaphore(%arg13 : memref<!tpu.dma_semaphore, #tpu.memory_space<semaphore_mem>>) src(%dma_wait3A_793 : memref<80xi32, #tpu.memory_space<hbm>>) dst(%dma_wait3A_792 : memref<80xi32, #tpu.memory_space<vmem>>)
        %mul3A_794 = arith.constant 80 : i32
        %mul3A_795 = arith.muli %add3A_781, %mul3A_794 : i32
        %add3A_796 = arith.addi %add3A_99, %mul3A_795 : i32
        %dma_wait3A_797 = arith.constant 1 : i32
        %dma_wait3A_798 = arith.constant 0 : i32
        %dma_wait3A_799 = tpu.memref_slice %arg7[%dma_wait3A_797, %dma_wait3A_798] : memref<2x80xi32, #tpu.memory_space<vmem>> -> memref<1x80xi32, #tpu.memory_space<vmem>>
        %dma_wait3A_800 = tpu.memref_squeeze %dma_wait3A_799 : memref<1x80xi32, #tpu.memory_space<vmem>> -> memref<80xi32, #tpu.memory_space<vmem>>
        %dma_wait3A_801 = tpu.memref_slice %arg3[%add3A_796] : memref<1280000xi32, #tpu.memory_space<hbm>> -> memref<80xi32, #tpu.memory_space<hbm>>
        %dma_wait3A_802 = arith.constant 0 : i32
        %dma_wait3A_803 = tpu.memref_slice %arg7[%dma_wait3A_797, %dma_wait3A_802] : memref<2x80xi32, #tpu.memory_space<vmem>> -> memref<1x80xi32, #tpu.memory_space<vmem>>
        %dma_wait3A_804 = tpu.memref_squeeze %dma_wait3A_803 : memref<1x80xi32, #tpu.memory_space<vmem>> -> memref<80xi32, #tpu.memory_space<vmem>>
        %dma_wait3A_805 = tpu.memref_slice %arg3[%add3A_796] : memref<1280000xi32, #tpu.memory_space<hbm>> -> memref<80xi32, #tpu.memory_space<hbm>>
        tpu.wait_dma2 semaphore(%arg13 : memref<!tpu.dma_semaphore, #tpu.memory_space<semaphore_mem>>) src(%dma_wait3A_805 : memref<80xi32, #tpu.memory_space<hbm>>) dst(%dma_wait3A_804 : memref<80xi32, #tpu.memory_space<vmem>>)
        %get3A_806 = arith.constant 1 : i32
        %get3A_807 = arith.index_cast %get3A_806 : i32 to index
        %get3A_808 = arith.constant 0 : index
        %get3A_809 = tpu.vector_load %arg6[%get3A_807, %get3A_808] {strides = array<i32>} : memref<2x80xi32, #tpu.memory_space<vmem>>, vector<1x16xi32>,
        %get3A_810 = vector.shape_cast %get3A_809 : vector<1x16xi32> to vector<16xi32>
        %add3A_811 = arith.addi %get3A_810, %add3A_108 : vector<16xi32>
        %swap3A_812 = arith.constant 1 : i32
        %swap3A_813 = arith.index_cast %swap3A_812 : i32 to index
        %swap3A_814 = arith.constant 0 : index
        %swap3A_815 = tpu.vector_load %arg6[%swap3A_813, %swap3A_814] {strides = array<i32>} : memref<2x80xi32, #tpu.memory_space<vmem>>, vector<1x16xi32>,
        %swap3A_816 = vector.shape_cast %swap3A_815 : vector<1x16xi32> to vector<16xi32>
        %swap3A_817 = vector.shape_cast %add3A_811 : vector<16xi32> to vector<1x16xi32>
        tpu.vector_store %arg6[%swap3A_813, %swap3A_814], %swap3A_817 {strides = array<i32>} : memref<2x80xi32, #tpu.memory_space<vmem>>, vector<1x16xi32>,
        %get3A_818 = arith.constant 1 : i32
        %get3A_819 = arith.index_cast %get3A_818 : i32 to index
        %get3A_820 = arith.constant 16 : index
        %get3A_821 = tpu.vector_load %arg6[%get3A_819, %get3A_820] {strides = array<i32>} : memref<2x80xi32, #tpu.memory_space<vmem>>, vector<1x16xi32>,
        %get3A_822 = vector.shape_cast %get3A_821 : vector<1x16xi32> to vector<16xi32>
        %add3A_823 = arith.addi %get3A_822, %add3A_108 : vector<16xi32>
        %swap3A_824 = arith.constant 1 : i32
        %swap3A_825 = arith.index_cast %swap3A_824 : i32 to index
        %swap3A_826 = arith.constant 16 : index
        %swap3A_827 = tpu.vector_load %arg6[%swap3A_825, %swap3A_826] {strides = array<i32>} : memref<2x80xi32, #tpu.memory_space<vmem>>, vector<1x16xi32>,
        %swap3A_828 = vector.shape_cast %swap3A_827 : vector<1x16xi32> to vector<16xi32>
        %swap3A_829 = vector.shape_cast %add3A_823 : vector<16xi32> to vector<1x16xi32>
        tpu.vector_store %arg6[%swap3A_825, %swap3A_826], %swap3A_829 {strides = array<i32>} : memref<2x80xi32, #tpu.memory_space<vmem>>, vector<1x16xi32>,
        %get3A_830 = arith.constant 1 : i32
        %get3A_831 = arith.index_cast %get3A_830 : i32 to index
        %get3A_832 = arith.constant 32 : index
        %get3A_833 = tpu.vector_load %arg6[%get3A_831, %get3A_832] {strides = array<i32>} : memref<2x80xi32, #tpu.memory_space<vmem>>, vector<1x16xi32>,
        %get3A_834 = vector.shape_cast %get3A_833 : vector<1x16xi32> to vector<16xi32>
        %add3A_835 = arith.addi %get3A_834, %add3A_108 : vector<16xi32>
        %swap3A_836 = arith.constant 1 : i32
        %swap3A_837 = arith.index_cast %swap3A_836 : i32 to index
        %swap3A_838 = arith.constant 32 : index
        %swap3A_839 = tpu.vector_load %arg6[%swap3A_837, %swap3A_838] {strides = array<i32>} : memref<2x80xi32, #tpu.memory_space<vmem>>, vector<1x16xi32>,
        %swap3A_840 = vector.shape_cast %swap3A_839 : vector<1x16xi32> to vector<16xi32>
        %swap3A_841 = vector.shape_cast %add3A_835 : vector<16xi32> to vector<1x16xi32>
        tpu.vector_store %arg6[%swap3A_837, %swap3A_838], %swap3A_841 {strides = array<i32>} : memref<2x80xi32, #tpu.memory_space<vmem>>, vector<1x16xi32>,
        %get3A_842 = arith.constant 1 : i32
        %get3A_843 = arith.index_cast %get3A_842 : i32 to index
        %get3A_844 = arith.constant 48 : index
        %get3A_845 = tpu.vector_load %arg6[%get3A_843, %get3A_844] {strides = array<i32>} : memref<2x80xi32, #tpu.memory_space<vmem>>, vector<1x16xi32>,
        %get3A_846 = vector.shape_cast %get3A_845 : vector<1x16xi32> to vector<16xi32>
        %add3A_847 = arith.addi %get3A_846, %add3A_108 : vector<16xi32>
        %swap3A_848 = arith.constant 1 : i32
        %swap3A_849 = arith.index_cast %swap3A_848 : i32 to index
        %swap3A_850 = arith.constant 48 : index
        %swap3A_851 = tpu.vector_load %arg6[%swap3A_849, %swap3A_850] {strides = array<i32>} : memref<2x80xi32, #tpu.memory_space<vmem>>, vector<1x16xi32>,
        %swap3A_852 = vector.shape_cast %swap3A_851 : vector<1x16xi32> to vector<16xi32>
        %swap3A_853 = vector.shape_cast %add3A_847 : vector<16xi32> to vector<1x16xi32>
        tpu.vector_store %arg6[%swap3A_849, %swap3A_850], %swap3A_853 {strides = array<i32>} : memref<2x80xi32, #tpu.memory_space<vmem>>, vector<1x16xi32>,
        %get3A_854 = arith.constant 1 : i32
        %get3A_855 = arith.index_cast %get3A_854 : i32 to index
        %get3A_856 = arith.constant 64 : index
        %get3A_857 = tpu.vector_load %arg6[%get3A_855, %get3A_856] {strides = array<i32>} : memref<2x80xi32, #tpu.memory_space<vmem>>, vector<1x16xi32>,
        %get3A_858 = vector.shape_cast %get3A_857 : vector<1x16xi32> to vector<16xi32>
        %add3A_859 = arith.addi %get3A_858, %add3A_108 : vector<16xi32>
        %swap3A_860 = arith.constant 1 : i32
        %swap3A_861 = arith.index_cast %swap3A_860 : i32 to index
        %swap3A_862 = arith.constant 64 : index
        %swap3A_863 = tpu.vector_load %arg6[%swap3A_861, %swap3A_862] {strides = array<i32>} : memref<2x80xi32, #tpu.memory_space<vmem>>, vector<1x16xi32>,
        %swap3A_864 = vector.shape_cast %swap3A_863 : vector<1x16xi32> to vector<16xi32>
        %swap3A_865 = vector.shape_cast %add3A_859 : vector<16xi32> to vector<1x16xi32>
        tpu.vector_store %arg6[%swap3A_861, %swap3A_862], %swap3A_865 {strides = array<i32>} : memref<2x80xi32, #tpu.memory_space<vmem>>, vector<1x16xi32>,
        %dma_start3A_866 = arith.constant 1 : i32
        %dma_start3A_867 = arith.constant 1 : i32
        %dma_start3A_868 = arith.constant 0 : i32
        %dma_start3A_869 = arith.constant 0 : i32
        %dma_start3A_870 = tpu.memref_slice %arg8[%dma_start3A_867, %dma_start3A_868, %dma_start3A_869] : memref<2x80x128xf32, #tpu.memory_space<vmem>> -> memref<1x80x128xf32, #tpu.memory_space<vmem>>
        %dma_start3A_871 = tpu.memref_squeeze %dma_start3A_870 : memref<1x80x128xf32, #tpu.memory_space<vmem>> -> memref<80x128xf32, #tpu.memory_space<vmem>>
        %dma_start3A_872 = arith.constant 0 : i32
        %dma_start3A_873 = tpu.memref_slice %arg6[%dma_start3A_866, %dma_start3A_872] : memref<2x80xi32, #tpu.memory_space<vmem>> -> memref<1x80xi32, #tpu.memory_space<vmem>>
        %dma_start3A_874 = tpu.memref_squeeze %dma_start3A_873 : memref<1x80xi32, #tpu.memory_space<vmem>> -> memref<80xi32, #tpu.memory_space<vmem>>
        %dma_start3A_875 = arith.constant 0 : i32
        %dma_start3A_876 = arith.constant 0 : i32
        %dma_start3A_877 = tpu.memref_slice %arg2[%dma_start3A_875, %dma_start3A_876] : memref<40000x128xf32, #tpu.memory_space<hbm>> -> memref<40000x128xf32, #tpu.memory_space<hbm>>
        tpu.enqueue_indirect_dma source(%dma_start3A_877 : memref<40000x128xf32, #tpu.memory_space<hbm>>) target(%dma_start3A_871 : memref<80x128xf32, #tpu.memory_space<vmem>>) offsets(%dma_start3A_874 : memref<80xi32, #tpu.memory_space<vmem>>) semaphore(%arg15 : memref<!tpu.dma_semaphore, #tpu.memory_space<semaphore_mem>>)
        %mul3A_878 = arith.constant 80 : i32
        %mul3A_879 = arith.muli %add3A_781, %mul3A_878 : i32
        %add3A_880 = arith.addi %add3A_102, %mul3A_879 : i32
        %dma_start3A_881 = arith.constant 1 : i32
        %dma_start3A_882 = arith.constant 0 : i32
        %dma_start3A_883 = arith.constant 0 : i32
        %dma_start3A_884 = tpu.memref_slice %arg9[%dma_start3A_881, %dma_start3A_882, %dma_start3A_883] : memref<2x80x64xi32, #tpu.memory_space<vmem>> -> memref<1x80x64xi32, #tpu.memory_space<vmem>>
        %dma_start3A_885 = tpu.memref_squeeze %dma_start3A_884 : memref<1x80x64xi32, #tpu.memory_space<vmem>> -> memref<80x64xi32, #tpu.memory_space<vmem>>
        %dma_start3A_886 = arith.constant 0 : i32
        %dma_start3A_887 = tpu.memref_slice %arg4[%add3A_880, %dma_start3A_886] : memref<640000x64xi32, #tpu.memory_space<hbm>> -> memref<80x64xi32, #tpu.memory_space<hbm>>
        %dma_start3A_888 = arith.constant 0 : i32
        %dma_start3A_889 = arith.constant 0 : i32
        %dma_start3A_890 = tpu.memref_slice %arg9[%dma_start3A_881, %dma_start3A_888, %dma_start3A_889] : memref<2x80x64xi32, #tpu.memory_space<vmem>> -> memref<1x80x64xi32, #tpu.memory_space<vmem>>
        %dma_start3A_891 = tpu.memref_squeeze %dma_start3A_890 : memref<1x80x64xi32, #tpu.memory_space<vmem>> -> memref<80x64xi32, #tpu.memory_space<vmem>>
        %dma_start3A_892 = arith.constant 0 : i32
        %dma_start3A_893 = tpu.memref_slice %arg4[%add3A_880, %dma_start3A_892] : memref<640000x64xi32, #tpu.memory_space<hbm>> -> memref<80x64xi32, #tpu.memory_space<hbm>>
        tpu.enqueue_dma source(%dma_start3A_893 : memref<80x64xi32, #tpu.memory_space<hbm>>) target(%dma_start3A_891 : memref<80x64xi32, #tpu.memory_space<vmem>>) target_semaphore(%arg17 : memref<!tpu.dma_semaphore, #tpu.memory_space<semaphore_mem>>)
      } else {
      }
      %dma_wait3A_676 = arith.constant 0 : i32
      %dma_wait3A_677 = arith.constant 0 : i32
      %dma_wait3A_678 = arith.constant 0 : i32
      %dma_wait3A_679 = arith.constant 0 : i32
      %dma_wait3A_680 = tpu.memref_slice %arg8[%dma_wait3A_677, %dma_wait3A_678, %dma_wait3A_679] : memref<2x80x128xf32, #tpu.memory_space<vmem>> -> memref<1x80x128xf32, #tpu.memory_space<vmem>>
      %dma_wait3A_681 = tpu.memref_squeeze %dma_wait3A_680 : memref<1x80x128xf32, #tpu.memory_space<vmem>> -> memref<80x128xf32, #tpu.memory_space<vmem>>
      %dma_wait3A_682 = arith.constant 0 : i32
      %dma_wait3A_683 = tpu.memref_slice %arg6[%dma_wait3A_676, %dma_wait3A_682] : memref<2x80xi32, #tpu.memory_space<vmem>> -> memref<1x80xi32, #tpu.memory_space<vmem>>
      %dma_wait3A_684 = tpu.memref_squeeze %dma_wait3A_683 : memref<1x80xi32, #tpu.memory_space<vmem>> -> memref<80xi32, #tpu.memory_space<vmem>>
      %dma_wait3A_685 = arith.constant 0 : i32
      %dma_wait3A_686 = arith.constant 0 : i32
      %dma_wait3A_687 = tpu.memref_slice %arg2[%dma_wait3A_685, %dma_wait3A_686] : memref<40000x128xf32, #tpu.memory_space<hbm>> -> memref<40000x128xf32, #tpu.memory_space<hbm>>
      tpu.wait_indirect_dma semaphore(%arg14 : memref<!tpu.dma_semaphore, #tpu.memory_space<semaphore_mem>>) src(%dma_wait3A_687 : memref<40000x128xf32, #tpu.memory_space<hbm>>) dst(%dma_wait3A_681 : memref<80x128xf32, #tpu.memory_space<vmem>>)
      %mul3A_688 = arith.constant 80 : i32
      %mul3A_689 = arith.muli %add3A_668, %mul3A_688 : i32
      %add3A_690 = arith.addi %add3A_102, %mul3A_689 : i32
      %dma_wait3A_691 = arith.constant 0 : i32
      %dma_wait3A_692 = arith.constant 0 : i32
      %dma_wait3A_693 = arith.constant 0 : i32
      %dma_wait3A_694 = tpu.memref_slice %arg9[%dma_wait3A_691, %dma_wait3A_692, %dma_wait3A_693] : memref<2x80x64xi32, #tpu.memory_space<vmem>> -> memref<1x80x64xi32, #tpu.memory_space<vmem>>
      %dma_wait3A_695 = tpu.memref_squeeze %dma_wait3A_694 : memref<1x80x64xi32, #tpu.memory_space<vmem>> -> memref<80x64xi32, #tpu.memory_space<vmem>>
      %dma_wait3A_696 = arith.constant 0 : i32
      %dma_wait3A_697 = tpu.memref_slice %arg4[%add3A_690, %dma_wait3A_696] : memref<640000x64xi32, #tpu.memory_space<hbm>> -> memref<80x64xi32, #tpu.memory_space<hbm>>
      %dma_wait3A_698 = arith.constant 0 : i32
      %dma_wait3A_699 = arith.constant 0 : i32
      %dma_wait3A_700 = tpu.memref_slice %arg9[%dma_wait3A_691, %dma_wait3A_698, %dma_wait3A_699] : memref<2x80x64xi32, #tpu.memory_space<vmem>> -> memref<1x80x64xi32, #tpu.memory_space<vmem>>
      %dma_wait3A_701 = tpu.memref_squeeze %dma_wait3A_700 : memref<1x80x64xi32, #tpu.memory_space<vmem>> -> memref<80x64xi32, #tpu.memory_space<vmem>>
      %dma_wait3A_702 = arith.constant 0 : i32
      %dma_wait3A_703 = tpu.memref_slice %arg4[%add3A_690, %dma_wait3A_702] : memref<640000x64xi32, #tpu.memory_space<hbm>> -> memref<80x64xi32, #tpu.memory_space<hbm>>
      tpu.wait_dma2 semaphore(%arg16 : memref<!tpu.dma_semaphore, #tpu.memory_space<semaphore_mem>>) src(%dma_wait3A_703 : memref<80x64xi32, #tpu.memory_space<hbm>>) dst(%dma_wait3A_701 : memref<80x64xi32, #tpu.memory_space<vmem>>)
      %broadcast_in_dim3A_704 = arith.constant -65536 : i32
      %broadcast_in_dim3A_705 = vector.broadcast %broadcast_in_dim3A_704 : i32 to vector<16xi32>
      %scan3A_706 = arith.constant 0 : i32
      %scan3A_707 = arith.constant 0 : i32
      %scan3A_708 = arith.constant 80 : i32
      %scan3A_709 = arith.addi %scan3A_707, %scan3A_708 : i32
      %scan3A_710 = arith.constant 1 : i32
      %scan3A_711 = scf.for %scan3A_780 = %scan3A_707 to %scan3A_709 step %scan3A_710 iter_args(%scan3A_781 = %scan3A_706) -> (i32)  : i32 {
        %get3A_782 = arith.constant 0 : i32
        %get3A_783 = arith.index_cast %get3A_782 : i32 to index
        %get3A_784 = arith.index_cast %scan3A_780 : i32 to index
        %get3A_785 = arith.constant 0 : index
        %get3A_786 = tpu.vector_load %arg9[%get3A_783, %get3A_784, %get3A_785] {strides = array<i32>} : memref<2x80x64xi32, #tpu.memory_space<vmem>>, vector<1x1x16xi32>,
        %get3A_787 = vector.shape_cast %get3A_786 : vector<1x1x16xi32> to vector<16xi32>
        %shift_left3A = arith.constant 16 : i32
        %shift_left3A_788 = vector.broadcast %shift_left3A : i32 to vector<16xi32>
        %shift_left3A_789 = arith.shli %get3A_787, %shift_left3A_788 : vector<16xi32>
        %bitcast_convert_type3A = tpu.bitcast %shift_left3A_789 : vector<16xi32> -> vector<16xf32>
        %and3A = arith.andi %get3A_787, %broadcast_in_dim3A_705 : vector<16xi32>
        %bitcast_convert_type3A_790 = tpu.bitcast %and3A : vector<16xi32> -> vector<16xf32>
        %get3A_791 = arith.constant 0 : i32
        %get3A_792 = arith.index_cast %get3A_791 : i32 to index
        %get3A_793 = arith.index_cast %scan3A_780 : i32 to index
        %get3A_794 = arith.constant 0 : index
        %get3A_795 = tpu.vector_load %arg8[%get3A_792, %get3A_793, %get3A_794] {strides = array<i32>} : memref<2x80x128xf32, #tpu.memory_space<vmem>>, vector<1x1x16xf32>,
        %get3A_796 = vector.shape_cast %get3A_795 : vector<1x1x16xf32> to vector<16xf32>
        %mul3A_797 = arith.mulf %get3A_796, %bitcast_convert_type3A : vector<16xf32>
        %swap3A_798 = arith.constant 0 : i32
        %swap3A_799 = arith.index_cast %swap3A_798 : i32 to index
        %swap3A_800 = arith.index_cast %scan3A_780 : i32 to index
        %swap3A_801 = arith.constant 0 : index
        %swap3A_802 = tpu.vector_load %arg8[%swap3A_799, %swap3A_800, %swap3A_801] {strides = array<i32>} : memref<2x80x128xf32, #tpu.memory_space<vmem>>, vector<1x1x16xf32>,
        %swap3A_803 = vector.shape_cast %swap3A_802 : vector<1x1x16xf32> to vector<16xf32>
        %swap3A_804 = vector.shape_cast %mul3A_797 : vector<16xf32> to vector<1x1x16xf32>
        tpu.vector_store %arg8[%swap3A_799, %swap3A_800, %swap3A_801], %swap3A_804 {strides = array<i32>} : memref<2x80x128xf32, #tpu.memory_space<vmem>>, vector<1x1x16xf32>,
        %get3A_805 = arith.constant 0 : i32
        %get3A_806 = arith.index_cast %get3A_805 : i32 to index
        %get3A_807 = arith.index_cast %scan3A_780 : i32 to index
        %get3A_808 = arith.constant 16 : index
        %get3A_809 = tpu.vector_load %arg8[%get3A_806, %get3A_807, %get3A_808] {strides = array<i32>} : memref<2x80x128xf32, #tpu.memory_space<vmem>>, vector<1x1x16xf32>,
        %get3A_810 = vector.shape_cast %get3A_809 : vector<1x1x16xf32> to vector<16xf32>
        %mul3A_811 = arith.mulf %get3A_810, %bitcast_convert_type3A_790 : vector<16xf32>
        %swap3A_812 = arith.constant 0 : i32
        %swap3A_813 = arith.index_cast %swap3A_812 : i32 to index
        %swap3A_814 = arith.index_cast %scan3A_780 : i32 to index
        %swap3A_815 = arith.constant 16 : index
        %swap3A_816 = tpu.vector_load %arg8[%swap3A_813, %swap3A_814, %swap3A_815] {strides = array<i32>} : memref<2x80x128xf32, #tpu.memory_space<vmem>>, vector<1x1x16xf32>,
        %swap3A_817 = vector.shape_cast %swap3A_816 : vector<1x1x16xf32> to vector<16xf32>
        %swap3A_818 = vector.shape_cast %mul3A_811 : vector<16xf32> to vector<1x1x16xf32>
        tpu.vector_store %arg8[%swap3A_813, %swap3A_814, %swap3A_815], %swap3A_818 {strides = array<i32>} : memref<2x80x128xf32, #tpu.memory_space<vmem>>, vector<1x1x16xf32>,
        %get3A_819 = arith.constant 0 : i32
        %get3A_820 = arith.index_cast %get3A_819 : i32 to index
        %get3A_821 = arith.index_cast %scan3A_780 : i32 to index
        %get3A_822 = arith.constant 16 : index
        %get3A_823 = tpu.vector_load %arg9[%get3A_820, %get3A_821, %get3A_822] {strides = array<i32>} : memref<2x80x64xi32, #tpu.memory_space<vmem>>, vector<1x1x16xi32>,
        %get3A_824 = vector.shape_cast %get3A_823 : vector<1x1x16xi32> to vector<16xi32>
        %shift_left3A_825 = arith.constant 16 : i32
        %shift_left3A_826 = vector.broadcast %shift_left3A_825 : i32 to vector<16xi32>
        %shift_left3A_827 = arith.shli %get3A_824, %shift_left3A_826 : vector<16xi32>
        %bitcast_convert_type3A_828 = tpu.bitcast %shift_left3A_827 : vector<16xi32> -> vector<16xf32>
        %and3A_829 = arith.andi %get3A_824, %broadcast_in_dim3A_705 : vector<16xi32>
        %bitcast_convert_type3A_830 = tpu.bitcast %and3A_829 : vector<16xi32> -> vector<16xf32>
        %get3A_831 = arith.constant 0 : i32
        %get3A_832 = arith.index_cast %get3A_831 : i32 to index
        %get3A_833 = arith.index_cast %scan3A_780 : i32 to index
        %get3A_834 = arith.constant 32 : index
        %get3A_835 = tpu.vector_load %arg8[%get3A_832, %get3A_833, %get3A_834] {strides = array<i32>} : memref<2x80x128xf32, #tpu.memory_space<vmem>>, vector<1x1x16xf32>,
        %get3A_836 = vector.shape_cast %get3A_835 : vector<1x1x16xf32> to vector<16xf32>
        %mul3A_837 = arith.mulf %get3A_836, %bitcast_convert_type3A_828 : vector<16xf32>
        %swap3A_838 = arith.constant 0 : i32
        %swap3A_839 = arith.index_cast %swap3A_838 : i32 to index
        %swap3A_840 = arith.index_cast %scan3A_780 : i32 to index
        %swap3A_841 = arith.constant 32 : index
        %swap3A_842 = tpu.vector_load %arg8[%swap3A_839, %swap3A_840, %swap3A_841] {strides = array<i32>} : memref<2x80x128xf32, #tpu.memory_space<vmem>>, vector<1x1x16xf32>,
        %swap3A_843 = vector.shape_cast %swap3A_842 : vector<1x1x16xf32> to vector<16xf32>
        %swap3A_844 = vector.shape_cast %mul3A_837 : vector<16xf32> to vector<1x1x16xf32>
        tpu.vector_store %arg8[%swap3A_839, %swap3A_840, %swap3A_841], %swap3A_844 {strides = array<i32>} : memref<2x80x128xf32, #tpu.memory_space<vmem>>, vector<1x1x16xf32>,
        %get3A_845 = arith.constant 0 : i32
        %get3A_846 = arith.index_cast %get3A_845 : i32 to index
        %get3A_847 = arith.index_cast %scan3A_780 : i32 to index
        %get3A_848 = arith.constant 48 : index
        %get3A_849 = tpu.vector_load %arg8[%get3A_846, %get3A_847, %get3A_848] {strides = array<i32>} : memref<2x80x128xf32, #tpu.memory_space<vmem>>, vector<1x1x16xf32>,
        %get3A_850 = vector.shape_cast %get3A_849 : vector<1x1x16xf32> to vector<16xf32>
        %mul3A_851 = arith.mulf %get3A_850, %bitcast_convert_type3A_830 : vector<16xf32>
        %swap3A_852 = arith.constant 0 : i32
        %swap3A_853 = arith.index_cast %swap3A_852 : i32 to index
        %swap3A_854 = arith.index_cast %scan3A_780 : i32 to index
        %swap3A_855 = arith.constant 48 : index
        %swap3A_856 = tpu.vector_load %arg8[%swap3A_853, %swap3A_854, %swap3A_855] {strides = array<i32>} : memref<2x80x128xf32, #tpu.memory_space<vmem>>, vector<1x1x16xf32>,
        %swap3A_857 = vector.shape_cast %swap3A_856 : vector<1x1x16xf32> to vector<16xf32>
        %swap3A_858 = vector.shape_cast %mul3A_851 : vector<16xf32> to vector<1x1x16xf32>
        tpu.vector_store %arg8[%swap3A_853, %swap3A_854, %swap3A_855], %swap3A_858 {strides = array<i32>} : memref<2x80x128xf32, #tpu.memory_space<vmem>>, vector<1x1x16xf32>,
        %get3A_859 = arith.constant 0 : i32
        %get3A_860 = arith.index_cast %get3A_859 : i32 to index
        %get3A_861 = arith.index_cast %scan3A_780 : i32 to index
        %get3A_862 = arith.constant 32 : index
        %get3A_863 = tpu.vector_load %arg9[%get3A_860, %get3A_861, %get3A_862] {strides = array<i32>} : memref<2x80x64xi32, #tpu.memory_space<vmem>>, vector<1x1x16xi32>,
        %get3A_864 = vector.shape_cast %get3A_863 : vector<1x1x16xi32> to vector<16xi32>
        %shift_left3A_865 = arith.constant 16 : i32
        %shift_left3A_866 = vector.broadcast %shift_left3A_865 : i32 to vector<16xi32>
        %shift_left3A_867 = arith.shli %get3A_864, %shift_left3A_866 : vector<16xi32>
        %bitcast_convert_type3A_868 = tpu.bitcast %shift_left3A_867 : vector<16xi32> -> vector<16xf32>
        %and3A_869 = arith.andi %get3A_864, %broadcast_in_dim3A_705 : vector<16xi32>
        %bitcast_convert_type3A_870 = tpu.bitcast %and3A_869 : vector<16xi32> -> vector<16xf32>
        %get3A_871 = arith.constant 0 : i32
        %get3A_872 = arith.index_cast %get3A_871 : i32 to index
        %get3A_873 = arith.index_cast %scan3A_780 : i32 to index
        %get3A_874 = arith.constant 64 : index
        %get3A_875 = tpu.vector_load %arg8[%get3A_872, %get3A_873, %get3A_874] {strides = array<i32>} : memref<2x80x128xf32, #tpu.memory_space<vmem>>, vector<1x1x16xf32>,
        %get3A_876 = vector.shape_cast %get3A_875 : vector<1x1x16xf32> to vector<16xf32>
        %mul3A_877 = arith.mulf %get3A_876, %bitcast_convert_type3A_868 : vector<16xf32>
        %swap3A_878 = arith.constant 0 : i32
        %swap3A_879 = arith.index_cast %swap3A_878 : i32 to index
        %swap3A_880 = arith.index_cast %scan3A_780 : i32 to index
        %swap3A_881 = arith.constant 64 : index
        %swap3A_882 = tpu.vector_load %arg8[%swap3A_879, %swap3A_880, %swap3A_881] {strides = array<i32>} : memref<2x80x128xf32, #tpu.memory_space<vmem>>, vector<1x1x16xf32>,
        %swap3A_883 = vector.shape_cast %swap3A_882 : vector<1x1x16xf32> to vector<16xf32>
        %swap3A_884 = vector.shape_cast %mul3A_877 : vector<16xf32> to vector<1x1x16xf32>
        tpu.vector_store %arg8[%swap3A_879, %swap3A_880, %swap3A_881], %swap3A_884 {strides = array<i32>} : memref<2x80x128xf32, #tpu.memory_space<vmem>>, vector<1x1x16xf32>,
        %get3A_885 = arith.constant 0 : i32
        %get3A_886 = arith.index_cast %get3A_885 : i32 to index
        %get3A_887 = arith.index_cast %scan3A_780 : i32 to index
        %get3A_888 = arith.constant 80 : index
        %get3A_889 = tpu.vector_load %arg8[%get3A_886, %get3A_887, %get3A_888] {strides = array<i32>} : memref<2x80x128xf32, #tpu.memory_space<vmem>>, vector<1x1x16xf32>,
        %get3A_890 = vector.shape_cast %get3A_889 : vector<1x1x16xf32> to vector<16xf32>
        %mul3A_891 = arith.mulf %get3A_890, %bitcast_convert_type3A_870 : vector<16xf32>
        %swap3A_892 = arith.constant 0 : i32
        %swap3A_893 = arith.index_cast %swap3A_892 : i32 to index
        %swap3A_894 = arith.index_cast %scan3A_780 : i32 to index
        %swap3A_895 = arith.constant 80 : index
        %swap3A_896 = tpu.vector_load %arg8[%swap3A_893, %swap3A_894, %swap3A_895] {strides = array<i32>} : memref<2x80x128xf32, #tpu.memory_space<vmem>>, vector<1x1x16xf32>,
        %swap3A_897 = vector.shape_cast %swap3A_896 : vector<1x1x16xf32> to vector<16xf32>
        %swap3A_898 = vector.shape_cast %mul3A_891 : vector<16xf32> to vector<1x1x16xf32>
        tpu.vector_store %arg8[%swap3A_893, %swap3A_894, %swap3A_895], %swap3A_898 {strides = array<i32>} : memref<2x80x128xf32, #tpu.memory_space<vmem>>, vector<1x1x16xf32>,
        %get3A_899 = arith.constant 0 : i32
        %get3A_900 = arith.index_cast %get3A_899 : i32 to index
        %get3A_901 = arith.index_cast %scan3A_780 : i32 to index
        %get3A_902 = arith.constant 48 : index
        %get3A_903 = tpu.vector_load %arg9[%get3A_900, %get3A_901, %get3A_902] {strides = array<i32>} : memref<2x80x64xi32, #tpu.memory_space<vmem>>, vector<1x1x16xi32>,
        %get3A_904 = vector.shape_cast %get3A_903 : vector<1x1x16xi32> to vector<16xi32>
        %shift_left3A_905 = arith.constant 16 : i32
        %shift_left3A_906 = vector.broadcast %shift_left3A_905 : i32 to vector<16xi32>
        %shift_left3A_907 = arith.shli %get3A_904, %shift_left3A_906 : vector<16xi32>
        %bitcast_convert_type3A_908 = tpu.bitcast %shift_left3A_907 : vector<16xi32> -> vector<16xf32>
        %and3A_909 = arith.andi %get3A_904, %broadcast_in_dim3A_705 : vector<16xi32>
        %bitcast_convert_type3A_910 = tpu.bitcast %and3A_909 : vector<16xi32> -> vector<16xf32>
        %get3A_911 = arith.constant 0 : i32
        %get3A_912 = arith.index_cast %get3A_911 : i32 to index
        %get3A_913 = arith.index_cast %scan3A_780 : i32 to index
        %get3A_914 = arith.constant 96 : index
        %get3A_915 = tpu.vector_load %arg8[%get3A_912, %get3A_913, %get3A_914] {strides = array<i32>} : memref<2x80x128xf32, #tpu.memory_space<vmem>>, vector<1x1x16xf32>,
        %get3A_916 = vector.shape_cast %get3A_915 : vector<1x1x16xf32> to vector<16xf32>
        %mul3A_917 = arith.mulf %get3A_916, %bitcast_convert_type3A_908 : vector<16xf32>
        %swap3A_918 = arith.constant 0 : i32
        %swap3A_919 = arith.index_cast %swap3A_918 : i32 to index
        %swap3A_920 = arith.index_cast %scan3A_780 : i32 to index
        %swap3A_921 = arith.constant 96 : index
        %swap3A_922 = tpu.vector_load %arg8[%swap3A_919, %swap3A_920, %swap3A_921] {strides = array<i32>} : memref<2x80x128xf32, #tpu.memory_space<vmem>>, vector<1x1x16xf32>,
        %swap3A_923 = vector.shape_cast %swap3A_922 : vector<1x1x16xf32> to vector<16xf32>
        %swap3A_924 = vector.shape_cast %mul3A_917 : vector<16xf32> to vector<1x1x16xf32>
        tpu.vector_store %arg8[%swap3A_919, %swap3A_920, %swap3A_921], %swap3A_924 {strides = array<i32>} : memref<2x80x128xf32, #tpu.memory_space<vmem>>, vector<1x1x16xf32>,
        %get3A_925 = arith.constant 0 : i32
        %get3A_926 = arith.index_cast %get3A_925 : i32 to index
        %get3A_927 = arith.index_cast %scan3A_780 : i32 to index
        %get3A_928 = arith.constant 112 : index
        %get3A_929 = tpu.vector_load %arg8[%get3A_926, %get3A_927, %get3A_928] {strides = array<i32>} : memref<2x80x128xf32, #tpu.memory_space<vmem>>, vector<1x1x16xf32>,
        %get3A_930 = vector.shape_cast %get3A_929 : vector<1x1x16xf32> to vector<16xf32>
        %mul3A_931 = arith.mulf %get3A_930, %bitcast_convert_type3A_910 : vector<16xf32>
        %swap3A_932 = arith.constant 0 : i32
        %swap3A_933 = arith.index_cast %swap3A_932 : i32 to index
        %swap3A_934 = arith.index_cast %scan3A_780 : i32 to index
        %swap3A_935 = arith.constant 112 : index
        %swap3A_936 = tpu.vector_load %arg8[%swap3A_933, %swap3A_934, %swap3A_935] {strides = array<i32>} : memref<2x80x128xf32, #tpu.memory_space<vmem>>, vector<1x1x16xf32>,
        %swap3A_937 = vector.shape_cast %swap3A_936 : vector<1x1x16xf32> to vector<16xf32>
        %swap3A_938 = vector.shape_cast %mul3A_931 : vector<16xf32> to vector<1x1x16xf32>
        tpu.vector_store %arg8[%swap3A_933, %swap3A_934, %swap3A_935], %swap3A_938 {strides = array<i32>} : memref<2x80x128xf32, #tpu.memory_space<vmem>>, vector<1x1x16xf32>,
        %scan3A_939 = arith.constant 0 : i32
        scf.yield %scan3A_939 : i32
      }
      %scan3A_712 = arith.constant 80 : i32
      %run_scoped3A_713 = arith.constant 0 : i32
      %run_scoped3A_714 = arith.constant 0 : i32
      "tpu.region"() ({
        %run_scoped3A_780 = tpu.sem_alloc : memref<!tpu.dma_semaphore, #tpu.memory_space<semaphore_mem>>
        %dma_start3A_781 = arith.constant 0 : i32
        %dma_start3A_782 = arith.constant 0 : i32
        %dma_start3A_783 = tpu.memref_slice %arg8[%run_scoped3A_713, %dma_start3A_781, %dma_start3A_782] : memref<2x80x128xf32, #tpu.memory_space<vmem>> -> memref<1x80x128xf32, #tpu.memory_space<vmem>>
        %dma_start3A_784 = tpu.memref_squeeze %dma_start3A_783 : memref<1x80x128xf32, #tpu.memory_space<vmem>> -> memref<80x128xf32, #tpu.memory_space<vmem>>
        %dma_start3A_785 = arith.constant 0 : i32
        %dma_start3A_786 = tpu.memref_slice %arg7[%run_scoped3A_714, %dma_start3A_785] : memref<2x80xi32, #tpu.memory_space<vmem>> -> memref<1x80xi32, #tpu.memory_space<vmem>>
        %dma_start3A_787 = tpu.memref_squeeze %dma_start3A_786 : memref<1x80xi32, #tpu.memory_space<vmem>> -> memref<80xi32, #tpu.memory_space<vmem>>
        %dma_start3A_788 = arith.constant 0 : i32
        %dma_start3A_789 = arith.constant 0 : i32
        %dma_start3A_790 = tpu.memref_slice %arg11[%dma_start3A_788, %dma_start3A_789] : memref<10000x128xf32, #tpu.memory_space<vmem_shared>> -> memref<10000x128xf32, #tpu.memory_space<vmem_shared>>
        tpu.enqueue_indirect_dma source(%dma_start3A_784 : memref<80x128xf32, #tpu.memory_space<vmem>>) target(%dma_start3A_790 : memref<10000x128xf32, #tpu.memory_space<vmem_shared>>) offsets(%dma_start3A_787 : memref<80xi32, #tpu.memory_space<vmem>>) semaphore(%run_scoped3A_780 : memref<!tpu.dma_semaphore, #tpu.memory_space<semaphore_mem>>) {add = true}
        %dma_wait3A_791 = arith.constant 0 : i32
        %dma_wait3A_792 = arith.constant 0 : i32
        %dma_wait3A_793 = tpu.memref_slice %arg8[%run_scoped3A_713, %dma_wait3A_791, %dma_wait3A_792] : memref<2x80x128xf32, #tpu.memory_space<vmem>> -> memref<1x80x128xf32, #tpu.memory_space<vmem>>
        %dma_wait3A_794 = tpu.memref_squeeze %dma_wait3A_793 : memref<1x80x128xf32, #tpu.memory_space<vmem>> -> memref<80x128xf32, #tpu.memory_space<vmem>>
        %dma_wait3A_795 = arith.constant 0 : i32
        %dma_wait3A_796 = tpu.memref_slice %arg7[%run_scoped3A_714, %dma_wait3A_795] : memref<2x80xi32, #tpu.memory_space<vmem>> -> memref<1x80xi32, #tpu.memory_space<vmem>>
        %dma_wait3A_797 = tpu.memref_squeeze %dma_wait3A_796 : memref<1x80xi32, #tpu.memory_space<vmem>> -> memref<80xi32, #tpu.memory_space<vmem>>
        %dma_wait3A_798 = arith.constant 0 : i32
        %dma_wait3A_799 = arith.constant 0 : i32
        %dma_wait3A_800 = tpu.memref_slice %arg11[%dma_wait3A_798, %dma_wait3A_799] : memref<10000x128xf32, #tpu.memory_space<vmem_shared>> -> memref<10000x128xf32, #tpu.memory_space<vmem_shared>>
        tpu.wait_indirect_dma semaphore(%run_scoped3A_780 : memref<!tpu.dma_semaphore, #tpu.memory_space<semaphore_mem>>) src(%dma_wait3A_794 : memref<80x128xf32, #tpu.memory_space<vmem>>) dst(%dma_wait3A_800 : memref<10000x128xf32, #tpu.memory_space<vmem_shared>>)
        tpu.yield
      }) : () -> ()
      %add3A_715 = arith.constant 2 : i32
      %add3A_716 = arith.addi %add3A_668, %add3A_715 : i32
      %lt3A_717 = arith.constant 125 : i32
      %lt3A_718 = arith.cmpi slt, %add3A_716, %lt3A_717 : i32
      %convert_element_type3A_719 = arith.extui %lt3A_718 : i1 to i32
      %cond3A_720 = arith.constant 0 : i32
      %cond3A_721 = arith.cmpi ne, %convert_element_type3A_719, %cond3A_720 : i32
      scf.if %cond3A_721 {
        %add3A_780 = arith.constant 2 : i32
        %add3A_781 = arith.addi %add3A_668, %add3A_780 : i32
        %mul3A_782 = arith.constant 80 : i32
        %mul3A_783 = arith.muli %add3A_781, %mul3A_782 : i32
        %add3A_784 = arith.addi %add3A_97, %mul3A_783 : i32
        %dma_start3A_785 = arith.constant 0 : i32
        %dma_start3A_786 = arith.constant 0 : i32
        %dma_start3A_787 = tpu.memref_slice %arg6[%dma_start3A_785, %dma_start3A_786] : memref<2x80xi32, #tpu.memory_space<vmem>> -> memref<1x80xi32, #tpu.memory_space<vmem>>
        %dma_start3A_788 = tpu.memref_squeeze %dma_start3A_787 : memref<1x80xi32, #tpu.memory_space<vmem>> -> memref<80xi32, #tpu.memory_space<vmem>>
        %dma_start3A_789 = tpu.memref_slice %arg3[%add3A_784] : memref<1280000xi32, #tpu.memory_space<hbm>> -> memref<80xi32, #tpu.memory_space<hbm>>
        %dma_start3A_790 = arith.constant 0 : i32
        %dma_start3A_791 = tpu.memref_slice %arg6[%dma_start3A_785, %dma_start3A_790] : memref<2x80xi32, #tpu.memory_space<vmem>> -> memref<1x80xi32, #tpu.memory_space<vmem>>
        %dma_start3A_792 = tpu.memref_squeeze %dma_start3A_791 : memref<1x80xi32, #tpu.memory_space<vmem>> -> memref<80xi32, #tpu.memory_space<vmem>>
        %dma_start3A_793 = tpu.memref_slice %arg3[%add3A_784] : memref<1280000xi32, #tpu.memory_space<hbm>> -> memref<80xi32, #tpu.memory_space<hbm>>
        tpu.enqueue_dma source(%dma_start3A_793 : memref<80xi32, #tpu.memory_space<hbm>>) target(%dma_start3A_792 : memref<80xi32, #tpu.memory_space<vmem>>) target_semaphore(%arg12 : memref<!tpu.dma_semaphore, #tpu.memory_space<semaphore_mem>>)
        %mul3A_794 = arith.constant 80 : i32
        %mul3A_795 = arith.muli %add3A_781, %mul3A_794 : i32
        %add3A_796 = arith.addi %add3A_99, %mul3A_795 : i32
        %dma_start3A_797 = arith.constant 0 : i32
        %dma_start3A_798 = arith.constant 0 : i32
        %dma_start3A_799 = tpu.memref_slice %arg7[%dma_start3A_797, %dma_start3A_798] : memref<2x80xi32, #tpu.memory_space<vmem>> -> memref<1x80xi32, #tpu.memory_space<vmem>>
        %dma_start3A_800 = tpu.memref_squeeze %dma_start3A_799 : memref<1x80xi32, #tpu.memory_space<vmem>> -> memref<80xi32, #tpu.memory_space<vmem>>
        %dma_start3A_801 = tpu.memref_slice %arg3[%add3A_796] : memref<1280000xi32, #tpu.memory_space<hbm>> -> memref<80xi32, #tpu.memory_space<hbm>>
        %dma_start3A_802 = arith.constant 0 : i32
        %dma_start3A_803 = tpu.memref_slice %arg7[%dma_start3A_797, %dma_start3A_802] : memref<2x80xi32, #tpu.memory_space<vmem>> -> memref<1x80xi32, #tpu.memory_space<vmem>>
        %dma_start3A_804 = tpu.memref_squeeze %dma_start3A_803 : memref<1x80xi32, #tpu.memory_space<vmem>> -> memref<80xi32, #tpu.memory_space<vmem>>
        %dma_start3A_805 = tpu.memref_slice %arg3[%add3A_796] : memref<1280000xi32, #tpu.memory_space<hbm>> -> memref<80xi32, #tpu.memory_space<hbm>>
        tpu.enqueue_dma source(%dma_start3A_805 : memref<80xi32, #tpu.memory_space<hbm>>) target(%dma_start3A_804 : memref<80xi32, #tpu.memory_space<vmem>>) target_semaphore(%arg12 : memref<!tpu.dma_semaphore, #tpu.memory_space<semaphore_mem>>)
      } else {
      }
      %mul3A_722 = arith.constant 2 : i32
      %mul3A_723 = arith.muli %scan3A_663, %mul3A_722 : i32
      %add3A_724 = arith.constant 1 : i32
      %add3A_725 = arith.addi %mul3A_723, %add3A_724 : i32
      %add3A_726 = arith.constant 1 : i32
      %add3A_727 = arith.addi %add3A_725, %add3A_726 : i32
      %lt3A_728 = arith.constant 125 : i32
      %lt3A_729 = arith.cmpi slt, %add3A_727, %lt3A_728 : i32
      %convert_element_type3A_730 = arith.extui %lt3A_729 : i1 to i32
      %cond3A_731 = arith.constant 0 : i32
      %cond3A_732 = arith.cmpi ne, %convert_element_type3A_730, %cond3A_731 : i32
      scf.if %cond3A_732 {
        %add3A_780 = arith.constant 1 : i32
        %add3A_781 = arith.addi %add3A_725, %add3A_780 : i32
        %mul3A_782 = arith.constant 80 : i32
        %mul3A_783 = arith.muli %add3A_781, %mul3A_782 : i32
        %add3A_784 = arith.addi %add3A_97, %mul3A_783 : i32
        %dma_wait3A_785 = arith.constant 0 : i32
        %dma_wait3A_786 = arith.constant 0 : i32
        %dma_wait3A_787 = tpu.memref_slice %arg6[%dma_wait3A_785, %dma_wait3A_786] : memref<2x80xi32, #tpu.memory_space<vmem>> -> memref<1x80xi32, #tpu.memory_space<vmem>>
        %dma_wait3A_788 = tpu.memref_squeeze %dma_wait3A_787 : memref<1x80xi32, #tpu.memory_space<vmem>> -> memref<80xi32, #tpu.memory_space<vmem>>
        %dma_wait3A_789 = tpu.memref_slice %arg3[%add3A_784] : memref<1280000xi32, #tpu.memory_space<hbm>> -> memref<80xi32, #tpu.memory_space<hbm>>
        %dma_wait3A_790 = arith.constant 0 : i32
        %dma_wait3A_791 = tpu.memref_slice %arg6[%dma_wait3A_785, %dma_wait3A_790] : memref<2x80xi32, #tpu.memory_space<vmem>> -> memref<1x80xi32, #tpu.memory_space<vmem>>
        %dma_wait3A_792 = tpu.memref_squeeze %dma_wait3A_791 : memref<1x80xi32, #tpu.memory_space<vmem>> -> memref<80xi32, #tpu.memory_space<vmem>>
        %dma_wait3A_793 = tpu.memref_slice %arg3[%add3A_784] : memref<1280000xi32, #tpu.memory_space<hbm>> -> memref<80xi32, #tpu.memory_space<hbm>>
        tpu.wait_dma2 semaphore(%arg12 : memref<!tpu.dma_semaphore, #tpu.memory_space<semaphore_mem>>) src(%dma_wait3A_793 : memref<80xi32, #tpu.memory_space<hbm>>) dst(%dma_wait3A_792 : memref<80xi32, #tpu.memory_space<vmem>>)
        %mul3A_794 = arith.constant 80 : i32
        %mul3A_795 = arith.muli %add3A_781, %mul3A_794 : i32
        %add3A_796 = arith.addi %add3A_99, %mul3A_795 : i32
        %dma_wait3A_797 = arith.constant 0 : i32
        %dma_wait3A_798 = arith.constant 0 : i32
        %dma_wait3A_799 = tpu.memref_slice %arg7[%dma_wait3A_797, %dma_wait3A_798] : memref<2x80xi32, #tpu.memory_space<vmem>> -> memref<1x80xi32, #tpu.memory_space<vmem>>
        %dma_wait3A_800 = tpu.memref_squeeze %dma_wait3A_799 : memref<1x80xi32, #tpu.memory_space<vmem>> -> memref<80xi32, #tpu.memory_space<vmem>>
        %dma_wait3A_801 = tpu.memref_slice %arg3[%add3A_796] : memref<1280000xi32, #tpu.memory_space<hbm>> -> memref<80xi32, #tpu.memory_space<hbm>>
        %dma_wait3A_802 = arith.constant 0 : i32
        %dma_wait3A_803 = tpu.memref_slice %arg7[%dma_wait3A_797, %dma_wait3A_802] : memref<2x80xi32, #tpu.memory_space<vmem>> -> memref<1x80xi32, #tpu.memory_space<vmem>>
        %dma_wait3A_804 = tpu.memref_squeeze %dma_wait3A_803 : memref<1x80xi32, #tpu.memory_space<vmem>> -> memref<80xi32, #tpu.memory_space<vmem>>
        %dma_wait3A_805 = tpu.memref_slice %arg3[%add3A_796] : memref<1280000xi32, #tpu.memory_space<hbm>> -> memref<80xi32, #tpu.memory_space<hbm>>
        tpu.wait_dma2 semaphore(%arg12 : memref<!tpu.dma_semaphore, #tpu.memory_space<semaphore_mem>>) src(%dma_wait3A_805 : memref<80xi32, #tpu.memory_space<hbm>>) dst(%dma_wait3A_804 : memref<80xi32, #tpu.memory_space<vmem>>)
        %get3A_806 = arith.constant 0 : i32
        %get3A_807 = arith.index_cast %get3A_806 : i32 to index
        %get3A_808 = arith.constant 0 : index
        %get3A_809 = tpu.vector_load %arg6[%get3A_807, %get3A_808] {strides = array<i32>} : memref<2x80xi32, #tpu.memory_space<vmem>>, vector<1x16xi32>,
        %get3A_810 = vector.shape_cast %get3A_809 : vector<1x16xi32> to vector<16xi32>
        %add3A_811 = arith.addi %get3A_810, %add3A_108 : vector<16xi32>
        %swap3A_812 = arith.constant 0 : i32
        %swap3A_813 = arith.index_cast %swap3A_812 : i32 to index
        %swap3A_814 = arith.constant 0 : index
        %swap3A_815 = tpu.vector_load %arg6[%swap3A_813, %swap3A_814] {strides = array<i32>} : memref<2x80xi32, #tpu.memory_space<vmem>>, vector<1x16xi32>,
        %swap3A_816 = vector.shape_cast %swap3A_815 : vector<1x16xi32> to vector<16xi32>
        %swap3A_817 = vector.shape_cast %add3A_811 : vector<16xi32> to vector<1x16xi32>
        tpu.vector_store %arg6[%swap3A_813, %swap3A_814], %swap3A_817 {strides = array<i32>} : memref<2x80xi32, #tpu.memory_space<vmem>>, vector<1x16xi32>,
        %get3A_818 = arith.constant 0 : i32
        %get3A_819 = arith.index_cast %get3A_818 : i32 to index
        %get3A_820 = arith.constant 16 : index
        %get3A_821 = tpu.vector_load %arg6[%get3A_819, %get3A_820] {strides = array<i32>} : memref<2x80xi32, #tpu.memory_space<vmem>>, vector<1x16xi32>,
        %get3A_822 = vector.shape_cast %get3A_821 : vector<1x16xi32> to vector<16xi32>
        %add3A_823 = arith.addi %get3A_822, %add3A_108 : vector<16xi32>
        %swap3A_824 = arith.constant 0 : i32
        %swap3A_825 = arith.index_cast %swap3A_824 : i32 to index
        %swap3A_826 = arith.constant 16 : index
        %swap3A_827 = tpu.vector_load %arg6[%swap3A_825, %swap3A_826] {strides = array<i32>} : memref<2x80xi32, #tpu.memory_space<vmem>>, vector<1x16xi32>,
        %swap3A_828 = vector.shape_cast %swap3A_827 : vector<1x16xi32> to vector<16xi32>
        %swap3A_829 = vector.shape_cast %add3A_823 : vector<16xi32> to vector<1x16xi32>
        tpu.vector_store %arg6[%swap3A_825, %swap3A_826], %swap3A_829 {strides = array<i32>} : memref<2x80xi32, #tpu.memory_space<vmem>>, vector<1x16xi32>,
        %get3A_830 = arith.constant 0 : i32
        %get3A_831 = arith.index_cast %get3A_830 : i32 to index
        %get3A_832 = arith.constant 32 : index
        %get3A_833 = tpu.vector_load %arg6[%get3A_831, %get3A_832] {strides = array<i32>} : memref<2x80xi32, #tpu.memory_space<vmem>>, vector<1x16xi32>,
        %get3A_834 = vector.shape_cast %get3A_833 : vector<1x16xi32> to vector<16xi32>
        %add3A_835 = arith.addi %get3A_834, %add3A_108 : vector<16xi32>
        %swap3A_836 = arith.constant 0 : i32
        %swap3A_837 = arith.index_cast %swap3A_836 : i32 to index
        %swap3A_838 = arith.constant 32 : index
        %swap3A_839 = tpu.vector_load %arg6[%swap3A_837, %swap3A_838] {strides = array<i32>} : memref<2x80xi32, #tpu.memory_space<vmem>>, vector<1x16xi32>,
        %swap3A_840 = vector.shape_cast %swap3A_839 : vector<1x16xi32> to vector<16xi32>
        %swap3A_841 = vector.shape_cast %add3A_835 : vector<16xi32> to vector<1x16xi32>
        tpu.vector_store %arg6[%swap3A_837, %swap3A_838], %swap3A_841 {strides = array<i32>} : memref<2x80xi32, #tpu.memory_space<vmem>>, vector<1x16xi32>,
        %get3A_842 = arith.constant 0 : i32
        %get3A_843 = arith.index_cast %get3A_842 : i32 to index
        %get3A_844 = arith.constant 48 : index
        %get3A_845 = tpu.vector_load %arg6[%get3A_843, %get3A_844] {strides = array<i32>} : memref<2x80xi32, #tpu.memory_space<vmem>>, vector<1x16xi32>,
        %get3A_846 = vector.shape_cast %get3A_845 : vector<1x16xi32> to vector<16xi32>
        %add3A_847 = arith.addi %get3A_846, %add3A_108 : vector<16xi32>
        %swap3A_848 = arith.constant 0 : i32
        %swap3A_849 = arith.index_cast %swap3A_848 : i32 to index
        %swap3A_850 = arith.constant 48 : index
        %swap3A_851 = tpu.vector_load %arg6[%swap3A_849, %swap3A_850] {strides = array<i32>} : memref<2x80xi32, #tpu.memory_space<vmem>>, vector<1x16xi32>,
        %swap3A_852 = vector.shape_cast %swap3A_851 : vector<1x16xi32> to vector<16xi32>
        %swap3A_853 = vector.shape_cast %add3A_847 : vector<16xi32> to vector<1x16xi32>
        tpu.vector_store %arg6[%swap3A_849, %swap3A_850], %swap3A_853 {strides = array<i32>} : memref<2x80xi32, #tpu.memory_space<vmem>>, vector<1x16xi32>,
        %get3A_854 = arith.constant 0 : i32
        %get3A_855 = arith.index_cast %get3A_854 : i32 to index
        %get3A_856 = arith.constant 64 : index
        %get3A_857 = tpu.vector_load %arg6[%get3A_855, %get3A_856] {strides = array<i32>} : memref<2x80xi32, #tpu.memory_space<vmem>>, vector<1x16xi32>,
        %get3A_858 = vector.shape_cast %get3A_857 : vector<1x16xi32> to vector<16xi32>
        %add3A_859 = arith.addi %get3A_858, %add3A_108 : vector<16xi32>
        %swap3A_860 = arith.constant 0 : i32
        %swap3A_861 = arith.index_cast %swap3A_860 : i32 to index
        %swap3A_862 = arith.constant 64 : index
        %swap3A_863 = tpu.vector_load %arg6[%swap3A_861, %swap3A_862] {strides = array<i32>} : memref<2x80xi32, #tpu.memory_space<vmem>>, vector<1x16xi32>,
        %swap3A_864 = vector.shape_cast %swap3A_863 : vector<1x16xi32> to vector<16xi32>
        %swap3A_865 = vector.shape_cast %add3A_859 : vector<16xi32> to vector<1x16xi32>
        tpu.vector_store %arg6[%swap3A_861, %swap3A_862], %swap3A_865 {strides = array<i32>} : memref<2x80xi32, #tpu.memory_space<vmem>>, vector<1x16xi32>,
        %dma_start3A_866 = arith.constant 0 : i32
        %dma_start3A_867 = arith.constant 0 : i32
        %dma_start3A_868 = arith.constant 0 : i32
        %dma_start3A_869 = arith.constant 0 : i32
        %dma_start3A_870 = tpu.memref_slice %arg8[%dma_start3A_867, %dma_start3A_868, %dma_start3A_869] : memref<2x80x128xf32, #tpu.memory_space<vmem>> -> memref<1x80x128xf32, #tpu.memory_space<vmem>>
        %dma_start3A_871 = tpu.memref_squeeze %dma_start3A_870 : memref<1x80x128xf32, #tpu.memory_space<vmem>> -> memref<80x128xf32, #tpu.memory_space<vmem>>
        %dma_start3A_872 = arith.constant 0 : i32
        %dma_start3A_873 = tpu.memref_slice %arg6[%dma_start3A_866, %dma_start3A_872] : memref<2x80xi32, #tpu.memory_space<vmem>> -> memref<1x80xi32, #tpu.memory_space<vmem>>
        %dma_start3A_874 = tpu.memref_squeeze %dma_start3A_873 : memref<1x80xi32, #tpu.memory_space<vmem>> -> memref<80xi32, #tpu.memory_space<vmem>>
        %dma_start3A_875 = arith.constant 0 : i32
        %dma_start3A_876 = arith.constant 0 : i32
        %dma_start3A_877 = tpu.memref_slice %arg2[%dma_start3A_875, %dma_start3A_876] : memref<40000x128xf32, #tpu.memory_space<hbm>> -> memref<40000x128xf32, #tpu.memory_space<hbm>>
        tpu.enqueue_indirect_dma source(%dma_start3A_877 : memref<40000x128xf32, #tpu.memory_space<hbm>>) target(%dma_start3A_871 : memref<80x128xf32, #tpu.memory_space<vmem>>) offsets(%dma_start3A_874 : memref<80xi32, #tpu.memory_space<vmem>>) semaphore(%arg14 : memref<!tpu.dma_semaphore, #tpu.memory_space<semaphore_mem>>)
        %mul3A_878 = arith.constant 80 : i32
        %mul3A_879 = arith.muli %add3A_781, %mul3A_878 : i32
        %add3A_880 = arith.addi %add3A_102, %mul3A_879 : i32
        %dma_start3A_881 = arith.constant 0 : i32
        %dma_start3A_882 = arith.constant 0 : i32
        %dma_start3A_883 = arith.constant 0 : i32
        %dma_start3A_884 = tpu.memref_slice %arg9[%dma_start3A_881, %dma_start3A_882, %dma_start3A_883] : memref<2x80x64xi32, #tpu.memory_space<vmem>> -> memref<1x80x64xi32, #tpu.memory_space<vmem>>
        %dma_start3A_885 = tpu.memref_squeeze %dma_start3A_884 : memref<1x80x64xi32, #tpu.memory_space<vmem>> -> memref<80x64xi32, #tpu.memory_space<vmem>>
        %dma_start3A_886 = arith.constant 0 : i32
        %dma_start3A_887 = tpu.memref_slice %arg4[%add3A_880, %dma_start3A_886] : memref<640000x64xi32, #tpu.memory_space<hbm>> -> memref<80x64xi32, #tpu.memory_space<hbm>>
        %dma_start3A_888 = arith.constant 0 : i32
        %dma_start3A_889 = arith.constant 0 : i32
        %dma_start3A_890 = tpu.memref_slice %arg9[%dma_start3A_881, %dma_start3A_888, %dma_start3A_889] : memref<2x80x64xi32, #tpu.memory_space<vmem>> -> memref<1x80x64xi32, #tpu.memory_space<vmem>>
        %dma_start3A_891 = tpu.memref_squeeze %dma_start3A_890 : memref<1x80x64xi32, #tpu.memory_space<vmem>> -> memref<80x64xi32, #tpu.memory_space<vmem>>
        %dma_start3A_892 = arith.constant 0 : i32
        %dma_start3A_893 = tpu.memref_slice %arg4[%add3A_880, %dma_start3A_892] : memref<640000x64xi32, #tpu.memory_space<hbm>> -> memref<80x64xi32, #tpu.memory_space<hbm>>
        tpu.enqueue_dma source(%dma_start3A_893 : memref<80x64xi32, #tpu.memory_space<hbm>>) target(%dma_start3A_891 : memref<80x64xi32, #tpu.memory_space<vmem>>) target_semaphore(%arg16 : memref<!tpu.dma_semaphore, #tpu.memory_space<semaphore_mem>>)
      } else {
      }
      %dma_wait3A_733 = arith.constant 1 : i32
      %dma_wait3A_734 = arith.constant 1 : i32
      %dma_wait3A_735 = arith.constant 0 : i32
      %dma_wait3A_736 = arith.constant 0 : i32
      %dma_wait3A_737 = tpu.memref_slice %arg8[%dma_wait3A_734, %dma_wait3A_735, %dma_wait3A_736] : memref<2x80x128xf32, #tpu.memory_space<vmem>> -> memref<1x80x128xf32, #tpu.memory_space<vmem>>
      %dma_wait3A_738 = tpu.memref_squeeze %dma_wait3A_737 : memref<1x80x128xf32, #tpu.memory_space<vmem>> -> memref<80x128xf32, #tpu.memory_space<vmem>>
      %dma_wait3A_739 = arith.constant 0 : i32
      %dma_wait3A_740 = tpu.memref_slice %arg6[%dma_wait3A_733, %dma_wait3A_739] : memref<2x80xi32, #tpu.memory_space<vmem>> -> memref<1x80xi32, #tpu.memory_space<vmem>>
      %dma_wait3A_741 = tpu.memref_squeeze %dma_wait3A_740 : memref<1x80xi32, #tpu.memory_space<vmem>> -> memref<80xi32, #tpu.memory_space<vmem>>
      %dma_wait3A_742 = arith.constant 0 : i32
      %dma_wait3A_743 = arith.constant 0 : i32
      %dma_wait3A_744 = tpu.memref_slice %arg2[%dma_wait3A_742, %dma_wait3A_743] : memref<40000x128xf32, #tpu.memory_space<hbm>> -> memref<40000x128xf32, #tpu.memory_space<hbm>>
      tpu.wait_indirect_dma semaphore(%arg15 : memref<!tpu.dma_semaphore, #tpu.memory_space<semaphore_mem>>) src(%dma_wait3A_744 : memref<40000x128xf32, #tpu.memory_space<hbm>>) dst(%dma_wait3A_738 : memref<80x128xf32, #tpu.memory_space<vmem>>)
      %mul3A_745 = arith.constant 80 : i32
      %mul3A_746 = arith.muli %add3A_725, %mul3A_745 : i32
      %add3A_747 = arith.addi %add3A_102, %mul3A_746 : i32
      %dma_wait3A_748 = arith.constant 1 : i32
      %dma_wait3A_749 = arith.constant 0 : i32
      %dma_wait3A_750 = arith.constant 0 : i32
      %dma_wait3A_751 = tpu.memref_slice %arg9[%dma_wait3A_748, %dma_wait3A_749, %dma_wait3A_750] : memref<2x80x64xi32, #tpu.memory_space<vmem>> -> memref<1x80x64xi32, #tpu.memory_space<vmem>>
      %dma_wait3A_752 = tpu.memref_squeeze %dma_wait3A_751 : memref<1x80x64xi32, #tpu.memory_space<vmem>> -> memref<80x64xi32, #tpu.memory_space<vmem>>
      %dma_wait3A_753 = arith.constant 0 : i32
      %dma_wait3A_754 = tpu.memref_slice %arg4[%add3A_747, %dma_wait3A_753] : memref<640000x64xi32, #tpu.memory_space<hbm>> -> memref<80x64xi32, #tpu.memory_space<hbm>>
      %dma_wait3A_755 = arith.constant 0 : i32
      %dma_wait3A_756 = arith.constant 0 : i32
      %dma_wait3A_757 = tpu.memref_slice %arg9[%dma_wait3A_748, %dma_wait3A_755, %dma_wait3A_756] : memref<2x80x64xi32, #tpu.memory_space<vmem>> -> memref<1x80x64xi32, #tpu.memory_space<vmem>>
      %dma_wait3A_758 = tpu.memref_squeeze %dma_wait3A_757 : memref<1x80x64xi32, #tpu.memory_space<vmem>> -> memref<80x64xi32, #tpu.memory_space<vmem>>
      %dma_wait3A_759 = arith.constant 0 : i32
      %dma_wait3A_760 = tpu.memref_slice %arg4[%add3A_747, %dma_wait3A_759] : memref<640000x64xi32, #tpu.memory_space<hbm>> -> memref<80x64xi32, #tpu.memory_space<hbm>>
      tpu.wait_dma2 semaphore(%arg17 : memref<!tpu.dma_semaphore, #tpu.memory_space<semaphore_mem>>) src(%dma_wait3A_760 : memref<80x64xi32, #tpu.memory_space<hbm>>) dst(%dma_wait3A_758 : memref<80x64xi32, #tpu.memory_space<vmem>>)
      %broadcast_in_dim3A_761 = arith.constant -65536 : i32
      %broadcast_in_dim3A_762 = vector.broadcast %broadcast_in_dim3A_761 : i32 to vector<16xi32>
      %scan3A_763 = arith.constant 0 : i32
      %scan3A_764 = arith.constant 0 : i32
      %scan3A_765 = arith.constant 80 : i32
      %scan3A_766 = arith.addi %scan3A_764, %scan3A_765 : i32
      %scan3A_767 = arith.constant 1 : i32
      %scan3A_768 = scf.for %scan3A_780 = %scan3A_764 to %scan3A_766 step %scan3A_767 iter_args(%scan3A_781 = %scan3A_763) -> (i32)  : i32 {
        %get3A_782 = arith.constant 1 : i32
        %get3A_783 = arith.index_cast %get3A_782 : i32 to index
        %get3A_784 = arith.index_cast %scan3A_780 : i32 to index
        %get3A_785 = arith.constant 0 : index
        %get3A_786 = tpu.vector_load %arg9[%get3A_783, %get3A_784, %get3A_785] {strides = array<i32>} : memref<2x80x64xi32, #tpu.memory_space<vmem>>, vector<1x1x16xi32>,
        %get3A_787 = vector.shape_cast %get3A_786 : vector<1x1x16xi32> to vector<16xi32>
        %shift_left3A = arith.constant 16 : i32
        %shift_left3A_788 = vector.broadcast %shift_left3A : i32 to vector<16xi32>
        %shift_left3A_789 = arith.shli %get3A_787, %shift_left3A_788 : vector<16xi32>
        %bitcast_convert_type3A = tpu.bitcast %shift_left3A_789 : vector<16xi32> -> vector<16xf32>
        %and3A = arith.andi %get3A_787, %broadcast_in_dim3A_762 : vector<16xi32>
        %bitcast_convert_type3A_790 = tpu.bitcast %and3A : vector<16xi32> -> vector<16xf32>
        %get3A_791 = arith.constant 1 : i32
        %get3A_792 = arith.index_cast %get3A_791 : i32 to index
        %get3A_793 = arith.index_cast %scan3A_780 : i32 to index
        %get3A_794 = arith.constant 0 : index
        %get3A_795 = tpu.vector_load %arg8[%get3A_792, %get3A_793, %get3A_794] {strides = array<i32>} : memref<2x80x128xf32, #tpu.memory_space<vmem>>, vector<1x1x16xf32>,
        %get3A_796 = vector.shape_cast %get3A_795 : vector<1x1x16xf32> to vector<16xf32>
        %mul3A_797 = arith.mulf %get3A_796, %bitcast_convert_type3A : vector<16xf32>
        %swap3A_798 = arith.constant 1 : i32
        %swap3A_799 = arith.index_cast %swap3A_798 : i32 to index
        %swap3A_800 = arith.index_cast %scan3A_780 : i32 to index
        %swap3A_801 = arith.constant 0 : index
        %swap3A_802 = tpu.vector_load %arg8[%swap3A_799, %swap3A_800, %swap3A_801] {strides = array<i32>} : memref<2x80x128xf32, #tpu.memory_space<vmem>>, vector<1x1x16xf32>,
        %swap3A_803 = vector.shape_cast %swap3A_802 : vector<1x1x16xf32> to vector<16xf32>
        %swap3A_804 = vector.shape_cast %mul3A_797 : vector<16xf32> to vector<1x1x16xf32>
        tpu.vector_store %arg8[%swap3A_799, %swap3A_800, %swap3A_801], %swap3A_804 {strides = array<i32>} : memref<2x80x128xf32, #tpu.memory_space<vmem>>, vector<1x1x16xf32>,
        %get3A_805 = arith.constant 1 : i32
        %get3A_806 = arith.index_cast %get3A_805 : i32 to index
        %get3A_807 = arith.index_cast %scan3A_780 : i32 to index
        %get3A_808 = arith.constant 16 : index
        %get3A_809 = tpu.vector_load %arg8[%get3A_806, %get3A_807, %get3A_808] {strides = array<i32>} : memref<2x80x128xf32, #tpu.memory_space<vmem>>, vector<1x1x16xf32>,
        %get3A_810 = vector.shape_cast %get3A_809 : vector<1x1x16xf32> to vector<16xf32>
        %mul3A_811 = arith.mulf %get3A_810, %bitcast_convert_type3A_790 : vector<16xf32>
        %swap3A_812 = arith.constant 1 : i32
        %swap3A_813 = arith.index_cast %swap3A_812 : i32 to index
        %swap3A_814 = arith.index_cast %scan3A_780 : i32 to index
        %swap3A_815 = arith.constant 16 : index
        %swap3A_816 = tpu.vector_load %arg8[%swap3A_813, %swap3A_814, %swap3A_815] {strides = array<i32>} : memref<2x80x128xf32, #tpu.memory_space<vmem>>, vector<1x1x16xf32>,
        %swap3A_817 = vector.shape_cast %swap3A_816 : vector<1x1x16xf32> to vector<16xf32>
        %swap3A_818 = vector.shape_cast %mul3A_811 : vector<16xf32> to vector<1x1x16xf32>
        tpu.vector_store %arg8[%swap3A_813, %swap3A_814, %swap3A_815], %swap3A_818 {strides = array<i32>} : memref<2x80x128xf32, #tpu.memory_space<vmem>>, vector<1x1x16xf32>,
        %get3A_819 = arith.constant 1 : i32
        %get3A_820 = arith.index_cast %get3A_819 : i32 to index
        %get3A_821 = arith.index_cast %scan3A_780 : i32 to index
        %get3A_822 = arith.constant 16 : index
        %get3A_823 = tpu.vector_load %arg9[%get3A_820, %get3A_821, %get3A_822] {strides = array<i32>} : memref<2x80x64xi32, #tpu.memory_space<vmem>>, vector<1x1x16xi32>,
        %get3A_824 = vector.shape_cast %get3A_823 : vector<1x1x16xi32> to vector<16xi32>
        %shift_left3A_825 = arith.constant 16 : i32
        %shift_left3A_826 = vector.broadcast %shift_left3A_825 : i32 to vector<16xi32>
        %shift_left3A_827 = arith.shli %get3A_824, %shift_left3A_826 : vector<16xi32>
        %bitcast_convert_type3A_828 = tpu.bitcast %shift_left3A_827 : vector<16xi32> -> vector<16xf32>
        %and3A_829 = arith.andi %get3A_824, %broadcast_in_dim3A_762 : vector<16xi32>
        %bitcast_convert_type3A_830 = tpu.bitcast %and3A_829 : vector<16xi32> -> vector<16xf32>
        %get3A_831 = arith.constant 1 : i32
        %get3A_832 = arith.index_cast %get3A_831 : i32 to index
        %get3A_833 = arith.index_cast %scan3A_780 : i32 to index
        %get3A_834 = arith.constant 32 : index
        %get3A_835 = tpu.vector_load %arg8[%get3A_832, %get3A_833, %get3A_834] {strides = array<i32>} : memref<2x80x128xf32, #tpu.memory_space<vmem>>, vector<1x1x16xf32>,
        %get3A_836 = vector.shape_cast %get3A_835 : vector<1x1x16xf32> to vector<16xf32>
        %mul3A_837 = arith.mulf %get3A_836, %bitcast_convert_type3A_828 : vector<16xf32>
        %swap3A_838 = arith.constant 1 : i32
        %swap3A_839 = arith.index_cast %swap3A_838 : i32 to index
        %swap3A_840 = arith.index_cast %scan3A_780 : i32 to index
        %swap3A_841 = arith.constant 32 : index
        %swap3A_842 = tpu.vector_load %arg8[%swap3A_839, %swap3A_840, %swap3A_841] {strides = array<i32>} : memref<2x80x128xf32, #tpu.memory_space<vmem>>, vector<1x1x16xf32>,
        %swap3A_843 = vector.shape_cast %swap3A_842 : vector<1x1x16xf32> to vector<16xf32>
        %swap3A_844 = vector.shape_cast %mul3A_837 : vector<16xf32> to vector<1x1x16xf32>
        tpu.vector_store %arg8[%swap3A_839, %swap3A_840, %swap3A_841], %swap3A_844 {strides = array<i32>} : memref<2x80x128xf32, #tpu.memory_space<vmem>>, vector<1x1x16xf32>,
        %get3A_845 = arith.constant 1 : i32
        %get3A_846 = arith.index_cast %get3A_845 : i32 to index
        %get3A_847 = arith.index_cast %scan3A_780 : i32 to index
        %get3A_848 = arith.constant 48 : index
        %get3A_849 = tpu.vector_load %arg8[%get3A_846, %get3A_847, %get3A_848] {strides = array<i32>} : memref<2x80x128xf32, #tpu.memory_space<vmem>>, vector<1x1x16xf32>,
        %get3A_850 = vector.shape_cast %get3A_849 : vector<1x1x16xf32> to vector<16xf32>
        %mul3A_851 = arith.mulf %get3A_850, %bitcast_convert_type3A_830 : vector<16xf32>
        %swap3A_852 = arith.constant 1 : i32
        %swap3A_853 = arith.index_cast %swap3A_852 : i32 to index
        %swap3A_854 = arith.index_cast %scan3A_780 : i32 to index
        %swap3A_855 = arith.constant 48 : index
        %swap3A_856 = tpu.vector_load %arg8[%swap3A_853, %swap3A_854, %swap3A_855] {strides = array<i32>} : memref<2x80x128xf32, #tpu.memory_space<vmem>>, vector<1x1x16xf32>,
        %swap3A_857 = vector.shape_cast %swap3A_856 : vector<1x1x16xf32> to vector<16xf32>
        %swap3A_858 = vector.shape_cast %mul3A_851 : vector<16xf32> to vector<1x1x16xf32>
        tpu.vector_store %arg8[%swap3A_853, %swap3A_854, %swap3A_855], %swap3A_858 {strides = array<i32>} : memref<2x80x128xf32, #tpu.memory_space<vmem>>, vector<1x1x16xf32>,
        %get3A_859 = arith.constant 1 : i32
        %get3A_860 = arith.index_cast %get3A_859 : i32 to index
        %get3A_861 = arith.index_cast %scan3A_780 : i32 to index
        %get3A_862 = arith.constant 32 : index
        %get3A_863 = tpu.vector_load %arg9[%get3A_860, %get3A_861, %get3A_862] {strides = array<i32>} : memref<2x80x64xi32, #tpu.memory_space<vmem>>, vector<1x1x16xi32>,
        %get3A_864 = vector.shape_cast %get3A_863 : vector<1x1x16xi32> to vector<16xi32>
        %shift_left3A_865 = arith.constant 16 : i32
        %shift_left3A_866 = vector.broadcast %shift_left3A_865 : i32 to vector<16xi32>
        %shift_left3A_867 = arith.shli %get3A_864, %shift_left3A_866 : vector<16xi32>
        %bitcast_convert_type3A_868 = tpu.bitcast %shift_left3A_867 : vector<16xi32> -> vector<16xf32>
        %and3A_869 = arith.andi %get3A_864, %broadcast_in_dim3A_762 : vector<16xi32>
        %bitcast_convert_type3A_870 = tpu.bitcast %and3A_869 : vector<16xi32> -> vector<16xf32>
        %get3A_871 = arith.constant 1 : i32
        %get3A_872 = arith.index_cast %get3A_871 : i32 to index
        %get3A_873 = arith.index_cast %scan3A_780 : i32 to index
        %get3A_874 = arith.constant 64 : index
        %get3A_875 = tpu.vector_load %arg8[%get3A_872, %get3A_873, %get3A_874] {strides = array<i32>} : memref<2x80x128xf32, #tpu.memory_space<vmem>>, vector<1x1x16xf32>,
        %get3A_876 = vector.shape_cast %get3A_875 : vector<1x1x16xf32> to vector<16xf32>
        %mul3A_877 = arith.mulf %get3A_876, %bitcast_convert_type3A_868 : vector<16xf32>
        %swap3A_878 = arith.constant 1 : i32
        %swap3A_879 = arith.index_cast %swap3A_878 : i32 to index
        %swap3A_880 = arith.index_cast %scan3A_780 : i32 to index
        %swap3A_881 = arith.constant 64 : index
        %swap3A_882 = tpu.vector_load %arg8[%swap3A_879, %swap3A_880, %swap3A_881] {strides = array<i32>} : memref<2x80x128xf32, #tpu.memory_space<vmem>>, vector<1x1x16xf32>,
        %swap3A_883 = vector.shape_cast %swap3A_882 : vector<1x1x16xf32> to vector<16xf32>
        %swap3A_884 = vector.shape_cast %mul3A_877 : vector<16xf32> to vector<1x1x16xf32>
        tpu.vector_store %arg8[%swap3A_879, %swap3A_880, %swap3A_881], %swap3A_884 {strides = array<i32>} : memref<2x80x128xf32, #tpu.memory_space<vmem>>, vector<1x1x16xf32>,
        %get3A_885 = arith.constant 1 : i32
        %get3A_886 = arith.index_cast %get3A_885 : i32 to index
        %get3A_887 = arith.index_cast %scan3A_780 : i32 to index
        %get3A_888 = arith.constant 80 : index
        %get3A_889 = tpu.vector_load %arg8[%get3A_886, %get3A_887, %get3A_888] {strides = array<i32>} : memref<2x80x128xf32, #tpu.memory_space<vmem>>, vector<1x1x16xf32>,
        %get3A_890 = vector.shape_cast %get3A_889 : vector<1x1x16xf32> to vector<16xf32>
        %mul3A_891 = arith.mulf %get3A_890, %bitcast_convert_type3A_870 : vector<16xf32>
        %swap3A_892 = arith.constant 1 : i32
        %swap3A_893 = arith.index_cast %swap3A_892 : i32 to index
        %swap3A_894 = arith.index_cast %scan3A_780 : i32 to index
        %swap3A_895 = arith.constant 80 : index
        %swap3A_896 = tpu.vector_load %arg8[%swap3A_893, %swap3A_894, %swap3A_895] {strides = array<i32>} : memref<2x80x128xf32, #tpu.memory_space<vmem>>, vector<1x1x16xf32>,
        %swap3A_897 = vector.shape_cast %swap3A_896 : vector<1x1x16xf32> to vector<16xf32>
        %swap3A_898 = vector.shape_cast %mul3A_891 : vector<16xf32> to vector<1x1x16xf32>
        tpu.vector_store %arg8[%swap3A_893, %swap3A_894, %swap3A_895], %swap3A_898 {strides = array<i32>} : memref<2x80x128xf32, #tpu.memory_space<vmem>>, vector<1x1x16xf32>,
        %get3A_899 = arith.constant 1 : i32
        %get3A_900 = arith.index_cast %get3A_899 : i32 to index
        %get3A_901 = arith.index_cast %scan3A_780 : i32 to index
        %get3A_902 = arith.constant 48 : index
        %get3A_903 = tpu.vector_load %arg9[%get3A_900, %get3A_901, %get3A_902] {strides = array<i32>} : memref<2x80x64xi32, #tpu.memory_space<vmem>>, vector<1x1x16xi32>,
        %get3A_904 = vector.shape_cast %get3A_903 : vector<1x1x16xi32> to vector<16xi32>
        %shift_left3A_905 = arith.constant 16 : i32
        %shift_left3A_906 = vector.broadcast %shift_left3A_905 : i32 to vector<16xi32>
        %shift_left3A_907 = arith.shli %get3A_904, %shift_left3A_906 : vector<16xi32>
        %bitcast_convert_type3A_908 = tpu.bitcast %shift_left3A_907 : vector<16xi32> -> vector<16xf32>
        %and3A_909 = arith.andi %get3A_904, %broadcast_in_dim3A_762 : vector<16xi32>
        %bitcast_convert_type3A_910 = tpu.bitcast %and3A_909 : vector<16xi32> -> vector<16xf32>
        %get3A_911 = arith.constant 1 : i32
        %get3A_912 = arith.index_cast %get3A_911 : i32 to index
        %get3A_913 = arith.index_cast %scan3A_780 : i32 to index
        %get3A_914 = arith.constant 96 : index
        %get3A_915 = tpu.vector_load %arg8[%get3A_912, %get3A_913, %get3A_914] {strides = array<i32>} : memref<2x80x128xf32, #tpu.memory_space<vmem>>, vector<1x1x16xf32>,
        %get3A_916 = vector.shape_cast %get3A_915 : vector<1x1x16xf32> to vector<16xf32>
        %mul3A_917 = arith.mulf %get3A_916, %bitcast_convert_type3A_908 : vector<16xf32>
        %swap3A_918 = arith.constant 1 : i32
        %swap3A_919 = arith.index_cast %swap3A_918 : i32 to index
        %swap3A_920 = arith.index_cast %scan3A_780 : i32 to index
        %swap3A_921 = arith.constant 96 : index
        %swap3A_922 = tpu.vector_load %arg8[%swap3A_919, %swap3A_920, %swap3A_921] {strides = array<i32>} : memref<2x80x128xf32, #tpu.memory_space<vmem>>, vector<1x1x16xf32>,
        %swap3A_923 = vector.shape_cast %swap3A_922 : vector<1x1x16xf32> to vector<16xf32>
        %swap3A_924 = vector.shape_cast %mul3A_917 : vector<16xf32> to vector<1x1x16xf32>
        tpu.vector_store %arg8[%swap3A_919, %swap3A_920, %swap3A_921], %swap3A_924 {strides = array<i32>} : memref<2x80x128xf32, #tpu.memory_space<vmem>>, vector<1x1x16xf32>,
        %get3A_925 = arith.constant 1 : i32
        %get3A_926 = arith.index_cast %get3A_925 : i32 to index
        %get3A_927 = arith.index_cast %scan3A_780 : i32 to index
        %get3A_928 = arith.constant 112 : index
        %get3A_929 = tpu.vector_load %arg8[%get3A_926, %get3A_927, %get3A_928] {strides = array<i32>} : memref<2x80x128xf32, #tpu.memory_space<vmem>>, vector<1x1x16xf32>,
        %get3A_930 = vector.shape_cast %get3A_929 : vector<1x1x16xf32> to vector<16xf32>
        %mul3A_931 = arith.mulf %get3A_930, %bitcast_convert_type3A_910 : vector<16xf32>
        %swap3A_932 = arith.constant 1 : i32
        %swap3A_933 = arith.index_cast %swap3A_932 : i32 to index
        %swap3A_934 = arith.index_cast %scan3A_780 : i32 to index
        %swap3A_935 = arith.constant 112 : index
        %swap3A_936 = tpu.vector_load %arg8[%swap3A_933, %swap3A_934, %swap3A_935] {strides = array<i32>} : memref<2x80x128xf32, #tpu.memory_space<vmem>>, vector<1x1x16xf32>,
        %swap3A_937 = vector.shape_cast %swap3A_936 : vector<1x1x16xf32> to vector<16xf32>
        %swap3A_938 = vector.shape_cast %mul3A_931 : vector<16xf32> to vector<1x1x16xf32>
        tpu.vector_store %arg8[%swap3A_933, %swap3A_934, %swap3A_935], %swap3A_938 {strides = array<i32>} : memref<2x80x128xf32, #tpu.memory_space<vmem>>, vector<1x1x16xf32>,
        %scan3A_939 = arith.constant 0 : i32
        scf.yield %scan3A_939 : i32
      }
      %scan3A_769 = arith.constant 80 : i32
      %run_scoped3A_770 = arith.constant 1 : i32
      %run_scoped3A_771 = arith.constant 1 : i32
      "tpu.region"() ({
        %run_scoped3A_780 = tpu.sem_alloc : memref<!tpu.dma_semaphore, #tpu.memory_space<semaphore_mem>>
        %dma_start3A_781 = arith.constant 0 : i32
        %dma_start3A_782 = arith.constant 0 : i32
        %dma_start3A_783 = tpu.memref_slice %arg8[%run_scoped3A_770, %dma_start3A_781, %dma_start3A_782] : memref<2x80x128xf32, #tpu.memory_space<vmem>> -> memref<1x80x128xf32, #tpu.memory_space<vmem>>
        %dma_start3A_784 = tpu.memref_squeeze %dma_start3A_783 : memref<1x80x128xf32, #tpu.memory_space<vmem>> -> memref<80x128xf32, #tpu.memory_space<vmem>>
        %dma_start3A_785 = arith.constant 0 : i32
        %dma_start3A_786 = tpu.memref_slice %arg7[%run_scoped3A_771, %dma_start3A_785] : memref<2x80xi32, #tpu.memory_space<vmem>> -> memref<1x80xi32, #tpu.memory_space<vmem>>
        %dma_start3A_787 = tpu.memref_squeeze %dma_start3A_786 : memref<1x80xi32, #tpu.memory_space<vmem>> -> memref<80xi32, #tpu.memory_space<vmem>>
        %dma_start3A_788 = arith.constant 0 : i32
        %dma_start3A_789 = arith.constant 0 : i32
        %dma_start3A_790 = tpu.memref_slice %arg11[%dma_start3A_788, %dma_start3A_789] : memref<10000x128xf32, #tpu.memory_space<vmem_shared>> -> memref<10000x128xf32, #tpu.memory_space<vmem_shared>>
        tpu.enqueue_indirect_dma source(%dma_start3A_784 : memref<80x128xf32, #tpu.memory_space<vmem>>) target(%dma_start3A_790 : memref<10000x128xf32, #tpu.memory_space<vmem_shared>>) offsets(%dma_start3A_787 : memref<80xi32, #tpu.memory_space<vmem>>) semaphore(%run_scoped3A_780 : memref<!tpu.dma_semaphore, #tpu.memory_space<semaphore_mem>>) {add = true}
        %dma_wait3A_791 = arith.constant 0 : i32
        %dma_wait3A_792 = arith.constant 0 : i32
        %dma_wait3A_793 = tpu.memref_slice %arg8[%run_scoped3A_770, %dma_wait3A_791, %dma_wait3A_792] : memref<2x80x128xf32, #tpu.memory_space<vmem>> -> memref<1x80x128xf32, #tpu.memory_space<vmem>>
        %dma_wait3A_794 = tpu.memref_squeeze %dma_wait3A_793 : memref<1x80x128xf32, #tpu.memory_space<vmem>> -> memref<80x128xf32, #tpu.memory_space<vmem>>
        %dma_wait3A_795 = arith.constant 0 : i32
        %dma_wait3A_796 = tpu.memref_slice %arg7[%run_scoped3A_771, %dma_wait3A_795] : memref<2x80xi32, #tpu.memory_space<vmem>> -> memref<1x80xi32, #tpu.memory_space<vmem>>
        %dma_wait3A_797 = tpu.memref_squeeze %dma_wait3A_796 : memref<1x80xi32, #tpu.memory_space<vmem>> -> memref<80xi32, #tpu.memory_space<vmem>>
        %dma_wait3A_798 = arith.constant 0 : i32
        %dma_wait3A_799 = arith.constant 0 : i32
        %dma_wait3A_800 = tpu.memref_slice %arg11[%dma_wait3A_798, %dma_wait3A_799] : memref<10000x128xf32, #tpu.memory_space<vmem_shared>> -> memref<10000x128xf32, #tpu.memory_space<vmem_shared>>
        tpu.wait_indirect_dma semaphore(%run_scoped3A_780 : memref<!tpu.dma_semaphore, #tpu.memory_space<semaphore_mem>>) src(%dma_wait3A_794 : memref<80x128xf32, #tpu.memory_space<vmem>>) dst(%dma_wait3A_800 : memref<10000x128xf32, #tpu.memory_space<vmem_shared>>)
        tpu.yield
      }) : () -> ()
      %add3A_772 = arith.constant 2 : i32
      %add3A_773 = arith.addi %add3A_725, %add3A_772 : i32
      %lt3A_774 = arith.constant 125 : i32
      %lt3A_775 = arith.cmpi slt, %add3A_773, %lt3A_774 : i32
      %convert_element_type3A_776 = arith.extui %lt3A_775 : i1 to i32
      %cond3A_777 = arith.constant 0 : i32
      %cond3A_778 = arith.cmpi ne, %convert_element_type3A_776, %cond3A_777 : i32
      scf.if %cond3A_778 {
        %add3A_780 = arith.constant 2 : i32
        %add3A_781 = arith.addi %add3A_725, %add3A_780 : i32
        %mul3A_782 = arith.constant 80 : i32
        %mul3A_783 = arith.muli %add3A_781, %mul3A_782 : i32
        %add3A_784 = arith.addi %add3A_97, %mul3A_783 : i32
        %dma_start3A_785 = arith.constant 1 : i32
        %dma_start3A_786 = arith.constant 0 : i32
        %dma_start3A_787 = tpu.memref_slice %arg6[%dma_start3A_785, %dma_start3A_786] : memref<2x80xi32, #tpu.memory_space<vmem>> -> memref<1x80xi32, #tpu.memory_space<vmem>>
        %dma_start3A_788 = tpu.memref_squeeze %dma_start3A_787 : memref<1x80xi32, #tpu.memory_space<vmem>> -> memref<80xi32, #tpu.memory_space<vmem>>
        %dma_start3A_789 = tpu.memref_slice %arg3[%add3A_784] : memref<1280000xi32, #tpu.memory_space<hbm>> -> memref<80xi32, #tpu.memory_space<hbm>>
        %dma_start3A_790 = arith.constant 0 : i32
        %dma_start3A_791 = tpu.memref_slice %arg6[%dma_start3A_785, %dma_start3A_790] : memref<2x80xi32, #tpu.memory_space<vmem>> -> memref<1x80xi32, #tpu.memory_space<vmem>>
        %dma_start3A_792 = tpu.memref_squeeze %dma_start3A_791 : memref<1x80xi32, #tpu.memory_space<vmem>> -> memref<80xi32, #tpu.memory_space<vmem>>
        %dma_start3A_793 = tpu.memref_slice %arg3[%add3A_784] : memref<1280000xi32, #tpu.memory_space<hbm>> -> memref<80xi32, #tpu.memory_space<hbm>>
        tpu.enqueue_dma source(%dma_start3A_793 : memref<80xi32, #tpu.memory_space<hbm>>) target(%dma_start3A_792 : memref<80xi32, #tpu.memory_space<vmem>>) target_semaphore(%arg13 : memref<!tpu.dma_semaphore, #tpu.memory_space<semaphore_mem>>)
        %mul3A_794 = arith.constant 80 : i32
        %mul3A_795 = arith.muli %add3A_781, %mul3A_794 : i32
        %add3A_796 = arith.addi %add3A_99, %mul3A_795 : i32
        %dma_start3A_797 = arith.constant 1 : i32
        %dma_start3A_798 = arith.constant 0 : i32
        %dma_start3A_799 = tpu.memref_slice %arg7[%dma_start3A_797, %dma_start3A_798] : memref<2x80xi32, #tpu.memory_space<vmem>> -> memref<1x80xi32, #tpu.memory_space<vmem>>
        %dma_start3A_800 = tpu.memref_squeeze %dma_start3A_799 : memref<1x80xi32, #tpu.memory_space<vmem>> -> memref<80xi32, #tpu.memory_space<vmem>>
        %dma_start3A_801 = tpu.memref_slice %arg3[%add3A_796] : memref<1280000xi32, #tpu.memory_space<hbm>> -> memref<80xi32, #tpu.memory_space<hbm>>
        %dma_start3A_802 = arith.constant 0 : i32
        %dma_start3A_803 = tpu.memref_slice %arg7[%dma_start3A_797, %dma_start3A_802] : memref<2x80xi32, #tpu.memory_space<vmem>> -> memref<1x80xi32, #tpu.memory_space<vmem>>
        %dma_start3A_804 = tpu.memref_squeeze %dma_start3A_803 : memref<1x80xi32, #tpu.memory_space<vmem>> -> memref<80xi32, #tpu.memory_space<vmem>>
        %dma_start3A_805 = tpu.memref_slice %arg3[%add3A_796] : memref<1280000xi32, #tpu.memory_space<hbm>> -> memref<80xi32, #tpu.memory_space<hbm>>
        tpu.enqueue_dma source(%dma_start3A_805 : memref<80xi32, #tpu.memory_space<hbm>>) target(%dma_start3A_804 : memref<80xi32, #tpu.memory_space<vmem>>) target_semaphore(%arg13 : memref<!tpu.dma_semaphore, #tpu.memory_space<semaphore_mem>>)
      } else {
      }
      %scan3A_779 = arith.constant 0 : i32
      scf.yield %scan3A_779 : i32
    }
    %scan3A_264 = arith.constant 62 : i32
    %add3A_265 = arith.constant 124 : i32
    %add3A_266 = arith.constant 1 : i32
    %add3A_267 = arith.addi %add3A_265, %add3A_266 : i32
    %lt3A = arith.constant 125 : i32
    %lt3A_268 = arith.cmpi slt, %add3A_267, %lt3A : i32
    %convert_element_type3A_269 = arith.extui %lt3A_268 : i1 to i32
    %cond3A_270 = arith.constant 124 : i32
    %cond3A_271 = arith.constant 0 : i32
    %cond3A_272 = arith.cmpi ne, %convert_element_type3A_269, %cond3A_271 : i32
    scf.if %cond3A_272 {
      %add3A_663 = arith.constant 1 : i32
      %add3A_664 = arith.addi %cond3A_270, %add3A_663 : i32
      %mul3A_665 = arith.constant 80 : i32
      %mul3A_666 = arith.muli %add3A_664, %mul3A_665 : i32
      %add3A_667 = arith.addi %add3A_97, %mul3A_666 : i32
      %dma_wait3A_668 = arith.constant 1 : i32
      %dma_wait3A_669 = arith.constant 0 : i32
      %dma_wait3A_670 = tpu.memref_slice %arg6[%dma_wait3A_668, %dma_wait3A_669] : memref<2x80xi32, #tpu.memory_space<vmem>> -> memref<1x80xi32, #tpu.memory_space<vmem>>
      %dma_wait3A_671 = tpu.memref_squeeze %dma_wait3A_670 : memref<1x80xi32, #tpu.memory_space<vmem>> -> memref<80xi32, #tpu.memory_space<vmem>>
      %dma_wait3A_672 = tpu.memref_slice %arg3[%add3A_667] : memref<1280000xi32, #tpu.memory_space<hbm>> -> memref<80xi32, #tpu.memory_space<hbm>>
      %dma_wait3A_673 = arith.constant 0 : i32
      %dma_wait3A_674 = tpu.memref_slice %arg6[%dma_wait3A_668, %dma_wait3A_673] : memref<2x80xi32, #tpu.memory_space<vmem>> -> memref<1x80xi32, #tpu.memory_space<vmem>>
      %dma_wait3A_675 = tpu.memref_squeeze %dma_wait3A_674 : memref<1x80xi32, #tpu.memory_space<vmem>> -> memref<80xi32, #tpu.memory_space<vmem>>
      %dma_wait3A_676 = tpu.memref_slice %arg3[%add3A_667] : memref<1280000xi32, #tpu.memory_space<hbm>> -> memref<80xi32, #tpu.memory_space<hbm>>
      tpu.wait_dma2 semaphore(%arg13 : memref<!tpu.dma_semaphore, #tpu.memory_space<semaphore_mem>>) src(%dma_wait3A_676 : memref<80xi32, #tpu.memory_space<hbm>>) dst(%dma_wait3A_675 : memref<80xi32, #tpu.memory_space<vmem>>)
      %mul3A_677 = arith.constant 80 : i32
      %mul3A_678 = arith.muli %add3A_664, %mul3A_677 : i32
      %add3A_679 = arith.addi %add3A_99, %mul3A_678 : i32
      %dma_wait3A_680 = arith.constant 1 : i32
      %dma_wait3A_681 = arith.constant 0 : i32
      %dma_wait3A_682 = tpu.memref_slice %arg7[%dma_wait3A_680, %dma_wait3A_681] : memref<2x80xi32, #tpu.memory_space<vmem>> -> memref<1x80xi32, #tpu.memory_space<vmem>>
      %dma_wait3A_683 = tpu.memref_squeeze %dma_wait3A_682 : memref<1x80xi32, #tpu.memory_space<vmem>> -> memref<80xi32, #tpu.memory_space<vmem>>
      %dma_wait3A_684 = tpu.memref_slice %arg3[%add3A_679] : memref<1280000xi32, #tpu.memory_space<hbm>> -> memref<80xi32, #tpu.memory_space<hbm>>
      %dma_wait3A_685 = arith.constant 0 : i32
      %dma_wait3A_686 = tpu.memref_slice %arg7[%dma_wait3A_680, %dma_wait3A_685] : memref<2x80xi32, #tpu.memory_space<vmem>> -> memref<1x80xi32, #tpu.memory_space<vmem>>
      %dma_wait3A_687 = tpu.memref_squeeze %dma_wait3A_686 : memref<1x80xi32, #tpu.memory_space<vmem>> -> memref<80xi32, #tpu.memory_space<vmem>>
      %dma_wait3A_688 = tpu.memref_slice %arg3[%add3A_679] : memref<1280000xi32, #tpu.memory_space<hbm>> -> memref<80xi32, #tpu.memory_space<hbm>>
      tpu.wait_dma2 semaphore(%arg13 : memref<!tpu.dma_semaphore, #tpu.memory_space<semaphore_mem>>) src(%dma_wait3A_688 : memref<80xi32, #tpu.memory_space<hbm>>) dst(%dma_wait3A_687 : memref<80xi32, #tpu.memory_space<vmem>>)
      %get3A_689 = arith.constant 1 : i32
      %get3A_690 = arith.index_cast %get3A_689 : i32 to index
      %get3A_691 = arith.constant 0 : index
      %get3A_692 = tpu.vector_load %arg6[%get3A_690, %get3A_691] {strides = array<i32>} : memref<2x80xi32, #tpu.memory_space<vmem>>, vector<1x16xi32>,
      %get3A_693 = vector.shape_cast %get3A_692 : vector<1x16xi32> to vector<16xi32>
      %add3A_694 = arith.addi %get3A_693, %add3A_108 : vector<16xi32>
      %swap3A_695 = arith.constant 1 : i32
      %swap3A_696 = arith.index_cast %swap3A_695 : i32 to index
      %swap3A_697 = arith.constant 0 : index
      %swap3A_698 = tpu.vector_load %arg6[%swap3A_696, %swap3A_697] {strides = array<i32>} : memref<2x80xi32, #tpu.memory_space<vmem>>, vector<1x16xi32>,
      %swap3A_699 = vector.shape_cast %swap3A_698 : vector<1x16xi32> to vector<16xi32>
      %swap3A_700 = vector.shape_cast %add3A_694 : vector<16xi32> to vector<1x16xi32>
      tpu.vector_store %arg6[%swap3A_696, %swap3A_697], %swap3A_700 {strides = array<i32>} : memref<2x80xi32, #tpu.memory_space<vmem>>, vector<1x16xi32>,
      %get3A_701 = arith.constant 1 : i32
      %get3A_702 = arith.index_cast %get3A_701 : i32 to index
      %get3A_703 = arith.constant 16 : index
      %get3A_704 = tpu.vector_load %arg6[%get3A_702, %get3A_703] {strides = array<i32>} : memref<2x80xi32, #tpu.memory_space<vmem>>, vector<1x16xi32>,
      %get3A_705 = vector.shape_cast %get3A_704 : vector<1x16xi32> to vector<16xi32>
      %add3A_706 = arith.addi %get3A_705, %add3A_108 : vector<16xi32>
      %swap3A_707 = arith.constant 1 : i32
      %swap3A_708 = arith.index_cast %swap3A_707 : i32 to index
      %swap3A_709 = arith.constant 16 : index
      %swap3A_710 = tpu.vector_load %arg6[%swap3A_708, %swap3A_709] {strides = array<i32>} : memref<2x80xi32, #tpu.memory_space<vmem>>, vector<1x16xi32>,
      %swap3A_711 = vector.shape_cast %swap3A_710 : vector<1x16xi32> to vector<16xi32>
      %swap3A_712 = vector.shape_cast %add3A_706 : vector<16xi32> to vector<1x16xi32>
      tpu.vector_store %arg6[%swap3A_708, %swap3A_709], %swap3A_712 {strides = array<i32>} : memref<2x80xi32, #tpu.memory_space<vmem>>, vector<1x16xi32>,
      %get3A_713 = arith.constant 1 : i32
      %get3A_714 = arith.index_cast %get3A_713 : i32 to index
      %get3A_715 = arith.constant 32 : index
      %get3A_716 = tpu.vector_load %arg6[%get3A_714, %get3A_715] {strides = array<i32>} : memref<2x80xi32, #tpu.memory_space<vmem>>, vector<1x16xi32>,
      %get3A_717 = vector.shape_cast %get3A_716 : vector<1x16xi32> to vector<16xi32>
      %add3A_718 = arith.addi %get3A_717, %add3A_108 : vector<16xi32>
      %swap3A_719 = arith.constant 1 : i32
      %swap3A_720 = arith.index_cast %swap3A_719 : i32 to index
      %swap3A_721 = arith.constant 32 : index
      %swap3A_722 = tpu.vector_load %arg6[%swap3A_720, %swap3A_721] {strides = array<i32>} : memref<2x80xi32, #tpu.memory_space<vmem>>, vector<1x16xi32>,
      %swap3A_723 = vector.shape_cast %swap3A_722 : vector<1x16xi32> to vector<16xi32>
      %swap3A_724 = vector.shape_cast %add3A_718 : vector<16xi32> to vector<1x16xi32>
      tpu.vector_store %arg6[%swap3A_720, %swap3A_721], %swap3A_724 {strides = array<i32>} : memref<2x80xi32, #tpu.memory_space<vmem>>, vector<1x16xi32>,
      %get3A_725 = arith.constant 1 : i32
      %get3A_726 = arith.index_cast %get3A_725 : i32 to index
      %get3A_727 = arith.constant 48 : index
      %get3A_728 = tpu.vector_load %arg6[%get3A_726, %get3A_727] {strides = array<i32>} : memref<2x80xi32, #tpu.memory_space<vmem>>, vector<1x16xi32>,
      %get3A_729 = vector.shape_cast %get3A_728 : vector<1x16xi32> to vector<16xi32>
      %add3A_730 = arith.addi %get3A_729, %add3A_108 : vector<16xi32>
      %swap3A_731 = arith.constant 1 : i32
      %swap3A_732 = arith.index_cast %swap3A_731 : i32 to index
      %swap3A_733 = arith.constant 48 : index
      %swap3A_734 = tpu.vector_load %arg6[%swap3A_732, %swap3A_733] {strides = array<i32>} : memref<2x80xi32, #tpu.memory_space<vmem>>, vector<1x16xi32>,
      %swap3A_735 = vector.shape_cast %swap3A_734 : vector<1x16xi32> to vector<16xi32>
      %swap3A_736 = vector.shape_cast %add3A_730 : vector<16xi32> to vector<1x16xi32>
      tpu.vector_store %arg6[%swap3A_732, %swap3A_733], %swap3A_736 {strides = array<i32>} : memref<2x80xi32, #tpu.memory_space<vmem>>, vector<1x16xi32>,
      %get3A_737 = arith.constant 1 : i32
      %get3A_738 = arith.index_cast %get3A_737 : i32 to index
      %get3A_739 = arith.constant 64 : index
      %get3A_740 = tpu.vector_load %arg6[%get3A_738, %get3A_739] {strides = array<i32>} : memref<2x80xi32, #tpu.memory_space<vmem>>, vector<1x16xi32>,
      %get3A_741 = vector.shape_cast %get3A_740 : vector<1x16xi32> to vector<16xi32>
      %add3A_742 = arith.addi %get3A_741, %add3A_108 : vector<16xi32>
      %swap3A_743 = arith.constant 1 : i32
      %swap3A_744 = arith.index_cast %swap3A_743 : i32 to index
      %swap3A_745 = arith.constant 64 : index
      %swap3A_746 = tpu.vector_load %arg6[%swap3A_744, %swap3A_745] {strides = array<i32>} : memref<2x80xi32, #tpu.memory_space<vmem>>, vector<1x16xi32>,
      %swap3A_747 = vector.shape_cast %swap3A_746 : vector<1x16xi32> to vector<16xi32>
      %swap3A_748 = vector.shape_cast %add3A_742 : vector<16xi32> to vector<1x16xi32>
      tpu.vector_store %arg6[%swap3A_744, %swap3A_745], %swap3A_748 {strides = array<i32>} : memref<2x80xi32, #tpu.memory_space<vmem>>, vector<1x16xi32>,
      %dma_start3A_749 = arith.constant 1 : i32
      %dma_start3A_750 = arith.constant 1 : i32
      %dma_start3A_751 = arith.constant 0 : i32
      %dma_start3A_752 = arith.constant 0 : i32
      %dma_start3A_753 = tpu.memref_slice %arg8[%dma_start3A_750, %dma_start3A_751, %dma_start3A_752] : memref<2x80x128xf32, #tpu.memory_space<vmem>> -> memref<1x80x128xf32, #tpu.memory_space<vmem>>
      %dma_start3A_754 = tpu.memref_squeeze %dma_start3A_753 : memref<1x80x128xf32, #tpu.memory_space<vmem>> -> memref<80x128xf32, #tpu.memory_space<vmem>>
      %dma_start3A_755 = arith.constant 0 : i32
      %dma_start3A_756 = tpu.memref_slice %arg6[%dma_start3A_749, %dma_start3A_755] : memref<2x80xi32, #tpu.memory_space<vmem>> -> memref<1x80xi32, #tpu.memory_space<vmem>>
      %dma_start3A_757 = tpu.memref_squeeze %dma_start3A_756 : memref<1x80xi32, #tpu.memory_space<vmem>> -> memref<80xi32, #tpu.memory_space<vmem>>
      %dma_start3A_758 = arith.constant 0 : i32
      %dma_start3A_759 = arith.constant 0 : i32
      %dma_start3A_760 = tpu.memref_slice %arg2[%dma_start3A_758, %dma_start3A_759] : memref<40000x128xf32, #tpu.memory_space<hbm>> -> memref<40000x128xf32, #tpu.memory_space<hbm>>
      tpu.enqueue_indirect_dma source(%dma_start3A_760 : memref<40000x128xf32, #tpu.memory_space<hbm>>) target(%dma_start3A_754 : memref<80x128xf32, #tpu.memory_space<vmem>>) offsets(%dma_start3A_757 : memref<80xi32, #tpu.memory_space<vmem>>) semaphore(%arg15 : memref<!tpu.dma_semaphore, #tpu.memory_space<semaphore_mem>>)
      %mul3A_761 = arith.constant 80 : i32
      %mul3A_762 = arith.muli %add3A_664, %mul3A_761 : i32
      %add3A_763 = arith.addi %add3A_102, %mul3A_762 : i32
      %dma_start3A_764 = arith.constant 1 : i32
      %dma_start3A_765 = arith.constant 0 : i32
      %dma_start3A_766 = arith.constant 0 : i32
      %dma_start3A_767 = tpu.memref_slice %arg9[%dma_start3A_764, %dma_start3A_765, %dma_start3A_766] : memref<2x80x64xi32, #tpu.memory_space<vmem>> -> memref<1x80x64xi32, #tpu.memory_space<vmem>>
      %dma_start3A_768 = tpu.memref_squeeze %dma_start3A_767 : memref<1x80x64xi32, #tpu.memory_space<vmem>> -> memref<80x64xi32, #tpu.memory_space<vmem>>
      %dma_start3A_769 = arith.constant 0 : i32
      %dma_start3A_770 = tpu.memref_slice %arg4[%add3A_763, %dma_start3A_769] : memref<640000x64xi32, #tpu.memory_space<hbm>> -> memref<80x64xi32, #tpu.memory_space<hbm>>
      %dma_start3A_771 = arith.constant 0 : i32
      %dma_start3A_772 = arith.constant 0 : i32
      %dma_start3A_773 = tpu.memref_slice %arg9[%dma_start3A_764, %dma_start3A_771, %dma_start3A_772] : memref<2x80x64xi32, #tpu.memory_space<vmem>> -> memref<1x80x64xi32, #tpu.memory_space<vmem>>
      %dma_start3A_774 = tpu.memref_squeeze %dma_start3A_773 : memref<1x80x64xi32, #tpu.memory_space<vmem>> -> memref<80x64xi32, #tpu.memory_space<vmem>>
      %dma_start3A_775 = arith.constant 0 : i32
      %dma_start3A_776 = tpu.memref_slice %arg4[%add3A_763, %dma_start3A_775] : memref<640000x64xi32, #tpu.memory_space<hbm>> -> memref<80x64xi32, #tpu.memory_space<hbm>>
      tpu.enqueue_dma source(%dma_start3A_776 : memref<80x64xi32, #tpu.memory_space<hbm>>) target(%dma_start3A_774 : memref<80x64xi32, #tpu.memory_space<vmem>>) target_semaphore(%arg17 : memref<!tpu.dma_semaphore, #tpu.memory_space<semaphore_mem>>)
    } else {
    }
    %dma_wait3A_273 = arith.constant 0 : i32
    %dma_wait3A_274 = arith.constant 0 : i32
    %dma_wait3A_275 = arith.constant 0 : i32
    %dma_wait3A_276 = arith.constant 0 : i32
    %dma_wait3A_277 = tpu.memref_slice %arg8[%dma_wait3A_274, %dma_wait3A_275, %dma_wait3A_276] : memref<2x80x128xf32, #tpu.memory_space<vmem>> -> memref<1x80x128xf32, #tpu.memory_space<vmem>>
    %dma_wait3A_278 = tpu.memref_squeeze %dma_wait3A_277 : memref<1x80x128xf32, #tpu.memory_space<vmem>> -> memref<80x128xf32, #tpu.memory_space<vmem>>
    %dma_wait3A_279 = arith.constant 0 : i32
    %dma_wait3A_280 = tpu.memref_slice %arg6[%dma_wait3A_273, %dma_wait3A_279] : memref<2x80xi32, #tpu.memory_space<vmem>> -> memref<1x80xi32, #tpu.memory_space<vmem>>
    %dma_wait3A_281 = tpu.memref_squeeze %dma_wait3A_280 : memref<1x80xi32, #tpu.memory_space<vmem>> -> memref<80xi32, #tpu.memory_space<vmem>>
    %dma_wait3A_282 = arith.constant 0 : i32
    %dma_wait3A_283 = arith.constant 0 : i32
    %dma_wait3A_284 = tpu.memref_slice %arg2[%dma_wait3A_282, %dma_wait3A_283] : memref<40000x128xf32, #tpu.memory_space<hbm>> -> memref<40000x128xf32, #tpu.memory_space<hbm>>
    tpu.wait_indirect_dma semaphore(%arg14 : memref<!tpu.dma_semaphore, #tpu.memory_space<semaphore_mem>>) src(%dma_wait3A_284 : memref<40000x128xf32, #tpu.memory_space<hbm>>) dst(%dma_wait3A_278 : memref<80x128xf32, #tpu.memory_space<vmem>>)
    %mul3A_285 = arith.constant 124 : i32
    %mul3A_286 = arith.constant 80 : i32
    %mul3A_287 = arith.muli %mul3A_285, %mul3A_286 : i32
    %add3A_288 = arith.addi %add3A_102, %mul3A_287 : i32
    %dma_wait3A_289 = arith.constant 0 : i32
    %dma_wait3A_290 = arith.constant 0 : i32
    %dma_wait3A_291 = arith.constant 0 : i32
    %dma_wait3A_292 = tpu.memref_slice %arg9[%dma_wait3A_289, %dma_wait3A_290, %dma_wait3A_291] : memref<2x80x64xi32, #tpu.memory_space<vmem>> -> memref<1x80x64xi32, #tpu.memory_space<vmem>>
    %dma_wait3A_293 = tpu.memref_squeeze %dma_wait3A_292 : memref<1x80x64xi32, #tpu.memory_space<vmem>> -> memref<80x64xi32, #tpu.memory_space<vmem>>
    %dma_wait3A_294 = arith.constant 0 : i32
    %dma_wait3A_295 = tpu.memref_slice %arg4[%add3A_288, %dma_wait3A_294] : memref<640000x64xi32, #tpu.memory_space<hbm>> -> memref<80x64xi32, #tpu.memory_space<hbm>>
    %dma_wait3A_296 = arith.constant 0 : i32
    %dma_wait3A_297 = arith.constant 0 : i32
    %dma_wait3A_298 = tpu.memref_slice %arg9[%dma_wait3A_289, %dma_wait3A_296, %dma_wait3A_297] : memref<2x80x64xi32, #tpu.memory_space<vmem>> -> memref<1x80x64xi32, #tpu.memory_space<vmem>>
    %dma_wait3A_299 = tpu.memref_squeeze %dma_wait3A_298 : memref<1x80x64xi32, #tpu.memory_space<vmem>> -> memref<80x64xi32, #tpu.memory_space<vmem>>
    %dma_wait3A_300 = arith.constant 0 : i32
    %dma_wait3A_301 = tpu.memref_slice %arg4[%add3A_288, %dma_wait3A_300] : memref<640000x64xi32, #tpu.memory_space<hbm>> -> memref<80x64xi32, #tpu.memory_space<hbm>>
    tpu.wait_dma2 semaphore(%arg16 : memref<!tpu.dma_semaphore, #tpu.memory_space<semaphore_mem>>) src(%dma_wait3A_301 : memref<80x64xi32, #tpu.memory_space<hbm>>) dst(%dma_wait3A_299 : memref<80x64xi32, #tpu.memory_space<vmem>>)
    %broadcast_in_dim3A_302 = arith.constant -65536 : i32
    %broadcast_in_dim3A_303 = vector.broadcast %broadcast_in_dim3A_302 : i32 to vector<16xi32>
    %scan3A_304 = arith.constant 0 : i32
    %scan3A_305 = arith.constant 0 : i32
    %scan3A_306 = arith.constant 80 : i32
    %scan3A_307 = arith.addi %scan3A_305, %scan3A_306 : i32
    %scan3A_308 = arith.constant 1 : i32
    %scan3A_309 = scf.for %scan3A_663 = %scan3A_305 to %scan3A_307 step %scan3A_308 iter_args(%scan3A_664 = %scan3A_304) -> (i32)  : i32 {
      %get3A_665 = arith.constant 0 : i32
      %get3A_666 = arith.index_cast %get3A_665 : i32 to index
      %get3A_667 = arith.index_cast %scan3A_663 : i32 to index
      %get3A_668 = arith.constant 0 : index
      %get3A_669 = tpu.vector_load %arg9[%get3A_666, %get3A_667, %get3A_668] {strides = array<i32>} : memref<2x80x64xi32, #tpu.memory_space<vmem>>, vector<1x1x16xi32>,
      %get3A_670 = vector.shape_cast %get3A_669 : vector<1x1x16xi32> to vector<16xi32>
      %shift_left3A = arith.constant 16 : i32
      %shift_left3A_671 = vector.broadcast %shift_left3A : i32 to vector<16xi32>
      %shift_left3A_672 = arith.shli %get3A_670, %shift_left3A_671 : vector<16xi32>
      %bitcast_convert_type3A = tpu.bitcast %shift_left3A_672 : vector<16xi32> -> vector<16xf32>
      %and3A = arith.andi %get3A_670, %broadcast_in_dim3A_303 : vector<16xi32>
      %bitcast_convert_type3A_673 = tpu.bitcast %and3A : vector<16xi32> -> vector<16xf32>
      %get3A_674 = arith.constant 0 : i32
      %get3A_675 = arith.index_cast %get3A_674 : i32 to index
      %get3A_676 = arith.index_cast %scan3A_663 : i32 to index
      %get3A_677 = arith.constant 0 : index
      %get3A_678 = tpu.vector_load %arg8[%get3A_675, %get3A_676, %get3A_677] {strides = array<i32>} : memref<2x80x128xf32, #tpu.memory_space<vmem>>, vector<1x1x16xf32>,
      %get3A_679 = vector.shape_cast %get3A_678 : vector<1x1x16xf32> to vector<16xf32>
      %mul3A_680 = arith.mulf %get3A_679, %bitcast_convert_type3A : vector<16xf32>
      %swap3A_681 = arith.constant 0 : i32
      %swap3A_682 = arith.index_cast %swap3A_681 : i32 to index
      %swap3A_683 = arith.index_cast %scan3A_663 : i32 to index
      %swap3A_684 = arith.constant 0 : index
      %swap3A_685 = tpu.vector_load %arg8[%swap3A_682, %swap3A_683, %swap3A_684] {strides = array<i32>} : memref<2x80x128xf32, #tpu.memory_space<vmem>>, vector<1x1x16xf32>,
      %swap3A_686 = vector.shape_cast %swap3A_685 : vector<1x1x16xf32> to vector<16xf32>
      %swap3A_687 = vector.shape_cast %mul3A_680 : vector<16xf32> to vector<1x1x16xf32>
      tpu.vector_store %arg8[%swap3A_682, %swap3A_683, %swap3A_684], %swap3A_687 {strides = array<i32>} : memref<2x80x128xf32, #tpu.memory_space<vmem>>, vector<1x1x16xf32>,
      %get3A_688 = arith.constant 0 : i32
      %get3A_689 = arith.index_cast %get3A_688 : i32 to index
      %get3A_690 = arith.index_cast %scan3A_663 : i32 to index
      %get3A_691 = arith.constant 16 : index
      %get3A_692 = tpu.vector_load %arg8[%get3A_689, %get3A_690, %get3A_691] {strides = array<i32>} : memref<2x80x128xf32, #tpu.memory_space<vmem>>, vector<1x1x16xf32>,
      %get3A_693 = vector.shape_cast %get3A_692 : vector<1x1x16xf32> to vector<16xf32>
      %mul3A_694 = arith.mulf %get3A_693, %bitcast_convert_type3A_673 : vector<16xf32>
      %swap3A_695 = arith.constant 0 : i32
      %swap3A_696 = arith.index_cast %swap3A_695 : i32 to index
      %swap3A_697 = arith.index_cast %scan3A_663 : i32 to index
      %swap3A_698 = arith.constant 16 : index
      %swap3A_699 = tpu.vector_load %arg8[%swap3A_696, %swap3A_697, %swap3A_698] {strides = array<i32>} : memref<2x80x128xf32, #tpu.memory_space<vmem>>, vector<1x1x16xf32>,
      %swap3A_700 = vector.shape_cast %swap3A_699 : vector<1x1x16xf32> to vector<16xf32>
      %swap3A_701 = vector.shape_cast %mul3A_694 : vector<16xf32> to vector<1x1x16xf32>
      tpu.vector_store %arg8[%swap3A_696, %swap3A_697, %swap3A_698], %swap3A_701 {strides = array<i32>} : memref<2x80x128xf32, #tpu.memory_space<vmem>>, vector<1x1x16xf32>,
      %get3A_702 = arith.constant 0 : i32
      %get3A_703 = arith.index_cast %get3A_702 : i32 to index
      %get3A_704 = arith.index_cast %scan3A_663 : i32 to index
      %get3A_705 = arith.constant 16 : index
      %get3A_706 = tpu.vector_load %arg9[%get3A_703, %get3A_704, %get3A_705] {strides = array<i32>} : memref<2x80x64xi32, #tpu.memory_space<vmem>>, vector<1x1x16xi32>,
      %get3A_707 = vector.shape_cast %get3A_706 : vector<1x1x16xi32> to vector<16xi32>
      %shift_left3A_708 = arith.constant 16 : i32
      %shift_left3A_709 = vector.broadcast %shift_left3A_708 : i32 to vector<16xi32>
      %shift_left3A_710 = arith.shli %get3A_707, %shift_left3A_709 : vector<16xi32>
      %bitcast_convert_type3A_711 = tpu.bitcast %shift_left3A_710 : vector<16xi32> -> vector<16xf32>
      %and3A_712 = arith.andi %get3A_707, %broadcast_in_dim3A_303 : vector<16xi32>
      %bitcast_convert_type3A_713 = tpu.bitcast %and3A_712 : vector<16xi32> -> vector<16xf32>
      %get3A_714 = arith.constant 0 : i32
      %get3A_715 = arith.index_cast %get3A_714 : i32 to index
      %get3A_716 = arith.index_cast %scan3A_663 : i32 to index
      %get3A_717 = arith.constant 32 : index
      %get3A_718 = tpu.vector_load %arg8[%get3A_715, %get3A_716, %get3A_717] {strides = array<i32>} : memref<2x80x128xf32, #tpu.memory_space<vmem>>, vector<1x1x16xf32>,
      %get3A_719 = vector.shape_cast %get3A_718 : vector<1x1x16xf32> to vector<16xf32>
      %mul3A_720 = arith.mulf %get3A_719, %bitcast_convert_type3A_711 : vector<16xf32>
      %swap3A_721 = arith.constant 0 : i32
      %swap3A_722 = arith.index_cast %swap3A_721 : i32 to index
      %swap3A_723 = arith.index_cast %scan3A_663 : i32 to index
      %swap3A_724 = arith.constant 32 : index
      %swap3A_725 = tpu.vector_load %arg8[%swap3A_722, %swap3A_723, %swap3A_724] {strides = array<i32>} : memref<2x80x128xf32, #tpu.memory_space<vmem>>, vector<1x1x16xf32>,
      %swap3A_726 = vector.shape_cast %swap3A_725 : vector<1x1x16xf32> to vector<16xf32>
      %swap3A_727 = vector.shape_cast %mul3A_720 : vector<16xf32> to vector<1x1x16xf32>
      tpu.vector_store %arg8[%swap3A_722, %swap3A_723, %swap3A_724], %swap3A_727 {strides = array<i32>} : memref<2x80x128xf32, #tpu.memory_space<vmem>>, vector<1x1x16xf32>,
      %get3A_728 = arith.constant 0 : i32
      %get3A_729 = arith.index_cast %get3A_728 : i32 to index
      %get3A_730 = arith.index_cast %scan3A_663 : i32 to index
      %get3A_731 = arith.constant 48 : index
      %get3A_732 = tpu.vector_load %arg8[%get3A_729, %get3A_730, %get3A_731] {strides = array<i32>} : memref<2x80x128xf32, #tpu.memory_space<vmem>>, vector<1x1x16xf32>,
      %get3A_733 = vector.shape_cast %get3A_732 : vector<1x1x16xf32> to vector<16xf32>
      %mul3A_734 = arith.mulf %get3A_733, %bitcast_convert_type3A_713 : vector<16xf32>
      %swap3A_735 = arith.constant 0 : i32
      %swap3A_736 = arith.index_cast %swap3A_735 : i32 to index
      %swap3A_737 = arith.index_cast %scan3A_663 : i32 to index
      %swap3A_738 = arith.constant 48 : index
      %swap3A_739 = tpu.vector_load %arg8[%swap3A_736, %swap3A_737, %swap3A_738] {strides = array<i32>} : memref<2x80x128xf32, #tpu.memory_space<vmem>>, vector<1x1x16xf32>,
      %swap3A_740 = vector.shape_cast %swap3A_739 : vector<1x1x16xf32> to vector<16xf32>
      %swap3A_741 = vector.shape_cast %mul3A_734 : vector<16xf32> to vector<1x1x16xf32>
      tpu.vector_store %arg8[%swap3A_736, %swap3A_737, %swap3A_738], %swap3A_741 {strides = array<i32>} : memref<2x80x128xf32, #tpu.memory_space<vmem>>, vector<1x1x16xf32>,
      %get3A_742 = arith.constant 0 : i32
      %get3A_743 = arith.index_cast %get3A_742 : i32 to index
      %get3A_744 = arith.index_cast %scan3A_663 : i32 to index
      %get3A_745 = arith.constant 32 : index
      %get3A_746 = tpu.vector_load %arg9[%get3A_743, %get3A_744, %get3A_745] {strides = array<i32>} : memref<2x80x64xi32, #tpu.memory_space<vmem>>, vector<1x1x16xi32>,
      %get3A_747 = vector.shape_cast %get3A_746 : vector<1x1x16xi32> to vector<16xi32>
      %shift_left3A_748 = arith.constant 16 : i32
      %shift_left3A_749 = vector.broadcast %shift_left3A_748 : i32 to vector<16xi32>
      %shift_left3A_750 = arith.shli %get3A_747, %shift_left3A_749 : vector<16xi32>
      %bitcast_convert_type3A_751 = tpu.bitcast %shift_left3A_750 : vector<16xi32> -> vector<16xf32>
      %and3A_752 = arith.andi %get3A_747, %broadcast_in_dim3A_303 : vector<16xi32>
      %bitcast_convert_type3A_753 = tpu.bitcast %and3A_752 : vector<16xi32> -> vector<16xf32>
      %get3A_754 = arith.constant 0 : i32
      %get3A_755 = arith.index_cast %get3A_754 : i32 to index
      %get3A_756 = arith.index_cast %scan3A_663 : i32 to index
      %get3A_757 = arith.constant 64 : index
      %get3A_758 = tpu.vector_load %arg8[%get3A_755, %get3A_756, %get3A_757] {strides = array<i32>} : memref<2x80x128xf32, #tpu.memory_space<vmem>>, vector<1x1x16xf32>,
      %get3A_759 = vector.shape_cast %get3A_758 : vector<1x1x16xf32> to vector<16xf32>
      %mul3A_760 = arith.mulf %get3A_759, %bitcast_convert_type3A_751 : vector<16xf32>
      %swap3A_761 = arith.constant 0 : i32
      %swap3A_762 = arith.index_cast %swap3A_761 : i32 to index
      %swap3A_763 = arith.index_cast %scan3A_663 : i32 to index
      %swap3A_764 = arith.constant 64 : index
      %swap3A_765 = tpu.vector_load %arg8[%swap3A_762, %swap3A_763, %swap3A_764] {strides = array<i32>} : memref<2x80x128xf32, #tpu.memory_space<vmem>>, vector<1x1x16xf32>,
      %swap3A_766 = vector.shape_cast %swap3A_765 : vector<1x1x16xf32> to vector<16xf32>
      %swap3A_767 = vector.shape_cast %mul3A_760 : vector<16xf32> to vector<1x1x16xf32>
      tpu.vector_store %arg8[%swap3A_762, %swap3A_763, %swap3A_764], %swap3A_767 {strides = array<i32>} : memref<2x80x128xf32, #tpu.memory_space<vmem>>, vector<1x1x16xf32>,
      %get3A_768 = arith.constant 0 : i32
      %get3A_769 = arith.index_cast %get3A_768 : i32 to index
      %get3A_770 = arith.index_cast %scan3A_663 : i32 to index
      %get3A_771 = arith.constant 80 : index
      %get3A_772 = tpu.vector_load %arg8[%get3A_769, %get3A_770, %get3A_771] {strides = array<i32>} : memref<2x80x128xf32, #tpu.memory_space<vmem>>, vector<1x1x16xf32>,
      %get3A_773 = vector.shape_cast %get3A_772 : vector<1x1x16xf32> to vector<16xf32>
      %mul3A_774 = arith.mulf %get3A_773, %bitcast_convert_type3A_753 : vector<16xf32>
      %swap3A_775 = arith.constant 0 : i32
      %swap3A_776 = arith.index_cast %swap3A_775 : i32 to index
      %swap3A_777 = arith.index_cast %scan3A_663 : i32 to index
      %swap3A_778 = arith.constant 80 : index
      %swap3A_779 = tpu.vector_load %arg8[%swap3A_776, %swap3A_777, %swap3A_778] {strides = array<i32>} : memref<2x80x128xf32, #tpu.memory_space<vmem>>, vector<1x1x16xf32>,
      %swap3A_780 = vector.shape_cast %swap3A_779 : vector<1x1x16xf32> to vector<16xf32>
      %swap3A_781 = vector.shape_cast %mul3A_774 : vector<16xf32> to vector<1x1x16xf32>
      tpu.vector_store %arg8[%swap3A_776, %swap3A_777, %swap3A_778], %swap3A_781 {strides = array<i32>} : memref<2x80x128xf32, #tpu.memory_space<vmem>>, vector<1x1x16xf32>,
      %get3A_782 = arith.constant 0 : i32
      %get3A_783 = arith.index_cast %get3A_782 : i32 to index
      %get3A_784 = arith.index_cast %scan3A_663 : i32 to index
      %get3A_785 = arith.constant 48 : index
      %get3A_786 = tpu.vector_load %arg9[%get3A_783, %get3A_784, %get3A_785] {strides = array<i32>} : memref<2x80x64xi32, #tpu.memory_space<vmem>>, vector<1x1x16xi32>,
      %get3A_787 = vector.shape_cast %get3A_786 : vector<1x1x16xi32> to vector<16xi32>
      %shift_left3A_788 = arith.constant 16 : i32
      %shift_left3A_789 = vector.broadcast %shift_left3A_788 : i32 to vector<16xi32>
      %shift_left3A_790 = arith.shli %get3A_787, %shift_left3A_789 : vector<16xi32>
      %bitcast_convert_type3A_791 = tpu.bitcast %shift_left3A_790 : vector<16xi32> -> vector<16xf32>
      %and3A_792 = arith.andi %get3A_787, %broadcast_in_dim3A_303 : vector<16xi32>
      %bitcast_convert_type3A_793 = tpu.bitcast %and3A_792 : vector<16xi32> -> vector<16xf32>
      %get3A_794 = arith.constant 0 : i32
      %get3A_795 = arith.index_cast %get3A_794 : i32 to index
      %get3A_796 = arith.index_cast %scan3A_663 : i32 to index
      %get3A_797 = arith.constant 96 : index
      %get3A_798 = tpu.vector_load %arg8[%get3A_795, %get3A_796, %get3A_797] {strides = array<i32>} : memref<2x80x128xf32, #tpu.memory_space<vmem>>, vector<1x1x16xf32>,
      %get3A_799 = vector.shape_cast %get3A_798 : vector<1x1x16xf32> to vector<16xf32>
      %mul3A_800 = arith.mulf %get3A_799, %bitcast_convert_type3A_791 : vector<16xf32>
      %swap3A_801 = arith.constant 0 : i32
      %swap3A_802 = arith.index_cast %swap3A_801 : i32 to index
      %swap3A_803 = arith.index_cast %scan3A_663 : i32 to index
      %swap3A_804 = arith.constant 96 : index
      %swap3A_805 = tpu.vector_load %arg8[%swap3A_802, %swap3A_803, %swap3A_804] {strides = array<i32>} : memref<2x80x128xf32, #tpu.memory_space<vmem>>, vector<1x1x16xf32>,
      %swap3A_806 = vector.shape_cast %swap3A_805 : vector<1x1x16xf32> to vector<16xf32>
      %swap3A_807 = vector.shape_cast %mul3A_800 : vector<16xf32> to vector<1x1x16xf32>
      tpu.vector_store %arg8[%swap3A_802, %swap3A_803, %swap3A_804], %swap3A_807 {strides = array<i32>} : memref<2x80x128xf32, #tpu.memory_space<vmem>>, vector<1x1x16xf32>,
      %get3A_808 = arith.constant 0 : i32
      %get3A_809 = arith.index_cast %get3A_808 : i32 to index
      %get3A_810 = arith.index_cast %scan3A_663 : i32 to index
      %get3A_811 = arith.constant 112 : index
      %get3A_812 = tpu.vector_load %arg8[%get3A_809, %get3A_810, %get3A_811] {strides = array<i32>} : memref<2x80x128xf32, #tpu.memory_space<vmem>>, vector<1x1x16xf32>,
      %get3A_813 = vector.shape_cast %get3A_812 : vector<1x1x16xf32> to vector<16xf32>
      %mul3A_814 = arith.mulf %get3A_813, %bitcast_convert_type3A_793 : vector<16xf32>
      %swap3A_815 = arith.constant 0 : i32
      %swap3A_816 = arith.index_cast %swap3A_815 : i32 to index
      %swap3A_817 = arith.index_cast %scan3A_663 : i32 to index
      %swap3A_818 = arith.constant 112 : index
      %swap3A_819 = tpu.vector_load %arg8[%swap3A_816, %swap3A_817, %swap3A_818] {strides = array<i32>} : memref<2x80x128xf32, #tpu.memory_space<vmem>>, vector<1x1x16xf32>,
      %swap3A_820 = vector.shape_cast %swap3A_819 : vector<1x1x16xf32> to vector<16xf32>
      %swap3A_821 = vector.shape_cast %mul3A_814 : vector<16xf32> to vector<1x1x16xf32>
      tpu.vector_store %arg8[%swap3A_816, %swap3A_817, %swap3A_818], %swap3A_821 {strides = array<i32>} : memref<2x80x128xf32, #tpu.memory_space<vmem>>, vector<1x1x16xf32>,
      %scan3A_822 = arith.constant 0 : i32
      scf.yield %scan3A_822 : i32
    }
    %scan3A_310 = arith.constant 80 : i32
    %run_scoped3A = arith.constant 0 : i32
    %run_scoped3A_311 = arith.constant 0 : i32
    "tpu.region"() ({
      %run_scoped3A_663 = tpu.sem_alloc : memref<!tpu.dma_semaphore, #tpu.memory_space<semaphore_mem>>
      %dma_start3A_664 = arith.constant 0 : i32
      %dma_start3A_665 = arith.constant 0 : i32
      %dma_start3A_666 = tpu.memref_slice %arg8[%run_scoped3A, %dma_start3A_664, %dma_start3A_665] : memref<2x80x128xf32, #tpu.memory_space<vmem>> -> memref<1x80x128xf32, #tpu.memory_space<vmem>>
      %dma_start3A_667 = tpu.memref_squeeze %dma_start3A_666 : memref<1x80x128xf32, #tpu.memory_space<vmem>> -> memref<80x128xf32, #tpu.memory_space<vmem>>
      %dma_start3A_668 = arith.constant 0 : i32
      %dma_start3A_669 = tpu.memref_slice %arg7[%run_scoped3A_311, %dma_start3A_668] : memref<2x80xi32, #tpu.memory_space<vmem>> -> memref<1x80xi32, #tpu.memory_space<vmem>>
      %dma_start3A_670 = tpu.memref_squeeze %dma_start3A_669 : memref<1x80xi32, #tpu.memory_space<vmem>> -> memref<80xi32, #tpu.memory_space<vmem>>
      %dma_start3A_671 = arith.constant 0 : i32
      %dma_start3A_672 = arith.constant 0 : i32
      %dma_start3A_673 = tpu.memref_slice %arg11[%dma_start3A_671, %dma_start3A_672] : memref<10000x128xf32, #tpu.memory_space<vmem_shared>> -> memref<10000x128xf32, #tpu.memory_space<vmem_shared>>
      tpu.enqueue_indirect_dma source(%dma_start3A_667 : memref<80x128xf32, #tpu.memory_space<vmem>>) target(%dma_start3A_673 : memref<10000x128xf32, #tpu.memory_space<vmem_shared>>) offsets(%dma_start3A_670 : memref<80xi32, #tpu.memory_space<vmem>>) semaphore(%run_scoped3A_663 : memref<!tpu.dma_semaphore, #tpu.memory_space<semaphore_mem>>) {add = true}
      %dma_wait3A_674 = arith.constant 0 : i32
      %dma_wait3A_675 = arith.constant 0 : i32
      %dma_wait3A_676 = tpu.memref_slice %arg8[%run_scoped3A, %dma_wait3A_674, %dma_wait3A_675] : memref<2x80x128xf32, #tpu.memory_space<vmem>> -> memref<1x80x128xf32, #tpu.memory_space<vmem>>
      %dma_wait3A_677 = tpu.memref_squeeze %dma_wait3A_676 : memref<1x80x128xf32, #tpu.memory_space<vmem>> -> memref<80x128xf32, #tpu.memory_space<vmem>>
      %dma_wait3A_678 = arith.constant 0 : i32
      %dma_wait3A_679 = tpu.memref_slice %arg7[%run_scoped3A_311, %dma_wait3A_678] : memref<2x80xi32, #tpu.memory_space<vmem>> -> memref<1x80xi32, #tpu.memory_space<vmem>>
      %dma_wait3A_680 = tpu.memref_squeeze %dma_wait3A_679 : memref<1x80xi32, #tpu.memory_space<vmem>> -> memref<80xi32, #tpu.memory_space<vmem>>
      %dma_wait3A_681 = arith.constant 0 : i32
      %dma_wait3A_682 = arith.constant 0 : i32
      %dma_wait3A_683 = tpu.memref_slice %arg11[%dma_wait3A_681, %dma_wait3A_682] : memref<10000x128xf32, #tpu.memory_space<vmem_shared>> -> memref<10000x128xf32, #tpu.memory_space<vmem_shared>>
      tpu.wait_indirect_dma semaphore(%run_scoped3A_663 : memref<!tpu.dma_semaphore, #tpu.memory_space<semaphore_mem>>) src(%dma_wait3A_677 : memref<80x128xf32, #tpu.memory_space<vmem>>) dst(%dma_wait3A_683 : memref<10000x128xf32, #tpu.memory_space<vmem_shared>>)
      tpu.yield
    }) : () -> ()
    %add3A_312 = arith.constant 124 : i32
    %add3A_313 = arith.constant 2 : i32
    %add3A_314 = arith.addi %add3A_312, %add3A_313 : i32
    %lt3A_315 = arith.constant 125 : i32
    %lt3A_316 = arith.cmpi slt, %add3A_314, %lt3A_315 : i32
    %convert_element_type3A_317 = arith.extui %lt3A_316 : i1 to i32
    %cond3A_318 = arith.constant 124 : i32
    %cond3A_319 = arith.constant 0 : i32
    %cond3A_320 = arith.cmpi ne, %convert_element_type3A_317, %cond3A_319 : i32
    scf.if %cond3A_320 {
      %add3A_663 = arith.constant 2 : i32
      %add3A_664 = arith.addi %cond3A_318, %add3A_663 : i32
      %mul3A_665 = arith.constant 80 : i32
      %mul3A_666 = arith.muli %add3A_664, %mul3A_665 : i32
      %add3A_667 = arith.addi %add3A_97, %mul3A_666 : i32
      %dma_start3A_668 = arith.constant 0 : i32
      %dma_start3A_669 = arith.constant 0 : i32
      %dma_start3A_670 = tpu.memref_slice %arg6[%dma_start3A_668, %dma_start3A_669] : memref<2x80xi32, #tpu.memory_space<vmem>> -> memref<1x80xi32, #tpu.memory_space<vmem>>
      %dma_start3A_671 = tpu.memref_squeeze %dma_start3A_670 : memref<1x80xi32, #tpu.memory_space<vmem>> -> memref<80xi32, #tpu.memory_space<vmem>>
      %dma_start3A_672 = tpu.memref_slice %arg3[%add3A_667] : memref<1280000xi32, #tpu.memory_space<hbm>> -> memref<80xi32, #tpu.memory_space<hbm>>
      %dma_start3A_673 = arith.constant 0 : i32
      %dma_start3A_674 = tpu.memref_slice %arg6[%dma_start3A_668, %dma_start3A_673] : memref<2x80xi32, #tpu.memory_space<vmem>> -> memref<1x80xi32, #tpu.memory_space<vmem>>
      %dma_start3A_675 = tpu.memref_squeeze %dma_start3A_674 : memref<1x80xi32, #tpu.memory_space<vmem>> -> memref<80xi32, #tpu.memory_space<vmem>>
      %dma_start3A_676 = tpu.memref_slice %arg3[%add3A_667] : memref<1280000xi32, #tpu.memory_space<hbm>> -> memref<80xi32, #tpu.memory_space<hbm>>
      tpu.enqueue_dma source(%dma_start3A_676 : memref<80xi32, #tpu.memory_space<hbm>>) target(%dma_start3A_675 : memref<80xi32, #tpu.memory_space<vmem>>) target_semaphore(%arg12 : memref<!tpu.dma_semaphore, #tpu.memory_space<semaphore_mem>>)
      %mul3A_677 = arith.constant 80 : i32
      %mul3A_678 = arith.muli %add3A_664, %mul3A_677 : i32
      %add3A_679 = arith.addi %add3A_99, %mul3A_678 : i32
      %dma_start3A_680 = arith.constant 0 : i32
      %dma_start3A_681 = arith.constant 0 : i32
      %dma_start3A_682 = tpu.memref_slice %arg7[%dma_start3A_680, %dma_start3A_681] : memref<2x80xi32, #tpu.memory_space<vmem>> -> memref<1x80xi32, #tpu.memory_space<vmem>>
      %dma_start3A_683 = tpu.memref_squeeze %dma_start3A_682 : memref<1x80xi32, #tpu.memory_space<vmem>> -> memref<80xi32, #tpu.memory_space<vmem>>
      %dma_start3A_684 = tpu.memref_slice %arg3[%add3A_679] : memref<1280000xi32, #tpu.memory_space<hbm>> -> memref<80xi32, #tpu.memory_space<hbm>>
      %dma_start3A_685 = arith.constant 0 : i32
      %dma_start3A_686 = tpu.memref_slice %arg7[%dma_start3A_680, %dma_start3A_685] : memref<2x80xi32, #tpu.memory_space<vmem>> -> memref<1x80xi32, #tpu.memory_space<vmem>>
      %dma_start3A_687 = tpu.memref_squeeze %dma_start3A_686 : memref<1x80xi32, #tpu.memory_space<vmem>> -> memref<80xi32, #tpu.memory_space<vmem>>
      %dma_start3A_688 = tpu.memref_slice %arg3[%add3A_679] : memref<1280000xi32, #tpu.memory_space<hbm>> -> memref<80xi32, #tpu.memory_space<hbm>>
      tpu.enqueue_dma source(%dma_start3A_688 : memref<80xi32, #tpu.memory_space<hbm>>) target(%dma_start3A_687 : memref<80xi32, #tpu.memory_space<vmem>>) target_semaphore(%arg12 : memref<!tpu.dma_semaphore, #tpu.memory_space<semaphore_mem>>)
    } else {
    }
    %barrier3A_321 = arith.constant 0 : index
    tpu.barrier barrier_id(%barrier3A_321)
    %mul3A_322 = arith.constant 10000 : i32
    %mul3A_323 = arith.muli %add3A_90, %mul3A_322 : i32
    %add3A_324 = arith.addi %mul3A_323, %mul3A_7 : i32
    "tpu.region"() ({
      %run_scoped3A_663 = tpu.sem_alloc : memref<!tpu.dma_semaphore, #tpu.memory_space<semaphore_mem>>
      %dma_start3A_664 = arith.constant 0 : i32
      %dma_start3A_665 = tpu.memref_slice %arg5[%add3A_324, %dma_start3A_664] : memref<40000x128xf32, #tpu.memory_space<hbm>> -> memref<624x128xf32, #tpu.memory_space<hbm>>
      %dma_start3A_666 = arith.constant 0 : i32
      %dma_start3A_667 = tpu.memref_slice %arg11[%mul3A_7, %dma_start3A_666] : memref<10000x128xf32, #tpu.memory_space<vmem_shared>> -> memref<624x128xf32, #tpu.memory_space<vmem_shared>>
      tpu.enqueue_dma source(%dma_start3A_667 : memref<624x128xf32, #tpu.memory_space<vmem_shared>>) target(%dma_start3A_665 : memref<624x128xf32, #tpu.memory_space<hbm>>) target_semaphore(%run_scoped3A_663 : memref<!tpu.dma_semaphore, #tpu.memory_space<semaphore_mem>>)
      %dma_wait3A_668 = arith.constant 0 : i32
      %dma_wait3A_669 = tpu.memref_slice %arg5[%add3A_324, %dma_wait3A_668] : memref<40000x128xf32, #tpu.memory_space<hbm>> -> memref<624x128xf32, #tpu.memory_space<hbm>>
      %dma_wait3A_670 = arith.constant 0 : i32
      %dma_wait3A_671 = tpu.memref_slice %arg11[%mul3A_7, %dma_wait3A_670] : memref<10000x128xf32, #tpu.memory_space<vmem_shared>> -> memref<624x128xf32, #tpu.memory_space<vmem_shared>>
      tpu.wait_dma2 semaphore(%run_scoped3A_663 : memref<!tpu.dma_semaphore, #tpu.memory_space<semaphore_mem>>) src(%dma_wait3A_671 : memref<624x128xf32, #tpu.memory_space<vmem_shared>>) dst(%dma_wait3A_669 : memref<624x128xf32, #tpu.memory_space<hbm>>)
      tpu.yield
    }) : () -> ()
    %eq3A_325 = arith.constant 15 : i32
    %eq3A_326 = arith.cmpi eq, %arg1, %eq3A_325 : i32
    %convert_element_type3A_327 = arith.extui %eq3A_326 : i1 to i32
    %cond3A_328 = arith.constant 0 : i32
    %cond3A_329 = arith.cmpi ne, %convert_element_type3A_327, %cond3A_328 : i32
    scf.if %cond3A_329 {
      %mul3A_663 = arith.constant 10000 : i32
      %mul3A_664 = arith.muli %add3A_90, %mul3A_663 : i32
      %add3A_665 = arith.constant 9984 : i32
      %add3A_666 = arith.addi %mul3A_664, %add3A_665 : i32
      "tpu.region"() ({
        %run_scoped3A_667 = tpu.sem_alloc : memref<!tpu.dma_semaphore, #tpu.memory_space<semaphore_mem>>
        %dma_start3A_668 = arith.constant 0 : i32
        %dma_start3A_669 = tpu.memref_slice %arg5[%add3A_666, %dma_start3A_668] : memref<40000x128xf32, #tpu.memory_space<hbm>> -> memref<16x128xf32, #tpu.memory_space<hbm>>
        %dma_start3A_670 = arith.constant 9984 : i32
        %dma_start3A_671 = arith.constant 0 : i32
        %dma_start3A_672 = tpu.memref_slice %arg11[%dma_start3A_670, %dma_start3A_671] : memref<10000x128xf32, #tpu.memory_space<vmem_shared>> -> memref<16x128xf32, #tpu.memory_space<vmem_shared>>
        tpu.enqueue_dma source(%dma_start3A_672 : memref<16x128xf32, #tpu.memory_space<vmem_shared>>) target(%dma_start3A_669 : memref<16x128xf32, #tpu.memory_space<hbm>>) target_semaphore(%run_scoped3A_667 : memref<!tpu.dma_semaphore, #tpu.memory_space<semaphore_mem>>)
        %dma_wait3A_673 = arith.constant 0 : i32
        %dma_wait3A_674 = tpu.memref_slice %arg5[%add3A_666, %dma_wait3A_673] : memref<40000x128xf32, #tpu.memory_space<hbm>> -> memref<16x128xf32, #tpu.memory_space<hbm>>
        %dma_wait3A_675 = arith.constant 9984 : i32
        %dma_wait3A_676 = arith.constant 0 : i32
        %dma_wait3A_677 = tpu.memref_slice %arg11[%dma_wait3A_675, %dma_wait3A_676] : memref<10000x128xf32, #tpu.memory_space<vmem_shared>> -> memref<16x128xf32, #tpu.memory_space<vmem_shared>>
        tpu.wait_dma2 semaphore(%run_scoped3A_667 : memref<!tpu.dma_semaphore, #tpu.memory_space<semaphore_mem>>) src(%dma_wait3A_677 : memref<16x128xf32, #tpu.memory_space<vmem_shared>>) dst(%dma_wait3A_674 : memref<16x128xf32, #tpu.memory_space<hbm>>)
        tpu.yield
      }) : () -> ()
    } else {
    }
    %add3A_330 = arith.constant 0 : i32
    %add3A_331 = arith.addi %mul3A_7, %add3A_330 : i32
    "tpu.region"() ({
      %run_scoped3A_663 = tpu.sem_alloc : memref<!tpu.dma_semaphore, #tpu.memory_space<semaphore_mem>>
      %dma_start3A_664 = arith.constant 0 : i32
      %dma_start3A_665 = tpu.memref_slice %arg11[%add3A_331, %dma_start3A_664] : memref<10000x128xf32, #tpu.memory_space<vmem_shared>> -> memref<16x128xf32, #tpu.memory_space<vmem_shared>>
      %dma_start3A_666 = arith.constant 0 : i32
      %dma_start3A_667 = tpu.memref_slice %arg11[%add3A_331, %dma_start3A_666] : memref<10000x128xf32, #tpu.memory_space<vmem_shared>> -> memref<16x128xf32, #tpu.memory_space<vmem_shared>>
      tpu.enqueue_dma source(%arg10 : memref<16x128xf32, #tpu.memory_space<vmem>>) target(%dma_start3A_667 : memref<16x128xf32, #tpu.memory_space<vmem_shared>>) target_semaphore(%run_scoped3A_663 : memref<!tpu.dma_semaphore, #tpu.memory_space<semaphore_mem>>)
      %dma_wait3A_668 = arith.constant 0 : i32
      %dma_wait3A_669 = tpu.memref_slice %arg11[%add3A_331, %dma_wait3A_668] : memref<10000x128xf32, #tpu.memory_space<vmem_shared>> -> memref<16x128xf32, #tpu.memory_space<vmem_shared>>
      %dma_wait3A_670 = arith.constant 0 : i32
      %dma_wait3A_671 = tpu.memref_slice %arg11[%add3A_331, %dma_wait3A_670] : memref<10000x128xf32, #tpu.memory_space<vmem_shared>> -> memref<16x128xf32, #tpu.memory_space<vmem_shared>>
      tpu.wait_dma2 semaphore(%run_scoped3A_663 : memref<!tpu.dma_semaphore, #tpu.memory_space<semaphore_mem>>) src(%arg10 : memref<16x128xf32, #tpu.memory_space<vmem>>) dst(%dma_wait3A_671 : memref<16x128xf32, #tpu.memory_space<vmem_shared>>)
      tpu.yield
    }) : () -> ()
    %add3A_332 = arith.constant 16 : i32
    %add3A_333 = arith.addi %mul3A_7, %add3A_332 : i32
    "tpu.region"() ({
      %run_scoped3A_663 = tpu.sem_alloc : memref<!tpu.dma_semaphore, #tpu.memory_space<semaphore_mem>>
      %dma_start3A_664 = arith.constant 0 : i32
      %dma_start3A_665 = tpu.memref_slice %arg11[%add3A_333, %dma_start3A_664] : memref<10000x128xf32, #tpu.memory_space<vmem_shared>> -> memref<16x128xf32, #tpu.memory_space<vmem_shared>>
      %dma_start3A_666 = arith.constant 0 : i32
      %dma_start3A_667 = tpu.memref_slice %arg11[%add3A_333, %dma_start3A_666] : memref<10000x128xf32, #tpu.memory_space<vmem_shared>> -> memref<16x128xf32, #tpu.memory_space<vmem_shared>>
      tpu.enqueue_dma source(%arg10 : memref<16x128xf32, #tpu.memory_space<vmem>>) target(%dma_start3A_667 : memref<16x128xf32, #tpu.memory_space<vmem_shared>>) target_semaphore(%run_scoped3A_663 : memref<!tpu.dma_semaphore, #tpu.memory_space<semaphore_mem>>)
      %dma_wait3A_668 = arith.constant 0 : i32
      %dma_wait3A_669 = tpu.memref_slice %arg11[%add3A_333, %dma_wait3A_668] : memref<10000x128xf32, #tpu.memory_space<vmem_shared>> -> memref<16x128xf32, #tpu.memory_space<vmem_shared>>
      %dma_wait3A_670 = arith.constant 0 : i32
      %dma_wait3A_671 = tpu.memref_slice %arg11[%add3A_333, %dma_wait3A_670] : memref<10000x128xf32, #tpu.memory_space<vmem_shared>> -> memref<16x128xf32, #tpu.memory_space<vmem_shared>>
      tpu.wait_dma2 semaphore(%run_scoped3A_663 : memref<!tpu.dma_semaphore, #tpu.memory_space<semaphore_mem>>) src(%arg10 : memref<16x128xf32, #tpu.memory_space<vmem>>) dst(%dma_wait3A_671 : memref<16x128xf32, #tpu.memory_space<vmem_shared>>)
      tpu.yield
    }) : () -> ()
    %add3A_334 = arith.constant 32 : i32
    %add3A_335 = arith.addi %mul3A_7, %add3A_334 : i32
    "tpu.region"() ({
      %run_scoped3A_663 = tpu.sem_alloc : memref<!tpu.dma_semaphore, #tpu.memory_space<semaphore_mem>>
      %dma_start3A_664 = arith.constant 0 : i32
      %dma_start3A_665 = tpu.memref_slice %arg11[%add3A_335, %dma_start3A_664] : memref<10000x128xf32, #tpu.memory_space<vmem_shared>> -> memref<16x128xf32, #tpu.memory_space<vmem_shared>>
      %dma_start3A_666 = arith.constant 0 : i32
      %dma_start3A_667 = tpu.memref_slice %arg11[%add3A_335, %dma_start3A_666] : memref<10000x128xf32, #tpu.memory_space<vmem_shared>> -> memref<16x128xf32, #tpu.memory_space<vmem_shared>>
      tpu.enqueue_dma source(%arg10 : memref<16x128xf32, #tpu.memory_space<vmem>>) target(%dma_start3A_667 : memref<16x128xf32, #tpu.memory_space<vmem_shared>>) target_semaphore(%run_scoped3A_663 : memref<!tpu.dma_semaphore, #tpu.memory_space<semaphore_mem>>)
      %dma_wait3A_668 = arith.constant 0 : i32
      %dma_wait3A_669 = tpu.memref_slice %arg11[%add3A_335, %dma_wait3A_668] : memref<10000x128xf32, #tpu.memory_space<vmem_shared>> -> memref<16x128xf32, #tpu.memory_space<vmem_shared>>
      %dma_wait3A_670 = arith.constant 0 : i32
      %dma_wait3A_671 = tpu.memref_slice %arg11[%add3A_335, %dma_wait3A_670] : memref<10000x128xf32, #tpu.memory_space<vmem_shared>> -> memref<16x128xf32, #tpu.memory_space<vmem_shared>>
      tpu.wait_dma2 semaphore(%run_scoped3A_663 : memref<!tpu.dma_semaphore, #tpu.memory_space<semaphore_mem>>) src(%arg10 : memref<16x128xf32, #tpu.memory_space<vmem>>) dst(%dma_wait3A_671 : memref<16x128xf32, #tpu.memory_space<vmem_shared>>)
      tpu.yield
    }) : () -> ()
    %add3A_336 = arith.constant 48 : i32
    %add3A_337 = arith.addi %mul3A_7, %add3A_336 : i32
    "tpu.region"() ({
      %run_scoped3A_663 = tpu.sem_alloc : memref<!tpu.dma_semaphore, #tpu.memory_space<semaphore_mem>>
      %dma_start3A_664 = arith.constant 0 : i32
      %dma_start3A_665 = tpu.memref_slice %arg11[%add3A_337, %dma_start3A_664] : memref<10000x128xf32, #tpu.memory_space<vmem_shared>> -> memref<16x128xf32, #tpu.memory_space<vmem_shared>>
      %dma_start3A_666 = arith.constant 0 : i32
      %dma_start3A_667 = tpu.memref_slice %arg11[%add3A_337, %dma_start3A_666] : memref<10000x128xf32, #tpu.memory_space<vmem_shared>> -> memref<16x128xf32, #tpu.memory_space<vmem_shared>>
      tpu.enqueue_dma source(%arg10 : memref<16x128xf32, #tpu.memory_space<vmem>>) target(%dma_start3A_667 : memref<16x128xf32, #tpu.memory_space<vmem_shared>>) target_semaphore(%run_scoped3A_663 : memref<!tpu.dma_semaphore, #tpu.memory_space<semaphore_mem>>)
      %dma_wait3A_668 = arith.constant 0 : i32
      %dma_wait3A_669 = tpu.memref_slice %arg11[%add3A_337, %dma_wait3A_668] : memref<10000x128xf32, #tpu.memory_space<vmem_shared>> -> memref<16x128xf32, #tpu.memory_space<vmem_shared>>
      %dma_wait3A_670 = arith.constant 0 : i32
      %dma_wait3A_671 = tpu.memref_slice %arg11[%add3A_337, %dma_wait3A_670] : memref<10000x128xf32, #tpu.memory_space<vmem_shared>> -> memref<16x128xf32, #tpu.memory_space<vmem_shared>>
      tpu.wait_dma2 semaphore(%run_scoped3A_663 : memref<!tpu.dma_semaphore, #tpu.memory_space<semaphore_mem>>) src(%arg10 : memref<16x128xf32, #tpu.memory_space<vmem>>) dst(%dma_wait3A_671 : memref<16x128xf32, #tpu.memory_space<vmem_shared>>)
      tpu.yield
    }) : () -> ()
    %add3A_338 = arith.constant 64 : i32
    %add3A_339 = arith.addi %mul3A_7, %add3A_338 : i32
    "tpu.region"() ({
      %run_scoped3A_663 = tpu.sem_alloc : memref<!tpu.dma_semaphore, #tpu.memory_space<semaphore_mem>>
      %dma_start3A_664 = arith.constant 0 : i32
      %dma_start3A_665 = tpu.memref_slice %arg11[%add3A_339, %dma_start3A_664] : memref<10000x128xf32, #tpu.memory_space<vmem_shared>> -> memref<16x128xf32, #tpu.memory_space<vmem_shared>>
      %dma_start3A_666 = arith.constant 0 : i32
      %dma_start3A_667 = tpu.memref_slice %arg11[%add3A_339, %dma_start3A_666] : memref<10000x128xf32, #tpu.memory_space<vmem_shared>> -> memref<16x128xf32, #tpu.memory_space<vmem_shared>>
      tpu.enqueue_dma source(%arg10 : memref<16x128xf32, #tpu.memory_space<vmem>>) target(%dma_start3A_667 : memref<16x128xf32, #tpu.memory_space<vmem_shared>>) target_semaphore(%run_scoped3A_663 : memref<!tpu.dma_semaphore, #tpu.memory_space<semaphore_mem>>)
      %dma_wait3A_668 = arith.constant 0 : i32
      %dma_wait3A_669 = tpu.memref_slice %arg11[%add3A_339, %dma_wait3A_668] : memref<10000x128xf32, #tpu.memory_space<vmem_shared>> -> memref<16x128xf32, #tpu.memory_space<vmem_shared>>
      %dma_wait3A_670 = arith.constant 0 : i32
      %dma_wait3A_671 = tpu.memref_slice %arg11[%add3A_339, %dma_wait3A_670] : memref<10000x128xf32, #tpu.memory_space<vmem_shared>> -> memref<16x128xf32, #tpu.memory_space<vmem_shared>>
      tpu.wait_dma2 semaphore(%run_scoped3A_663 : memref<!tpu.dma_semaphore, #tpu.memory_space<semaphore_mem>>) src(%arg10 : memref<16x128xf32, #tpu.memory_space<vmem>>) dst(%dma_wait3A_671 : memref<16x128xf32, #tpu.memory_space<vmem_shared>>)
      tpu.yield
    }) : () -> ()
    %add3A_340 = arith.constant 80 : i32
    %add3A_341 = arith.addi %mul3A_7, %add3A_340 : i32
    "tpu.region"() ({
      %run_scoped3A_663 = tpu.sem_alloc : memref<!tpu.dma_semaphore, #tpu.memory_space<semaphore_mem>>
      %dma_start3A_664 = arith.constant 0 : i32
      %dma_start3A_665 = tpu.memref_slice %arg11[%add3A_341, %dma_start3A_664] : memref<10000x128xf32, #tpu.memory_space<vmem_shared>> -> memref<16x128xf32, #tpu.memory_space<vmem_shared>>
      %dma_start3A_666 = arith.constant 0 : i32
      %dma_start3A_667 = tpu.memref_slice %arg11[%add3A_341, %dma_start3A_666] : memref<10000x128xf32, #tpu.memory_space<vmem_shared>> -> memref<16x128xf32, #tpu.memory_space<vmem_shared>>
      tpu.enqueue_dma source(%arg10 : memref<16x128xf32, #tpu.memory_space<vmem>>) target(%dma_start3A_667 : memref<16x128xf32, #tpu.memory_space<vmem_shared>>) target_semaphore(%run_scoped3A_663 : memref<!tpu.dma_semaphore, #tpu.memory_space<semaphore_mem>>)
      %dma_wait3A_668 = arith.constant 0 : i32
      %dma_wait3A_669 = tpu.memref_slice %arg11[%add3A_341, %dma_wait3A_668] : memref<10000x128xf32, #tpu.memory_space<vmem_shared>> -> memref<16x128xf32, #tpu.memory_space<vmem_shared>>
      %dma_wait3A_670 = arith.constant 0 : i32
      %dma_wait3A_671 = tpu.memref_slice %arg11[%add3A_341, %dma_wait3A_670] : memref<10000x128xf32, #tpu.memory_space<vmem_shared>> -> memref<16x128xf32, #tpu.memory_space<vmem_shared>>
      tpu.wait_dma2 semaphore(%run_scoped3A_663 : memref<!tpu.dma_semaphore, #tpu.memory_space<semaphore_mem>>) src(%arg10 : memref<16x128xf32, #tpu.memory_space<vmem>>) dst(%dma_wait3A_671 : memref<16x128xf32, #tpu.memory_space<vmem_shared>>)
      tpu.yield
    }) : () -> ()
    %add3A_342 = arith.constant 96 : i32
    %add3A_343 = arith.addi %mul3A_7, %add3A_342 : i32
    "tpu.region"() ({
      %run_scoped3A_663 = tpu.sem_alloc : memref<!tpu.dma_semaphore, #tpu.memory_space<semaphore_mem>>
      %dma_start3A_664 = arith.constant 0 : i32
      %dma_start3A_665 = tpu.memref_slice %arg11[%add3A_343, %dma_start3A_664] : memref<10000x128xf32, #tpu.memory_space<vmem_shared>> -> memref<16x128xf32, #tpu.memory_space<vmem_shared>>
      %dma_start3A_666 = arith.constant 0 : i32
      %dma_start3A_667 = tpu.memref_slice %arg11[%add3A_343, %dma_start3A_666] : memref<10000x128xf32, #tpu.memory_space<vmem_shared>> -> memref<16x128xf32, #tpu.memory_space<vmem_shared>>
      tpu.enqueue_dma source(%arg10 : memref<16x128xf32, #tpu.memory_space<vmem>>) target(%dma_start3A_667 : memref<16x128xf32, #tpu.memory_space<vmem_shared>>) target_semaphore(%run_scoped3A_663 : memref<!tpu.dma_semaphore, #tpu.memory_space<semaphore_mem>>)
      %dma_wait3A_668 = arith.constant 0 : i32
      %dma_wait3A_669 = tpu.memref_slice %arg11[%add3A_343, %dma_wait3A_668] : memref<10000x128xf32, #tpu.memory_space<vmem_shared>> -> memref<16x128xf32, #tpu.memory_space<vmem_shared>>
      %dma_wait3A_670 = arith.constant 0 : i32
      %dma_wait3A_671 = tpu.memref_slice %arg11[%add3A_343, %dma_wait3A_670] : memref<10000x128xf32, #tpu.memory_space<vmem_shared>> -> memref<16x128xf32, #tpu.memory_space<vmem_shared>>
      tpu.wait_dma2 semaphore(%run_scoped3A_663 : memref<!tpu.dma_semaphore, #tpu.memory_space<semaphore_mem>>) src(%arg10 : memref<16x128xf32, #tpu.memory_space<vmem>>) dst(%dma_wait3A_671 : memref<16x128xf32, #tpu.memory_space<vmem_shared>>)
      tpu.yield
    }) : () -> ()
    %add3A_344 = arith.constant 112 : i32
    %add3A_345 = arith.addi %mul3A_7, %add3A_344 : i32
    "tpu.region"() ({
      %run_scoped3A_663 = tpu.sem_alloc : memref<!tpu.dma_semaphore, #tpu.memory_space<semaphore_mem>>
      %dma_start3A_664 = arith.constant 0 : i32
      %dma_start3A_665 = tpu.memref_slice %arg11[%add3A_345, %dma_start3A_664] : memref<10000x128xf32, #tpu.memory_space<vmem_shared>> -> memref<16x128xf32, #tpu.memory_space<vmem_shared>>
      %dma_start3A_666 = arith.constant 0 : i32
      %dma_start3A_667 = tpu.memref_slice %arg11[%add3A_345, %dma_start3A_666] : memref<10000x128xf32, #tpu.memory_space<vmem_shared>> -> memref<16x128xf32, #tpu.memory_space<vmem_shared>>
      tpu.enqueue_dma source(%arg10 : memref<16x128xf32, #tpu.memory_space<vmem>>) target(%dma_start3A_667 : memref<16x128xf32, #tpu.memory_space<vmem_shared>>) target_semaphore(%run_scoped3A_663 : memref<!tpu.dma_semaphore, #tpu.memory_space<semaphore_mem>>)
      %dma_wait3A_668 = arith.constant 0 : i32
      %dma_wait3A_669 = tpu.memref_slice %arg11[%add3A_345, %dma_wait3A_668] : memref<10000x128xf32, #tpu.memory_space<vmem_shared>> -> memref<16x128xf32, #tpu.memory_space<vmem_shared>>
      %dma_wait3A_670 = arith.constant 0 : i32
      %dma_wait3A_671 = tpu.memref_slice %arg11[%add3A_345, %dma_wait3A_670] : memref<10000x128xf32, #tpu.memory_space<vmem_shared>> -> memref<16x128xf32, #tpu.memory_space<vmem_shared>>
      tpu.wait_dma2 semaphore(%run_scoped3A_663 : memref<!tpu.dma_semaphore, #tpu.memory_space<semaphore_mem>>) src(%arg10 : memref<16x128xf32, #tpu.memory_space<vmem>>) dst(%dma_wait3A_671 : memref<16x128xf32, #tpu.memory_space<vmem_shared>>)
      tpu.yield
    }) : () -> ()
    %add3A_346 = arith.constant 128 : i32
    %add3A_347 = arith.addi %mul3A_7, %add3A_346 : i32
    "tpu.region"() ({
      %run_scoped3A_663 = tpu.sem_alloc : memref<!tpu.dma_semaphore, #tpu.memory_space<semaphore_mem>>
      %dma_start3A_664 = arith.constant 0 : i32
      %dma_start3A_665 = tpu.memref_slice %arg11[%add3A_347, %dma_start3A_664] : memref<10000x128xf32, #tpu.memory_space<vmem_shared>> -> memref<16x128xf32, #tpu.memory_space<vmem_shared>>
      %dma_start3A_666 = arith.constant 0 : i32
      %dma_start3A_667 = tpu.memref_slice %arg11[%add3A_347, %dma_start3A_666] : memref<10000x128xf32, #tpu.memory_space<vmem_shared>> -> memref<16x128xf32, #tpu.memory_space<vmem_shared>>
      tpu.enqueue_dma source(%arg10 : memref<16x128xf32, #tpu.memory_space<vmem>>) target(%dma_start3A_667 : memref<16x128xf32, #tpu.memory_space<vmem_shared>>) target_semaphore(%run_scoped3A_663 : memref<!tpu.dma_semaphore, #tpu.memory_space<semaphore_mem>>)
      %dma_wait3A_668 = arith.constant 0 : i32
      %dma_wait3A_669 = tpu.memref_slice %arg11[%add3A_347, %dma_wait3A_668] : memref<10000x128xf32, #tpu.memory_space<vmem_shared>> -> memref<16x128xf32, #tpu.memory_space<vmem_shared>>
      %dma_wait3A_670 = arith.constant 0 : i32
      %dma_wait3A_671 = tpu.memref_slice %arg11[%add3A_347, %dma_wait3A_670] : memref<10000x128xf32, #tpu.memory_space<vmem_shared>> -> memref<16x128xf32, #tpu.memory_space<vmem_shared>>
      tpu.wait_dma2 semaphore(%run_scoped3A_663 : memref<!tpu.dma_semaphore, #tpu.memory_space<semaphore_mem>>) src(%arg10 : memref<16x128xf32, #tpu.memory_space<vmem>>) dst(%dma_wait3A_671 : memref<16x128xf32, #tpu.memory_space<vmem_shared>>)
      tpu.yield
    }) : () -> ()
    %add3A_348 = arith.constant 144 : i32
    %add3A_349 = arith.addi %mul3A_7, %add3A_348 : i32
    "tpu.region"() ({
      %run_scoped3A_663 = tpu.sem_alloc : memref<!tpu.dma_semaphore, #tpu.memory_space<semaphore_mem>>
      %dma_start3A_664 = arith.constant 0 : i32
      %dma_start3A_665 = tpu.memref_slice %arg11[%add3A_349, %dma_start3A_664] : memref<10000x128xf32, #tpu.memory_space<vmem_shared>> -> memref<16x128xf32, #tpu.memory_space<vmem_shared>>
      %dma_start3A_666 = arith.constant 0 : i32
      %dma_start3A_667 = tpu.memref_slice %arg11[%add3A_349, %dma_start3A_666] : memref<10000x128xf32, #tpu.memory_space<vmem_shared>> -> memref<16x128xf32, #tpu.memory_space<vmem_shared>>
      tpu.enqueue_dma source(%arg10 : memref<16x128xf32, #tpu.memory_space<vmem>>) target(%dma_start3A_667 : memref<16x128xf32, #tpu.memory_space<vmem_shared>>) target_semaphore(%run_scoped3A_663 : memref<!tpu.dma_semaphore, #tpu.memory_space<semaphore_mem>>)
      %dma_wait3A_668 = arith.constant 0 : i32
      %dma_wait3A_669 = tpu.memref_slice %arg11[%add3A_349, %dma_wait3A_668] : memref<10000x128xf32, #tpu.memory_space<vmem_shared>> -> memref<16x128xf32, #tpu.memory_space<vmem_shared>>
      %dma_wait3A_670 = arith.constant 0 : i32
      %dma_wait3A_671 = tpu.memref_slice %arg11[%add3A_349, %dma_wait3A_670] : memref<10000x128xf32, #tpu.memory_space<vmem_shared>> -> memref<16x128xf32, #tpu.memory_space<vmem_shared>>
      tpu.wait_dma2 semaphore(%run_scoped3A_663 : memref<!tpu.dma_semaphore, #tpu.memory_space<semaphore_mem>>) src(%arg10 : memref<16x128xf32, #tpu.memory_space<vmem>>) dst(%dma_wait3A_671 : memref<16x128xf32, #tpu.memory_space<vmem_shared>>)
      tpu.yield
    }) : () -> ()
    %add3A_350 = arith.constant 160 : i32
    %add3A_351 = arith.addi %mul3A_7, %add3A_350 : i32
    "tpu.region"() ({
      %run_scoped3A_663 = tpu.sem_alloc : memref<!tpu.dma_semaphore, #tpu.memory_space<semaphore_mem>>
      %dma_start3A_664 = arith.constant 0 : i32
      %dma_start3A_665 = tpu.memref_slice %arg11[%add3A_351, %dma_start3A_664] : memref<10000x128xf32, #tpu.memory_space<vmem_shared>> -> memref<16x128xf32, #tpu.memory_space<vmem_shared>>
      %dma_start3A_666 = arith.constant 0 : i32
      %dma_start3A_667 = tpu.memref_slice %arg11[%add3A_351, %dma_start3A_666] : memref<10000x128xf32, #tpu.memory_space<vmem_shared>> -> memref<16x128xf32, #tpu.memory_space<vmem_shared>>
      tpu.enqueue_dma source(%arg10 : memref<16x128xf32, #tpu.memory_space<vmem>>) target(%dma_start3A_667 : memref<16x128xf32, #tpu.memory_space<vmem_shared>>) target_semaphore(%run_scoped3A_663 : memref<!tpu.dma_semaphore, #tpu.memory_space<semaphore_mem>>)
      %dma_wait3A_668 = arith.constant 0 : i32
      %dma_wait3A_669 = tpu.memref_slice %arg11[%add3A_351, %dma_wait3A_668] : memref<10000x128xf32, #tpu.memory_space<vmem_shared>> -> memref<16x128xf32, #tpu.memory_space<vmem_shared>>
      %dma_wait3A_670 = arith.constant 0 : i32
      %dma_wait3A_671 = tpu.memref_slice %arg11[%add3A_351, %dma_wait3A_670] : memref<10000x128xf32, #tpu.memory_space<vmem_shared>> -> memref<16x128xf32, #tpu.memory_space<vmem_shared>>
      tpu.wait_dma2 semaphore(%run_scoped3A_663 : memref<!tpu.dma_semaphore, #tpu.memory_space<semaphore_mem>>) src(%arg10 : memref<16x128xf32, #tpu.memory_space<vmem>>) dst(%dma_wait3A_671 : memref<16x128xf32, #tpu.memory_space<vmem_shared>>)
      tpu.yield
    }) : () -> ()
    %add3A_352 = arith.constant 176 : i32
    %add3A_353 = arith.addi %mul3A_7, %add3A_352 : i32
    "tpu.region"() ({
      %run_scoped3A_663 = tpu.sem_alloc : memref<!tpu.dma_semaphore, #tpu.memory_space<semaphore_mem>>
      %dma_start3A_664 = arith.constant 0 : i32
      %dma_start3A_665 = tpu.memref_slice %arg11[%add3A_353, %dma_start3A_664] : memref<10000x128xf32, #tpu.memory_space<vmem_shared>> -> memref<16x128xf32, #tpu.memory_space<vmem_shared>>
      %dma_start3A_666 = arith.constant 0 : i32
      %dma_start3A_667 = tpu.memref_slice %arg11[%add3A_353, %dma_start3A_666] : memref<10000x128xf32, #tpu.memory_space<vmem_shared>> -> memref<16x128xf32, #tpu.memory_space<vmem_shared>>
      tpu.enqueue_dma source(%arg10 : memref<16x128xf32, #tpu.memory_space<vmem>>) target(%dma_start3A_667 : memref<16x128xf32, #tpu.memory_space<vmem_shared>>) target_semaphore(%run_scoped3A_663 : memref<!tpu.dma_semaphore, #tpu.memory_space<semaphore_mem>>)
      %dma_wait3A_668 = arith.constant 0 : i32
      %dma_wait3A_669 = tpu.memref_slice %arg11[%add3A_353, %dma_wait3A_668] : memref<10000x128xf32, #tpu.memory_space<vmem_shared>> -> memref<16x128xf32, #tpu.memory_space<vmem_shared>>
      %dma_wait3A_670 = arith.constant 0 : i32
      %dma_wait3A_671 = tpu.memref_slice %arg11[%add3A_353, %dma_wait3A_670] : memref<10000x128xf32, #tpu.memory_space<vmem_shared>> -> memref<16x128xf32, #tpu.memory_space<vmem_shared>>
      tpu.wait_dma2 semaphore(%run_scoped3A_663 : memref<!tpu.dma_semaphore, #tpu.memory_space<semaphore_mem>>) src(%arg10 : memref<16x128xf32, #tpu.memory_space<vmem>>) dst(%dma_wait3A_671 : memref<16x128xf32, #tpu.memory_space<vmem_shared>>)
      tpu.yield
    }) : () -> ()
    %add3A_354 = arith.constant 192 : i32
    %add3A_355 = arith.addi %mul3A_7, %add3A_354 : i32
    "tpu.region"() ({
      %run_scoped3A_663 = tpu.sem_alloc : memref<!tpu.dma_semaphore, #tpu.memory_space<semaphore_mem>>
      %dma_start3A_664 = arith.constant 0 : i32
      %dma_start3A_665 = tpu.memref_slice %arg11[%add3A_355, %dma_start3A_664] : memref<10000x128xf32, #tpu.memory_space<vmem_shared>> -> memref<16x128xf32, #tpu.memory_space<vmem_shared>>
      %dma_start3A_666 = arith.constant 0 : i32
      %dma_start3A_667 = tpu.memref_slice %arg11[%add3A_355, %dma_start3A_666] : memref<10000x128xf32, #tpu.memory_space<vmem_shared>> -> memref<16x128xf32, #tpu.memory_space<vmem_shared>>
      tpu.enqueue_dma source(%arg10 : memref<16x128xf32, #tpu.memory_space<vmem>>) target(%dma_start3A_667 : memref<16x128xf32, #tpu.memory_space<vmem_shared>>) target_semaphore(%run_scoped3A_663 : memref<!tpu.dma_semaphore, #tpu.memory_space<semaphore_mem>>)
      %dma_wait3A_668 = arith.constant 0 : i32
      %dma_wait3A_669 = tpu.memref_slice %arg11[%add3A_355, %dma_wait3A_668] : memref<10000x128xf32, #tpu.memory_space<vmem_shared>> -> memref<16x128xf32, #tpu.memory_space<vmem_shared>>
      %dma_wait3A_670 = arith.constant 0 : i32
      %dma_wait3A_671 = tpu.memref_slice %arg11[%add3A_355, %dma_wait3A_670] : memref<10000x128xf32, #tpu.memory_space<vmem_shared>> -> memref<16x128xf32, #tpu.memory_space<vmem_shared>>
      tpu.wait_dma2 semaphore(%run_scoped3A_663 : memref<!tpu.dma_semaphore, #tpu.memory_space<semaphore_mem>>) src(%arg10 : memref<16x128xf32, #tpu.memory_space<vmem>>) dst(%dma_wait3A_671 : memref<16x128xf32, #tpu.memory_space<vmem_shared>>)
      tpu.yield
    }) : () -> ()
    %add3A_356 = arith.constant 208 : i32
    %add3A_357 = arith.addi %mul3A_7, %add3A_356 : i32
    "tpu.region"() ({
      %run_scoped3A_663 = tpu.sem_alloc : memref<!tpu.dma_semaphore, #tpu.memory_space<semaphore_mem>>
      %dma_start3A_664 = arith.constant 0 : i32
      %dma_start3A_665 = tpu.memref_slice %arg11[%add3A_357, %dma_start3A_664] : memref<10000x128xf32, #tpu.memory_space<vmem_shared>> -> memref<16x128xf32, #tpu.memory_space<vmem_shared>>
      %dma_start3A_666 = arith.constant 0 : i32
      %dma_start3A_667 = tpu.memref_slice %arg11[%add3A_357, %dma_start3A_666] : memref<10000x128xf32, #tpu.memory_space<vmem_shared>> -> memref<16x128xf32, #tpu.memory_space<vmem_shared>>
      tpu.enqueue_dma source(%arg10 : memref<16x128xf32, #tpu.memory_space<vmem>>) target(%dma_start3A_667 : memref<16x128xf32, #tpu.memory_space<vmem_shared>>) target_semaphore(%run_scoped3A_663 : memref<!tpu.dma_semaphore, #tpu.memory_space<semaphore_mem>>)
      %dma_wait3A_668 = arith.constant 0 : i32
      %dma_wait3A_669 = tpu.memref_slice %arg11[%add3A_357, %dma_wait3A_668] : memref<10000x128xf32, #tpu.memory_space<vmem_shared>> -> memref<16x128xf32, #tpu.memory_space<vmem_shared>>
      %dma_wait3A_670 = arith.constant 0 : i32
      %dma_wait3A_671 = tpu.memref_slice %arg11[%add3A_357, %dma_wait3A_670] : memref<10000x128xf32, #tpu.memory_space<vmem_shared>> -> memref<16x128xf32, #tpu.memory_space<vmem_shared>>
      tpu.wait_dma2 semaphore(%run_scoped3A_663 : memref<!tpu.dma_semaphore, #tpu.memory_space<semaphore_mem>>) src(%arg10 : memref<16x128xf32, #tpu.memory_space<vmem>>) dst(%dma_wait3A_671 : memref<16x128xf32, #tpu.memory_space<vmem_shared>>)
      tpu.yield
    }) : () -> ()
    %add3A_358 = arith.constant 224 : i32
    %add3A_359 = arith.addi %mul3A_7, %add3A_358 : i32
    "tpu.region"() ({
      %run_scoped3A_663 = tpu.sem_alloc : memref<!tpu.dma_semaphore, #tpu.memory_space<semaphore_mem>>
      %dma_start3A_664 = arith.constant 0 : i32
      %dma_start3A_665 = tpu.memref_slice %arg11[%add3A_359, %dma_start3A_664] : memref<10000x128xf32, #tpu.memory_space<vmem_shared>> -> memref<16x128xf32, #tpu.memory_space<vmem_shared>>
      %dma_start3A_666 = arith.constant 0 : i32
      %dma_start3A_667 = tpu.memref_slice %arg11[%add3A_359, %dma_start3A_666] : memref<10000x128xf32, #tpu.memory_space<vmem_shared>> -> memref<16x128xf32, #tpu.memory_space<vmem_shared>>
      tpu.enqueue_dma source(%arg10 : memref<16x128xf32, #tpu.memory_space<vmem>>) target(%dma_start3A_667 : memref<16x128xf32, #tpu.memory_space<vmem_shared>>) target_semaphore(%run_scoped3A_663 : memref<!tpu.dma_semaphore, #tpu.memory_space<semaphore_mem>>)
      %dma_wait3A_668 = arith.constant 0 : i32
      %dma_wait3A_669 = tpu.memref_slice %arg11[%add3A_359, %dma_wait3A_668] : memref<10000x128xf32, #tpu.memory_space<vmem_shared>> -> memref<16x128xf32, #tpu.memory_space<vmem_shared>>
      %dma_wait3A_670 = arith.constant 0 : i32
      %dma_wait3A_671 = tpu.memref_slice %arg11[%add3A_359, %dma_wait3A_670] : memref<10000x128xf32, #tpu.memory_space<vmem_shared>> -> memref<16x128xf32, #tpu.memory_space<vmem_shared>>
      tpu.wait_dma2 semaphore(%run_scoped3A_663 : memref<!tpu.dma_semaphore, #tpu.memory_space<semaphore_mem>>) src(%arg10 : memref<16x128xf32, #tpu.memory_space<vmem>>) dst(%dma_wait3A_671 : memref<16x128xf32, #tpu.memory_space<vmem_shared>>)
      tpu.yield
    }) : () -> ()
    %add3A_360 = arith.constant 240 : i32
    %add3A_361 = arith.addi %mul3A_7, %add3A_360 : i32
    "tpu.region"() ({
      %run_scoped3A_663 = tpu.sem_alloc : memref<!tpu.dma_semaphore, #tpu.memory_space<semaphore_mem>>
      %dma_start3A_664 = arith.constant 0 : i32
      %dma_start3A_665 = tpu.memref_slice %arg11[%add3A_361, %dma_start3A_664] : memref<10000x128xf32, #tpu.memory_space<vmem_shared>> -> memref<16x128xf32, #tpu.memory_space<vmem_shared>>
      %dma_start3A_666 = arith.constant 0 : i32
      %dma_start3A_667 = tpu.memref_slice %arg11[%add3A_361, %dma_start3A_666] : memref<10000x128xf32, #tpu.memory_space<vmem_shared>> -> memref<16x128xf32, #tpu.memory_space<vmem_shared>>
      tpu.enqueue_dma source(%arg10 : memref<16x128xf32, #tpu.memory_space<vmem>>) target(%dma_start3A_667 : memref<16x128xf32, #tpu.memory_space<vmem_shared>>) target_semaphore(%run_scoped3A_663 : memref<!tpu.dma_semaphore, #tpu.memory_space<semaphore_mem>>)
      %dma_wait3A_668 = arith.constant 0 : i32
      %dma_wait3A_669 = tpu.memref_slice %arg11[%add3A_361, %dma_wait3A_668] : memref<10000x128xf32, #tpu.memory_space<vmem_shared>> -> memref<16x128xf32, #tpu.memory_space<vmem_shared>>
      %dma_wait3A_670 = arith.constant 0 : i32
      %dma_wait3A_671 = tpu.memref_slice %arg11[%add3A_361, %dma_wait3A_670] : memref<10000x128xf32, #tpu.memory_space<vmem_shared>> -> memref<16x128xf32, #tpu.memory_space<vmem_shared>>
      tpu.wait_dma2 semaphore(%run_scoped3A_663 : memref<!tpu.dma_semaphore, #tpu.memory_space<semaphore_mem>>) src(%arg10 : memref<16x128xf32, #tpu.memory_space<vmem>>) dst(%dma_wait3A_671 : memref<16x128xf32, #tpu.memory_space<vmem_shared>>)
      tpu.yield
    }) : () -> ()
    %add3A_362 = arith.constant 256 : i32
    %add3A_363 = arith.addi %mul3A_7, %add3A_362 : i32
    "tpu.region"() ({
      %run_scoped3A_663 = tpu.sem_alloc : memref<!tpu.dma_semaphore, #tpu.memory_space<semaphore_mem>>
      %dma_start3A_664 = arith.constant 0 : i32
      %dma_start3A_665 = tpu.memref_slice %arg11[%add3A_363, %dma_start3A_664] : memref<10000x128xf32, #tpu.memory_space<vmem_shared>> -> memref<16x128xf32, #tpu.memory_space<vmem_shared>>
      %dma_start3A_666 = arith.constant 0 : i32
      %dma_start3A_667 = tpu.memref_slice %arg11[%add3A_363, %dma_start3A_666] : memref<10000x128xf32, #tpu.memory_space<vmem_shared>> -> memref<16x128xf32, #tpu.memory_space<vmem_shared>>
      tpu.enqueue_dma source(%arg10 : memref<16x128xf32, #tpu.memory_space<vmem>>) target(%dma_start3A_667 : memref<16x128xf32, #tpu.memory_space<vmem_shared>>) target_semaphore(%run_scoped3A_663 : memref<!tpu.dma_semaphore, #tpu.memory_space<semaphore_mem>>)
      %dma_wait3A_668 = arith.constant 0 : i32
      %dma_wait3A_669 = tpu.memref_slice %arg11[%add3A_363, %dma_wait3A_668] : memref<10000x128xf32, #tpu.memory_space<vmem_shared>> -> memref<16x128xf32, #tpu.memory_space<vmem_shared>>
      %dma_wait3A_670 = arith.constant 0 : i32
      %dma_wait3A_671 = tpu.memref_slice %arg11[%add3A_363, %dma_wait3A_670] : memref<10000x128xf32, #tpu.memory_space<vmem_shared>> -> memref<16x128xf32, #tpu.memory_space<vmem_shared>>
      tpu.wait_dma2 semaphore(%run_scoped3A_663 : memref<!tpu.dma_semaphore, #tpu.memory_space<semaphore_mem>>) src(%arg10 : memref<16x128xf32, #tpu.memory_space<vmem>>) dst(%dma_wait3A_671 : memref<16x128xf32, #tpu.memory_space<vmem_shared>>)
      tpu.yield
    }) : () -> ()
    %add3A_364 = arith.constant 272 : i32
    %add3A_365 = arith.addi %mul3A_7, %add3A_364 : i32
    "tpu.region"() ({
      %run_scoped3A_663 = tpu.sem_alloc : memref<!tpu.dma_semaphore, #tpu.memory_space<semaphore_mem>>
      %dma_start3A_664 = arith.constant 0 : i32
      %dma_start3A_665 = tpu.memref_slice %arg11[%add3A_365, %dma_start3A_664] : memref<10000x128xf32, #tpu.memory_space<vmem_shared>> -> memref<16x128xf32, #tpu.memory_space<vmem_shared>>
      %dma_start3A_666 = arith.constant 0 : i32
      %dma_start3A_667 = tpu.memref_slice %arg11[%add3A_365, %dma_start3A_666] : memref<10000x128xf32, #tpu.memory_space<vmem_shared>> -> memref<16x128xf32, #tpu.memory_space<vmem_shared>>
      tpu.enqueue_dma source(%arg10 : memref<16x128xf32, #tpu.memory_space<vmem>>) target(%dma_start3A_667 : memref<16x128xf32, #tpu.memory_space<vmem_shared>>) target_semaphore(%run_scoped3A_663 : memref<!tpu.dma_semaphore, #tpu.memory_space<semaphore_mem>>)
      %dma_wait3A_668 = arith.constant 0 : i32
      %dma_wait3A_669 = tpu.memref_slice %arg11[%add3A_365, %dma_wait3A_668] : memref<10000x128xf32, #tpu.memory_space<vmem_shared>> -> memref<16x128xf32, #tpu.memory_space<vmem_shared>>
      %dma_wait3A_670 = arith.constant 0 : i32
      %dma_wait3A_671 = tpu.memref_slice %arg11[%add3A_365, %dma_wait3A_670] : memref<10000x128xf32, #tpu.memory_space<vmem_shared>> -> memref<16x128xf32, #tpu.memory_space<vmem_shared>>
      tpu.wait_dma2 semaphore(%run_scoped3A_663 : memref<!tpu.dma_semaphore, #tpu.memory_space<semaphore_mem>>) src(%arg10 : memref<16x128xf32, #tpu.memory_space<vmem>>) dst(%dma_wait3A_671 : memref<16x128xf32, #tpu.memory_space<vmem_shared>>)
      tpu.yield
    }) : () -> ()
    %add3A_366 = arith.constant 288 : i32
    %add3A_367 = arith.addi %mul3A_7, %add3A_366 : i32
    "tpu.region"() ({
      %run_scoped3A_663 = tpu.sem_alloc : memref<!tpu.dma_semaphore, #tpu.memory_space<semaphore_mem>>
      %dma_start3A_664 = arith.constant 0 : i32
      %dma_start3A_665 = tpu.memref_slice %arg11[%add3A_367, %dma_start3A_664] : memref<10000x128xf32, #tpu.memory_space<vmem_shared>> -> memref<16x128xf32, #tpu.memory_space<vmem_shared>>
      %dma_start3A_666 = arith.constant 0 : i32
      %dma_start3A_667 = tpu.memref_slice %arg11[%add3A_367, %dma_start3A_666] : memref<10000x128xf32, #tpu.memory_space<vmem_shared>> -> memref<16x128xf32, #tpu.memory_space<vmem_shared>>
      tpu.enqueue_dma source(%arg10 : memref<16x128xf32, #tpu.memory_space<vmem>>) target(%dma_start3A_667 : memref<16x128xf32, #tpu.memory_space<vmem_shared>>) target_semaphore(%run_scoped3A_663 : memref<!tpu.dma_semaphore, #tpu.memory_space<semaphore_mem>>)
      %dma_wait3A_668 = arith.constant 0 : i32
      %dma_wait3A_669 = tpu.memref_slice %arg11[%add3A_367, %dma_wait3A_668] : memref<10000x128xf32, #tpu.memory_space<vmem_shared>> -> memref<16x128xf32, #tpu.memory_space<vmem_shared>>
      %dma_wait3A_670 = arith.constant 0 : i32
      %dma_wait3A_671 = tpu.memref_slice %arg11[%add3A_367, %dma_wait3A_670] : memref<10000x128xf32, #tpu.memory_space<vmem_shared>> -> memref<16x128xf32, #tpu.memory_space<vmem_shared>>
      tpu.wait_dma2 semaphore(%run_scoped3A_663 : memref<!tpu.dma_semaphore, #tpu.memory_space<semaphore_mem>>) src(%arg10 : memref<16x128xf32, #tpu.memory_space<vmem>>) dst(%dma_wait3A_671 : memref<16x128xf32, #tpu.memory_space<vmem_shared>>)
      tpu.yield
    }) : () -> ()
    %add3A_368 = arith.constant 304 : i32
    %add3A_369 = arith.addi %mul3A_7, %add3A_368 : i32
    "tpu.region"() ({
      %run_scoped3A_663 = tpu.sem_alloc : memref<!tpu.dma_semaphore, #tpu.memory_space<semaphore_mem>>
      %dma_start3A_664 = arith.constant 0 : i32
      %dma_start3A_665 = tpu.memref_slice %arg11[%add3A_369, %dma_start3A_664] : memref<10000x128xf32, #tpu.memory_space<vmem_shared>> -> memref<16x128xf32, #tpu.memory_space<vmem_shared>>
      %dma_start3A_666 = arith.constant 0 : i32
      %dma_start3A_667 = tpu.memref_slice %arg11[%add3A_369, %dma_start3A_666] : memref<10000x128xf32, #tpu.memory_space<vmem_shared>> -> memref<16x128xf32, #tpu.memory_space<vmem_shared>>
      tpu.enqueue_dma source(%arg10 : memref<16x128xf32, #tpu.memory_space<vmem>>) target(%dma_start3A_667 : memref<16x128xf32, #tpu.memory_space<vmem_shared>>) target_semaphore(%run_scoped3A_663 : memref<!tpu.dma_semaphore, #tpu.memory_space<semaphore_mem>>)
      %dma_wait3A_668 = arith.constant 0 : i32
      %dma_wait3A_669 = tpu.memref_slice %arg11[%add3A_369, %dma_wait3A_668] : memref<10000x128xf32, #tpu.memory_space<vmem_shared>> -> memref<16x128xf32, #tpu.memory_space<vmem_shared>>
      %dma_wait3A_670 = arith.constant 0 : i32
      %dma_wait3A_671 = tpu.memref_slice %arg11[%add3A_369, %dma_wait3A_670] : memref<10000x128xf32, #tpu.memory_space<vmem_shared>> -> memref<16x128xf32, #tpu.memory_space<vmem_shared>>
      tpu.wait_dma2 semaphore(%run_scoped3A_663 : memref<!tpu.dma_semaphore, #tpu.memory_space<semaphore_mem>>) src(%arg10 : memref<16x128xf32, #tpu.memory_space<vmem>>) dst(%dma_wait3A_671 : memref<16x128xf32, #tpu.memory_space<vmem_shared>>)
      tpu.yield
    }) : () -> ()
    %add3A_370 = arith.constant 320 : i32
    %add3A_371 = arith.addi %mul3A_7, %add3A_370 : i32
    "tpu.region"() ({
      %run_scoped3A_663 = tpu.sem_alloc : memref<!tpu.dma_semaphore, #tpu.memory_space<semaphore_mem>>
      %dma_start3A_664 = arith.constant 0 : i32
      %dma_start3A_665 = tpu.memref_slice %arg11[%add3A_371, %dma_start3A_664] : memref<10000x128xf32, #tpu.memory_space<vmem_shared>> -> memref<16x128xf32, #tpu.memory_space<vmem_shared>>
      %dma_start3A_666 = arith.constant 0 : i32
      %dma_start3A_667 = tpu.memref_slice %arg11[%add3A_371, %dma_start3A_666] : memref<10000x128xf32, #tpu.memory_space<vmem_shared>> -> memref<16x128xf32, #tpu.memory_space<vmem_shared>>
      tpu.enqueue_dma source(%arg10 : memref<16x128xf32, #tpu.memory_space<vmem>>) target(%dma_start3A_667 : memref<16x128xf32, #tpu.memory_space<vmem_shared>>) target_semaphore(%run_scoped3A_663 : memref<!tpu.dma_semaphore, #tpu.memory_space<semaphore_mem>>)
      %dma_wait3A_668 = arith.constant 0 : i32
      %dma_wait3A_669 = tpu.memref_slice %arg11[%add3A_371, %dma_wait3A_668] : memref<10000x128xf32, #tpu.memory_space<vmem_shared>> -> memref<16x128xf32, #tpu.memory_space<vmem_shared>>
      %dma_wait3A_670 = arith.constant 0 : i32
      %dma_wait3A_671 = tpu.memref_slice %arg11[%add3A_371, %dma_wait3A_670] : memref<10000x128xf32, #tpu.memory_space<vmem_shared>> -> memref<16x128xf32, #tpu.memory_space<vmem_shared>>
      tpu.wait_dma2 semaphore(%run_scoped3A_663 : memref<!tpu.dma_semaphore, #tpu.memory_space<semaphore_mem>>) src(%arg10 : memref<16x128xf32, #tpu.memory_space<vmem>>) dst(%dma_wait3A_671 : memref<16x128xf32, #tpu.memory_space<vmem_shared>>)
      tpu.yield
    }) : () -> ()
    %add3A_372 = arith.constant 336 : i32
    %add3A_373 = arith.addi %mul3A_7, %add3A_372 : i32
    "tpu.region"() ({
      %run_scoped3A_663 = tpu.sem_alloc : memref<!tpu.dma_semaphore, #tpu.memory_space<semaphore_mem>>
      %dma_start3A_664 = arith.constant 0 : i32
      %dma_start3A_665 = tpu.memref_slice %arg11[%add3A_373, %dma_start3A_664] : memref<10000x128xf32, #tpu.memory_space<vmem_shared>> -> memref<16x128xf32, #tpu.memory_space<vmem_shared>>
      %dma_start3A_666 = arith.constant 0 : i32
      %dma_start3A_667 = tpu.memref_slice %arg11[%add3A_373, %dma_start3A_666] : memref<10000x128xf32, #tpu.memory_space<vmem_shared>> -> memref<16x128xf32, #tpu.memory_space<vmem_shared>>
      tpu.enqueue_dma source(%arg10 : memref<16x128xf32, #tpu.memory_space<vmem>>) target(%dma_start3A_667 : memref<16x128xf32, #tpu.memory_space<vmem_shared>>) target_semaphore(%run_scoped3A_663 : memref<!tpu.dma_semaphore, #tpu.memory_space<semaphore_mem>>)
      %dma_wait3A_668 = arith.constant 0 : i32
      %dma_wait3A_669 = tpu.memref_slice %arg11[%add3A_373, %dma_wait3A_668] : memref<10000x128xf32, #tpu.memory_space<vmem_shared>> -> memref<16x128xf32, #tpu.memory_space<vmem_shared>>
      %dma_wait3A_670 = arith.constant 0 : i32
      %dma_wait3A_671 = tpu.memref_slice %arg11[%add3A_373, %dma_wait3A_670] : memref<10000x128xf32, #tpu.memory_space<vmem_shared>> -> memref<16x128xf32, #tpu.memory_space<vmem_shared>>
      tpu.wait_dma2 semaphore(%run_scoped3A_663 : memref<!tpu.dma_semaphore, #tpu.memory_space<semaphore_mem>>) src(%arg10 : memref<16x128xf32, #tpu.memory_space<vmem>>) dst(%dma_wait3A_671 : memref<16x128xf32, #tpu.memory_space<vmem_shared>>)
      tpu.yield
    }) : () -> ()
    %add3A_374 = arith.constant 352 : i32
    %add3A_375 = arith.addi %mul3A_7, %add3A_374 : i32
    "tpu.region"() ({
      %run_scoped3A_663 = tpu.sem_alloc : memref<!tpu.dma_semaphore, #tpu.memory_space<semaphore_mem>>
      %dma_start3A_664 = arith.constant 0 : i32
      %dma_start3A_665 = tpu.memref_slice %arg11[%add3A_375, %dma_start3A_664] : memref<10000x128xf32, #tpu.memory_space<vmem_shared>> -> memref<16x128xf32, #tpu.memory_space<vmem_shared>>
      %dma_start3A_666 = arith.constant 0 : i32
      %dma_start3A_667 = tpu.memref_slice %arg11[%add3A_375, %dma_start3A_666] : memref<10000x128xf32, #tpu.memory_space<vmem_shared>> -> memref<16x128xf32, #tpu.memory_space<vmem_shared>>
      tpu.enqueue_dma source(%arg10 : memref<16x128xf32, #tpu.memory_space<vmem>>) target(%dma_start3A_667 : memref<16x128xf32, #tpu.memory_space<vmem_shared>>) target_semaphore(%run_scoped3A_663 : memref<!tpu.dma_semaphore, #tpu.memory_space<semaphore_mem>>)
      %dma_wait3A_668 = arith.constant 0 : i32
      %dma_wait3A_669 = tpu.memref_slice %arg11[%add3A_375, %dma_wait3A_668] : memref<10000x128xf32, #tpu.memory_space<vmem_shared>> -> memref<16x128xf32, #tpu.memory_space<vmem_shared>>
      %dma_wait3A_670 = arith.constant 0 : i32
      %dma_wait3A_671 = tpu.memref_slice %arg11[%add3A_375, %dma_wait3A_670] : memref<10000x128xf32, #tpu.memory_space<vmem_shared>> -> memref<16x128xf32, #tpu.memory_space<vmem_shared>>
      tpu.wait_dma2 semaphore(%run_scoped3A_663 : memref<!tpu.dma_semaphore, #tpu.memory_space<semaphore_mem>>) src(%arg10 : memref<16x128xf32, #tpu.memory_space<vmem>>) dst(%dma_wait3A_671 : memref<16x128xf32, #tpu.memory_space<vmem_shared>>)
      tpu.yield
    }) : () -> ()
    %add3A_376 = arith.constant 368 : i32
    %add3A_377 = arith.addi %mul3A_7, %add3A_376 : i32
    "tpu.region"() ({
      %run_scoped3A_663 = tpu.sem_alloc : memref<!tpu.dma_semaphore, #tpu.memory_space<semaphore_mem>>
      %dma_start3A_664 = arith.constant 0 : i32
      %dma_start3A_665 = tpu.memref_slice %arg11[%add3A_377, %dma_start3A_664] : memref<10000x128xf32, #tpu.memory_space<vmem_shared>> -> memref<16x128xf32, #tpu.memory_space<vmem_shared>>
      %dma_start3A_666 = arith.constant 0 : i32
      %dma_start3A_667 = tpu.memref_slice %arg11[%add3A_377, %dma_start3A_666] : memref<10000x128xf32, #tpu.memory_space<vmem_shared>> -> memref<16x128xf32, #tpu.memory_space<vmem_shared>>
      tpu.enqueue_dma source(%arg10 : memref<16x128xf32, #tpu.memory_space<vmem>>) target(%dma_start3A_667 : memref<16x128xf32, #tpu.memory_space<vmem_shared>>) target_semaphore(%run_scoped3A_663 : memref<!tpu.dma_semaphore, #tpu.memory_space<semaphore_mem>>)
      %dma_wait3A_668 = arith.constant 0 : i32
      %dma_wait3A_669 = tpu.memref_slice %arg11[%add3A_377, %dma_wait3A_668] : memref<10000x128xf32, #tpu.memory_space<vmem_shared>> -> memref<16x128xf32, #tpu.memory_space<vmem_shared>>
      %dma_wait3A_670 = arith.constant 0 : i32
      %dma_wait3A_671 = tpu.memref_slice %arg11[%add3A_377, %dma_wait3A_670] : memref<10000x128xf32, #tpu.memory_space<vmem_shared>> -> memref<16x128xf32, #tpu.memory_space<vmem_shared>>
      tpu.wait_dma2 semaphore(%run_scoped3A_663 : memref<!tpu.dma_semaphore, #tpu.memory_space<semaphore_mem>>) src(%arg10 : memref<16x128xf32, #tpu.memory_space<vmem>>) dst(%dma_wait3A_671 : memref<16x128xf32, #tpu.memory_space<vmem_shared>>)
      tpu.yield
    }) : () -> ()
    %add3A_378 = arith.constant 384 : i32
    %add3A_379 = arith.addi %mul3A_7, %add3A_378 : i32
    "tpu.region"() ({
      %run_scoped3A_663 = tpu.sem_alloc : memref<!tpu.dma_semaphore, #tpu.memory_space<semaphore_mem>>
      %dma_start3A_664 = arith.constant 0 : i32
      %dma_start3A_665 = tpu.memref_slice %arg11[%add3A_379, %dma_start3A_664] : memref<10000x128xf32, #tpu.memory_space<vmem_shared>> -> memref<16x128xf32, #tpu.memory_space<vmem_shared>>
      %dma_start3A_666 = arith.constant 0 : i32
      %dma_start3A_667 = tpu.memref_slice %arg11[%add3A_379, %dma_start3A_666] : memref<10000x128xf32, #tpu.memory_space<vmem_shared>> -> memref<16x128xf32, #tpu.memory_space<vmem_shared>>
      tpu.enqueue_dma source(%arg10 : memref<16x128xf32, #tpu.memory_space<vmem>>) target(%dma_start3A_667 : memref<16x128xf32, #tpu.memory_space<vmem_shared>>) target_semaphore(%run_scoped3A_663 : memref<!tpu.dma_semaphore, #tpu.memory_space<semaphore_mem>>)
      %dma_wait3A_668 = arith.constant 0 : i32
      %dma_wait3A_669 = tpu.memref_slice %arg11[%add3A_379, %dma_wait3A_668] : memref<10000x128xf32, #tpu.memory_space<vmem_shared>> -> memref<16x128xf32, #tpu.memory_space<vmem_shared>>
      %dma_wait3A_670 = arith.constant 0 : i32
      %dma_wait3A_671 = tpu.memref_slice %arg11[%add3A_379, %dma_wait3A_670] : memref<10000x128xf32, #tpu.memory_space<vmem_shared>> -> memref<16x128xf32, #tpu.memory_space<vmem_shared>>
      tpu.wait_dma2 semaphore(%run_scoped3A_663 : memref<!tpu.dma_semaphore, #tpu.memory_space<semaphore_mem>>) src(%arg10 : memref<16x128xf32, #tpu.memory_space<vmem>>) dst(%dma_wait3A_671 : memref<16x128xf32, #tpu.memory_space<vmem_shared>>)
      tpu.yield
    }) : () -> ()
    %add3A_380 = arith.constant 400 : i32
    %add3A_381 = arith.addi %mul3A_7, %add3A_380 : i32
    "tpu.region"() ({
      %run_scoped3A_663 = tpu.sem_alloc : memref<!tpu.dma_semaphore, #tpu.memory_space<semaphore_mem>>
      %dma_start3A_664 = arith.constant 0 : i32
      %dma_start3A_665 = tpu.memref_slice %arg11[%add3A_381, %dma_start3A_664] : memref<10000x128xf32, #tpu.memory_space<vmem_shared>> -> memref<16x128xf32, #tpu.memory_space<vmem_shared>>
      %dma_start3A_666 = arith.constant 0 : i32
      %dma_start3A_667 = tpu.memref_slice %arg11[%add3A_381, %dma_start3A_666] : memref<10000x128xf32, #tpu.memory_space<vmem_shared>> -> memref<16x128xf32, #tpu.memory_space<vmem_shared>>
      tpu.enqueue_dma source(%arg10 : memref<16x128xf32, #tpu.memory_space<vmem>>) target(%dma_start3A_667 : memref<16x128xf32, #tpu.memory_space<vmem_shared>>) target_semaphore(%run_scoped3A_663 : memref<!tpu.dma_semaphore, #tpu.memory_space<semaphore_mem>>)
      %dma_wait3A_668 = arith.constant 0 : i32
      %dma_wait3A_669 = tpu.memref_slice %arg11[%add3A_381, %dma_wait3A_668] : memref<10000x128xf32, #tpu.memory_space<vmem_shared>> -> memref<16x128xf32, #tpu.memory_space<vmem_shared>>
      %dma_wait3A_670 = arith.constant 0 : i32
      %dma_wait3A_671 = tpu.memref_slice %arg11[%add3A_381, %dma_wait3A_670] : memref<10000x128xf32, #tpu.memory_space<vmem_shared>> -> memref<16x128xf32, #tpu.memory_space<vmem_shared>>
      tpu.wait_dma2 semaphore(%run_scoped3A_663 : memref<!tpu.dma_semaphore, #tpu.memory_space<semaphore_mem>>) src(%arg10 : memref<16x128xf32, #tpu.memory_space<vmem>>) dst(%dma_wait3A_671 : memref<16x128xf32, #tpu.memory_space<vmem_shared>>)
      tpu.yield
    }) : () -> ()
    %add3A_382 = arith.constant 416 : i32
    %add3A_383 = arith.addi %mul3A_7, %add3A_382 : i32
    "tpu.region"() ({
      %run_scoped3A_663 = tpu.sem_alloc : memref<!tpu.dma_semaphore, #tpu.memory_space<semaphore_mem>>
      %dma_start3A_664 = arith.constant 0 : i32
      %dma_start3A_665 = tpu.memref_slice %arg11[%add3A_383, %dma_start3A_664] : memref<10000x128xf32, #tpu.memory_space<vmem_shared>> -> memref<16x128xf32, #tpu.memory_space<vmem_shared>>
      %dma_start3A_666 = arith.constant 0 : i32
      %dma_start3A_667 = tpu.memref_slice %arg11[%add3A_383, %dma_start3A_666] : memref<10000x128xf32, #tpu.memory_space<vmem_shared>> -> memref<16x128xf32, #tpu.memory_space<vmem_shared>>
      tpu.enqueue_dma source(%arg10 : memref<16x128xf32, #tpu.memory_space<vmem>>) target(%dma_start3A_667 : memref<16x128xf32, #tpu.memory_space<vmem_shared>>) target_semaphore(%run_scoped3A_663 : memref<!tpu.dma_semaphore, #tpu.memory_space<semaphore_mem>>)
      %dma_wait3A_668 = arith.constant 0 : i32
      %dma_wait3A_669 = tpu.memref_slice %arg11[%add3A_383, %dma_wait3A_668] : memref<10000x128xf32, #tpu.memory_space<vmem_shared>> -> memref<16x128xf32, #tpu.memory_space<vmem_shared>>
      %dma_wait3A_670 = arith.constant 0 : i32
      %dma_wait3A_671 = tpu.memref_slice %arg11[%add3A_383, %dma_wait3A_670] : memref<10000x128xf32, #tpu.memory_space<vmem_shared>> -> memref<16x128xf32, #tpu.memory_space<vmem_shared>>
      tpu.wait_dma2 semaphore(%run_scoped3A_663 : memref<!tpu.dma_semaphore, #tpu.memory_space<semaphore_mem>>) src(%arg10 : memref<16x128xf32, #tpu.memory_space<vmem>>) dst(%dma_wait3A_671 : memref<16x128xf32, #tpu.memory_space<vmem_shared>>)
      tpu.yield
    }) : () -> ()
    %add3A_384 = arith.constant 432 : i32
    %add3A_385 = arith.addi %mul3A_7, %add3A_384 : i32
    "tpu.region"() ({
      %run_scoped3A_663 = tpu.sem_alloc : memref<!tpu.dma_semaphore, #tpu.memory_space<semaphore_mem>>
      %dma_start3A_664 = arith.constant 0 : i32
      %dma_start3A_665 = tpu.memref_slice %arg11[%add3A_385, %dma_start3A_664] : memref<10000x128xf32, #tpu.memory_space<vmem_shared>> -> memref<16x128xf32, #tpu.memory_space<vmem_shared>>
      %dma_start3A_666 = arith.constant 0 : i32
      %dma_start3A_667 = tpu.memref_slice %arg11[%add3A_385, %dma_start3A_666] : memref<10000x128xf32, #tpu.memory_space<vmem_shared>> -> memref<16x128xf32, #tpu.memory_space<vmem_shared>>
      tpu.enqueue_dma source(%arg10 : memref<16x128xf32, #tpu.memory_space<vmem>>) target(%dma_start3A_667 : memref<16x128xf32, #tpu.memory_space<vmem_shared>>) target_semaphore(%run_scoped3A_663 : memref<!tpu.dma_semaphore, #tpu.memory_space<semaphore_mem>>)
      %dma_wait3A_668 = arith.constant 0 : i32
      %dma_wait3A_669 = tpu.memref_slice %arg11[%add3A_385, %dma_wait3A_668] : memref<10000x128xf32, #tpu.memory_space<vmem_shared>> -> memref<16x128xf32, #tpu.memory_space<vmem_shared>>
      %dma_wait3A_670 = arith.constant 0 : i32
      %dma_wait3A_671 = tpu.memref_slice %arg11[%add3A_385, %dma_wait3A_670] : memref<10000x128xf32, #tpu.memory_space<vmem_shared>> -> memref<16x128xf32, #tpu.memory_space<vmem_shared>>
      tpu.wait_dma2 semaphore(%run_scoped3A_663 : memref<!tpu.dma_semaphore, #tpu.memory_space<semaphore_mem>>) src(%arg10 : memref<16x128xf32, #tpu.memory_space<vmem>>) dst(%dma_wait3A_671 : memref<16x128xf32, #tpu.memory_space<vmem_shared>>)
      tpu.yield
    }) : () -> ()
    %add3A_386 = arith.constant 448 : i32
    %add3A_387 = arith.addi %mul3A_7, %add3A_386 : i32
    "tpu.region"() ({
      %run_scoped3A_663 = tpu.sem_alloc : memref<!tpu.dma_semaphore, #tpu.memory_space<semaphore_mem>>
      %dma_start3A_664 = arith.constant 0 : i32
      %dma_start3A_665 = tpu.memref_slice %arg11[%add3A_387, %dma_start3A_664] : memref<10000x128xf32, #tpu.memory_space<vmem_shared>> -> memref<16x128xf32, #tpu.memory_space<vmem_shared>>
      %dma_start3A_666 = arith.constant 0 : i32
      %dma_start3A_667 = tpu.memref_slice %arg11[%add3A_387, %dma_start3A_666] : memref<10000x128xf32, #tpu.memory_space<vmem_shared>> -> memref<16x128xf32, #tpu.memory_space<vmem_shared>>
      tpu.enqueue_dma source(%arg10 : memref<16x128xf32, #tpu.memory_space<vmem>>) target(%dma_start3A_667 : memref<16x128xf32, #tpu.memory_space<vmem_shared>>) target_semaphore(%run_scoped3A_663 : memref<!tpu.dma_semaphore, #tpu.memory_space<semaphore_mem>>)
      %dma_wait3A_668 = arith.constant 0 : i32
      %dma_wait3A_669 = tpu.memref_slice %arg11[%add3A_387, %dma_wait3A_668] : memref<10000x128xf32, #tpu.memory_space<vmem_shared>> -> memref<16x128xf32, #tpu.memory_space<vmem_shared>>
      %dma_wait3A_670 = arith.constant 0 : i32
      %dma_wait3A_671 = tpu.memref_slice %arg11[%add3A_387, %dma_wait3A_670] : memref<10000x128xf32, #tpu.memory_space<vmem_shared>> -> memref<16x128xf32, #tpu.memory_space<vmem_shared>>
      tpu.wait_dma2 semaphore(%run_scoped3A_663 : memref<!tpu.dma_semaphore, #tpu.memory_space<semaphore_mem>>) src(%arg10 : memref<16x128xf32, #tpu.memory_space<vmem>>) dst(%dma_wait3A_671 : memref<16x128xf32, #tpu.memory_space<vmem_shared>>)
      tpu.yield
    }) : () -> ()
    %add3A_388 = arith.constant 464 : i32
    %add3A_389 = arith.addi %mul3A_7, %add3A_388 : i32
    "tpu.region"() ({
      %run_scoped3A_663 = tpu.sem_alloc : memref<!tpu.dma_semaphore, #tpu.memory_space<semaphore_mem>>
      %dma_start3A_664 = arith.constant 0 : i32
      %dma_start3A_665 = tpu.memref_slice %arg11[%add3A_389, %dma_start3A_664] : memref<10000x128xf32, #tpu.memory_space<vmem_shared>> -> memref<16x128xf32, #tpu.memory_space<vmem_shared>>
      %dma_start3A_666 = arith.constant 0 : i32
      %dma_start3A_667 = tpu.memref_slice %arg11[%add3A_389, %dma_start3A_666] : memref<10000x128xf32, #tpu.memory_space<vmem_shared>> -> memref<16x128xf32, #tpu.memory_space<vmem_shared>>
      tpu.enqueue_dma source(%arg10 : memref<16x128xf32, #tpu.memory_space<vmem>>) target(%dma_start3A_667 : memref<16x128xf32, #tpu.memory_space<vmem_shared>>) target_semaphore(%run_scoped3A_663 : memref<!tpu.dma_semaphore, #tpu.memory_space<semaphore_mem>>)
      %dma_wait3A_668 = arith.constant 0 : i32
      %dma_wait3A_669 = tpu.memref_slice %arg11[%add3A_389, %dma_wait3A_668] : memref<10000x128xf32, #tpu.memory_space<vmem_shared>> -> memref<16x128xf32, #tpu.memory_space<vmem_shared>>
      %dma_wait3A_670 = arith.constant 0 : i32
      %dma_wait3A_671 = tpu.memref_slice %arg11[%add3A_389, %dma_wait3A_670] : memref<10000x128xf32, #tpu.memory_space<vmem_shared>> -> memref<16x128xf32, #tpu.memory_space<vmem_shared>>
      tpu.wait_dma2 semaphore(%run_scoped3A_663 : memref<!tpu.dma_semaphore, #tpu.memory_space<semaphore_mem>>) src(%arg10 : memref<16x128xf32, #tpu.memory_space<vmem>>) dst(%dma_wait3A_671 : memref<16x128xf32, #tpu.memory_space<vmem_shared>>)
      tpu.yield
    }) : () -> ()
    %add3A_390 = arith.constant 480 : i32
    %add3A_391 = arith.addi %mul3A_7, %add3A_390 : i32
    "tpu.region"() ({
      %run_scoped3A_663 = tpu.sem_alloc : memref<!tpu.dma_semaphore, #tpu.memory_space<semaphore_mem>>
      %dma_start3A_664 = arith.constant 0 : i32
      %dma_start3A_665 = tpu.memref_slice %arg11[%add3A_391, %dma_start3A_664] : memref<10000x128xf32, #tpu.memory_space<vmem_shared>> -> memref<16x128xf32, #tpu.memory_space<vmem_shared>>
      %dma_start3A_666 = arith.constant 0 : i32
      %dma_start3A_667 = tpu.memref_slice %arg11[%add3A_391, %dma_start3A_666] : memref<10000x128xf32, #tpu.memory_space<vmem_shared>> -> memref<16x128xf32, #tpu.memory_space<vmem_shared>>
      tpu.enqueue_dma source(%arg10 : memref<16x128xf32, #tpu.memory_space<vmem>>) target(%dma_start3A_667 : memref<16x128xf32, #tpu.memory_space<vmem_shared>>) target_semaphore(%run_scoped3A_663 : memref<!tpu.dma_semaphore, #tpu.memory_space<semaphore_mem>>)
      %dma_wait3A_668 = arith.constant 0 : i32
      %dma_wait3A_669 = tpu.memref_slice %arg11[%add3A_391, %dma_wait3A_668] : memref<10000x128xf32, #tpu.memory_space<vmem_shared>> -> memref<16x128xf32, #tpu.memory_space<vmem_shared>>
      %dma_wait3A_670 = arith.constant 0 : i32
      %dma_wait3A_671 = tpu.memref_slice %arg11[%add3A_391, %dma_wait3A_670] : memref<10000x128xf32, #tpu.memory_space<vmem_shared>> -> memref<16x128xf32, #tpu.memory_space<vmem_shared>>
      tpu.wait_dma2 semaphore(%run_scoped3A_663 : memref<!tpu.dma_semaphore, #tpu.memory_space<semaphore_mem>>) src(%arg10 : memref<16x128xf32, #tpu.memory_space<vmem>>) dst(%dma_wait3A_671 : memref<16x128xf32, #tpu.memory_space<vmem_shared>>)
      tpu.yield
    }) : () -> ()
    %add3A_392 = arith.constant 496 : i32
    %add3A_393 = arith.addi %mul3A_7, %add3A_392 : i32
    "tpu.region"() ({
      %run_scoped3A_663 = tpu.sem_alloc : memref<!tpu.dma_semaphore, #tpu.memory_space<semaphore_mem>>
      %dma_start3A_664 = arith.constant 0 : i32
      %dma_start3A_665 = tpu.memref_slice %arg11[%add3A_393, %dma_start3A_664] : memref<10000x128xf32, #tpu.memory_space<vmem_shared>> -> memref<16x128xf32, #tpu.memory_space<vmem_shared>>
      %dma_start3A_666 = arith.constant 0 : i32
      %dma_start3A_667 = tpu.memref_slice %arg11[%add3A_393, %dma_start3A_666] : memref<10000x128xf32, #tpu.memory_space<vmem_shared>> -> memref<16x128xf32, #tpu.memory_space<vmem_shared>>
      tpu.enqueue_dma source(%arg10 : memref<16x128xf32, #tpu.memory_space<vmem>>) target(%dma_start3A_667 : memref<16x128xf32, #tpu.memory_space<vmem_shared>>) target_semaphore(%run_scoped3A_663 : memref<!tpu.dma_semaphore, #tpu.memory_space<semaphore_mem>>)
      %dma_wait3A_668 = arith.constant 0 : i32
      %dma_wait3A_669 = tpu.memref_slice %arg11[%add3A_393, %dma_wait3A_668] : memref<10000x128xf32, #tpu.memory_space<vmem_shared>> -> memref<16x128xf32, #tpu.memory_space<vmem_shared>>
      %dma_wait3A_670 = arith.constant 0 : i32
      %dma_wait3A_671 = tpu.memref_slice %arg11[%add3A_393, %dma_wait3A_670] : memref<10000x128xf32, #tpu.memory_space<vmem_shared>> -> memref<16x128xf32, #tpu.memory_space<vmem_shared>>
      tpu.wait_dma2 semaphore(%run_scoped3A_663 : memref<!tpu.dma_semaphore, #tpu.memory_space<semaphore_mem>>) src(%arg10 : memref<16x128xf32, #tpu.memory_space<vmem>>) dst(%dma_wait3A_671 : memref<16x128xf32, #tpu.memory_space<vmem_shared>>)
      tpu.yield
    }) : () -> ()
    %add3A_394 = arith.constant 512 : i32
    %add3A_395 = arith.addi %mul3A_7, %add3A_394 : i32
    "tpu.region"() ({
      %run_scoped3A_663 = tpu.sem_alloc : memref<!tpu.dma_semaphore, #tpu.memory_space<semaphore_mem>>
      %dma_start3A_664 = arith.constant 0 : i32
      %dma_start3A_665 = tpu.memref_slice %arg11[%add3A_395, %dma_start3A_664] : memref<10000x128xf32, #tpu.memory_space<vmem_shared>> -> memref<16x128xf32, #tpu.memory_space<vmem_shared>>
      %dma_start3A_666 = arith.constant 0 : i32
      %dma_start3A_667 = tpu.memref_slice %arg11[%add3A_395, %dma_start3A_666] : memref<10000x128xf32, #tpu.memory_space<vmem_shared>> -> memref<16x128xf32, #tpu.memory_space<vmem_shared>>
      tpu.enqueue_dma source(%arg10 : memref<16x128xf32, #tpu.memory_space<vmem>>) target(%dma_start3A_667 : memref<16x128xf32, #tpu.memory_space<vmem_shared>>) target_semaphore(%run_scoped3A_663 : memref<!tpu.dma_semaphore, #tpu.memory_space<semaphore_mem>>)
      %dma_wait3A_668 = arith.constant 0 : i32
      %dma_wait3A_669 = tpu.memref_slice %arg11[%add3A_395, %dma_wait3A_668] : memref<10000x128xf32, #tpu.memory_space<vmem_shared>> -> memref<16x128xf32, #tpu.memory_space<vmem_shared>>
      %dma_wait3A_670 = arith.constant 0 : i32
      %dma_wait3A_671 = tpu.memref_slice %arg11[%add3A_395, %dma_wait3A_670] : memref<10000x128xf32, #tpu.memory_space<vmem_shared>> -> memref<16x128xf32, #tpu.memory_space<vmem_shared>>
      tpu.wait_dma2 semaphore(%run_scoped3A_663 : memref<!tpu.dma_semaphore, #tpu.memory_space<semaphore_mem>>) src(%arg10 : memref<16x128xf32, #tpu.memory_space<vmem>>) dst(%dma_wait3A_671 : memref<16x128xf32, #tpu.memory_space<vmem_shared>>)
      tpu.yield
    }) : () -> ()
    %add3A_396 = arith.constant 528 : i32
    %add3A_397 = arith.addi %mul3A_7, %add3A_396 : i32
    "tpu.region"() ({
      %run_scoped3A_663 = tpu.sem_alloc : memref<!tpu.dma_semaphore, #tpu.memory_space<semaphore_mem>>
      %dma_start3A_664 = arith.constant 0 : i32
      %dma_start3A_665 = tpu.memref_slice %arg11[%add3A_397, %dma_start3A_664] : memref<10000x128xf32, #tpu.memory_space<vmem_shared>> -> memref<16x128xf32, #tpu.memory_space<vmem_shared>>
      %dma_start3A_666 = arith.constant 0 : i32
      %dma_start3A_667 = tpu.memref_slice %arg11[%add3A_397, %dma_start3A_666] : memref<10000x128xf32, #tpu.memory_space<vmem_shared>> -> memref<16x128xf32, #tpu.memory_space<vmem_shared>>
      tpu.enqueue_dma source(%arg10 : memref<16x128xf32, #tpu.memory_space<vmem>>) target(%dma_start3A_667 : memref<16x128xf32, #tpu.memory_space<vmem_shared>>) target_semaphore(%run_scoped3A_663 : memref<!tpu.dma_semaphore, #tpu.memory_space<semaphore_mem>>)
      %dma_wait3A_668 = arith.constant 0 : i32
      %dma_wait3A_669 = tpu.memref_slice %arg11[%add3A_397, %dma_wait3A_668] : memref<10000x128xf32, #tpu.memory_space<vmem_shared>> -> memref<16x128xf32, #tpu.memory_space<vmem_shared>>
      %dma_wait3A_670 = arith.constant 0 : i32
      %dma_wait3A_671 = tpu.memref_slice %arg11[%add3A_397, %dma_wait3A_670] : memref<10000x128xf32, #tpu.memory_space<vmem_shared>> -> memref<16x128xf32, #tpu.memory_space<vmem_shared>>
      tpu.wait_dma2 semaphore(%run_scoped3A_663 : memref<!tpu.dma_semaphore, #tpu.memory_space<semaphore_mem>>) src(%arg10 : memref<16x128xf32, #tpu.memory_space<vmem>>) dst(%dma_wait3A_671 : memref<16x128xf32, #tpu.memory_space<vmem_shared>>)
      tpu.yield
    }) : () -> ()
    %add3A_398 = arith.constant 544 : i32
    %add3A_399 = arith.addi %mul3A_7, %add3A_398 : i32
    "tpu.region"() ({
      %run_scoped3A_663 = tpu.sem_alloc : memref<!tpu.dma_semaphore, #tpu.memory_space<semaphore_mem>>
      %dma_start3A_664 = arith.constant 0 : i32
      %dma_start3A_665 = tpu.memref_slice %arg11[%add3A_399, %dma_start3A_664] : memref<10000x128xf32, #tpu.memory_space<vmem_shared>> -> memref<16x128xf32, #tpu.memory_space<vmem_shared>>
      %dma_start3A_666 = arith.constant 0 : i32
      %dma_start3A_667 = tpu.memref_slice %arg11[%add3A_399, %dma_start3A_666] : memref<10000x128xf32, #tpu.memory_space<vmem_shared>> -> memref<16x128xf32, #tpu.memory_space<vmem_shared>>
      tpu.enqueue_dma source(%arg10 : memref<16x128xf32, #tpu.memory_space<vmem>>) target(%dma_start3A_667 : memref<16x128xf32, #tpu.memory_space<vmem_shared>>) target_semaphore(%run_scoped3A_663 : memref<!tpu.dma_semaphore, #tpu.memory_space<semaphore_mem>>)
      %dma_wait3A_668 = arith.constant 0 : i32
      %dma_wait3A_669 = tpu.memref_slice %arg11[%add3A_399, %dma_wait3A_668] : memref<10000x128xf32, #tpu.memory_space<vmem_shared>> -> memref<16x128xf32, #tpu.memory_space<vmem_shared>>
      %dma_wait3A_670 = arith.constant 0 : i32
      %dma_wait3A_671 = tpu.memref_slice %arg11[%add3A_399, %dma_wait3A_670] : memref<10000x128xf32, #tpu.memory_space<vmem_shared>> -> memref<16x128xf32, #tpu.memory_space<vmem_shared>>
      tpu.wait_dma2 semaphore(%run_scoped3A_663 : memref<!tpu.dma_semaphore, #tpu.memory_space<semaphore_mem>>) src(%arg10 : memref<16x128xf32, #tpu.memory_space<vmem>>) dst(%dma_wait3A_671 : memref<16x128xf32, #tpu.memory_space<vmem_shared>>)
      tpu.yield
    }) : () -> ()
    %add3A_400 = arith.constant 560 : i32
    %add3A_401 = arith.addi %mul3A_7, %add3A_400 : i32
    "tpu.region"() ({
      %run_scoped3A_663 = tpu.sem_alloc : memref<!tpu.dma_semaphore, #tpu.memory_space<semaphore_mem>>
      %dma_start3A_664 = arith.constant 0 : i32
      %dma_start3A_665 = tpu.memref_slice %arg11[%add3A_401, %dma_start3A_664] : memref<10000x128xf32, #tpu.memory_space<vmem_shared>> -> memref<16x128xf32, #tpu.memory_space<vmem_shared>>
      %dma_start3A_666 = arith.constant 0 : i32
      %dma_start3A_667 = tpu.memref_slice %arg11[%add3A_401, %dma_start3A_666] : memref<10000x128xf32, #tpu.memory_space<vmem_shared>> -> memref<16x128xf32, #tpu.memory_space<vmem_shared>>
      tpu.enqueue_dma source(%arg10 : memref<16x128xf32, #tpu.memory_space<vmem>>) target(%dma_start3A_667 : memref<16x128xf32, #tpu.memory_space<vmem_shared>>) target_semaphore(%run_scoped3A_663 : memref<!tpu.dma_semaphore, #tpu.memory_space<semaphore_mem>>)
      %dma_wait3A_668 = arith.constant 0 : i32
      %dma_wait3A_669 = tpu.memref_slice %arg11[%add3A_401, %dma_wait3A_668] : memref<10000x128xf32, #tpu.memory_space<vmem_shared>> -> memref<16x128xf32, #tpu.memory_space<vmem_shared>>
      %dma_wait3A_670 = arith.constant 0 : i32
      %dma_wait3A_671 = tpu.memref_slice %arg11[%add3A_401, %dma_wait3A_670] : memref<10000x128xf32, #tpu.memory_space<vmem_shared>> -> memref<16x128xf32, #tpu.memory_space<vmem_shared>>
      tpu.wait_dma2 semaphore(%run_scoped3A_663 : memref<!tpu.dma_semaphore, #tpu.memory_space<semaphore_mem>>) src(%arg10 : memref<16x128xf32, #tpu.memory_space<vmem>>) dst(%dma_wait3A_671 : memref<16x128xf32, #tpu.memory_space<vmem_shared>>)
      tpu.yield
    }) : () -> ()
    %add3A_402 = arith.constant 576 : i32
    %add3A_403 = arith.addi %mul3A_7, %add3A_402 : i32
    "tpu.region"() ({
      %run_scoped3A_663 = tpu.sem_alloc : memref<!tpu.dma_semaphore, #tpu.memory_space<semaphore_mem>>
      %dma_start3A_664 = arith.constant 0 : i32
      %dma_start3A_665 = tpu.memref_slice %arg11[%add3A_403, %dma_start3A_664] : memref<10000x128xf32, #tpu.memory_space<vmem_shared>> -> memref<16x128xf32, #tpu.memory_space<vmem_shared>>
      %dma_start3A_666 = arith.constant 0 : i32
      %dma_start3A_667 = tpu.memref_slice %arg11[%add3A_403, %dma_start3A_666] : memref<10000x128xf32, #tpu.memory_space<vmem_shared>> -> memref<16x128xf32, #tpu.memory_space<vmem_shared>>
      tpu.enqueue_dma source(%arg10 : memref<16x128xf32, #tpu.memory_space<vmem>>) target(%dma_start3A_667 : memref<16x128xf32, #tpu.memory_space<vmem_shared>>) target_semaphore(%run_scoped3A_663 : memref<!tpu.dma_semaphore, #tpu.memory_space<semaphore_mem>>)
      %dma_wait3A_668 = arith.constant 0 : i32
      %dma_wait3A_669 = tpu.memref_slice %arg11[%add3A_403, %dma_wait3A_668] : memref<10000x128xf32, #tpu.memory_space<vmem_shared>> -> memref<16x128xf32, #tpu.memory_space<vmem_shared>>
      %dma_wait3A_670 = arith.constant 0 : i32
      %dma_wait3A_671 = tpu.memref_slice %arg11[%add3A_403, %dma_wait3A_670] : memref<10000x128xf32, #tpu.memory_space<vmem_shared>> -> memref<16x128xf32, #tpu.memory_space<vmem_shared>>
      tpu.wait_dma2 semaphore(%run_scoped3A_663 : memref<!tpu.dma_semaphore, #tpu.memory_space<semaphore_mem>>) src(%arg10 : memref<16x128xf32, #tpu.memory_space<vmem>>) dst(%dma_wait3A_671 : memref<16x128xf32, #tpu.memory_space<vmem_shared>>)
      tpu.yield
    }) : () -> ()
    %add3A_404 = arith.constant 592 : i32
    %add3A_405 = arith.addi %mul3A_7, %add3A_404 : i32
    "tpu.region"() ({
      %run_scoped3A_663 = tpu.sem_alloc : memref<!tpu.dma_semaphore, #tpu.memory_space<semaphore_mem>>
      %dma_start3A_664 = arith.constant 0 : i32
      %dma_start3A_665 = tpu.memref_slice %arg11[%add3A_405, %dma_start3A_664] : memref<10000x128xf32, #tpu.memory_space<vmem_shared>> -> memref<16x128xf32, #tpu.memory_space<vmem_shared>>
      %dma_start3A_666 = arith.constant 0 : i32
      %dma_start3A_667 = tpu.memref_slice %arg11[%add3A_405, %dma_start3A_666] : memref<10000x128xf32, #tpu.memory_space<vmem_shared>> -> memref<16x128xf32, #tpu.memory_space<vmem_shared>>
      tpu.enqueue_dma source(%arg10 : memref<16x128xf32, #tpu.memory_space<vmem>>) target(%dma_start3A_667 : memref<16x128xf32, #tpu.memory_space<vmem_shared>>) target_semaphore(%run_scoped3A_663 : memref<!tpu.dma_semaphore, #tpu.memory_space<semaphore_mem>>)
      %dma_wait3A_668 = arith.constant 0 : i32
      %dma_wait3A_669 = tpu.memref_slice %arg11[%add3A_405, %dma_wait3A_668] : memref<10000x128xf32, #tpu.memory_space<vmem_shared>> -> memref<16x128xf32, #tpu.memory_space<vmem_shared>>
      %dma_wait3A_670 = arith.constant 0 : i32
      %dma_wait3A_671 = tpu.memref_slice %arg11[%add3A_405, %dma_wait3A_670] : memref<10000x128xf32, #tpu.memory_space<vmem_shared>> -> memref<16x128xf32, #tpu.memory_space<vmem_shared>>
      tpu.wait_dma2 semaphore(%run_scoped3A_663 : memref<!tpu.dma_semaphore, #tpu.memory_space<semaphore_mem>>) src(%arg10 : memref<16x128xf32, #tpu.memory_space<vmem>>) dst(%dma_wait3A_671 : memref<16x128xf32, #tpu.memory_space<vmem_shared>>)
      tpu.yield
    }) : () -> ()
    %add3A_406 = arith.constant 608 : i32
    %add3A_407 = arith.addi %mul3A_7, %add3A_406 : i32
    "tpu.region"() ({
      %run_scoped3A_663 = tpu.sem_alloc : memref<!tpu.dma_semaphore, #tpu.memory_space<semaphore_mem>>
      %dma_start3A_664 = arith.constant 0 : i32
      %dma_start3A_665 = tpu.memref_slice %arg11[%add3A_407, %dma_start3A_664] : memref<10000x128xf32, #tpu.memory_space<vmem_shared>> -> memref<16x128xf32, #tpu.memory_space<vmem_shared>>
      %dma_start3A_666 = arith.constant 0 : i32
      %dma_start3A_667 = tpu.memref_slice %arg11[%add3A_407, %dma_start3A_666] : memref<10000x128xf32, #tpu.memory_space<vmem_shared>> -> memref<16x128xf32, #tpu.memory_space<vmem_shared>>
      tpu.enqueue_dma source(%arg10 : memref<16x128xf32, #tpu.memory_space<vmem>>) target(%dma_start3A_667 : memref<16x128xf32, #tpu.memory_space<vmem_shared>>) target_semaphore(%run_scoped3A_663 : memref<!tpu.dma_semaphore, #tpu.memory_space<semaphore_mem>>)
      %dma_wait3A_668 = arith.constant 0 : i32
      %dma_wait3A_669 = tpu.memref_slice %arg11[%add3A_407, %dma_wait3A_668] : memref<10000x128xf32, #tpu.memory_space<vmem_shared>> -> memref<16x128xf32, #tpu.memory_space<vmem_shared>>
      %dma_wait3A_670 = arith.constant 0 : i32
      %dma_wait3A_671 = tpu.memref_slice %arg11[%add3A_407, %dma_wait3A_670] : memref<10000x128xf32, #tpu.memory_space<vmem_shared>> -> memref<16x128xf32, #tpu.memory_space<vmem_shared>>
      tpu.wait_dma2 semaphore(%run_scoped3A_663 : memref<!tpu.dma_semaphore, #tpu.memory_space<semaphore_mem>>) src(%arg10 : memref<16x128xf32, #tpu.memory_space<vmem>>) dst(%dma_wait3A_671 : memref<16x128xf32, #tpu.memory_space<vmem_shared>>)
      tpu.yield
    }) : () -> ()
    %eq3A_408 = arith.constant 15 : i32
    %eq3A_409 = arith.cmpi eq, %arg1, %eq3A_408 : i32
    %convert_element_type3A_410 = arith.extui %eq3A_409 : i1 to i32
    %cond3A_411 = arith.constant 0 : i32
    %cond3A_412 = arith.cmpi ne, %convert_element_type3A_410, %cond3A_411 : i32
    scf.if %cond3A_412 {
      "tpu.region"() ({
        %run_scoped3A_663 = tpu.sem_alloc : memref<!tpu.dma_semaphore, #tpu.memory_space<semaphore_mem>>
        %dma_start3A_664 = arith.constant 0 : i32
        %dma_start3A_665 = arith.constant 0 : i32
        %dma_start3A_666 = tpu.memref_slice %arg10[%dma_start3A_664, %dma_start3A_665] : memref<16x128xf32, #tpu.memory_space<vmem>> -> memref<16x128xf32, #tpu.memory_space<vmem>>
        %dma_start3A_667 = arith.constant 9984 : i32
        %dma_start3A_668 = arith.constant 0 : i32
        %dma_start3A_669 = tpu.memref_slice %arg11[%dma_start3A_667, %dma_start3A_668] : memref<10000x128xf32, #tpu.memory_space<vmem_shared>> -> memref<16x128xf32, #tpu.memory_space<vmem_shared>>
        %dma_start3A_670 = arith.constant 9984 : i32
        %dma_start3A_671 = arith.constant 0 : i32
        %dma_start3A_672 = tpu.memref_slice %arg11[%dma_start3A_670, %dma_start3A_671] : memref<10000x128xf32, #tpu.memory_space<vmem_shared>> -> memref<16x128xf32, #tpu.memory_space<vmem_shared>>
        %dma_start3A_673 = arith.constant 0 : i32
        %dma_start3A_674 = arith.constant 0 : i32
        %dma_start3A_675 = tpu.memref_slice %arg10[%dma_start3A_673, %dma_start3A_674] : memref<16x128xf32, #tpu.memory_space<vmem>> -> memref<16x128xf32, #tpu.memory_space<vmem>>
        tpu.enqueue_dma source(%dma_start3A_675 : memref<16x128xf32, #tpu.memory_space<vmem>>) target(%dma_start3A_672 : memref<16x128xf32, #tpu.memory_space<vmem_shared>>) target_semaphore(%run_scoped3A_663 : memref<!tpu.dma_semaphore, #tpu.memory_space<semaphore_mem>>)
        %dma_wait3A_676 = arith.constant 0 : i32
        %dma_wait3A_677 = arith.constant 0 : i32
        %dma_wait3A_678 = tpu.memref_slice %arg10[%dma_wait3A_676, %dma_wait3A_677] : memref<16x128xf32, #tpu.memory_space<vmem>> -> memref<16x128xf32, #tpu.memory_space<vmem>>
        %dma_wait3A_679 = arith.constant 9984 : i32
        %dma_wait3A_680 = arith.constant 0 : i32
        %dma_wait3A_681 = tpu.memref_slice %arg11[%dma_wait3A_679, %dma_wait3A_680] : memref<10000x128xf32, #tpu.memory_space<vmem_shared>> -> memref<16x128xf32, #tpu.memory_space<vmem_shared>>
        %dma_wait3A_682 = arith.constant 9984 : i32
        %dma_wait3A_683 = arith.constant 0 : i32
        %dma_wait3A_684 = tpu.memref_slice %arg11[%dma_wait3A_682, %dma_wait3A_683] : memref<10000x128xf32, #tpu.memory_space<vmem_shared>> -> memref<16x128xf32, #tpu.memory_space<vmem_shared>>
        %dma_wait3A_685 = arith.constant 0 : i32
        %dma_wait3A_686 = arith.constant 0 : i32
        %dma_wait3A_687 = tpu.memref_slice %arg10[%dma_wait3A_685, %dma_wait3A_686] : memref<16x128xf32, #tpu.memory_space<vmem>> -> memref<16x128xf32, #tpu.memory_space<vmem>>
        tpu.wait_dma2 semaphore(%run_scoped3A_663 : memref<!tpu.dma_semaphore, #tpu.memory_space<semaphore_mem>>) src(%dma_wait3A_687 : memref<16x128xf32, #tpu.memory_space<vmem>>) dst(%dma_wait3A_684 : memref<16x128xf32, #tpu.memory_space<vmem_shared>>)
        tpu.yield
      }) : () -> ()
    } else {
    }
    %mul3A_413 = arith.constant 2 : i32
    %mul3A_414 = arith.muli %mul3A_413, %arg0 : i32
    %add3A_415 = arith.constant 1 : i32
    %add3A_416 = arith.addi %mul3A_414, %add3A_415 : i32
    %mul3A_417 = arith.constant 10000 : i32
    %mul3A_418 = arith.muli %arg1, %mul3A_417 : i32
    %mul3A_419 = arith.constant 2 : i32
    %mul3A_420 = arith.muli %add3A_416, %mul3A_419 : i32
    %mul3A_421 = arith.constant 160000 : i32
    %mul3A_422 = arith.muli %mul3A_420, %mul3A_421 : i32
    %add3A_423 = arith.addi %mul3A_422, %mul3A_418 : i32
    %add3A_424 = arith.constant 160000 : i32
    %add3A_425 = arith.addi %add3A_423, %add3A_424 : i32
    %mul3A_426 = arith.constant 160000 : i32
    %mul3A_427 = arith.muli %add3A_416, %mul3A_426 : i32
    %add3A_428 = arith.addi %mul3A_427, %mul3A_418 : i32
    %mul3A_429 = arith.constant 10000 : i32
    %mul3A_430 = arith.muli %add3A_416, %mul3A_429 : i32
    %broadcast_in_dim3A_431 = arith.constant 0 : i32
    %broadcast_in_dim3A_432 = vector.broadcast %broadcast_in_dim3A_431 : i32 to vector<16xi32>
    %add3A_433 = vector.broadcast %mul3A_430 : i32 to vector<16xi32>
    %add3A_434 = arith.addi %add3A_433, %broadcast_in_dim3A_432 : vector<16xi32>
    %barrier3A_435 = arith.constant 0 : index
    tpu.barrier barrier_id(%barrier3A_435)
    %add3A_436 = arith.constant 0 : i32
    %add3A_437 = arith.addi %add3A_423, %add3A_436 : i32
    %dma_start3A_438 = arith.constant 0 : i32
    %dma_start3A_439 = arith.constant 0 : i32
    %dma_start3A_440 = tpu.memref_slice %arg6[%dma_start3A_438, %dma_start3A_439] : memref<2x80xi32, #tpu.memory_space<vmem>> -> memref<1x80xi32, #tpu.memory_space<vmem>>
    %dma_start3A_441 = tpu.memref_squeeze %dma_start3A_440 : memref<1x80xi32, #tpu.memory_space<vmem>> -> memref<80xi32, #tpu.memory_space<vmem>>
    %dma_start3A_442 = tpu.memref_slice %arg3[%add3A_437] : memref<1280000xi32, #tpu.memory_space<hbm>> -> memref<80xi32, #tpu.memory_space<hbm>>
    %dma_start3A_443 = arith.constant 0 : i32
    %dma_start3A_444 = tpu.memref_slice %arg6[%dma_start3A_438, %dma_start3A_443] : memref<2x80xi32, #tpu.memory_space<vmem>> -> memref<1x80xi32, #tpu.memory_space<vmem>>
    %dma_start3A_445 = tpu.memref_squeeze %dma_start3A_444 : memref<1x80xi32, #tpu.memory_space<vmem>> -> memref<80xi32, #tpu.memory_space<vmem>>
    %dma_start3A_446 = tpu.memref_slice %arg3[%add3A_437] : memref<1280000xi32, #tpu.memory_space<hbm>> -> memref<80xi32, #tpu.memory_space<hbm>>
    tpu.enqueue_dma source(%dma_start3A_446 : memref<80xi32, #tpu.memory_space<hbm>>) target(%dma_start3A_445 : memref<80xi32, #tpu.memory_space<vmem>>) target_semaphore(%arg12 : memref<!tpu.dma_semaphore, #tpu.memory_space<semaphore_mem>>)
    %add3A_447 = arith.constant 0 : i32
    %add3A_448 = arith.addi %add3A_425, %add3A_447 : i32
    %dma_start3A_449 = arith.constant 0 : i32
    %dma_start3A_450 = arith.constant 0 : i32
    %dma_start3A_451 = tpu.memref_slice %arg7[%dma_start3A_449, %dma_start3A_450] : memref<2x80xi32, #tpu.memory_space<vmem>> -> memref<1x80xi32, #tpu.memory_space<vmem>>
    %dma_start3A_452 = tpu.memref_squeeze %dma_start3A_451 : memref<1x80xi32, #tpu.memory_space<vmem>> -> memref<80xi32, #tpu.memory_space<vmem>>
    %dma_start3A_453 = tpu.memref_slice %arg3[%add3A_448] : memref<1280000xi32, #tpu.memory_space<hbm>> -> memref<80xi32, #tpu.memory_space<hbm>>
    %dma_start3A_454 = arith.constant 0 : i32
    %dma_start3A_455 = tpu.memref_slice %arg7[%dma_start3A_449, %dma_start3A_454] : memref<2x80xi32, #tpu.memory_space<vmem>> -> memref<1x80xi32, #tpu.memory_space<vmem>>
    %dma_start3A_456 = tpu.memref_squeeze %dma_start3A_455 : memref<1x80xi32, #tpu.memory_space<vmem>> -> memref<80xi32, #tpu.memory_space<vmem>>
    %dma_start3A_457 = tpu.memref_slice %arg3[%add3A_448] : memref<1280000xi32, #tpu.memory_space<hbm>> -> memref<80xi32, #tpu.memory_space<hbm>>
    tpu.enqueue_dma source(%dma_start3A_457 : memref<80xi32, #tpu.memory_space<hbm>>) target(%dma_start3A_456 : memref<80xi32, #tpu.memory_space<vmem>>) target_semaphore(%arg12 : memref<!tpu.dma_semaphore, #tpu.memory_space<semaphore_mem>>)
    %add3A_458 = arith.constant 0 : i32
    %add3A_459 = arith.addi %add3A_423, %add3A_458 : i32
    %dma_wait3A_460 = arith.constant 0 : i32
    %dma_wait3A_461 = arith.constant 0 : i32
    %dma_wait3A_462 = tpu.memref_slice %arg6[%dma_wait3A_460, %dma_wait3A_461] : memref<2x80xi32, #tpu.memory_space<vmem>> -> memref<1x80xi32, #tpu.memory_space<vmem>>
    %dma_wait3A_463 = tpu.memref_squeeze %dma_wait3A_462 : memref<1x80xi32, #tpu.memory_space<vmem>> -> memref<80xi32, #tpu.memory_space<vmem>>
    %dma_wait3A_464 = tpu.memref_slice %arg3[%add3A_459] : memref<1280000xi32, #tpu.memory_space<hbm>> -> memref<80xi32, #tpu.memory_space<hbm>>
    %dma_wait3A_465 = arith.constant 0 : i32
    %dma_wait3A_466 = tpu.memref_slice %arg6[%dma_wait3A_460, %dma_wait3A_465] : memref<2x80xi32, #tpu.memory_space<vmem>> -> memref<1x80xi32, #tpu.memory_space<vmem>>
    %dma_wait3A_467 = tpu.memref_squeeze %dma_wait3A_466 : memref<1x80xi32, #tpu.memory_space<vmem>> -> memref<80xi32, #tpu.memory_space<vmem>>
    %dma_wait3A_468 = tpu.memref_slice %arg3[%add3A_459] : memref<1280000xi32, #tpu.memory_space<hbm>> -> memref<80xi32, #tpu.memory_space<hbm>>
    tpu.wait_dma2 semaphore(%arg12 : memref<!tpu.dma_semaphore, #tpu.memory_space<semaphore_mem>>) src(%dma_wait3A_468 : memref<80xi32, #tpu.memory_space<hbm>>) dst(%dma_wait3A_467 : memref<80xi32, #tpu.memory_space<vmem>>)
    %add3A_469 = arith.constant 0 : i32
    %add3A_470 = arith.addi %add3A_425, %add3A_469 : i32
    %dma_wait3A_471 = arith.constant 0 : i32
    %dma_wait3A_472 = arith.constant 0 : i32
    %dma_wait3A_473 = tpu.memref_slice %arg7[%dma_wait3A_471, %dma_wait3A_472] : memref<2x80xi32, #tpu.memory_space<vmem>> -> memref<1x80xi32, #tpu.memory_space<vmem>>
    %dma_wait3A_474 = tpu.memref_squeeze %dma_wait3A_473 : memref<1x80xi32, #tpu.memory_space<vmem>> -> memref<80xi32, #tpu.memory_space<vmem>>
    %dma_wait3A_475 = tpu.memref_slice %arg3[%add3A_470] : memref<1280000xi32, #tpu.memory_space<hbm>> -> memref<80xi32, #tpu.memory_space<hbm>>
    %dma_wait3A_476 = arith.constant 0 : i32
    %dma_wait3A_477 = tpu.memref_slice %arg7[%dma_wait3A_471, %dma_wait3A_476] : memref<2x80xi32, #tpu.memory_space<vmem>> -> memref<1x80xi32, #tpu.memory_space<vmem>>
    %dma_wait3A_478 = tpu.memref_squeeze %dma_wait3A_477 : memref<1x80xi32, #tpu.memory_space<vmem>> -> memref<80xi32, #tpu.memory_space<vmem>>
    %dma_wait3A_479 = tpu.memref_slice %arg3[%add3A_470] : memref<1280000xi32, #tpu.memory_space<hbm>> -> memref<80xi32, #tpu.memory_space<hbm>>
    tpu.wait_dma2 semaphore(%arg12 : memref<!tpu.dma_semaphore, #tpu.memory_space<semaphore_mem>>) src(%dma_wait3A_479 : memref<80xi32, #tpu.memory_space<hbm>>) dst(%dma_wait3A_478 : memref<80xi32, #tpu.memory_space<vmem>>)
    %get3A_480 = arith.constant 0 : i32
    %get3A_481 = arith.index_cast %get3A_480 : i32 to index
    %get3A_482 = arith.constant 0 : index
    %get3A_483 = tpu.vector_load %arg6[%get3A_481, %get3A_482] {strides = array<i32>} : memref<2x80xi32, #tpu.memory_space<vmem>>, vector<1x16xi32>,
    %get3A_484 = vector.shape_cast %get3A_483 : vector<1x16xi32> to vector<16xi32>
    %add3A_485 = arith.addi %get3A_484, %add3A_434 : vector<16xi32>
    %swap3A_486 = arith.constant 0 : i32
    %swap3A_487 = arith.index_cast %swap3A_486 : i32 to index
    %swap3A_488 = arith.constant 0 : index
    %swap3A_489 = tpu.vector_load %arg6[%swap3A_487, %swap3A_488] {strides = array<i32>} : memref<2x80xi32, #tpu.memory_space<vmem>>, vector<1x16xi32>,
    %swap3A_490 = vector.shape_cast %swap3A_489 : vector<1x16xi32> to vector<16xi32>
    %swap3A_491 = vector.shape_cast %add3A_485 : vector<16xi32> to vector<1x16xi32>
    tpu.vector_store %arg6[%swap3A_487, %swap3A_488], %swap3A_491 {strides = array<i32>} : memref<2x80xi32, #tpu.memory_space<vmem>>, vector<1x16xi32>,
    %get3A_492 = arith.constant 0 : i32
    %get3A_493 = arith.index_cast %get3A_492 : i32 to index
    %get3A_494 = arith.constant 16 : index
    %get3A_495 = tpu.vector_load %arg6[%get3A_493, %get3A_494] {strides = array<i32>} : memref<2x80xi32, #tpu.memory_space<vmem>>, vector<1x16xi32>,
    %get3A_496 = vector.shape_cast %get3A_495 : vector<1x16xi32> to vector<16xi32>
    %add3A_497 = arith.addi %get3A_496, %add3A_434 : vector<16xi32>
    %swap3A_498 = arith.constant 0 : i32
    %swap3A_499 = arith.index_cast %swap3A_498 : i32 to index
    %swap3A_500 = arith.constant 16 : index
    %swap3A_501 = tpu.vector_load %arg6[%swap3A_499, %swap3A_500] {strides = array<i32>} : memref<2x80xi32, #tpu.memory_space<vmem>>, vector<1x16xi32>,
    %swap3A_502 = vector.shape_cast %swap3A_501 : vector<1x16xi32> to vector<16xi32>
    %swap3A_503 = vector.shape_cast %add3A_497 : vector<16xi32> to vector<1x16xi32>
    tpu.vector_store %arg6[%swap3A_499, %swap3A_500], %swap3A_503 {strides = array<i32>} : memref<2x80xi32, #tpu.memory_space<vmem>>, vector<1x16xi32>,
    %get3A_504 = arith.constant 0 : i32
    %get3A_505 = arith.index_cast %get3A_504 : i32 to index
    %get3A_506 = arith.constant 32 : index
    %get3A_507 = tpu.vector_load %arg6[%get3A_505, %get3A_506] {strides = array<i32>} : memref<2x80xi32, #tpu.memory_space<vmem>>, vector<1x16xi32>,
    %get3A_508 = vector.shape_cast %get3A_507 : vector<1x16xi32> to vector<16xi32>
    %add3A_509 = arith.addi %get3A_508, %add3A_434 : vector<16xi32>
    %swap3A_510 = arith.constant 0 : i32
    %swap3A_511 = arith.index_cast %swap3A_510 : i32 to index
    %swap3A_512 = arith.constant 32 : index
    %swap3A_513 = tpu.vector_load %arg6[%swap3A_511, %swap3A_512] {strides = array<i32>} : memref<2x80xi32, #tpu.memory_space<vmem>>, vector<1x16xi32>,
    %swap3A_514 = vector.shape_cast %swap3A_513 : vector<1x16xi32> to vector<16xi32>
    %swap3A_515 = vector.shape_cast %add3A_509 : vector<16xi32> to vector<1x16xi32>
    tpu.vector_store %arg6[%swap3A_511, %swap3A_512], %swap3A_515 {strides = array<i32>} : memref<2x80xi32, #tpu.memory_space<vmem>>, vector<1x16xi32>,
    %get3A_516 = arith.constant 0 : i32
    %get3A_517 = arith.index_cast %get3A_516 : i32 to index
    %get3A_518 = arith.constant 48 : index
    %get3A_519 = tpu.vector_load %arg6[%get3A_517, %get3A_518] {strides = array<i32>} : memref<2x80xi32, #tpu.memory_space<vmem>>, vector<1x16xi32>,
    %get3A_520 = vector.shape_cast %get3A_519 : vector<1x16xi32> to vector<16xi32>
    %add3A_521 = arith.addi %get3A_520, %add3A_434 : vector<16xi32>
    %swap3A_522 = arith.constant 0 : i32
    %swap3A_523 = arith.index_cast %swap3A_522 : i32 to index
    %swap3A_524 = arith.constant 48 : index
    %swap3A_525 = tpu.vector_load %arg6[%swap3A_523, %swap3A_524] {strides = array<i32>} : memref<2x80xi32, #tpu.memory_space<vmem>>, vector<1x16xi32>,
    %swap3A_526 = vector.shape_cast %swap3A_525 : vector<1x16xi32> to vector<16xi32>
    %swap3A_527 = vector.shape_cast %add3A_521 : vector<16xi32> to vector<1x16xi32>
    tpu.vector_store %arg6[%swap3A_523, %swap3A_524], %swap3A_527 {strides = array<i32>} : memref<2x80xi32, #tpu.memory_space<vmem>>, vector<1x16xi32>,
    %get3A_528 = arith.constant 0 : i32
    %get3A_529 = arith.index_cast %get3A_528 : i32 to index
    %get3A_530 = arith.constant 64 : index
    %get3A_531 = tpu.vector_load %arg6[%get3A_529, %get3A_530] {strides = array<i32>} : memref<2x80xi32, #tpu.memory_space<vmem>>, vector<1x16xi32>,
    %get3A_532 = vector.shape_cast %get3A_531 : vector<1x16xi32> to vector<16xi32>
    %add3A_533 = arith.addi %get3A_532, %add3A_434 : vector<16xi32>
    %swap3A_534 = arith.constant 0 : i32
    %swap3A_535 = arith.index_cast %swap3A_534 : i32 to index
    %swap3A_536 = arith.constant 64 : index
    %swap3A_537 = tpu.vector_load %arg6[%swap3A_535, %swap3A_536] {strides = array<i32>} : memref<2x80xi32, #tpu.memory_space<vmem>>, vector<1x16xi32>,
    %swap3A_538 = vector.shape_cast %swap3A_537 : vector<1x16xi32> to vector<16xi32>
    %swap3A_539 = vector.shape_cast %add3A_533 : vector<16xi32> to vector<1x16xi32>
    tpu.vector_store %arg6[%swap3A_535, %swap3A_536], %swap3A_539 {strides = array<i32>} : memref<2x80xi32, #tpu.memory_space<vmem>>, vector<1x16xi32>,
    %dma_start3A_540 = arith.constant 0 : i32
    %dma_start3A_541 = arith.constant 0 : i32
    %dma_start3A_542 = arith.constant 0 : i32
    %dma_start3A_543 = arith.constant 0 : i32
    %dma_start3A_544 = tpu.memref_slice %arg8[%dma_start3A_541, %dma_start3A_542, %dma_start3A_543] : memref<2x80x128xf32, #tpu.memory_space<vmem>> -> memref<1x80x128xf32, #tpu.memory_space<vmem>>
    %dma_start3A_545 = tpu.memref_squeeze %dma_start3A_544 : memref<1x80x128xf32, #tpu.memory_space<vmem>> -> memref<80x128xf32, #tpu.memory_space<vmem>>
    %dma_start3A_546 = arith.constant 0 : i32
    %dma_start3A_547 = tpu.memref_slice %arg6[%dma_start3A_540, %dma_start3A_546] : memref<2x80xi32, #tpu.memory_space<vmem>> -> memref<1x80xi32, #tpu.memory_space<vmem>>
    %dma_start3A_548 = tpu.memref_squeeze %dma_start3A_547 : memref<1x80xi32, #tpu.memory_space<vmem>> -> memref<80xi32, #tpu.memory_space<vmem>>
    %dma_start3A_549 = arith.constant 0 : i32
    %dma_start3A_550 = arith.constant 0 : i32
    %dma_start3A_551 = tpu.memref_slice %arg2[%dma_start3A_549, %dma_start3A_550] : memref<40000x128xf32, #tpu.memory_space<hbm>> -> memref<40000x128xf32, #tpu.memory_space<hbm>>
    tpu.enqueue_indirect_dma source(%dma_start3A_551 : memref<40000x128xf32, #tpu.memory_space<hbm>>) target(%dma_start3A_545 : memref<80x128xf32, #tpu.memory_space<vmem>>) offsets(%dma_start3A_548 : memref<80xi32, #tpu.memory_space<vmem>>) semaphore(%arg14 : memref<!tpu.dma_semaphore, #tpu.memory_space<semaphore_mem>>)
    %add3A_552 = arith.constant 0 : i32
    %add3A_553 = arith.addi %add3A_428, %add3A_552 : i32
    %dma_start3A_554 = arith.constant 0 : i32
    %dma_start3A_555 = arith.constant 0 : i32
    %dma_start3A_556 = arith.constant 0 : i32
    %dma_start3A_557 = tpu.memref_slice %arg9[%dma_start3A_554, %dma_start3A_555, %dma_start3A_556] : memref<2x80x64xi32, #tpu.memory_space<vmem>> -> memref<1x80x64xi32, #tpu.memory_space<vmem>>
    %dma_start3A_558 = tpu.memref_squeeze %dma_start3A_557 : memref<1x80x64xi32, #tpu.memory_space<vmem>> -> memref<80x64xi32, #tpu.memory_space<vmem>>
    %dma_start3A_559 = arith.constant 0 : i32
    %dma_start3A_560 = tpu.memref_slice %arg4[%add3A_553, %dma_start3A_559] : memref<640000x64xi32, #tpu.memory_space<hbm>> -> memref<80x64xi32, #tpu.memory_space<hbm>>
    %dma_start3A_561 = arith.constant 0 : i32
    %dma_start3A_562 = arith.constant 0 : i32
    %dma_start3A_563 = tpu.memref_slice %arg9[%dma_start3A_554, %dma_start3A_561, %dma_start3A_562] : memref<2x80x64xi32, #tpu.memory_space<vmem>> -> memref<1x80x64xi32, #tpu.memory_space<vmem>>
    %dma_start3A_564 = tpu.memref_squeeze %dma_start3A_563 : memref<1x80x64xi32, #tpu.memory_space<vmem>> -> memref<80x64xi32, #tpu.memory_space<vmem>>
    %dma_start3A_565 = arith.constant 0 : i32
    %dma_start3A_566 = tpu.memref_slice %arg4[%add3A_553, %dma_start3A_565] : memref<640000x64xi32, #tpu.memory_space<hbm>> -> memref<80x64xi32, #tpu.memory_space<hbm>>
    tpu.enqueue_dma source(%dma_start3A_566 : memref<80x64xi32, #tpu.memory_space<hbm>>) target(%dma_start3A_564 : memref<80x64xi32, #tpu.memory_space<vmem>>) target_semaphore(%arg16 : memref<!tpu.dma_semaphore, #tpu.memory_space<semaphore_mem>>)
    %add3A_567 = arith.constant 80 : i32
    %add3A_568 = arith.addi %add3A_423, %add3A_567 : i32
    %dma_start3A_569 = arith.constant 1 : i32
    %dma_start3A_570 = arith.constant 0 : i32
    %dma_start3A_571 = tpu.memref_slice %arg6[%dma_start3A_569, %dma_start3A_570] : memref<2x80xi32, #tpu.memory_space<vmem>> -> memref<1x80xi32, #tpu.memory_space<vmem>>
    %dma_start3A_572 = tpu.memref_squeeze %dma_start3A_571 : memref<1x80xi32, #tpu.memory_space<vmem>> -> memref<80xi32, #tpu.memory_space<vmem>>
    %dma_start3A_573 = tpu.memref_slice %arg3[%add3A_568] : memref<1280000xi32, #tpu.memory_space<hbm>> -> memref<80xi32, #tpu.memory_space<hbm>>
    %dma_start3A_574 = arith.constant 0 : i32
    %dma_start3A_575 = tpu.memref_slice %arg6[%dma_start3A_569, %dma_start3A_574] : memref<2x80xi32, #tpu.memory_space<vmem>> -> memref<1x80xi32, #tpu.memory_space<vmem>>
    %dma_start3A_576 = tpu.memref_squeeze %dma_start3A_575 : memref<1x80xi32, #tpu.memory_space<vmem>> -> memref<80xi32, #tpu.memory_space<vmem>>
    %dma_start3A_577 = tpu.memref_slice %arg3[%add3A_568] : memref<1280000xi32, #tpu.memory_space<hbm>> -> memref<80xi32, #tpu.memory_space<hbm>>
    tpu.enqueue_dma source(%dma_start3A_577 : memref<80xi32, #tpu.memory_space<hbm>>) target(%dma_start3A_576 : memref<80xi32, #tpu.memory_space<vmem>>) target_semaphore(%arg13 : memref<!tpu.dma_semaphore, #tpu.memory_space<semaphore_mem>>)
    %add3A_578 = arith.constant 80 : i32
    %add3A_579 = arith.addi %add3A_425, %add3A_578 : i32
    %dma_start3A_580 = arith.constant 1 : i32
    %dma_start3A_581 = arith.constant 0 : i32
    %dma_start3A_582 = tpu.memref_slice %arg7[%dma_start3A_580, %dma_start3A_581] : memref<2x80xi32, #tpu.memory_space<vmem>> -> memref<1x80xi32, #tpu.memory_space<vmem>>
    %dma_start3A_583 = tpu.memref_squeeze %dma_start3A_582 : memref<1x80xi32, #tpu.memory_space<vmem>> -> memref<80xi32, #tpu.memory_space<vmem>>
    %dma_start3A_584 = tpu.memref_slice %arg3[%add3A_579] : memref<1280000xi32, #tpu.memory_space<hbm>> -> memref<80xi32, #tpu.memory_space<hbm>>
    %dma_start3A_585 = arith.constant 0 : i32
    %dma_start3A_586 = tpu.memref_slice %arg7[%dma_start3A_580, %dma_start3A_585] : memref<2x80xi32, #tpu.memory_space<vmem>> -> memref<1x80xi32, #tpu.memory_space<vmem>>
    %dma_start3A_587 = tpu.memref_squeeze %dma_start3A_586 : memref<1x80xi32, #tpu.memory_space<vmem>> -> memref<80xi32, #tpu.memory_space<vmem>>
    %dma_start3A_588 = tpu.memref_slice %arg3[%add3A_579] : memref<1280000xi32, #tpu.memory_space<hbm>> -> memref<80xi32, #tpu.memory_space<hbm>>
    tpu.enqueue_dma source(%dma_start3A_588 : memref<80xi32, #tpu.memory_space<hbm>>) target(%dma_start3A_587 : memref<80xi32, #tpu.memory_space<vmem>>) target_semaphore(%arg13 : memref<!tpu.dma_semaphore, #tpu.memory_space<semaphore_mem>>)
    %scan3A_589 = arith.constant 0 : i32
    %scan3A_590 = arith.constant 0 : i32
    %scan3A_591 = arith.constant 62 : i32
    %scan3A_592 = arith.addi %scan3A_590, %scan3A_591 : i32
    %scan3A_593 = arith.constant 1 : i32
    %scan3A_594 = scf.for %scan3A_663 = %scan3A_590 to %scan3A_592 step %scan3A_593 iter_args(%scan3A_664 = %scan3A_589) -> (i32)  : i32 {
      %mul3A_665 = arith.constant 2 : i32
      %mul3A_666 = arith.muli %scan3A_663, %mul3A_665 : i32
      %add3A_667 = arith.constant 0 : i32
      %add3A_668 = arith.addi %mul3A_666, %add3A_667 : i32
      %add3A_669 = arith.constant 1 : i32
      %add3A_670 = arith.addi %add3A_668, %add3A_669 : i32
      %lt3A_671 = arith.constant 125 : i32
      %lt3A_672 = arith.cmpi slt, %add3A_670, %lt3A_671 : i32
      %convert_element_type3A_673 = arith.extui %lt3A_672 : i1 to i32
      %cond3A_674 = arith.constant 0 : i32
      %cond3A_675 = arith.cmpi ne, %convert_element_type3A_673, %cond3A_674 : i32
      scf.if %cond3A_675 {
        %add3A_780 = arith.constant 1 : i32
        %add3A_781 = arith.addi %add3A_668, %add3A_780 : i32
        %mul3A_782 = arith.constant 80 : i32
        %mul3A_783 = arith.muli %add3A_781, %mul3A_782 : i32
        %add3A_784 = arith.addi %add3A_423, %mul3A_783 : i32
        %dma_wait3A_785 = arith.constant 1 : i32
        %dma_wait3A_786 = arith.constant 0 : i32
        %dma_wait3A_787 = tpu.memref_slice %arg6[%dma_wait3A_785, %dma_wait3A_786] : memref<2x80xi32, #tpu.memory_space<vmem>> -> memref<1x80xi32, #tpu.memory_space<vmem>>
        %dma_wait3A_788 = tpu.memref_squeeze %dma_wait3A_787 : memref<1x80xi32, #tpu.memory_space<vmem>> -> memref<80xi32, #tpu.memory_space<vmem>>
        %dma_wait3A_789 = tpu.memref_slice %arg3[%add3A_784] : memref<1280000xi32, #tpu.memory_space<hbm>> -> memref<80xi32, #tpu.memory_space<hbm>>
        %dma_wait3A_790 = arith.constant 0 : i32
        %dma_wait3A_791 = tpu.memref_slice %arg6[%dma_wait3A_785, %dma_wait3A_790] : memref<2x80xi32, #tpu.memory_space<vmem>> -> memref<1x80xi32, #tpu.memory_space<vmem>>
        %dma_wait3A_792 = tpu.memref_squeeze %dma_wait3A_791 : memref<1x80xi32, #tpu.memory_space<vmem>> -> memref<80xi32, #tpu.memory_space<vmem>>
        %dma_wait3A_793 = tpu.memref_slice %arg3[%add3A_784] : memref<1280000xi32, #tpu.memory_space<hbm>> -> memref<80xi32, #tpu.memory_space<hbm>>
        tpu.wait_dma2 semaphore(%arg13 : memref<!tpu.dma_semaphore, #tpu.memory_space<semaphore_mem>>) src(%dma_wait3A_793 : memref<80xi32, #tpu.memory_space<hbm>>) dst(%dma_wait3A_792 : memref<80xi32, #tpu.memory_space<vmem>>)
        %mul3A_794 = arith.constant 80 : i32
        %mul3A_795 = arith.muli %add3A_781, %mul3A_794 : i32
        %add3A_796 = arith.addi %add3A_425, %mul3A_795 : i32
        %dma_wait3A_797 = arith.constant 1 : i32
        %dma_wait3A_798 = arith.constant 0 : i32
        %dma_wait3A_799 = tpu.memref_slice %arg7[%dma_wait3A_797, %dma_wait3A_798] : memref<2x80xi32, #tpu.memory_space<vmem>> -> memref<1x80xi32, #tpu.memory_space<vmem>>
        %dma_wait3A_800 = tpu.memref_squeeze %dma_wait3A_799 : memref<1x80xi32, #tpu.memory_space<vmem>> -> memref<80xi32, #tpu.memory_space<vmem>>
        %dma_wait3A_801 = tpu.memref_slice %arg3[%add3A_796] : memref<1280000xi32, #tpu.memory_space<hbm>> -> memref<80xi32, #tpu.memory_space<hbm>>
        %dma_wait3A_802 = arith.constant 0 : i32
        %dma_wait3A_803 = tpu.memref_slice %arg7[%dma_wait3A_797, %dma_wait3A_802] : memref<2x80xi32, #tpu.memory_space<vmem>> -> memref<1x80xi32, #tpu.memory_space<vmem>>
        %dma_wait3A_804 = tpu.memref_squeeze %dma_wait3A_803 : memref<1x80xi32, #tpu.memory_space<vmem>> -> memref<80xi32, #tpu.memory_space<vmem>>
        %dma_wait3A_805 = tpu.memref_slice %arg3[%add3A_796] : memref<1280000xi32, #tpu.memory_space<hbm>> -> memref<80xi32, #tpu.memory_space<hbm>>
        tpu.wait_dma2 semaphore(%arg13 : memref<!tpu.dma_semaphore, #tpu.memory_space<semaphore_mem>>) src(%dma_wait3A_805 : memref<80xi32, #tpu.memory_space<hbm>>) dst(%dma_wait3A_804 : memref<80xi32, #tpu.memory_space<vmem>>)
        %get3A_806 = arith.constant 1 : i32
        %get3A_807 = arith.index_cast %get3A_806 : i32 to index
        %get3A_808 = arith.constant 0 : index
        %get3A_809 = tpu.vector_load %arg6[%get3A_807, %get3A_808] {strides = array<i32>} : memref<2x80xi32, #tpu.memory_space<vmem>>, vector<1x16xi32>,
        %get3A_810 = vector.shape_cast %get3A_809 : vector<1x16xi32> to vector<16xi32>
        %add3A_811 = arith.addi %get3A_810, %add3A_434 : vector<16xi32>
        %swap3A_812 = arith.constant 1 : i32
        %swap3A_813 = arith.index_cast %swap3A_812 : i32 to index
        %swap3A_814 = arith.constant 0 : index
        %swap3A_815 = tpu.vector_load %arg6[%swap3A_813, %swap3A_814] {strides = array<i32>} : memref<2x80xi32, #tpu.memory_space<vmem>>, vector<1x16xi32>,
        %swap3A_816 = vector.shape_cast %swap3A_815 : vector<1x16xi32> to vector<16xi32>
        %swap3A_817 = vector.shape_cast %add3A_811 : vector<16xi32> to vector<1x16xi32>
        tpu.vector_store %arg6[%swap3A_813, %swap3A_814], %swap3A_817 {strides = array<i32>} : memref<2x80xi32, #tpu.memory_space<vmem>>, vector<1x16xi32>,
        %get3A_818 = arith.constant 1 : i32
        %get3A_819 = arith.index_cast %get3A_818 : i32 to index
        %get3A_820 = arith.constant 16 : index
        %get3A_821 = tpu.vector_load %arg6[%get3A_819, %get3A_820] {strides = array<i32>} : memref<2x80xi32, #tpu.memory_space<vmem>>, vector<1x16xi32>,
        %get3A_822 = vector.shape_cast %get3A_821 : vector<1x16xi32> to vector<16xi32>
        %add3A_823 = arith.addi %get3A_822, %add3A_434 : vector<16xi32>
        %swap3A_824 = arith.constant 1 : i32
        %swap3A_825 = arith.index_cast %swap3A_824 : i32 to index
        %swap3A_826 = arith.constant 16 : index
        %swap3A_827 = tpu.vector_load %arg6[%swap3A_825, %swap3A_826] {strides = array<i32>} : memref<2x80xi32, #tpu.memory_space<vmem>>, vector<1x16xi32>,
        %swap3A_828 = vector.shape_cast %swap3A_827 : vector<1x16xi32> to vector<16xi32>
        %swap3A_829 = vector.shape_cast %add3A_823 : vector<16xi32> to vector<1x16xi32>
        tpu.vector_store %arg6[%swap3A_825, %swap3A_826], %swap3A_829 {strides = array<i32>} : memref<2x80xi32, #tpu.memory_space<vmem>>, vector<1x16xi32>,
        %get3A_830 = arith.constant 1 : i32
        %get3A_831 = arith.index_cast %get3A_830 : i32 to index
        %get3A_832 = arith.constant 32 : index
        %get3A_833 = tpu.vector_load %arg6[%get3A_831, %get3A_832] {strides = array<i32>} : memref<2x80xi32, #tpu.memory_space<vmem>>, vector<1x16xi32>,
        %get3A_834 = vector.shape_cast %get3A_833 : vector<1x16xi32> to vector<16xi32>
        %add3A_835 = arith.addi %get3A_834, %add3A_434 : vector<16xi32>
        %swap3A_836 = arith.constant 1 : i32
        %swap3A_837 = arith.index_cast %swap3A_836 : i32 to index
        %swap3A_838 = arith.constant 32 : index
        %swap3A_839 = tpu.vector_load %arg6[%swap3A_837, %swap3A_838] {strides = array<i32>} : memref<2x80xi32, #tpu.memory_space<vmem>>, vector<1x16xi32>,
        %swap3A_840 = vector.shape_cast %swap3A_839 : vector<1x16xi32> to vector<16xi32>
        %swap3A_841 = vector.shape_cast %add3A_835 : vector<16xi32> to vector<1x16xi32>
        tpu.vector_store %arg6[%swap3A_837, %swap3A_838], %swap3A_841 {strides = array<i32>} : memref<2x80xi32, #tpu.memory_space<vmem>>, vector<1x16xi32>,
        %get3A_842 = arith.constant 1 : i32
        %get3A_843 = arith.index_cast %get3A_842 : i32 to index
        %get3A_844 = arith.constant 48 : index
        %get3A_845 = tpu.vector_load %arg6[%get3A_843, %get3A_844] {strides = array<i32>} : memref<2x80xi32, #tpu.memory_space<vmem>>, vector<1x16xi32>,
        %get3A_846 = vector.shape_cast %get3A_845 : vector<1x16xi32> to vector<16xi32>
        %add3A_847 = arith.addi %get3A_846, %add3A_434 : vector<16xi32>
        %swap3A_848 = arith.constant 1 : i32
        %swap3A_849 = arith.index_cast %swap3A_848 : i32 to index
        %swap3A_850 = arith.constant 48 : index
        %swap3A_851 = tpu.vector_load %arg6[%swap3A_849, %swap3A_850] {strides = array<i32>} : memref<2x80xi32, #tpu.memory_space<vmem>>, vector<1x16xi32>,
        %swap3A_852 = vector.shape_cast %swap3A_851 : vector<1x16xi32> to vector<16xi32>
        %swap3A_853 = vector.shape_cast %add3A_847 : vector<16xi32> to vector<1x16xi32>
        tpu.vector_store %arg6[%swap3A_849, %swap3A_850], %swap3A_853 {strides = array<i32>} : memref<2x80xi32, #tpu.memory_space<vmem>>, vector<1x16xi32>,
        %get3A_854 = arith.constant 1 : i32
        %get3A_855 = arith.index_cast %get3A_854 : i32 to index
        %get3A_856 = arith.constant 64 : index
        %get3A_857 = tpu.vector_load %arg6[%get3A_855, %get3A_856] {strides = array<i32>} : memref<2x80xi32, #tpu.memory_space<vmem>>, vector<1x16xi32>,
        %get3A_858 = vector.shape_cast %get3A_857 : vector<1x16xi32> to vector<16xi32>
        %add3A_859 = arith.addi %get3A_858, %add3A_434 : vector<16xi32>
        %swap3A_860 = arith.constant 1 : i32
        %swap3A_861 = arith.index_cast %swap3A_860 : i32 to index
        %swap3A_862 = arith.constant 64 : index
        %swap3A_863 = tpu.vector_load %arg6[%swap3A_861, %swap3A_862] {strides = array<i32>} : memref<2x80xi32, #tpu.memory_space<vmem>>, vector<1x16xi32>,
        %swap3A_864 = vector.shape_cast %swap3A_863 : vector<1x16xi32> to vector<16xi32>
        %swap3A_865 = vector.shape_cast %add3A_859 : vector<16xi32> to vector<1x16xi32>
        tpu.vector_store %arg6[%swap3A_861, %swap3A_862], %swap3A_865 {strides = array<i32>} : memref<2x80xi32, #tpu.memory_space<vmem>>, vector<1x16xi32>,
        %dma_start3A_866 = arith.constant 1 : i32
        %dma_start3A_867 = arith.constant 1 : i32
        %dma_start3A_868 = arith.constant 0 : i32
        %dma_start3A_869 = arith.constant 0 : i32
        %dma_start3A_870 = tpu.memref_slice %arg8[%dma_start3A_867, %dma_start3A_868, %dma_start3A_869] : memref<2x80x128xf32, #tpu.memory_space<vmem>> -> memref<1x80x128xf32, #tpu.memory_space<vmem>>
        %dma_start3A_871 = tpu.memref_squeeze %dma_start3A_870 : memref<1x80x128xf32, #tpu.memory_space<vmem>> -> memref<80x128xf32, #tpu.memory_space<vmem>>
        %dma_start3A_872 = arith.constant 0 : i32
        %dma_start3A_873 = tpu.memref_slice %arg6[%dma_start3A_866, %dma_start3A_872] : memref<2x80xi32, #tpu.memory_space<vmem>> -> memref<1x80xi32, #tpu.memory_space<vmem>>
        %dma_start3A_874 = tpu.memref_squeeze %dma_start3A_873 : memref<1x80xi32, #tpu.memory_space<vmem>> -> memref<80xi32, #tpu.memory_space<vmem>>
        %dma_start3A_875 = arith.constant 0 : i32
        %dma_start3A_876 = arith.constant 0 : i32
        %dma_start3A_877 = tpu.memref_slice %arg2[%dma_start3A_875, %dma_start3A_876] : memref<40000x128xf32, #tpu.memory_space<hbm>> -> memref<40000x128xf32, #tpu.memory_space<hbm>>
        tpu.enqueue_indirect_dma source(%dma_start3A_877 : memref<40000x128xf32, #tpu.memory_space<hbm>>) target(%dma_start3A_871 : memref<80x128xf32, #tpu.memory_space<vmem>>) offsets(%dma_start3A_874 : memref<80xi32, #tpu.memory_space<vmem>>) semaphore(%arg15 : memref<!tpu.dma_semaphore, #tpu.memory_space<semaphore_mem>>)
        %mul3A_878 = arith.constant 80 : i32
        %mul3A_879 = arith.muli %add3A_781, %mul3A_878 : i32
        %add3A_880 = arith.addi %add3A_428, %mul3A_879 : i32
        %dma_start3A_881 = arith.constant 1 : i32
        %dma_start3A_882 = arith.constant 0 : i32
        %dma_start3A_883 = arith.constant 0 : i32
        %dma_start3A_884 = tpu.memref_slice %arg9[%dma_start3A_881, %dma_start3A_882, %dma_start3A_883] : memref<2x80x64xi32, #tpu.memory_space<vmem>> -> memref<1x80x64xi32, #tpu.memory_space<vmem>>
        %dma_start3A_885 = tpu.memref_squeeze %dma_start3A_884 : memref<1x80x64xi32, #tpu.memory_space<vmem>> -> memref<80x64xi32, #tpu.memory_space<vmem>>
        %dma_start3A_886 = arith.constant 0 : i32
        %dma_start3A_887 = tpu.memref_slice %arg4[%add3A_880, %dma_start3A_886] : memref<640000x64xi32, #tpu.memory_space<hbm>> -> memref<80x64xi32, #tpu.memory_space<hbm>>
        %dma_start3A_888 = arith.constant 0 : i32
        %dma_start3A_889 = arith.constant 0 : i32
        %dma_start3A_890 = tpu.memref_slice %arg9[%dma_start3A_881, %dma_start3A_888, %dma_start3A_889] : memref<2x80x64xi32, #tpu.memory_space<vmem>> -> memref<1x80x64xi32, #tpu.memory_space<vmem>>
        %dma_start3A_891 = tpu.memref_squeeze %dma_start3A_890 : memref<1x80x64xi32, #tpu.memory_space<vmem>> -> memref<80x64xi32, #tpu.memory_space<vmem>>
        %dma_start3A_892 = arith.constant 0 : i32
        %dma_start3A_893 = tpu.memref_slice %arg4[%add3A_880, %dma_start3A_892] : memref<640000x64xi32, #tpu.memory_space<hbm>> -> memref<80x64xi32, #tpu.memory_space<hbm>>
        tpu.enqueue_dma source(%dma_start3A_893 : memref<80x64xi32, #tpu.memory_space<hbm>>) target(%dma_start3A_891 : memref<80x64xi32, #tpu.memory_space<vmem>>) target_semaphore(%arg17 : memref<!tpu.dma_semaphore, #tpu.memory_space<semaphore_mem>>)
      } else {
      }
      %dma_wait3A_676 = arith.constant 0 : i32
      %dma_wait3A_677 = arith.constant 0 : i32
      %dma_wait3A_678 = arith.constant 0 : i32
      %dma_wait3A_679 = arith.constant 0 : i32
      %dma_wait3A_680 = tpu.memref_slice %arg8[%dma_wait3A_677, %dma_wait3A_678, %dma_wait3A_679] : memref<2x80x128xf32, #tpu.memory_space<vmem>> -> memref<1x80x128xf32, #tpu.memory_space<vmem>>
      %dma_wait3A_681 = tpu.memref_squeeze %dma_wait3A_680 : memref<1x80x128xf32, #tpu.memory_space<vmem>> -> memref<80x128xf32, #tpu.memory_space<vmem>>
      %dma_wait3A_682 = arith.constant 0 : i32
      %dma_wait3A_683 = tpu.memref_slice %arg6[%dma_wait3A_676, %dma_wait3A_682] : memref<2x80xi32, #tpu.memory_space<vmem>> -> memref<1x80xi32, #tpu.memory_space<vmem>>
      %dma_wait3A_684 = tpu.memref_squeeze %dma_wait3A_683 : memref<1x80xi32, #tpu.memory_space<vmem>> -> memref<80xi32, #tpu.memory_space<vmem>>
      %dma_wait3A_685 = arith.constant 0 : i32
      %dma_wait3A_686 = arith.constant 0 : i32
      %dma_wait3A_687 = tpu.memref_slice %arg2[%dma_wait3A_685, %dma_wait3A_686] : memref<40000x128xf32, #tpu.memory_space<hbm>> -> memref<40000x128xf32, #tpu.memory_space<hbm>>
      tpu.wait_indirect_dma semaphore(%arg14 : memref<!tpu.dma_semaphore, #tpu.memory_space<semaphore_mem>>) src(%dma_wait3A_687 : memref<40000x128xf32, #tpu.memory_space<hbm>>) dst(%dma_wait3A_681 : memref<80x128xf32, #tpu.memory_space<vmem>>)
      %mul3A_688 = arith.constant 80 : i32
      %mul3A_689 = arith.muli %add3A_668, %mul3A_688 : i32
      %add3A_690 = arith.addi %add3A_428, %mul3A_689 : i32
      %dma_wait3A_691 = arith.constant 0 : i32
      %dma_wait3A_692 = arith.constant 0 : i32
      %dma_wait3A_693 = arith.constant 0 : i32
      %dma_wait3A_694 = tpu.memref_slice %arg9[%dma_wait3A_691, %dma_wait3A_692, %dma_wait3A_693] : memref<2x80x64xi32, #tpu.memory_space<vmem>> -> memref<1x80x64xi32, #tpu.memory_space<vmem>>
      %dma_wait3A_695 = tpu.memref_squeeze %dma_wait3A_694 : memref<1x80x64xi32, #tpu.memory_space<vmem>> -> memref<80x64xi32, #tpu.memory_space<vmem>>
      %dma_wait3A_696 = arith.constant 0 : i32
      %dma_wait3A_697 = tpu.memref_slice %arg4[%add3A_690, %dma_wait3A_696] : memref<640000x64xi32, #tpu.memory_space<hbm>> -> memref<80x64xi32, #tpu.memory_space<hbm>>
      %dma_wait3A_698 = arith.constant 0 : i32
      %dma_wait3A_699 = arith.constant 0 : i32
      %dma_wait3A_700 = tpu.memref_slice %arg9[%dma_wait3A_691, %dma_wait3A_698, %dma_wait3A_699] : memref<2x80x64xi32, #tpu.memory_space<vmem>> -> memref<1x80x64xi32, #tpu.memory_space<vmem>>
      %dma_wait3A_701 = tpu.memref_squeeze %dma_wait3A_700 : memref<1x80x64xi32, #tpu.memory_space<vmem>> -> memref<80x64xi32, #tpu.memory_space<vmem>>
      %dma_wait3A_702 = arith.constant 0 : i32
      %dma_wait3A_703 = tpu.memref_slice %arg4[%add3A_690, %dma_wait3A_702] : memref<640000x64xi32, #tpu.memory_space<hbm>> -> memref<80x64xi32, #tpu.memory_space<hbm>>
      tpu.wait_dma2 semaphore(%arg16 : memref<!tpu.dma_semaphore, #tpu.memory_space<semaphore_mem>>) src(%dma_wait3A_703 : memref<80x64xi32, #tpu.memory_space<hbm>>) dst(%dma_wait3A_701 : memref<80x64xi32, #tpu.memory_space<vmem>>)
      %broadcast_in_dim3A_704 = arith.constant -65536 : i32
      %broadcast_in_dim3A_705 = vector.broadcast %broadcast_in_dim3A_704 : i32 to vector<16xi32>
      %scan3A_706 = arith.constant 0 : i32
      %scan3A_707 = arith.constant 0 : i32
      %scan3A_708 = arith.constant 80 : i32
      %scan3A_709 = arith.addi %scan3A_707, %scan3A_708 : i32
      %scan3A_710 = arith.constant 1 : i32
      %scan3A_711 = scf.for %scan3A_780 = %scan3A_707 to %scan3A_709 step %scan3A_710 iter_args(%scan3A_781 = %scan3A_706) -> (i32)  : i32 {
        %get3A_782 = arith.constant 0 : i32
        %get3A_783 = arith.index_cast %get3A_782 : i32 to index
        %get3A_784 = arith.index_cast %scan3A_780 : i32 to index
        %get3A_785 = arith.constant 0 : index
        %get3A_786 = tpu.vector_load %arg9[%get3A_783, %get3A_784, %get3A_785] {strides = array<i32>} : memref<2x80x64xi32, #tpu.memory_space<vmem>>, vector<1x1x16xi32>,
        %get3A_787 = vector.shape_cast %get3A_786 : vector<1x1x16xi32> to vector<16xi32>
        %shift_left3A = arith.constant 16 : i32
        %shift_left3A_788 = vector.broadcast %shift_left3A : i32 to vector<16xi32>
        %shift_left3A_789 = arith.shli %get3A_787, %shift_left3A_788 : vector<16xi32>
        %bitcast_convert_type3A = tpu.bitcast %shift_left3A_789 : vector<16xi32> -> vector<16xf32>
        %and3A = arith.andi %get3A_787, %broadcast_in_dim3A_705 : vector<16xi32>
        %bitcast_convert_type3A_790 = tpu.bitcast %and3A : vector<16xi32> -> vector<16xf32>
        %get3A_791 = arith.constant 0 : i32
        %get3A_792 = arith.index_cast %get3A_791 : i32 to index
        %get3A_793 = arith.index_cast %scan3A_780 : i32 to index
        %get3A_794 = arith.constant 0 : index
        %get3A_795 = tpu.vector_load %arg8[%get3A_792, %get3A_793, %get3A_794] {strides = array<i32>} : memref<2x80x128xf32, #tpu.memory_space<vmem>>, vector<1x1x16xf32>,
        %get3A_796 = vector.shape_cast %get3A_795 : vector<1x1x16xf32> to vector<16xf32>
        %mul3A_797 = arith.mulf %get3A_796, %bitcast_convert_type3A : vector<16xf32>
        %swap3A_798 = arith.constant 0 : i32
        %swap3A_799 = arith.index_cast %swap3A_798 : i32 to index
        %swap3A_800 = arith.index_cast %scan3A_780 : i32 to index
        %swap3A_801 = arith.constant 0 : index
        %swap3A_802 = tpu.vector_load %arg8[%swap3A_799, %swap3A_800, %swap3A_801] {strides = array<i32>} : memref<2x80x128xf32, #tpu.memory_space<vmem>>, vector<1x1x16xf32>,
        %swap3A_803 = vector.shape_cast %swap3A_802 : vector<1x1x16xf32> to vector<16xf32>
        %swap3A_804 = vector.shape_cast %mul3A_797 : vector<16xf32> to vector<1x1x16xf32>
        tpu.vector_store %arg8[%swap3A_799, %swap3A_800, %swap3A_801], %swap3A_804 {strides = array<i32>} : memref<2x80x128xf32, #tpu.memory_space<vmem>>, vector<1x1x16xf32>,
        %get3A_805 = arith.constant 0 : i32
        %get3A_806 = arith.index_cast %get3A_805 : i32 to index
        %get3A_807 = arith.index_cast %scan3A_780 : i32 to index
        %get3A_808 = arith.constant 16 : index
        %get3A_809 = tpu.vector_load %arg8[%get3A_806, %get3A_807, %get3A_808] {strides = array<i32>} : memref<2x80x128xf32, #tpu.memory_space<vmem>>, vector<1x1x16xf32>,
        %get3A_810 = vector.shape_cast %get3A_809 : vector<1x1x16xf32> to vector<16xf32>
        %mul3A_811 = arith.mulf %get3A_810, %bitcast_convert_type3A_790 : vector<16xf32>
        %swap3A_812 = arith.constant 0 : i32
        %swap3A_813 = arith.index_cast %swap3A_812 : i32 to index
        %swap3A_814 = arith.index_cast %scan3A_780 : i32 to index
        %swap3A_815 = arith.constant 16 : index
        %swap3A_816 = tpu.vector_load %arg8[%swap3A_813, %swap3A_814, %swap3A_815] {strides = array<i32>} : memref<2x80x128xf32, #tpu.memory_space<vmem>>, vector<1x1x16xf32>,
        %swap3A_817 = vector.shape_cast %swap3A_816 : vector<1x1x16xf32> to vector<16xf32>
        %swap3A_818 = vector.shape_cast %mul3A_811 : vector<16xf32> to vector<1x1x16xf32>
        tpu.vector_store %arg8[%swap3A_813, %swap3A_814, %swap3A_815], %swap3A_818 {strides = array<i32>} : memref<2x80x128xf32, #tpu.memory_space<vmem>>, vector<1x1x16xf32>,
        %get3A_819 = arith.constant 0 : i32
        %get3A_820 = arith.index_cast %get3A_819 : i32 to index
        %get3A_821 = arith.index_cast %scan3A_780 : i32 to index
        %get3A_822 = arith.constant 16 : index
        %get3A_823 = tpu.vector_load %arg9[%get3A_820, %get3A_821, %get3A_822] {strides = array<i32>} : memref<2x80x64xi32, #tpu.memory_space<vmem>>, vector<1x1x16xi32>,
        %get3A_824 = vector.shape_cast %get3A_823 : vector<1x1x16xi32> to vector<16xi32>
        %shift_left3A_825 = arith.constant 16 : i32
        %shift_left3A_826 = vector.broadcast %shift_left3A_825 : i32 to vector<16xi32>
        %shift_left3A_827 = arith.shli %get3A_824, %shift_left3A_826 : vector<16xi32>
        %bitcast_convert_type3A_828 = tpu.bitcast %shift_left3A_827 : vector<16xi32> -> vector<16xf32>
        %and3A_829 = arith.andi %get3A_824, %broadcast_in_dim3A_705 : vector<16xi32>
        %bitcast_convert_type3A_830 = tpu.bitcast %and3A_829 : vector<16xi32> -> vector<16xf32>
        %get3A_831 = arith.constant 0 : i32
        %get3A_832 = arith.index_cast %get3A_831 : i32 to index
        %get3A_833 = arith.index_cast %scan3A_780 : i32 to index
        %get3A_834 = arith.constant 32 : index
        %get3A_835 = tpu.vector_load %arg8[%get3A_832, %get3A_833, %get3A_834] {strides = array<i32>} : memref<2x80x128xf32, #tpu.memory_space<vmem>>, vector<1x1x16xf32>,
        %get3A_836 = vector.shape_cast %get3A_835 : vector<1x1x16xf32> to vector<16xf32>
        %mul3A_837 = arith.mulf %get3A_836, %bitcast_convert_type3A_828 : vector<16xf32>
        %swap3A_838 = arith.constant 0 : i32
        %swap3A_839 = arith.index_cast %swap3A_838 : i32 to index
        %swap3A_840 = arith.index_cast %scan3A_780 : i32 to index
        %swap3A_841 = arith.constant 32 : index
        %swap3A_842 = tpu.vector_load %arg8[%swap3A_839, %swap3A_840, %swap3A_841] {strides = array<i32>} : memref<2x80x128xf32, #tpu.memory_space<vmem>>, vector<1x1x16xf32>,
        %swap3A_843 = vector.shape_cast %swap3A_842 : vector<1x1x16xf32> to vector<16xf32>
        %swap3A_844 = vector.shape_cast %mul3A_837 : vector<16xf32> to vector<1x1x16xf32>
        tpu.vector_store %arg8[%swap3A_839, %swap3A_840, %swap3A_841], %swap3A_844 {strides = array<i32>} : memref<2x80x128xf32, #tpu.memory_space<vmem>>, vector<1x1x16xf32>,
        %get3A_845 = arith.constant 0 : i32
        %get3A_846 = arith.index_cast %get3A_845 : i32 to index
        %get3A_847 = arith.index_cast %scan3A_780 : i32 to index
        %get3A_848 = arith.constant 48 : index
        %get3A_849 = tpu.vector_load %arg8[%get3A_846, %get3A_847, %get3A_848] {strides = array<i32>} : memref<2x80x128xf32, #tpu.memory_space<vmem>>, vector<1x1x16xf32>,
        %get3A_850 = vector.shape_cast %get3A_849 : vector<1x1x16xf32> to vector<16xf32>
        %mul3A_851 = arith.mulf %get3A_850, %bitcast_convert_type3A_830 : vector<16xf32>
        %swap3A_852 = arith.constant 0 : i32
        %swap3A_853 = arith.index_cast %swap3A_852 : i32 to index
        %swap3A_854 = arith.index_cast %scan3A_780 : i32 to index
        %swap3A_855 = arith.constant 48 : index
        %swap3A_856 = tpu.vector_load %arg8[%swap3A_853, %swap3A_854, %swap3A_855] {strides = array<i32>} : memref<2x80x128xf32, #tpu.memory_space<vmem>>, vector<1x1x16xf32>,
        %swap3A_857 = vector.shape_cast %swap3A_856 : vector<1x1x16xf32> to vector<16xf32>
        %swap3A_858 = vector.shape_cast %mul3A_851 : vector<16xf32> to vector<1x1x16xf32>
        tpu.vector_store %arg8[%swap3A_853, %swap3A_854, %swap3A_855], %swap3A_858 {strides = array<i32>} : memref<2x80x128xf32, #tpu.memory_space<vmem>>, vector<1x1x16xf32>,
        %get3A_859 = arith.constant 0 : i32
        %get3A_860 = arith.index_cast %get3A_859 : i32 to index
        %get3A_861 = arith.index_cast %scan3A_780 : i32 to index
        %get3A_862 = arith.constant 32 : index
        %get3A_863 = tpu.vector_load %arg9[%get3A_860, %get3A_861, %get3A_862] {strides = array<i32>} : memref<2x80x64xi32, #tpu.memory_space<vmem>>, vector<1x1x16xi32>,
        %get3A_864 = vector.shape_cast %get3A_863 : vector<1x1x16xi32> to vector<16xi32>
        %shift_left3A_865 = arith.constant 16 : i32
        %shift_left3A_866 = vector.broadcast %shift_left3A_865 : i32 to vector<16xi32>
        %shift_left3A_867 = arith.shli %get3A_864, %shift_left3A_866 : vector<16xi32>
        %bitcast_convert_type3A_868 = tpu.bitcast %shift_left3A_867 : vector<16xi32> -> vector<16xf32>
        %and3A_869 = arith.andi %get3A_864, %broadcast_in_dim3A_705 : vector<16xi32>
        %bitcast_convert_type3A_870 = tpu.bitcast %and3A_869 : vector<16xi32> -> vector<16xf32>
        %get3A_871 = arith.constant 0 : i32
        %get3A_872 = arith.index_cast %get3A_871 : i32 to index
        %get3A_873 = arith.index_cast %scan3A_780 : i32 to index
        %get3A_874 = arith.constant 64 : index
        %get3A_875 = tpu.vector_load %arg8[%get3A_872, %get3A_873, %get3A_874] {strides = array<i32>} : memref<2x80x128xf32, #tpu.memory_space<vmem>>, vector<1x1x16xf32>,
        %get3A_876 = vector.shape_cast %get3A_875 : vector<1x1x16xf32> to vector<16xf32>
        %mul3A_877 = arith.mulf %get3A_876, %bitcast_convert_type3A_868 : vector<16xf32>
        %swap3A_878 = arith.constant 0 : i32
        %swap3A_879 = arith.index_cast %swap3A_878 : i32 to index
        %swap3A_880 = arith.index_cast %scan3A_780 : i32 to index
        %swap3A_881 = arith.constant 64 : index
        %swap3A_882 = tpu.vector_load %arg8[%swap3A_879, %swap3A_880, %swap3A_881] {strides = array<i32>} : memref<2x80x128xf32, #tpu.memory_space<vmem>>, vector<1x1x16xf32>,
        %swap3A_883 = vector.shape_cast %swap3A_882 : vector<1x1x16xf32> to vector<16xf32>
        %swap3A_884 = vector.shape_cast %mul3A_877 : vector<16xf32> to vector<1x1x16xf32>
        tpu.vector_store %arg8[%swap3A_879, %swap3A_880, %swap3A_881], %swap3A_884 {strides = array<i32>} : memref<2x80x128xf32, #tpu.memory_space<vmem>>, vector<1x1x16xf32>,
        %get3A_885 = arith.constant 0 : i32
        %get3A_886 = arith.index_cast %get3A_885 : i32 to index
        %get3A_887 = arith.index_cast %scan3A_780 : i32 to index
        %get3A_888 = arith.constant 80 : index
        %get3A_889 = tpu.vector_load %arg8[%get3A_886, %get3A_887, %get3A_888] {strides = array<i32>} : memref<2x80x128xf32, #tpu.memory_space<vmem>>, vector<1x1x16xf32>,
        %get3A_890 = vector.shape_cast %get3A_889 : vector<1x1x16xf32> to vector<16xf32>
        %mul3A_891 = arith.mulf %get3A_890, %bitcast_convert_type3A_870 : vector<16xf32>
        %swap3A_892 = arith.constant 0 : i32
        %swap3A_893 = arith.index_cast %swap3A_892 : i32 to index
        %swap3A_894 = arith.index_cast %scan3A_780 : i32 to index
        %swap3A_895 = arith.constant 80 : index
        %swap3A_896 = tpu.vector_load %arg8[%swap3A_893, %swap3A_894, %swap3A_895] {strides = array<i32>} : memref<2x80x128xf32, #tpu.memory_space<vmem>>, vector<1x1x16xf32>,
        %swap3A_897 = vector.shape_cast %swap3A_896 : vector<1x1x16xf32> to vector<16xf32>
        %swap3A_898 = vector.shape_cast %mul3A_891 : vector<16xf32> to vector<1x1x16xf32>
        tpu.vector_store %arg8[%swap3A_893, %swap3A_894, %swap3A_895], %swap3A_898 {strides = array<i32>} : memref<2x80x128xf32, #tpu.memory_space<vmem>>, vector<1x1x16xf32>,
        %get3A_899 = arith.constant 0 : i32
        %get3A_900 = arith.index_cast %get3A_899 : i32 to index
        %get3A_901 = arith.index_cast %scan3A_780 : i32 to index
        %get3A_902 = arith.constant 48 : index
        %get3A_903 = tpu.vector_load %arg9[%get3A_900, %get3A_901, %get3A_902] {strides = array<i32>} : memref<2x80x64xi32, #tpu.memory_space<vmem>>, vector<1x1x16xi32>,
        %get3A_904 = vector.shape_cast %get3A_903 : vector<1x1x16xi32> to vector<16xi32>
        %shift_left3A_905 = arith.constant 16 : i32
        %shift_left3A_906 = vector.broadcast %shift_left3A_905 : i32 to vector<16xi32>
        %shift_left3A_907 = arith.shli %get3A_904, %shift_left3A_906 : vector<16xi32>
        %bitcast_convert_type3A_908 = tpu.bitcast %shift_left3A_907 : vector<16xi32> -> vector<16xf32>
        %and3A_909 = arith.andi %get3A_904, %broadcast_in_dim3A_705 : vector<16xi32>
        %bitcast_convert_type3A_910 = tpu.bitcast %and3A_909 : vector<16xi32> -> vector<16xf32>
        %get3A_911 = arith.constant 0 : i32
        %get3A_912 = arith.index_cast %get3A_911 : i32 to index
        %get3A_913 = arith.index_cast %scan3A_780 : i32 to index
        %get3A_914 = arith.constant 96 : index
        %get3A_915 = tpu.vector_load %arg8[%get3A_912, %get3A_913, %get3A_914] {strides = array<i32>} : memref<2x80x128xf32, #tpu.memory_space<vmem>>, vector<1x1x16xf32>,
        %get3A_916 = vector.shape_cast %get3A_915 : vector<1x1x16xf32> to vector<16xf32>
        %mul3A_917 = arith.mulf %get3A_916, %bitcast_convert_type3A_908 : vector<16xf32>
        %swap3A_918 = arith.constant 0 : i32
        %swap3A_919 = arith.index_cast %swap3A_918 : i32 to index
        %swap3A_920 = arith.index_cast %scan3A_780 : i32 to index
        %swap3A_921 = arith.constant 96 : index
        %swap3A_922 = tpu.vector_load %arg8[%swap3A_919, %swap3A_920, %swap3A_921] {strides = array<i32>} : memref<2x80x128xf32, #tpu.memory_space<vmem>>, vector<1x1x16xf32>,
        %swap3A_923 = vector.shape_cast %swap3A_922 : vector<1x1x16xf32> to vector<16xf32>
        %swap3A_924 = vector.shape_cast %mul3A_917 : vector<16xf32> to vector<1x1x16xf32>
        tpu.vector_store %arg8[%swap3A_919, %swap3A_920, %swap3A_921], %swap3A_924 {strides = array<i32>} : memref<2x80x128xf32, #tpu.memory_space<vmem>>, vector<1x1x16xf32>,
        %get3A_925 = arith.constant 0 : i32
        %get3A_926 = arith.index_cast %get3A_925 : i32 to index
        %get3A_927 = arith.index_cast %scan3A_780 : i32 to index
        %get3A_928 = arith.constant 112 : index
        %get3A_929 = tpu.vector_load %arg8[%get3A_926, %get3A_927, %get3A_928] {strides = array<i32>} : memref<2x80x128xf32, #tpu.memory_space<vmem>>, vector<1x1x16xf32>,
        %get3A_930 = vector.shape_cast %get3A_929 : vector<1x1x16xf32> to vector<16xf32>
        %mul3A_931 = arith.mulf %get3A_930, %bitcast_convert_type3A_910 : vector<16xf32>
        %swap3A_932 = arith.constant 0 : i32
        %swap3A_933 = arith.index_cast %swap3A_932 : i32 to index
        %swap3A_934 = arith.index_cast %scan3A_780 : i32 to index
        %swap3A_935 = arith.constant 112 : index
        %swap3A_936 = tpu.vector_load %arg8[%swap3A_933, %swap3A_934, %swap3A_935] {strides = array<i32>} : memref<2x80x128xf32, #tpu.memory_space<vmem>>, vector<1x1x16xf32>,
        %swap3A_937 = vector.shape_cast %swap3A_936 : vector<1x1x16xf32> to vector<16xf32>
        %swap3A_938 = vector.shape_cast %mul3A_931 : vector<16xf32> to vector<1x1x16xf32>
        tpu.vector_store %arg8[%swap3A_933, %swap3A_934, %swap3A_935], %swap3A_938 {strides = array<i32>} : memref<2x80x128xf32, #tpu.memory_space<vmem>>, vector<1x1x16xf32>,
        %scan3A_939 = arith.constant 0 : i32
        scf.yield %scan3A_939 : i32
      }
      %scan3A_712 = arith.constant 80 : i32
      %run_scoped3A_713 = arith.constant 0 : i32
      %run_scoped3A_714 = arith.constant 0 : i32
      "tpu.region"() ({
        %run_scoped3A_780 = tpu.sem_alloc : memref<!tpu.dma_semaphore, #tpu.memory_space<semaphore_mem>>
        %dma_start3A_781 = arith.constant 0 : i32
        %dma_start3A_782 = arith.constant 0 : i32
        %dma_start3A_783 = tpu.memref_slice %arg8[%run_scoped3A_713, %dma_start3A_781, %dma_start3A_782] : memref<2x80x128xf32, #tpu.memory_space<vmem>> -> memref<1x80x128xf32, #tpu.memory_space<vmem>>
        %dma_start3A_784 = tpu.memref_squeeze %dma_start3A_783 : memref<1x80x128xf32, #tpu.memory_space<vmem>> -> memref<80x128xf32, #tpu.memory_space<vmem>>
        %dma_start3A_785 = arith.constant 0 : i32
        %dma_start3A_786 = tpu.memref_slice %arg7[%run_scoped3A_714, %dma_start3A_785] : memref<2x80xi32, #tpu.memory_space<vmem>> -> memref<1x80xi32, #tpu.memory_space<vmem>>
        %dma_start3A_787 = tpu.memref_squeeze %dma_start3A_786 : memref<1x80xi32, #tpu.memory_space<vmem>> -> memref<80xi32, #tpu.memory_space<vmem>>
        %dma_start3A_788 = arith.constant 0 : i32
        %dma_start3A_789 = arith.constant 0 : i32
        %dma_start3A_790 = tpu.memref_slice %arg11[%dma_start3A_788, %dma_start3A_789] : memref<10000x128xf32, #tpu.memory_space<vmem_shared>> -> memref<10000x128xf32, #tpu.memory_space<vmem_shared>>
        tpu.enqueue_indirect_dma source(%dma_start3A_784 : memref<80x128xf32, #tpu.memory_space<vmem>>) target(%dma_start3A_790 : memref<10000x128xf32, #tpu.memory_space<vmem_shared>>) offsets(%dma_start3A_787 : memref<80xi32, #tpu.memory_space<vmem>>) semaphore(%run_scoped3A_780 : memref<!tpu.dma_semaphore, #tpu.memory_space<semaphore_mem>>) {add = true}
        %dma_wait3A_791 = arith.constant 0 : i32
        %dma_wait3A_792 = arith.constant 0 : i32
        %dma_wait3A_793 = tpu.memref_slice %arg8[%run_scoped3A_713, %dma_wait3A_791, %dma_wait3A_792] : memref<2x80x128xf32, #tpu.memory_space<vmem>> -> memref<1x80x128xf32, #tpu.memory_space<vmem>>
        %dma_wait3A_794 = tpu.memref_squeeze %dma_wait3A_793 : memref<1x80x128xf32, #tpu.memory_space<vmem>> -> memref<80x128xf32, #tpu.memory_space<vmem>>
        %dma_wait3A_795 = arith.constant 0 : i32
        %dma_wait3A_796 = tpu.memref_slice %arg7[%run_scoped3A_714, %dma_wait3A_795] : memref<2x80xi32, #tpu.memory_space<vmem>> -> memref<1x80xi32, #tpu.memory_space<vmem>>
        %dma_wait3A_797 = tpu.memref_squeeze %dma_wait3A_796 : memref<1x80xi32, #tpu.memory_space<vmem>> -> memref<80xi32, #tpu.memory_space<vmem>>
        %dma_wait3A_798 = arith.constant 0 : i32
        %dma_wait3A_799 = arith.constant 0 : i32
        %dma_wait3A_800 = tpu.memref_slice %arg11[%dma_wait3A_798, %dma_wait3A_799] : memref<10000x128xf32, #tpu.memory_space<vmem_shared>> -> memref<10000x128xf32, #tpu.memory_space<vmem_shared>>
        tpu.wait_indirect_dma semaphore(%run_scoped3A_780 : memref<!tpu.dma_semaphore, #tpu.memory_space<semaphore_mem>>) src(%dma_wait3A_794 : memref<80x128xf32, #tpu.memory_space<vmem>>) dst(%dma_wait3A_800 : memref<10000x128xf32, #tpu.memory_space<vmem_shared>>)
        tpu.yield
      }) : () -> ()
      %add3A_715 = arith.constant 2 : i32
      %add3A_716 = arith.addi %add3A_668, %add3A_715 : i32
      %lt3A_717 = arith.constant 125 : i32
      %lt3A_718 = arith.cmpi slt, %add3A_716, %lt3A_717 : i32
      %convert_element_type3A_719 = arith.extui %lt3A_718 : i1 to i32
      %cond3A_720 = arith.constant 0 : i32
      %cond3A_721 = arith.cmpi ne, %convert_element_type3A_719, %cond3A_720 : i32
      scf.if %cond3A_721 {
        %add3A_780 = arith.constant 2 : i32
        %add3A_781 = arith.addi %add3A_668, %add3A_780 : i32
        %mul3A_782 = arith.constant 80 : i32
        %mul3A_783 = arith.muli %add3A_781, %mul3A_782 : i32
        %add3A_784 = arith.addi %add3A_423, %mul3A_783 : i32
        %dma_start3A_785 = arith.constant 0 : i32
        %dma_start3A_786 = arith.constant 0 : i32
        %dma_start3A_787 = tpu.memref_slice %arg6[%dma_start3A_785, %dma_start3A_786] : memref<2x80xi32, #tpu.memory_space<vmem>> -> memref<1x80xi32, #tpu.memory_space<vmem>>
        %dma_start3A_788 = tpu.memref_squeeze %dma_start3A_787 : memref<1x80xi32, #tpu.memory_space<vmem>> -> memref<80xi32, #tpu.memory_space<vmem>>
        %dma_start3A_789 = tpu.memref_slice %arg3[%add3A_784] : memref<1280000xi32, #tpu.memory_space<hbm>> -> memref<80xi32, #tpu.memory_space<hbm>>
        %dma_start3A_790 = arith.constant 0 : i32
        %dma_start3A_791 = tpu.memref_slice %arg6[%dma_start3A_785, %dma_start3A_790] : memref<2x80xi32, #tpu.memory_space<vmem>> -> memref<1x80xi32, #tpu.memory_space<vmem>>
        %dma_start3A_792 = tpu.memref_squeeze %dma_start3A_791 : memref<1x80xi32, #tpu.memory_space<vmem>> -> memref<80xi32, #tpu.memory_space<vmem>>
        %dma_start3A_793 = tpu.memref_slice %arg3[%add3A_784] : memref<1280000xi32, #tpu.memory_space<hbm>> -> memref<80xi32, #tpu.memory_space<hbm>>
        tpu.enqueue_dma source(%dma_start3A_793 : memref<80xi32, #tpu.memory_space<hbm>>) target(%dma_start3A_792 : memref<80xi32, #tpu.memory_space<vmem>>) target_semaphore(%arg12 : memref<!tpu.dma_semaphore, #tpu.memory_space<semaphore_mem>>)
        %mul3A_794 = arith.constant 80 : i32
        %mul3A_795 = arith.muli %add3A_781, %mul3A_794 : i32
        %add3A_796 = arith.addi %add3A_425, %mul3A_795 : i32
        %dma_start3A_797 = arith.constant 0 : i32
        %dma_start3A_798 = arith.constant 0 : i32
        %dma_start3A_799 = tpu.memref_slice %arg7[%dma_start3A_797, %dma_start3A_798] : memref<2x80xi32, #tpu.memory_space<vmem>> -> memref<1x80xi32, #tpu.memory_space<vmem>>
        %dma_start3A_800 = tpu.memref_squeeze %dma_start3A_799 : memref<1x80xi32, #tpu.memory_space<vmem>> -> memref<80xi32, #tpu.memory_space<vmem>>
        %dma_start3A_801 = tpu.memref_slice %arg3[%add3A_796] : memref<1280000xi32, #tpu.memory_space<hbm>> -> memref<80xi32, #tpu.memory_space<hbm>>
        %dma_start3A_802 = arith.constant 0 : i32
        %dma_start3A_803 = tpu.memref_slice %arg7[%dma_start3A_797, %dma_start3A_802] : memref<2x80xi32, #tpu.memory_space<vmem>> -> memref<1x80xi32, #tpu.memory_space<vmem>>
        %dma_start3A_804 = tpu.memref_squeeze %dma_start3A_803 : memref<1x80xi32, #tpu.memory_space<vmem>> -> memref<80xi32, #tpu.memory_space<vmem>>
        %dma_start3A_805 = tpu.memref_slice %arg3[%add3A_796] : memref<1280000xi32, #tpu.memory_space<hbm>> -> memref<80xi32, #tpu.memory_space<hbm>>
        tpu.enqueue_dma source(%dma_start3A_805 : memref<80xi32, #tpu.memory_space<hbm>>) target(%dma_start3A_804 : memref<80xi32, #tpu.memory_space<vmem>>) target_semaphore(%arg12 : memref<!tpu.dma_semaphore, #tpu.memory_space<semaphore_mem>>)
      } else {
      }
      %mul3A_722 = arith.constant 2 : i32
      %mul3A_723 = arith.muli %scan3A_663, %mul3A_722 : i32
      %add3A_724 = arith.constant 1 : i32
      %add3A_725 = arith.addi %mul3A_723, %add3A_724 : i32
      %add3A_726 = arith.constant 1 : i32
      %add3A_727 = arith.addi %add3A_725, %add3A_726 : i32
      %lt3A_728 = arith.constant 125 : i32
      %lt3A_729 = arith.cmpi slt, %add3A_727, %lt3A_728 : i32
      %convert_element_type3A_730 = arith.extui %lt3A_729 : i1 to i32
      %cond3A_731 = arith.constant 0 : i32
      %cond3A_732 = arith.cmpi ne, %convert_element_type3A_730, %cond3A_731 : i32
      scf.if %cond3A_732 {
        %add3A_780 = arith.constant 1 : i32
        %add3A_781 = arith.addi %add3A_725, %add3A_780 : i32
        %mul3A_782 = arith.constant 80 : i32
        %mul3A_783 = arith.muli %add3A_781, %mul3A_782 : i32
        %add3A_784 = arith.addi %add3A_423, %mul3A_783 : i32
        %dma_wait3A_785 = arith.constant 0 : i32
        %dma_wait3A_786 = arith.constant 0 : i32
        %dma_wait3A_787 = tpu.memref_slice %arg6[%dma_wait3A_785, %dma_wait3A_786] : memref<2x80xi32, #tpu.memory_space<vmem>> -> memref<1x80xi32, #tpu.memory_space<vmem>>
        %dma_wait3A_788 = tpu.memref_squeeze %dma_wait3A_787 : memref<1x80xi32, #tpu.memory_space<vmem>> -> memref<80xi32, #tpu.memory_space<vmem>>
        %dma_wait3A_789 = tpu.memref_slice %arg3[%add3A_784] : memref<1280000xi32, #tpu.memory_space<hbm>> -> memref<80xi32, #tpu.memory_space<hbm>>
        %dma_wait3A_790 = arith.constant 0 : i32
        %dma_wait3A_791 = tpu.memref_slice %arg6[%dma_wait3A_785, %dma_wait3A_790] : memref<2x80xi32, #tpu.memory_space<vmem>> -> memref<1x80xi32, #tpu.memory_space<vmem>>
        %dma_wait3A_792 = tpu.memref_squeeze %dma_wait3A_791 : memref<1x80xi32, #tpu.memory_space<vmem>> -> memref<80xi32, #tpu.memory_space<vmem>>
        %dma_wait3A_793 = tpu.memref_slice %arg3[%add3A_784] : memref<1280000xi32, #tpu.memory_space<hbm>> -> memref<80xi32, #tpu.memory_space<hbm>>
        tpu.wait_dma2 semaphore(%arg12 : memref<!tpu.dma_semaphore, #tpu.memory_space<semaphore_mem>>) src(%dma_wait3A_793 : memref<80xi32, #tpu.memory_space<hbm>>) dst(%dma_wait3A_792 : memref<80xi32, #tpu.memory_space<vmem>>)
        %mul3A_794 = arith.constant 80 : i32
        %mul3A_795 = arith.muli %add3A_781, %mul3A_794 : i32
        %add3A_796 = arith.addi %add3A_425, %mul3A_795 : i32
        %dma_wait3A_797 = arith.constant 0 : i32
        %dma_wait3A_798 = arith.constant 0 : i32
        %dma_wait3A_799 = tpu.memref_slice %arg7[%dma_wait3A_797, %dma_wait3A_798] : memref<2x80xi32, #tpu.memory_space<vmem>> -> memref<1x80xi32, #tpu.memory_space<vmem>>
        %dma_wait3A_800 = tpu.memref_squeeze %dma_wait3A_799 : memref<1x80xi32, #tpu.memory_space<vmem>> -> memref<80xi32, #tpu.memory_space<vmem>>
        %dma_wait3A_801 = tpu.memref_slice %arg3[%add3A_796] : memref<1280000xi32, #tpu.memory_space<hbm>> -> memref<80xi32, #tpu.memory_space<hbm>>
        %dma_wait3A_802 = arith.constant 0 : i32
        %dma_wait3A_803 = tpu.memref_slice %arg7[%dma_wait3A_797, %dma_wait3A_802] : memref<2x80xi32, #tpu.memory_space<vmem>> -> memref<1x80xi32, #tpu.memory_space<vmem>>
        %dma_wait3A_804 = tpu.memref_squeeze %dma_wait3A_803 : memref<1x80xi32, #tpu.memory_space<vmem>> -> memref<80xi32, #tpu.memory_space<vmem>>
        %dma_wait3A_805 = tpu.memref_slice %arg3[%add3A_796] : memref<1280000xi32, #tpu.memory_space<hbm>> -> memref<80xi32, #tpu.memory_space<hbm>>
        tpu.wait_dma2 semaphore(%arg12 : memref<!tpu.dma_semaphore, #tpu.memory_space<semaphore_mem>>) src(%dma_wait3A_805 : memref<80xi32, #tpu.memory_space<hbm>>) dst(%dma_wait3A_804 : memref<80xi32, #tpu.memory_space<vmem>>)
        %get3A_806 = arith.constant 0 : i32
        %get3A_807 = arith.index_cast %get3A_806 : i32 to index
        %get3A_808 = arith.constant 0 : index
        %get3A_809 = tpu.vector_load %arg6[%get3A_807, %get3A_808] {strides = array<i32>} : memref<2x80xi32, #tpu.memory_space<vmem>>, vector<1x16xi32>,
        %get3A_810 = vector.shape_cast %get3A_809 : vector<1x16xi32> to vector<16xi32>
        %add3A_811 = arith.addi %get3A_810, %add3A_434 : vector<16xi32>
        %swap3A_812 = arith.constant 0 : i32
        %swap3A_813 = arith.index_cast %swap3A_812 : i32 to index
        %swap3A_814 = arith.constant 0 : index
        %swap3A_815 = tpu.vector_load %arg6[%swap3A_813, %swap3A_814] {strides = array<i32>} : memref<2x80xi32, #tpu.memory_space<vmem>>, vector<1x16xi32>,
        %swap3A_816 = vector.shape_cast %swap3A_815 : vector<1x16xi32> to vector<16xi32>
        %swap3A_817 = vector.shape_cast %add3A_811 : vector<16xi32> to vector<1x16xi32>
        tpu.vector_store %arg6[%swap3A_813, %swap3A_814], %swap3A_817 {strides = array<i32>} : memref<2x80xi32, #tpu.memory_space<vmem>>, vector<1x16xi32>,
        %get3A_818 = arith.constant 0 : i32
        %get3A_819 = arith.index_cast %get3A_818 : i32 to index
        %get3A_820 = arith.constant 16 : index
        %get3A_821 = tpu.vector_load %arg6[%get3A_819, %get3A_820] {strides = array<i32>} : memref<2x80xi32, #tpu.memory_space<vmem>>, vector<1x16xi32>,
        %get3A_822 = vector.shape_cast %get3A_821 : vector<1x16xi32> to vector<16xi32>
        %add3A_823 = arith.addi %get3A_822, %add3A_434 : vector<16xi32>
        %swap3A_824 = arith.constant 0 : i32
        %swap3A_825 = arith.index_cast %swap3A_824 : i32 to index
        %swap3A_826 = arith.constant 16 : index
        %swap3A_827 = tpu.vector_load %arg6[%swap3A_825, %swap3A_826] {strides = array<i32>} : memref<2x80xi32, #tpu.memory_space<vmem>>, vector<1x16xi32>,
        %swap3A_828 = vector.shape_cast %swap3A_827 : vector<1x16xi32> to vector<16xi32>
        %swap3A_829 = vector.shape_cast %add3A_823 : vector<16xi32> to vector<1x16xi32>
        tpu.vector_store %arg6[%swap3A_825, %swap3A_826], %swap3A_829 {strides = array<i32>} : memref<2x80xi32, #tpu.memory_space<vmem>>, vector<1x16xi32>,
        %get3A_830 = arith.constant 0 : i32
        %get3A_831 = arith.index_cast %get3A_830 : i32 to index
        %get3A_832 = arith.constant 32 : index
        %get3A_833 = tpu.vector_load %arg6[%get3A_831, %get3A_832] {strides = array<i32>} : memref<2x80xi32, #tpu.memory_space<vmem>>, vector<1x16xi32>,
        %get3A_834 = vector.shape_cast %get3A_833 : vector<1x16xi32> to vector<16xi32>
        %add3A_835 = arith.addi %get3A_834, %add3A_434 : vector<16xi32>
        %swap3A_836 = arith.constant 0 : i32
        %swap3A_837 = arith.index_cast %swap3A_836 : i32 to index
        %swap3A_838 = arith.constant 32 : index
        %swap3A_839 = tpu.vector_load %arg6[%swap3A_837, %swap3A_838] {strides = array<i32>} : memref<2x80xi32, #tpu.memory_space<vmem>>, vector<1x16xi32>,
        %swap3A_840 = vector.shape_cast %swap3A_839 : vector<1x16xi32> to vector<16xi32>
        %swap3A_841 = vector.shape_cast %add3A_835 : vector<16xi32> to vector<1x16xi32>
        tpu.vector_store %arg6[%swap3A_837, %swap3A_838], %swap3A_841 {strides = array<i32>} : memref<2x80xi32, #tpu.memory_space<vmem>>, vector<1x16xi32>,
        %get3A_842 = arith.constant 0 : i32
        %get3A_843 = arith.index_cast %get3A_842 : i32 to index
        %get3A_844 = arith.constant 48 : index
        %get3A_845 = tpu.vector_load %arg6[%get3A_843, %get3A_844] {strides = array<i32>} : memref<2x80xi32, #tpu.memory_space<vmem>>, vector<1x16xi32>,
        %get3A_846 = vector.shape_cast %get3A_845 : vector<1x16xi32> to vector<16xi32>
        %add3A_847 = arith.addi %get3A_846, %add3A_434 : vector<16xi32>
        %swap3A_848 = arith.constant 0 : i32
        %swap3A_849 = arith.index_cast %swap3A_848 : i32 to index
        %swap3A_850 = arith.constant 48 : index
        %swap3A_851 = tpu.vector_load %arg6[%swap3A_849, %swap3A_850] {strides = array<i32>} : memref<2x80xi32, #tpu.memory_space<vmem>>, vector<1x16xi32>,
        %swap3A_852 = vector.shape_cast %swap3A_851 : vector<1x16xi32> to vector<16xi32>
        %swap3A_853 = vector.shape_cast %add3A_847 : vector<16xi32> to vector<1x16xi32>
        tpu.vector_store %arg6[%swap3A_849, %swap3A_850], %swap3A_853 {strides = array<i32>} : memref<2x80xi32, #tpu.memory_space<vmem>>, vector<1x16xi32>,
        %get3A_854 = arith.constant 0 : i32
        %get3A_855 = arith.index_cast %get3A_854 : i32 to index
        %get3A_856 = arith.constant 64 : index
        %get3A_857 = tpu.vector_load %arg6[%get3A_855, %get3A_856] {strides = array<i32>} : memref<2x80xi32, #tpu.memory_space<vmem>>, vector<1x16xi32>,
        %get3A_858 = vector.shape_cast %get3A_857 : vector<1x16xi32> to vector<16xi32>
        %add3A_859 = arith.addi %get3A_858, %add3A_434 : vector<16xi32>
        %swap3A_860 = arith.constant 0 : i32
        %swap3A_861 = arith.index_cast %swap3A_860 : i32 to index
        %swap3A_862 = arith.constant 64 : index
        %swap3A_863 = tpu.vector_load %arg6[%swap3A_861, %swap3A_862] {strides = array<i32>} : memref<2x80xi32, #tpu.memory_space<vmem>>, vector<1x16xi32>,
        %swap3A_864 = vector.shape_cast %swap3A_863 : vector<1x16xi32> to vector<16xi32>
        %swap3A_865 = vector.shape_cast %add3A_859 : vector<16xi32> to vector<1x16xi32>
        tpu.vector_store %arg6[%swap3A_861, %swap3A_862], %swap3A_865 {strides = array<i32>} : memref<2x80xi32, #tpu.memory_space<vmem>>, vector<1x16xi32>,
        %dma_start3A_866 = arith.constant 0 : i32
        %dma_start3A_867 = arith.constant 0 : i32
        %dma_start3A_868 = arith.constant 0 : i32
        %dma_start3A_869 = arith.constant 0 : i32
        %dma_start3A_870 = tpu.memref_slice %arg8[%dma_start3A_867, %dma_start3A_868, %dma_start3A_869] : memref<2x80x128xf32, #tpu.memory_space<vmem>> -> memref<1x80x128xf32, #tpu.memory_space<vmem>>
        %dma_start3A_871 = tpu.memref_squeeze %dma_start3A_870 : memref<1x80x128xf32, #tpu.memory_space<vmem>> -> memref<80x128xf32, #tpu.memory_space<vmem>>
        %dma_start3A_872 = arith.constant 0 : i32
        %dma_start3A_873 = tpu.memref_slice %arg6[%dma_start3A_866, %dma_start3A_872] : memref<2x80xi32, #tpu.memory_space<vmem>> -> memref<1x80xi32, #tpu.memory_space<vmem>>
        %dma_start3A_874 = tpu.memref_squeeze %dma_start3A_873 : memref<1x80xi32, #tpu.memory_space<vmem>> -> memref<80xi32, #tpu.memory_space<vmem>>
        %dma_start3A_875 = arith.constant 0 : i32
        %dma_start3A_876 = arith.constant 0 : i32
        %dma_start3A_877 = tpu.memref_slice %arg2[%dma_start3A_875, %dma_start3A_876] : memref<40000x128xf32, #tpu.memory_space<hbm>> -> memref<40000x128xf32, #tpu.memory_space<hbm>>
        tpu.enqueue_indirect_dma source(%dma_start3A_877 : memref<40000x128xf32, #tpu.memory_space<hbm>>) target(%dma_start3A_871 : memref<80x128xf32, #tpu.memory_space<vmem>>) offsets(%dma_start3A_874 : memref<80xi32, #tpu.memory_space<vmem>>) semaphore(%arg14 : memref<!tpu.dma_semaphore, #tpu.memory_space<semaphore_mem>>)
        %mul3A_878 = arith.constant 80 : i32
        %mul3A_879 = arith.muli %add3A_781, %mul3A_878 : i32
        %add3A_880 = arith.addi %add3A_428, %mul3A_879 : i32
        %dma_start3A_881 = arith.constant 0 : i32
        %dma_start3A_882 = arith.constant 0 : i32
        %dma_start3A_883 = arith.constant 0 : i32
        %dma_start3A_884 = tpu.memref_slice %arg9[%dma_start3A_881, %dma_start3A_882, %dma_start3A_883] : memref<2x80x64xi32, #tpu.memory_space<vmem>> -> memref<1x80x64xi32, #tpu.memory_space<vmem>>
        %dma_start3A_885 = tpu.memref_squeeze %dma_start3A_884 : memref<1x80x64xi32, #tpu.memory_space<vmem>> -> memref<80x64xi32, #tpu.memory_space<vmem>>
        %dma_start3A_886 = arith.constant 0 : i32
        %dma_start3A_887 = tpu.memref_slice %arg4[%add3A_880, %dma_start3A_886] : memref<640000x64xi32, #tpu.memory_space<hbm>> -> memref<80x64xi32, #tpu.memory_space<hbm>>
        %dma_start3A_888 = arith.constant 0 : i32
        %dma_start3A_889 = arith.constant 0 : i32
        %dma_start3A_890 = tpu.memref_slice %arg9[%dma_start3A_881, %dma_start3A_888, %dma_start3A_889] : memref<2x80x64xi32, #tpu.memory_space<vmem>> -> memref<1x80x64xi32, #tpu.memory_space<vmem>>
        %dma_start3A_891 = tpu.memref_squeeze %dma_start3A_890 : memref<1x80x64xi32, #tpu.memory_space<vmem>> -> memref<80x64xi32, #tpu.memory_space<vmem>>
        %dma_start3A_892 = arith.constant 0 : i32
        %dma_start3A_893 = tpu.memref_slice %arg4[%add3A_880, %dma_start3A_892] : memref<640000x64xi32, #tpu.memory_space<hbm>> -> memref<80x64xi32, #tpu.memory_space<hbm>>
        tpu.enqueue_dma source(%dma_start3A_893 : memref<80x64xi32, #tpu.memory_space<hbm>>) target(%dma_start3A_891 : memref<80x64xi32, #tpu.memory_space<vmem>>) target_semaphore(%arg16 : memref<!tpu.dma_semaphore, #tpu.memory_space<semaphore_mem>>)
      } else {
      }
      %dma_wait3A_733 = arith.constant 1 : i32
      %dma_wait3A_734 = arith.constant 1 : i32
      %dma_wait3A_735 = arith.constant 0 : i32
      %dma_wait3A_736 = arith.constant 0 : i32
      %dma_wait3A_737 = tpu.memref_slice %arg8[%dma_wait3A_734, %dma_wait3A_735, %dma_wait3A_736] : memref<2x80x128xf32, #tpu.memory_space<vmem>> -> memref<1x80x128xf32, #tpu.memory_space<vmem>>
      %dma_wait3A_738 = tpu.memref_squeeze %dma_wait3A_737 : memref<1x80x128xf32, #tpu.memory_space<vmem>> -> memref<80x128xf32, #tpu.memory_space<vmem>>
      %dma_wait3A_739 = arith.constant 0 : i32
      %dma_wait3A_740 = tpu.memref_slice %arg6[%dma_wait3A_733, %dma_wait3A_739] : memref<2x80xi32, #tpu.memory_space<vmem>> -> memref<1x80xi32, #tpu.memory_space<vmem>>
      %dma_wait3A_741 = tpu.memref_squeeze %dma_wait3A_740 : memref<1x80xi32, #tpu.memory_space<vmem>> -> memref<80xi32, #tpu.memory_space<vmem>>
      %dma_wait3A_742 = arith.constant 0 : i32
      %dma_wait3A_743 = arith.constant 0 : i32
      %dma_wait3A_744 = tpu.memref_slice %arg2[%dma_wait3A_742, %dma_wait3A_743] : memref<40000x128xf32, #tpu.memory_space<hbm>> -> memref<40000x128xf32, #tpu.memory_space<hbm>>
      tpu.wait_indirect_dma semaphore(%arg15 : memref<!tpu.dma_semaphore, #tpu.memory_space<semaphore_mem>>) src(%dma_wait3A_744 : memref<40000x128xf32, #tpu.memory_space<hbm>>) dst(%dma_wait3A_738 : memref<80x128xf32, #tpu.memory_space<vmem>>)
      %mul3A_745 = arith.constant 80 : i32
      %mul3A_746 = arith.muli %add3A_725, %mul3A_745 : i32
      %add3A_747 = arith.addi %add3A_428, %mul3A_746 : i32
      %dma_wait3A_748 = arith.constant 1 : i32
      %dma_wait3A_749 = arith.constant 0 : i32
      %dma_wait3A_750 = arith.constant 0 : i32
      %dma_wait3A_751 = tpu.memref_slice %arg9[%dma_wait3A_748, %dma_wait3A_749, %dma_wait3A_750] : memref<2x80x64xi32, #tpu.memory_space<vmem>> -> memref<1x80x64xi32, #tpu.memory_space<vmem>>
      %dma_wait3A_752 = tpu.memref_squeeze %dma_wait3A_751 : memref<1x80x64xi32, #tpu.memory_space<vmem>> -> memref<80x64xi32, #tpu.memory_space<vmem>>
      %dma_wait3A_753 = arith.constant 0 : i32
      %dma_wait3A_754 = tpu.memref_slice %arg4[%add3A_747, %dma_wait3A_753] : memref<640000x64xi32, #tpu.memory_space<hbm>> -> memref<80x64xi32, #tpu.memory_space<hbm>>
      %dma_wait3A_755 = arith.constant 0 : i32
      %dma_wait3A_756 = arith.constant 0 : i32
      %dma_wait3A_757 = tpu.memref_slice %arg9[%dma_wait3A_748, %dma_wait3A_755, %dma_wait3A_756] : memref<2x80x64xi32, #tpu.memory_space<vmem>> -> memref<1x80x64xi32, #tpu.memory_space<vmem>>
      %dma_wait3A_758 = tpu.memref_squeeze %dma_wait3A_757 : memref<1x80x64xi32, #tpu.memory_space<vmem>> -> memref<80x64xi32, #tpu.memory_space<vmem>>
      %dma_wait3A_759 = arith.constant 0 : i32
      %dma_wait3A_760 = tpu.memref_slice %arg4[%add3A_747, %dma_wait3A_759] : memref<640000x64xi32, #tpu.memory_space<hbm>> -> memref<80x64xi32, #tpu.memory_space<hbm>>
      tpu.wait_dma2 semaphore(%arg17 : memref<!tpu.dma_semaphore, #tpu.memory_space<semaphore_mem>>) src(%dma_wait3A_760 : memref<80x64xi32, #tpu.memory_space<hbm>>) dst(%dma_wait3A_758 : memref<80x64xi32, #tpu.memory_space<vmem>>)
      %broadcast_in_dim3A_761 = arith.constant -65536 : i32
      %broadcast_in_dim3A_762 = vector.broadcast %broadcast_in_dim3A_761 : i32 to vector<16xi32>
      %scan3A_763 = arith.constant 0 : i32
      %scan3A_764 = arith.constant 0 : i32
      %scan3A_765 = arith.constant 80 : i32
      %scan3A_766 = arith.addi %scan3A_764, %scan3A_765 : i32
      %scan3A_767 = arith.constant 1 : i32
      %scan3A_768 = scf.for %scan3A_780 = %scan3A_764 to %scan3A_766 step %scan3A_767 iter_args(%scan3A_781 = %scan3A_763) -> (i32)  : i32 {
        %get3A_782 = arith.constant 1 : i32
        %get3A_783 = arith.index_cast %get3A_782 : i32 to index
        %get3A_784 = arith.index_cast %scan3A_780 : i32 to index
        %get3A_785 = arith.constant 0 : index
        %get3A_786 = tpu.vector_load %arg9[%get3A_783, %get3A_784, %get3A_785] {strides = array<i32>} : memref<2x80x64xi32, #tpu.memory_space<vmem>>, vector<1x1x16xi32>,
        %get3A_787 = vector.shape_cast %get3A_786 : vector<1x1x16xi32> to vector<16xi32>
        %shift_left3A = arith.constant 16 : i32
        %shift_left3A_788 = vector.broadcast %shift_left3A : i32 to vector<16xi32>
        %shift_left3A_789 = arith.shli %get3A_787, %shift_left3A_788 : vector<16xi32>
        %bitcast_convert_type3A = tpu.bitcast %shift_left3A_789 : vector<16xi32> -> vector<16xf32>
        %and3A = arith.andi %get3A_787, %broadcast_in_dim3A_762 : vector<16xi32>
        %bitcast_convert_type3A_790 = tpu.bitcast %and3A : vector<16xi32> -> vector<16xf32>
        %get3A_791 = arith.constant 1 : i32
        %get3A_792 = arith.index_cast %get3A_791 : i32 to index
        %get3A_793 = arith.index_cast %scan3A_780 : i32 to index
        %get3A_794 = arith.constant 0 : index
        %get3A_795 = tpu.vector_load %arg8[%get3A_792, %get3A_793, %get3A_794] {strides = array<i32>} : memref<2x80x128xf32, #tpu.memory_space<vmem>>, vector<1x1x16xf32>,
        %get3A_796 = vector.shape_cast %get3A_795 : vector<1x1x16xf32> to vector<16xf32>
        %mul3A_797 = arith.mulf %get3A_796, %bitcast_convert_type3A : vector<16xf32>
        %swap3A_798 = arith.constant 1 : i32
        %swap3A_799 = arith.index_cast %swap3A_798 : i32 to index
        %swap3A_800 = arith.index_cast %scan3A_780 : i32 to index
        %swap3A_801 = arith.constant 0 : index
        %swap3A_802 = tpu.vector_load %arg8[%swap3A_799, %swap3A_800, %swap3A_801] {strides = array<i32>} : memref<2x80x128xf32, #tpu.memory_space<vmem>>, vector<1x1x16xf32>,
        %swap3A_803 = vector.shape_cast %swap3A_802 : vector<1x1x16xf32> to vector<16xf32>
        %swap3A_804 = vector.shape_cast %mul3A_797 : vector<16xf32> to vector<1x1x16xf32>
        tpu.vector_store %arg8[%swap3A_799, %swap3A_800, %swap3A_801], %swap3A_804 {strides = array<i32>} : memref<2x80x128xf32, #tpu.memory_space<vmem>>, vector<1x1x16xf32>,
        %get3A_805 = arith.constant 1 : i32
        %get3A_806 = arith.index_cast %get3A_805 : i32 to index
        %get3A_807 = arith.index_cast %scan3A_780 : i32 to index
        %get3A_808 = arith.constant 16 : index
        %get3A_809 = tpu.vector_load %arg8[%get3A_806, %get3A_807, %get3A_808] {strides = array<i32>} : memref<2x80x128xf32, #tpu.memory_space<vmem>>, vector<1x1x16xf32>,
        %get3A_810 = vector.shape_cast %get3A_809 : vector<1x1x16xf32> to vector<16xf32>
        %mul3A_811 = arith.mulf %get3A_810, %bitcast_convert_type3A_790 : vector<16xf32>
        %swap3A_812 = arith.constant 1 : i32
        %swap3A_813 = arith.index_cast %swap3A_812 : i32 to index
        %swap3A_814 = arith.index_cast %scan3A_780 : i32 to index
        %swap3A_815 = arith.constant 16 : index
        %swap3A_816 = tpu.vector_load %arg8[%swap3A_813, %swap3A_814, %swap3A_815] {strides = array<i32>} : memref<2x80x128xf32, #tpu.memory_space<vmem>>, vector<1x1x16xf32>,
        %swap3A_817 = vector.shape_cast %swap3A_816 : vector<1x1x16xf32> to vector<16xf32>
        %swap3A_818 = vector.shape_cast %mul3A_811 : vector<16xf32> to vector<1x1x16xf32>
        tpu.vector_store %arg8[%swap3A_813, %swap3A_814, %swap3A_815], %swap3A_818 {strides = array<i32>} : memref<2x80x128xf32, #tpu.memory_space<vmem>>, vector<1x1x16xf32>,
        %get3A_819 = arith.constant 1 : i32
        %get3A_820 = arith.index_cast %get3A_819 : i32 to index
        %get3A_821 = arith.index_cast %scan3A_780 : i32 to index
        %get3A_822 = arith.constant 16 : index
        %get3A_823 = tpu.vector_load %arg9[%get3A_820, %get3A_821, %get3A_822] {strides = array<i32>} : memref<2x80x64xi32, #tpu.memory_space<vmem>>, vector<1x1x16xi32>,
        %get3A_824 = vector.shape_cast %get3A_823 : vector<1x1x16xi32> to vector<16xi32>
        %shift_left3A_825 = arith.constant 16 : i32
        %shift_left3A_826 = vector.broadcast %shift_left3A_825 : i32 to vector<16xi32>
        %shift_left3A_827 = arith.shli %get3A_824, %shift_left3A_826 : vector<16xi32>
        %bitcast_convert_type3A_828 = tpu.bitcast %shift_left3A_827 : vector<16xi32> -> vector<16xf32>
        %and3A_829 = arith.andi %get3A_824, %broadcast_in_dim3A_762 : vector<16xi32>
        %bitcast_convert_type3A_830 = tpu.bitcast %and3A_829 : vector<16xi32> -> vector<16xf32>
        %get3A_831 = arith.constant 1 : i32
        %get3A_832 = arith.index_cast %get3A_831 : i32 to index
        %get3A_833 = arith.index_cast %scan3A_780 : i32 to index
        %get3A_834 = arith.constant 32 : index
        %get3A_835 = tpu.vector_load %arg8[%get3A_832, %get3A_833, %get3A_834] {strides = array<i32>} : memref<2x80x128xf32, #tpu.memory_space<vmem>>, vector<1x1x16xf32>,
        %get3A_836 = vector.shape_cast %get3A_835 : vector<1x1x16xf32> to vector<16xf32>
        %mul3A_837 = arith.mulf %get3A_836, %bitcast_convert_type3A_828 : vector<16xf32>
        %swap3A_838 = arith.constant 1 : i32
        %swap3A_839 = arith.index_cast %swap3A_838 : i32 to index
        %swap3A_840 = arith.index_cast %scan3A_780 : i32 to index
        %swap3A_841 = arith.constant 32 : index
        %swap3A_842 = tpu.vector_load %arg8[%swap3A_839, %swap3A_840, %swap3A_841] {strides = array<i32>} : memref<2x80x128xf32, #tpu.memory_space<vmem>>, vector<1x1x16xf32>,
        %swap3A_843 = vector.shape_cast %swap3A_842 : vector<1x1x16xf32> to vector<16xf32>
        %swap3A_844 = vector.shape_cast %mul3A_837 : vector<16xf32> to vector<1x1x16xf32>
        tpu.vector_store %arg8[%swap3A_839, %swap3A_840, %swap3A_841], %swap3A_844 {strides = array<i32>} : memref<2x80x128xf32, #tpu.memory_space<vmem>>, vector<1x1x16xf32>,
        %get3A_845 = arith.constant 1 : i32
        %get3A_846 = arith.index_cast %get3A_845 : i32 to index
        %get3A_847 = arith.index_cast %scan3A_780 : i32 to index
        %get3A_848 = arith.constant 48 : index
        %get3A_849 = tpu.vector_load %arg8[%get3A_846, %get3A_847, %get3A_848] {strides = array<i32>} : memref<2x80x128xf32, #tpu.memory_space<vmem>>, vector<1x1x16xf32>,
        %get3A_850 = vector.shape_cast %get3A_849 : vector<1x1x16xf32> to vector<16xf32>
        %mul3A_851 = arith.mulf %get3A_850, %bitcast_convert_type3A_830 : vector<16xf32>
        %swap3A_852 = arith.constant 1 : i32
        %swap3A_853 = arith.index_cast %swap3A_852 : i32 to index
        %swap3A_854 = arith.index_cast %scan3A_780 : i32 to index
        %swap3A_855 = arith.constant 48 : index
        %swap3A_856 = tpu.vector_load %arg8[%swap3A_853, %swap3A_854, %swap3A_855] {strides = array<i32>} : memref<2x80x128xf32, #tpu.memory_space<vmem>>, vector<1x1x16xf32>,
        %swap3A_857 = vector.shape_cast %swap3A_856 : vector<1x1x16xf32> to vector<16xf32>
        %swap3A_858 = vector.shape_cast %mul3A_851 : vector<16xf32> to vector<1x1x16xf32>
        tpu.vector_store %arg8[%swap3A_853, %swap3A_854, %swap3A_855], %swap3A_858 {strides = array<i32>} : memref<2x80x128xf32, #tpu.memory_space<vmem>>, vector<1x1x16xf32>,
        %get3A_859 = arith.constant 1 : i32
        %get3A_860 = arith.index_cast %get3A_859 : i32 to index
        %get3A_861 = arith.index_cast %scan3A_780 : i32 to index
        %get3A_862 = arith.constant 32 : index
        %get3A_863 = tpu.vector_load %arg9[%get3A_860, %get3A_861, %get3A_862] {strides = array<i32>} : memref<2x80x64xi32, #tpu.memory_space<vmem>>, vector<1x1x16xi32>,
        %get3A_864 = vector.shape_cast %get3A_863 : vector<1x1x16xi32> to vector<16xi32>
        %shift_left3A_865 = arith.constant 16 : i32
        %shift_left3A_866 = vector.broadcast %shift_left3A_865 : i32 to vector<16xi32>
        %shift_left3A_867 = arith.shli %get3A_864, %shift_left3A_866 : vector<16xi32>
        %bitcast_convert_type3A_868 = tpu.bitcast %shift_left3A_867 : vector<16xi32> -> vector<16xf32>
        %and3A_869 = arith.andi %get3A_864, %broadcast_in_dim3A_762 : vector<16xi32>
        %bitcast_convert_type3A_870 = tpu.bitcast %and3A_869 : vector<16xi32> -> vector<16xf32>
        %get3A_871 = arith.constant 1 : i32
        %get3A_872 = arith.index_cast %get3A_871 : i32 to index
        %get3A_873 = arith.index_cast %scan3A_780 : i32 to index
        %get3A_874 = arith.constant 64 : index
        %get3A_875 = tpu.vector_load %arg8[%get3A_872, %get3A_873, %get3A_874] {strides = array<i32>} : memref<2x80x128xf32, #tpu.memory_space<vmem>>, vector<1x1x16xf32>,
        %get3A_876 = vector.shape_cast %get3A_875 : vector<1x1x16xf32> to vector<16xf32>
        %mul3A_877 = arith.mulf %get3A_876, %bitcast_convert_type3A_868 : vector<16xf32>
        %swap3A_878 = arith.constant 1 : i32
        %swap3A_879 = arith.index_cast %swap3A_878 : i32 to index
        %swap3A_880 = arith.index_cast %scan3A_780 : i32 to index
        %swap3A_881 = arith.constant 64 : index
        %swap3A_882 = tpu.vector_load %arg8[%swap3A_879, %swap3A_880, %swap3A_881] {strides = array<i32>} : memref<2x80x128xf32, #tpu.memory_space<vmem>>, vector<1x1x16xf32>,
        %swap3A_883 = vector.shape_cast %swap3A_882 : vector<1x1x16xf32> to vector<16xf32>
        %swap3A_884 = vector.shape_cast %mul3A_877 : vector<16xf32> to vector<1x1x16xf32>
        tpu.vector_store %arg8[%swap3A_879, %swap3A_880, %swap3A_881], %swap3A_884 {strides = array<i32>} : memref<2x80x128xf32, #tpu.memory_space<vmem>>, vector<1x1x16xf32>,
        %get3A_885 = arith.constant 1 : i32
        %get3A_886 = arith.index_cast %get3A_885 : i32 to index
        %get3A_887 = arith.index_cast %scan3A_780 : i32 to index
        %get3A_888 = arith.constant 80 : index
        %get3A_889 = tpu.vector_load %arg8[%get3A_886, %get3A_887, %get3A_888] {strides = array<i32>} : memref<2x80x128xf32, #tpu.memory_space<vmem>>, vector<1x1x16xf32>,
        %get3A_890 = vector.shape_cast %get3A_889 : vector<1x1x16xf32> to vector<16xf32>
        %mul3A_891 = arith.mulf %get3A_890, %bitcast_convert_type3A_870 : vector<16xf32>
        %swap3A_892 = arith.constant 1 : i32
        %swap3A_893 = arith.index_cast %swap3A_892 : i32 to index
        %swap3A_894 = arith.index_cast %scan3A_780 : i32 to index
        %swap3A_895 = arith.constant 80 : index
        %swap3A_896 = tpu.vector_load %arg8[%swap3A_893, %swap3A_894, %swap3A_895] {strides = array<i32>} : memref<2x80x128xf32, #tpu.memory_space<vmem>>, vector<1x1x16xf32>,
        %swap3A_897 = vector.shape_cast %swap3A_896 : vector<1x1x16xf32> to vector<16xf32>
        %swap3A_898 = vector.shape_cast %mul3A_891 : vector<16xf32> to vector<1x1x16xf32>
        tpu.vector_store %arg8[%swap3A_893, %swap3A_894, %swap3A_895], %swap3A_898 {strides = array<i32>} : memref<2x80x128xf32, #tpu.memory_space<vmem>>, vector<1x1x16xf32>,
        %get3A_899 = arith.constant 1 : i32
        %get3A_900 = arith.index_cast %get3A_899 : i32 to index
        %get3A_901 = arith.index_cast %scan3A_780 : i32 to index
        %get3A_902 = arith.constant 48 : index
        %get3A_903 = tpu.vector_load %arg9[%get3A_900, %get3A_901, %get3A_902] {strides = array<i32>} : memref<2x80x64xi32, #tpu.memory_space<vmem>>, vector<1x1x16xi32>,
        %get3A_904 = vector.shape_cast %get3A_903 : vector<1x1x16xi32> to vector<16xi32>
        %shift_left3A_905 = arith.constant 16 : i32
        %shift_left3A_906 = vector.broadcast %shift_left3A_905 : i32 to vector<16xi32>
        %shift_left3A_907 = arith.shli %get3A_904, %shift_left3A_906 : vector<16xi32>
        %bitcast_convert_type3A_908 = tpu.bitcast %shift_left3A_907 : vector<16xi32> -> vector<16xf32>
        %and3A_909 = arith.andi %get3A_904, %broadcast_in_dim3A_762 : vector<16xi32>
        %bitcast_convert_type3A_910 = tpu.bitcast %and3A_909 : vector<16xi32> -> vector<16xf32>
        %get3A_911 = arith.constant 1 : i32
        %get3A_912 = arith.index_cast %get3A_911 : i32 to index
        %get3A_913 = arith.index_cast %scan3A_780 : i32 to index
        %get3A_914 = arith.constant 96 : index
        %get3A_915 = tpu.vector_load %arg8[%get3A_912, %get3A_913, %get3A_914] {strides = array<i32>} : memref<2x80x128xf32, #tpu.memory_space<vmem>>, vector<1x1x16xf32>,
        %get3A_916 = vector.shape_cast %get3A_915 : vector<1x1x16xf32> to vector<16xf32>
        %mul3A_917 = arith.mulf %get3A_916, %bitcast_convert_type3A_908 : vector<16xf32>
        %swap3A_918 = arith.constant 1 : i32
        %swap3A_919 = arith.index_cast %swap3A_918 : i32 to index
        %swap3A_920 = arith.index_cast %scan3A_780 : i32 to index
        %swap3A_921 = arith.constant 96 : index
        %swap3A_922 = tpu.vector_load %arg8[%swap3A_919, %swap3A_920, %swap3A_921] {strides = array<i32>} : memref<2x80x128xf32, #tpu.memory_space<vmem>>, vector<1x1x16xf32>,
        %swap3A_923 = vector.shape_cast %swap3A_922 : vector<1x1x16xf32> to vector<16xf32>
        %swap3A_924 = vector.shape_cast %mul3A_917 : vector<16xf32> to vector<1x1x16xf32>
        tpu.vector_store %arg8[%swap3A_919, %swap3A_920, %swap3A_921], %swap3A_924 {strides = array<i32>} : memref<2x80x128xf32, #tpu.memory_space<vmem>>, vector<1x1x16xf32>,
        %get3A_925 = arith.constant 1 : i32
        %get3A_926 = arith.index_cast %get3A_925 : i32 to index
        %get3A_927 = arith.index_cast %scan3A_780 : i32 to index
        %get3A_928 = arith.constant 112 : index
        %get3A_929 = tpu.vector_load %arg8[%get3A_926, %get3A_927, %get3A_928] {strides = array<i32>} : memref<2x80x128xf32, #tpu.memory_space<vmem>>, vector<1x1x16xf32>,
        %get3A_930 = vector.shape_cast %get3A_929 : vector<1x1x16xf32> to vector<16xf32>
        %mul3A_931 = arith.mulf %get3A_930, %bitcast_convert_type3A_910 : vector<16xf32>
        %swap3A_932 = arith.constant 1 : i32
        %swap3A_933 = arith.index_cast %swap3A_932 : i32 to index
        %swap3A_934 = arith.index_cast %scan3A_780 : i32 to index
        %swap3A_935 = arith.constant 112 : index
        %swap3A_936 = tpu.vector_load %arg8[%swap3A_933, %swap3A_934, %swap3A_935] {strides = array<i32>} : memref<2x80x128xf32, #tpu.memory_space<vmem>>, vector<1x1x16xf32>,
        %swap3A_937 = vector.shape_cast %swap3A_936 : vector<1x1x16xf32> to vector<16xf32>
        %swap3A_938 = vector.shape_cast %mul3A_931 : vector<16xf32> to vector<1x1x16xf32>
        tpu.vector_store %arg8[%swap3A_933, %swap3A_934, %swap3A_935], %swap3A_938 {strides = array<i32>} : memref<2x80x128xf32, #tpu.memory_space<vmem>>, vector<1x1x16xf32>,
        %scan3A_939 = arith.constant 0 : i32
        scf.yield %scan3A_939 : i32
      }
      %scan3A_769 = arith.constant 80 : i32
      %run_scoped3A_770 = arith.constant 1 : i32
      %run_scoped3A_771 = arith.constant 1 : i32
      "tpu.region"() ({
        %run_scoped3A_780 = tpu.sem_alloc : memref<!tpu.dma_semaphore, #tpu.memory_space<semaphore_mem>>
        %dma_start3A_781 = arith.constant 0 : i32
        %dma_start3A_782 = arith.constant 0 : i32
        %dma_start3A_783 = tpu.memref_slice %arg8[%run_scoped3A_770, %dma_start3A_781, %dma_start3A_782] : memref<2x80x128xf32, #tpu.memory_space<vmem>> -> memref<1x80x128xf32, #tpu.memory_space<vmem>>
        %dma_start3A_784 = tpu.memref_squeeze %dma_start3A_783 : memref<1x80x128xf32, #tpu.memory_space<vmem>> -> memref<80x128xf32, #tpu.memory_space<vmem>>
        %dma_start3A_785 = arith.constant 0 : i32
        %dma_start3A_786 = tpu.memref_slice %arg7[%run_scoped3A_771, %dma_start3A_785] : memref<2x80xi32, #tpu.memory_space<vmem>> -> memref<1x80xi32, #tpu.memory_space<vmem>>
        %dma_start3A_787 = tpu.memref_squeeze %dma_start3A_786 : memref<1x80xi32, #tpu.memory_space<vmem>> -> memref<80xi32, #tpu.memory_space<vmem>>
        %dma_start3A_788 = arith.constant 0 : i32
        %dma_start3A_789 = arith.constant 0 : i32
        %dma_start3A_790 = tpu.memref_slice %arg11[%dma_start3A_788, %dma_start3A_789] : memref<10000x128xf32, #tpu.memory_space<vmem_shared>> -> memref<10000x128xf32, #tpu.memory_space<vmem_shared>>
        tpu.enqueue_indirect_dma source(%dma_start3A_784 : memref<80x128xf32, #tpu.memory_space<vmem>>) target(%dma_start3A_790 : memref<10000x128xf32, #tpu.memory_space<vmem_shared>>) offsets(%dma_start3A_787 : memref<80xi32, #tpu.memory_space<vmem>>) semaphore(%run_scoped3A_780 : memref<!tpu.dma_semaphore, #tpu.memory_space<semaphore_mem>>) {add = true}
        %dma_wait3A_791 = arith.constant 0 : i32
        %dma_wait3A_792 = arith.constant 0 : i32
        %dma_wait3A_793 = tpu.memref_slice %arg8[%run_scoped3A_770, %dma_wait3A_791, %dma_wait3A_792] : memref<2x80x128xf32, #tpu.memory_space<vmem>> -> memref<1x80x128xf32, #tpu.memory_space<vmem>>
        %dma_wait3A_794 = tpu.memref_squeeze %dma_wait3A_793 : memref<1x80x128xf32, #tpu.memory_space<vmem>> -> memref<80x128xf32, #tpu.memory_space<vmem>>
        %dma_wait3A_795 = arith.constant 0 : i32
        %dma_wait3A_796 = tpu.memref_slice %arg7[%run_scoped3A_771, %dma_wait3A_795] : memref<2x80xi32, #tpu.memory_space<vmem>> -> memref<1x80xi32, #tpu.memory_space<vmem>>
        %dma_wait3A_797 = tpu.memref_squeeze %dma_wait3A_796 : memref<1x80xi32, #tpu.memory_space<vmem>> -> memref<80xi32, #tpu.memory_space<vmem>>
        %dma_wait3A_798 = arith.constant 0 : i32
        %dma_wait3A_799 = arith.constant 0 : i32
        %dma_wait3A_800 = tpu.memref_slice %arg11[%dma_wait3A_798, %dma_wait3A_799] : memref<10000x128xf32, #tpu.memory_space<vmem_shared>> -> memref<10000x128xf32, #tpu.memory_space<vmem_shared>>
        tpu.wait_indirect_dma semaphore(%run_scoped3A_780 : memref<!tpu.dma_semaphore, #tpu.memory_space<semaphore_mem>>) src(%dma_wait3A_794 : memref<80x128xf32, #tpu.memory_space<vmem>>) dst(%dma_wait3A_800 : memref<10000x128xf32, #tpu.memory_space<vmem_shared>>)
        tpu.yield
      }) : () -> ()
      %add3A_772 = arith.constant 2 : i32
      %add3A_773 = arith.addi %add3A_725, %add3A_772 : i32
      %lt3A_774 = arith.constant 125 : i32
      %lt3A_775 = arith.cmpi slt, %add3A_773, %lt3A_774 : i32
      %convert_element_type3A_776 = arith.extui %lt3A_775 : i1 to i32
      %cond3A_777 = arith.constant 0 : i32
      %cond3A_778 = arith.cmpi ne, %convert_element_type3A_776, %cond3A_777 : i32
      scf.if %cond3A_778 {
        %add3A_780 = arith.constant 2 : i32
        %add3A_781 = arith.addi %add3A_725, %add3A_780 : i32
        %mul3A_782 = arith.constant 80 : i32
        %mul3A_783 = arith.muli %add3A_781, %mul3A_782 : i32
        %add3A_784 = arith.addi %add3A_423, %mul3A_783 : i32
        %dma_start3A_785 = arith.constant 1 : i32
        %dma_start3A_786 = arith.constant 0 : i32
        %dma_start3A_787 = tpu.memref_slice %arg6[%dma_start3A_785, %dma_start3A_786] : memref<2x80xi32, #tpu.memory_space<vmem>> -> memref<1x80xi32, #tpu.memory_space<vmem>>
        %dma_start3A_788 = tpu.memref_squeeze %dma_start3A_787 : memref<1x80xi32, #tpu.memory_space<vmem>> -> memref<80xi32, #tpu.memory_space<vmem>>
        %dma_start3A_789 = tpu.memref_slice %arg3[%add3A_784] : memref<1280000xi32, #tpu.memory_space<hbm>> -> memref<80xi32, #tpu.memory_space<hbm>>
        %dma_start3A_790 = arith.constant 0 : i32
        %dma_start3A_791 = tpu.memref_slice %arg6[%dma_start3A_785, %dma_start3A_790] : memref<2x80xi32, #tpu.memory_space<vmem>> -> memref<1x80xi32, #tpu.memory_space<vmem>>
        %dma_start3A_792 = tpu.memref_squeeze %dma_start3A_791 : memref<1x80xi32, #tpu.memory_space<vmem>> -> memref<80xi32, #tpu.memory_space<vmem>>
        %dma_start3A_793 = tpu.memref_slice %arg3[%add3A_784] : memref<1280000xi32, #tpu.memory_space<hbm>> -> memref<80xi32, #tpu.memory_space<hbm>>
        tpu.enqueue_dma source(%dma_start3A_793 : memref<80xi32, #tpu.memory_space<hbm>>) target(%dma_start3A_792 : memref<80xi32, #tpu.memory_space<vmem>>) target_semaphore(%arg13 : memref<!tpu.dma_semaphore, #tpu.memory_space<semaphore_mem>>)
        %mul3A_794 = arith.constant 80 : i32
        %mul3A_795 = arith.muli %add3A_781, %mul3A_794 : i32
        %add3A_796 = arith.addi %add3A_425, %mul3A_795 : i32
        %dma_start3A_797 = arith.constant 1 : i32
        %dma_start3A_798 = arith.constant 0 : i32
        %dma_start3A_799 = tpu.memref_slice %arg7[%dma_start3A_797, %dma_start3A_798] : memref<2x80xi32, #tpu.memory_space<vmem>> -> memref<1x80xi32, #tpu.memory_space<vmem>>
        %dma_start3A_800 = tpu.memref_squeeze %dma_start3A_799 : memref<1x80xi32, #tpu.memory_space<vmem>> -> memref<80xi32, #tpu.memory_space<vmem>>
        %dma_start3A_801 = tpu.memref_slice %arg3[%add3A_796] : memref<1280000xi32, #tpu.memory_space<hbm>> -> memref<80xi32, #tpu.memory_space<hbm>>
        %dma_start3A_802 = arith.constant 0 : i32
        %dma_start3A_803 = tpu.memref_slice %arg7[%dma_start3A_797, %dma_start3A_802] : memref<2x80xi32, #tpu.memory_space<vmem>> -> memref<1x80xi32, #tpu.memory_space<vmem>>
        %dma_start3A_804 = tpu.memref_squeeze %dma_start3A_803 : memref<1x80xi32, #tpu.memory_space<vmem>> -> memref<80xi32, #tpu.memory_space<vmem>>
        %dma_start3A_805 = tpu.memref_slice %arg3[%add3A_796] : memref<1280000xi32, #tpu.memory_space<hbm>> -> memref<80xi32, #tpu.memory_space<hbm>>
        tpu.enqueue_dma source(%dma_start3A_805 : memref<80xi32, #tpu.memory_space<hbm>>) target(%dma_start3A_804 : memref<80xi32, #tpu.memory_space<vmem>>) target_semaphore(%arg13 : memref<!tpu.dma_semaphore, #tpu.memory_space<semaphore_mem>>)
      } else {
      }
      %scan3A_779 = arith.constant 0 : i32
      scf.yield %scan3A_779 : i32
    }
    %scan3A_595 = arith.constant 62 : i32
    %add3A_596 = arith.constant 124 : i32
    %add3A_597 = arith.constant 1 : i32
    %add3A_598 = arith.addi %add3A_596, %add3A_597 : i32
    %lt3A_599 = arith.constant 125 : i32
    %lt3A_600 = arith.cmpi slt, %add3A_598, %lt3A_599 : i32
    %convert_element_type3A_601 = arith.extui %lt3A_600 : i1 to i32
    %cond3A_602 = arith.constant 124 : i32
    %cond3A_603 = arith.constant 0 : i32
    %cond3A_604 = arith.cmpi ne, %convert_element_type3A_601, %cond3A_603 : i32
    scf.if %cond3A_604 {
      %add3A_663 = arith.constant 1 : i32
      %add3A_664 = arith.addi %cond3A_602, %add3A_663 : i32
      %mul3A_665 = arith.constant 80 : i32
      %mul3A_666 = arith.muli %add3A_664, %mul3A_665 : i32
      %add3A_667 = arith.addi %add3A_423, %mul3A_666 : i32
      %dma_wait3A_668 = arith.constant 1 : i32
      %dma_wait3A_669 = arith.constant 0 : i32
      %dma_wait3A_670 = tpu.memref_slice %arg6[%dma_wait3A_668, %dma_wait3A_669] : memref<2x80xi32, #tpu.memory_space<vmem>> -> memref<1x80xi32, #tpu.memory_space<vmem>>
      %dma_wait3A_671 = tpu.memref_squeeze %dma_wait3A_670 : memref<1x80xi32, #tpu.memory_space<vmem>> -> memref<80xi32, #tpu.memory_space<vmem>>
      %dma_wait3A_672 = tpu.memref_slice %arg3[%add3A_667] : memref<1280000xi32, #tpu.memory_space<hbm>> -> memref<80xi32, #tpu.memory_space<hbm>>
      %dma_wait3A_673 = arith.constant 0 : i32
      %dma_wait3A_674 = tpu.memref_slice %arg6[%dma_wait3A_668, %dma_wait3A_673] : memref<2x80xi32, #tpu.memory_space<vmem>> -> memref<1x80xi32, #tpu.memory_space<vmem>>
      %dma_wait3A_675 = tpu.memref_squeeze %dma_wait3A_674 : memref<1x80xi32, #tpu.memory_space<vmem>> -> memref<80xi32, #tpu.memory_space<vmem>>
      %dma_wait3A_676 = tpu.memref_slice %arg3[%add3A_667] : memref<1280000xi32, #tpu.memory_space<hbm>> -> memref<80xi32, #tpu.memory_space<hbm>>
      tpu.wait_dma2 semaphore(%arg13 : memref<!tpu.dma_semaphore, #tpu.memory_space<semaphore_mem>>) src(%dma_wait3A_676 : memref<80xi32, #tpu.memory_space<hbm>>) dst(%dma_wait3A_675 : memref<80xi32, #tpu.memory_space<vmem>>)
      %mul3A_677 = arith.constant 80 : i32
      %mul3A_678 = arith.muli %add3A_664, %mul3A_677 : i32
      %add3A_679 = arith.addi %add3A_425, %mul3A_678 : i32
      %dma_wait3A_680 = arith.constant 1 : i32
      %dma_wait3A_681 = arith.constant 0 : i32
      %dma_wait3A_682 = tpu.memref_slice %arg7[%dma_wait3A_680, %dma_wait3A_681] : memref<2x80xi32, #tpu.memory_space<vmem>> -> memref<1x80xi32, #tpu.memory_space<vmem>>
      %dma_wait3A_683 = tpu.memref_squeeze %dma_wait3A_682 : memref<1x80xi32, #tpu.memory_space<vmem>> -> memref<80xi32, #tpu.memory_space<vmem>>
      %dma_wait3A_684 = tpu.memref_slice %arg3[%add3A_679] : memref<1280000xi32, #tpu.memory_space<hbm>> -> memref<80xi32, #tpu.memory_space<hbm>>
      %dma_wait3A_685 = arith.constant 0 : i32
      %dma_wait3A_686 = tpu.memref_slice %arg7[%dma_wait3A_680, %dma_wait3A_685] : memref<2x80xi32, #tpu.memory_space<vmem>> -> memref<1x80xi32, #tpu.memory_space<vmem>>
      %dma_wait3A_687 = tpu.memref_squeeze %dma_wait3A_686 : memref<1x80xi32, #tpu.memory_space<vmem>> -> memref<80xi32, #tpu.memory_space<vmem>>
      %dma_wait3A_688 = tpu.memref_slice %arg3[%add3A_679] : memref<1280000xi32, #tpu.memory_space<hbm>> -> memref<80xi32, #tpu.memory_space<hbm>>
      tpu.wait_dma2 semaphore(%arg13 : memref<!tpu.dma_semaphore, #tpu.memory_space<semaphore_mem>>) src(%dma_wait3A_688 : memref<80xi32, #tpu.memory_space<hbm>>) dst(%dma_wait3A_687 : memref<80xi32, #tpu.memory_space<vmem>>)
      %get3A_689 = arith.constant 1 : i32
      %get3A_690 = arith.index_cast %get3A_689 : i32 to index
      %get3A_691 = arith.constant 0 : index
      %get3A_692 = tpu.vector_load %arg6[%get3A_690, %get3A_691] {strides = array<i32>} : memref<2x80xi32, #tpu.memory_space<vmem>>, vector<1x16xi32>,
      %get3A_693 = vector.shape_cast %get3A_692 : vector<1x16xi32> to vector<16xi32>
      %add3A_694 = arith.addi %get3A_693, %add3A_434 : vector<16xi32>
      %swap3A_695 = arith.constant 1 : i32
      %swap3A_696 = arith.index_cast %swap3A_695 : i32 to index
      %swap3A_697 = arith.constant 0 : index
      %swap3A_698 = tpu.vector_load %arg6[%swap3A_696, %swap3A_697] {strides = array<i32>} : memref<2x80xi32, #tpu.memory_space<vmem>>, vector<1x16xi32>,
      %swap3A_699 = vector.shape_cast %swap3A_698 : vector<1x16xi32> to vector<16xi32>
      %swap3A_700 = vector.shape_cast %add3A_694 : vector<16xi32> to vector<1x16xi32>
      tpu.vector_store %arg6[%swap3A_696, %swap3A_697], %swap3A_700 {strides = array<i32>} : memref<2x80xi32, #tpu.memory_space<vmem>>, vector<1x16xi32>,
      %get3A_701 = arith.constant 1 : i32
      %get3A_702 = arith.index_cast %get3A_701 : i32 to index
      %get3A_703 = arith.constant 16 : index
      %get3A_704 = tpu.vector_load %arg6[%get3A_702, %get3A_703] {strides = array<i32>} : memref<2x80xi32, #tpu.memory_space<vmem>>, vector<1x16xi32>,
      %get3A_705 = vector.shape_cast %get3A_704 : vector<1x16xi32> to vector<16xi32>
      %add3A_706 = arith.addi %get3A_705, %add3A_434 : vector<16xi32>
      %swap3A_707 = arith.constant 1 : i32
      %swap3A_708 = arith.index_cast %swap3A_707 : i32 to index
      %swap3A_709 = arith.constant 16 : index
      %swap3A_710 = tpu.vector_load %arg6[%swap3A_708, %swap3A_709] {strides = array<i32>} : memref<2x80xi32, #tpu.memory_space<vmem>>, vector<1x16xi32>,
      %swap3A_711 = vector.shape_cast %swap3A_710 : vector<1x16xi32> to vector<16xi32>
      %swap3A_712 = vector.shape_cast %add3A_706 : vector<16xi32> to vector<1x16xi32>
      tpu.vector_store %arg6[%swap3A_708, %swap3A_709], %swap3A_712 {strides = array<i32>} : memref<2x80xi32, #tpu.memory_space<vmem>>, vector<1x16xi32>,
      %get3A_713 = arith.constant 1 : i32
      %get3A_714 = arith.index_cast %get3A_713 : i32 to index
      %get3A_715 = arith.constant 32 : index
      %get3A_716 = tpu.vector_load %arg6[%get3A_714, %get3A_715] {strides = array<i32>} : memref<2x80xi32, #tpu.memory_space<vmem>>, vector<1x16xi32>,
      %get3A_717 = vector.shape_cast %get3A_716 : vector<1x16xi32> to vector<16xi32>
      %add3A_718 = arith.addi %get3A_717, %add3A_434 : vector<16xi32>
      %swap3A_719 = arith.constant 1 : i32
      %swap3A_720 = arith.index_cast %swap3A_719 : i32 to index
      %swap3A_721 = arith.constant 32 : index
      %swap3A_722 = tpu.vector_load %arg6[%swap3A_720, %swap3A_721] {strides = array<i32>} : memref<2x80xi32, #tpu.memory_space<vmem>>, vector<1x16xi32>,
      %swap3A_723 = vector.shape_cast %swap3A_722 : vector<1x16xi32> to vector<16xi32>
      %swap3A_724 = vector.shape_cast %add3A_718 : vector<16xi32> to vector<1x16xi32>
      tpu.vector_store %arg6[%swap3A_720, %swap3A_721], %swap3A_724 {strides = array<i32>} : memref<2x80xi32, #tpu.memory_space<vmem>>, vector<1x16xi32>,
      %get3A_725 = arith.constant 1 : i32
      %get3A_726 = arith.index_cast %get3A_725 : i32 to index
      %get3A_727 = arith.constant 48 : index
      %get3A_728 = tpu.vector_load %arg6[%get3A_726, %get3A_727] {strides = array<i32>} : memref<2x80xi32, #tpu.memory_space<vmem>>, vector<1x16xi32>,
      %get3A_729 = vector.shape_cast %get3A_728 : vector<1x16xi32> to vector<16xi32>
      %add3A_730 = arith.addi %get3A_729, %add3A_434 : vector<16xi32>
      %swap3A_731 = arith.constant 1 : i32
      %swap3A_732 = arith.index_cast %swap3A_731 : i32 to index
      %swap3A_733 = arith.constant 48 : index
      %swap3A_734 = tpu.vector_load %arg6[%swap3A_732, %swap3A_733] {strides = array<i32>} : memref<2x80xi32, #tpu.memory_space<vmem>>, vector<1x16xi32>,
      %swap3A_735 = vector.shape_cast %swap3A_734 : vector<1x16xi32> to vector<16xi32>
      %swap3A_736 = vector.shape_cast %add3A_730 : vector<16xi32> to vector<1x16xi32>
      tpu.vector_store %arg6[%swap3A_732, %swap3A_733], %swap3A_736 {strides = array<i32>} : memref<2x80xi32, #tpu.memory_space<vmem>>, vector<1x16xi32>,
      %get3A_737 = arith.constant 1 : i32
      %get3A_738 = arith.index_cast %get3A_737 : i32 to index
      %get3A_739 = arith.constant 64 : index
      %get3A_740 = tpu.vector_load %arg6[%get3A_738, %get3A_739] {strides = array<i32>} : memref<2x80xi32, #tpu.memory_space<vmem>>, vector<1x16xi32>,
      %get3A_741 = vector.shape_cast %get3A_740 : vector<1x16xi32> to vector<16xi32>
      %add3A_742 = arith.addi %get3A_741, %add3A_434 : vector<16xi32>
      %swap3A_743 = arith.constant 1 : i32
      %swap3A_744 = arith.index_cast %swap3A_743 : i32 to index
      %swap3A_745 = arith.constant 64 : index
      %swap3A_746 = tpu.vector_load %arg6[%swap3A_744, %swap3A_745] {strides = array<i32>} : memref<2x80xi32, #tpu.memory_space<vmem>>, vector<1x16xi32>,
      %swap3A_747 = vector.shape_cast %swap3A_746 : vector<1x16xi32> to vector<16xi32>
      %swap3A_748 = vector.shape_cast %add3A_742 : vector<16xi32> to vector<1x16xi32>
      tpu.vector_store %arg6[%swap3A_744, %swap3A_745], %swap3A_748 {strides = array<i32>} : memref<2x80xi32, #tpu.memory_space<vmem>>, vector<1x16xi32>,
      %dma_start3A_749 = arith.constant 1 : i32
      %dma_start3A_750 = arith.constant 1 : i32
      %dma_start3A_751 = arith.constant 0 : i32
      %dma_start3A_752 = arith.constant 0 : i32
      %dma_start3A_753 = tpu.memref_slice %arg8[%dma_start3A_750, %dma_start3A_751, %dma_start3A_752] : memref<2x80x128xf32, #tpu.memory_space<vmem>> -> memref<1x80x128xf32, #tpu.memory_space<vmem>>
      %dma_start3A_754 = tpu.memref_squeeze %dma_start3A_753 : memref<1x80x128xf32, #tpu.memory_space<vmem>> -> memref<80x128xf32, #tpu.memory_space<vmem>>
      %dma_start3A_755 = arith.constant 0 : i32
      %dma_start3A_756 = tpu.memref_slice %arg6[%dma_start3A_749, %dma_start3A_755] : memref<2x80xi32, #tpu.memory_space<vmem>> -> memref<1x80xi32, #tpu.memory_space<vmem>>
      %dma_start3A_757 = tpu.memref_squeeze %dma_start3A_756 : memref<1x80xi32, #tpu.memory_space<vmem>> -> memref<80xi32, #tpu.memory_space<vmem>>
      %dma_start3A_758 = arith.constant 0 : i32
      %dma_start3A_759 = arith.constant 0 : i32
      %dma_start3A_760 = tpu.memref_slice %arg2[%dma_start3A_758, %dma_start3A_759] : memref<40000x128xf32, #tpu.memory_space<hbm>> -> memref<40000x128xf32, #tpu.memory_space<hbm>>
      tpu.enqueue_indirect_dma source(%dma_start3A_760 : memref<40000x128xf32, #tpu.memory_space<hbm>>) target(%dma_start3A_754 : memref<80x128xf32, #tpu.memory_space<vmem>>) offsets(%dma_start3A_757 : memref<80xi32, #tpu.memory_space<vmem>>) semaphore(%arg15 : memref<!tpu.dma_semaphore, #tpu.memory_space<semaphore_mem>>)
      %mul3A_761 = arith.constant 80 : i32
      %mul3A_762 = arith.muli %add3A_664, %mul3A_761 : i32
      %add3A_763 = arith.addi %add3A_428, %mul3A_762 : i32
      %dma_start3A_764 = arith.constant 1 : i32
      %dma_start3A_765 = arith.constant 0 : i32
      %dma_start3A_766 = arith.constant 0 : i32
      %dma_start3A_767 = tpu.memref_slice %arg9[%dma_start3A_764, %dma_start3A_765, %dma_start3A_766] : memref<2x80x64xi32, #tpu.memory_space<vmem>> -> memref<1x80x64xi32, #tpu.memory_space<vmem>>
      %dma_start3A_768 = tpu.memref_squeeze %dma_start3A_767 : memref<1x80x64xi32, #tpu.memory_space<vmem>> -> memref<80x64xi32, #tpu.memory_space<vmem>>
      %dma_start3A_769 = arith.constant 0 : i32
      %dma_start3A_770 = tpu.memref_slice %arg4[%add3A_763, %dma_start3A_769] : memref<640000x64xi32, #tpu.memory_space<hbm>> -> memref<80x64xi32, #tpu.memory_space<hbm>>
      %dma_start3A_771 = arith.constant 0 : i32
      %dma_start3A_772 = arith.constant 0 : i32
      %dma_start3A_773 = tpu.memref_slice %arg9[%dma_start3A_764, %dma_start3A_771, %dma_start3A_772] : memref<2x80x64xi32, #tpu.memory_space<vmem>> -> memref<1x80x64xi32, #tpu.memory_space<vmem>>
      %dma_start3A_774 = tpu.memref_squeeze %dma_start3A_773 : memref<1x80x64xi32, #tpu.memory_space<vmem>> -> memref<80x64xi32, #tpu.memory_space<vmem>>
      %dma_start3A_775 = arith.constant 0 : i32
      %dma_start3A_776 = tpu.memref_slice %arg4[%add3A_763, %dma_start3A_775] : memref<640000x64xi32, #tpu.memory_space<hbm>> -> memref<80x64xi32, #tpu.memory_space<hbm>>
      tpu.enqueue_dma source(%dma_start3A_776 : memref<80x64xi32, #tpu.memory_space<hbm>>) target(%dma_start3A_774 : memref<80x64xi32, #tpu.memory_space<vmem>>) target_semaphore(%arg17 : memref<!tpu.dma_semaphore, #tpu.memory_space<semaphore_mem>>)
    } else {
    }
    %dma_wait3A_605 = arith.constant 0 : i32
    %dma_wait3A_606 = arith.constant 0 : i32
    %dma_wait3A_607 = arith.constant 0 : i32
    %dma_wait3A_608 = arith.constant 0 : i32
    %dma_wait3A_609 = tpu.memref_slice %arg8[%dma_wait3A_606, %dma_wait3A_607, %dma_wait3A_608] : memref<2x80x128xf32, #tpu.memory_space<vmem>> -> memref<1x80x128xf32, #tpu.memory_space<vmem>>
    %dma_wait3A_610 = tpu.memref_squeeze %dma_wait3A_609 : memref<1x80x128xf32, #tpu.memory_space<vmem>> -> memref<80x128xf32, #tpu.memory_space<vmem>>
    %dma_wait3A_611 = arith.constant 0 : i32
    %dma_wait3A_612 = tpu.memref_slice %arg6[%dma_wait3A_605, %dma_wait3A_611] : memref<2x80xi32, #tpu.memory_space<vmem>> -> memref<1x80xi32, #tpu.memory_space<vmem>>
    %dma_wait3A_613 = tpu.memref_squeeze %dma_wait3A_612 : memref<1x80xi32, #tpu.memory_space<vmem>> -> memref<80xi32, #tpu.memory_space<vmem>>
    %dma_wait3A_614 = arith.constant 0 : i32
    %dma_wait3A_615 = arith.constant 0 : i32
    %dma_wait3A_616 = tpu.memref_slice %arg2[%dma_wait3A_614, %dma_wait3A_615] : memref<40000x128xf32, #tpu.memory_space<hbm>> -> memref<40000x128xf32, #tpu.memory_space<hbm>>
    tpu.wait_indirect_dma semaphore(%arg14 : memref<!tpu.dma_semaphore, #tpu.memory_space<semaphore_mem>>) src(%dma_wait3A_616 : memref<40000x128xf32, #tpu.memory_space<hbm>>) dst(%dma_wait3A_610 : memref<80x128xf32, #tpu.memory_space<vmem>>)
    %mul3A_617 = arith.constant 124 : i32
    %mul3A_618 = arith.constant 80 : i32
    %mul3A_619 = arith.muli %mul3A_617, %mul3A_618 : i32
    %add3A_620 = arith.addi %add3A_428, %mul3A_619 : i32
    %dma_wait3A_621 = arith.constant 0 : i32
    %dma_wait3A_622 = arith.constant 0 : i32
    %dma_wait3A_623 = arith.constant 0 : i32
    %dma_wait3A_624 = tpu.memref_slice %arg9[%dma_wait3A_621, %dma_wait3A_622, %dma_wait3A_623] : memref<2x80x64xi32, #tpu.memory_space<vmem>> -> memref<1x80x64xi32, #tpu.memory_space<vmem>>
    %dma_wait3A_625 = tpu.memref_squeeze %dma_wait3A_624 : memref<1x80x64xi32, #tpu.memory_space<vmem>> -> memref<80x64xi32, #tpu.memory_space<vmem>>
    %dma_wait3A_626 = arith.constant 0 : i32
    %dma_wait3A_627 = tpu.memref_slice %arg4[%add3A_620, %dma_wait3A_626] : memref<640000x64xi32, #tpu.memory_space<hbm>> -> memref<80x64xi32, #tpu.memory_space<hbm>>
    %dma_wait3A_628 = arith.constant 0 : i32
    %dma_wait3A_629 = arith.constant 0 : i32
    %dma_wait3A_630 = tpu.memref_slice %arg9[%dma_wait3A_621, %dma_wait3A_628, %dma_wait3A_629] : memref<2x80x64xi32, #tpu.memory_space<vmem>> -> memref<1x80x64xi32, #tpu.memory_space<vmem>>
    %dma_wait3A_631 = tpu.memref_squeeze %dma_wait3A_630 : memref<1x80x64xi32, #tpu.memory_space<vmem>> -> memref<80x64xi32, #tpu.memory_space<vmem>>
    %dma_wait3A_632 = arith.constant 0 : i32
    %dma_wait3A_633 = tpu.memref_slice %arg4[%add3A_620, %dma_wait3A_632] : memref<640000x64xi32, #tpu.memory_space<hbm>> -> memref<80x64xi32, #tpu.memory_space<hbm>>
    tpu.wait_dma2 semaphore(%arg16 : memref<!tpu.dma_semaphore, #tpu.memory_space<semaphore_mem>>) src(%dma_wait3A_633 : memref<80x64xi32, #tpu.memory_space<hbm>>) dst(%dma_wait3A_631 : memref<80x64xi32, #tpu.memory_space<vmem>>)
    %broadcast_in_dim3A_634 = arith.constant -65536 : i32
    %broadcast_in_dim3A_635 = vector.broadcast %broadcast_in_dim3A_634 : i32 to vector<16xi32>
    %scan3A_636 = arith.constant 0 : i32
    %scan3A_637 = arith.constant 0 : i32
    %scan3A_638 = arith.constant 80 : i32
    %scan3A_639 = arith.addi %scan3A_637, %scan3A_638 : i32
    %scan3A_640 = arith.constant 1 : i32
    %scan3A_641 = scf.for %scan3A_663 = %scan3A_637 to %scan3A_639 step %scan3A_640 iter_args(%scan3A_664 = %scan3A_636) -> (i32)  : i32 {
      %get3A_665 = arith.constant 0 : i32
      %get3A_666 = arith.index_cast %get3A_665 : i32 to index
      %get3A_667 = arith.index_cast %scan3A_663 : i32 to index
      %get3A_668 = arith.constant 0 : index
      %get3A_669 = tpu.vector_load %arg9[%get3A_666, %get3A_667, %get3A_668] {strides = array<i32>} : memref<2x80x64xi32, #tpu.memory_space<vmem>>, vector<1x1x16xi32>,
      %get3A_670 = vector.shape_cast %get3A_669 : vector<1x1x16xi32> to vector<16xi32>
      %shift_left3A = arith.constant 16 : i32
      %shift_left3A_671 = vector.broadcast %shift_left3A : i32 to vector<16xi32>
      %shift_left3A_672 = arith.shli %get3A_670, %shift_left3A_671 : vector<16xi32>
      %bitcast_convert_type3A = tpu.bitcast %shift_left3A_672 : vector<16xi32> -> vector<16xf32>
      %and3A = arith.andi %get3A_670, %broadcast_in_dim3A_635 : vector<16xi32>
      %bitcast_convert_type3A_673 = tpu.bitcast %and3A : vector<16xi32> -> vector<16xf32>
      %get3A_674 = arith.constant 0 : i32
      %get3A_675 = arith.index_cast %get3A_674 : i32 to index
      %get3A_676 = arith.index_cast %scan3A_663 : i32 to index
      %get3A_677 = arith.constant 0 : index
      %get3A_678 = tpu.vector_load %arg8[%get3A_675, %get3A_676, %get3A_677] {strides = array<i32>} : memref<2x80x128xf32, #tpu.memory_space<vmem>>, vector<1x1x16xf32>,
      %get3A_679 = vector.shape_cast %get3A_678 : vector<1x1x16xf32> to vector<16xf32>
      %mul3A_680 = arith.mulf %get3A_679, %bitcast_convert_type3A : vector<16xf32>
      %swap3A_681 = arith.constant 0 : i32
      %swap3A_682 = arith.index_cast %swap3A_681 : i32 to index
      %swap3A_683 = arith.index_cast %scan3A_663 : i32 to index
      %swap3A_684 = arith.constant 0 : index
      %swap3A_685 = tpu.vector_load %arg8[%swap3A_682, %swap3A_683, %swap3A_684] {strides = array<i32>} : memref<2x80x128xf32, #tpu.memory_space<vmem>>, vector<1x1x16xf32>,
      %swap3A_686 = vector.shape_cast %swap3A_685 : vector<1x1x16xf32> to vector<16xf32>
      %swap3A_687 = vector.shape_cast %mul3A_680 : vector<16xf32> to vector<1x1x16xf32>
      tpu.vector_store %arg8[%swap3A_682, %swap3A_683, %swap3A_684], %swap3A_687 {strides = array<i32>} : memref<2x80x128xf32, #tpu.memory_space<vmem>>, vector<1x1x16xf32>,
      %get3A_688 = arith.constant 0 : i32
      %get3A_689 = arith.index_cast %get3A_688 : i32 to index
      %get3A_690 = arith.index_cast %scan3A_663 : i32 to index
      %get3A_691 = arith.constant 16 : index
      %get3A_692 = tpu.vector_load %arg8[%get3A_689, %get3A_690, %get3A_691] {strides = array<i32>} : memref<2x80x128xf32, #tpu.memory_space<vmem>>, vector<1x1x16xf32>,
      %get3A_693 = vector.shape_cast %get3A_692 : vector<1x1x16xf32> to vector<16xf32>
      %mul3A_694 = arith.mulf %get3A_693, %bitcast_convert_type3A_673 : vector<16xf32>
      %swap3A_695 = arith.constant 0 : i32
      %swap3A_696 = arith.index_cast %swap3A_695 : i32 to index
      %swap3A_697 = arith.index_cast %scan3A_663 : i32 to index
      %swap3A_698 = arith.constant 16 : index
      %swap3A_699 = tpu.vector_load %arg8[%swap3A_696, %swap3A_697, %swap3A_698] {strides = array<i32>} : memref<2x80x128xf32, #tpu.memory_space<vmem>>, vector<1x1x16xf32>,
      %swap3A_700 = vector.shape_cast %swap3A_699 : vector<1x1x16xf32> to vector<16xf32>
      %swap3A_701 = vector.shape_cast %mul3A_694 : vector<16xf32> to vector<1x1x16xf32>
      tpu.vector_store %arg8[%swap3A_696, %swap3A_697, %swap3A_698], %swap3A_701 {strides = array<i32>} : memref<2x80x128xf32, #tpu.memory_space<vmem>>, vector<1x1x16xf32>,
      %get3A_702 = arith.constant 0 : i32
      %get3A_703 = arith.index_cast %get3A_702 : i32 to index
      %get3A_704 = arith.index_cast %scan3A_663 : i32 to index
      %get3A_705 = arith.constant 16 : index
      %get3A_706 = tpu.vector_load %arg9[%get3A_703, %get3A_704, %get3A_705] {strides = array<i32>} : memref<2x80x64xi32, #tpu.memory_space<vmem>>, vector<1x1x16xi32>,
      %get3A_707 = vector.shape_cast %get3A_706 : vector<1x1x16xi32> to vector<16xi32>
      %shift_left3A_708 = arith.constant 16 : i32
      %shift_left3A_709 = vector.broadcast %shift_left3A_708 : i32 to vector<16xi32>
      %shift_left3A_710 = arith.shli %get3A_707, %shift_left3A_709 : vector<16xi32>
      %bitcast_convert_type3A_711 = tpu.bitcast %shift_left3A_710 : vector<16xi32> -> vector<16xf32>
      %and3A_712 = arith.andi %get3A_707, %broadcast_in_dim3A_635 : vector<16xi32>
      %bitcast_convert_type3A_713 = tpu.bitcast %and3A_712 : vector<16xi32> -> vector<16xf32>
      %get3A_714 = arith.constant 0 : i32
      %get3A_715 = arith.index_cast %get3A_714 : i32 to index
      %get3A_716 = arith.index_cast %scan3A_663 : i32 to index
      %get3A_717 = arith.constant 32 : index
      %get3A_718 = tpu.vector_load %arg8[%get3A_715, %get3A_716, %get3A_717] {strides = array<i32>} : memref<2x80x128xf32, #tpu.memory_space<vmem>>, vector<1x1x16xf32>,
      %get3A_719 = vector.shape_cast %get3A_718 : vector<1x1x16xf32> to vector<16xf32>
      %mul3A_720 = arith.mulf %get3A_719, %bitcast_convert_type3A_711 : vector<16xf32>
      %swap3A_721 = arith.constant 0 : i32
      %swap3A_722 = arith.index_cast %swap3A_721 : i32 to index
      %swap3A_723 = arith.index_cast %scan3A_663 : i32 to index
      %swap3A_724 = arith.constant 32 : index
      %swap3A_725 = tpu.vector_load %arg8[%swap3A_722, %swap3A_723, %swap3A_724] {strides = array<i32>} : memref<2x80x128xf32, #tpu.memory_space<vmem>>, vector<1x1x16xf32>,
      %swap3A_726 = vector.shape_cast %swap3A_725 : vector<1x1x16xf32> to vector<16xf32>
      %swap3A_727 = vector.shape_cast %mul3A_720 : vector<16xf32> to vector<1x1x16xf32>
      tpu.vector_store %arg8[%swap3A_722, %swap3A_723, %swap3A_724], %swap3A_727 {strides = array<i32>} : memref<2x80x128xf32, #tpu.memory_space<vmem>>, vector<1x1x16xf32>,
      %get3A_728 = arith.constant 0 : i32
      %get3A_729 = arith.index_cast %get3A_728 : i32 to index
      %get3A_730 = arith.index_cast %scan3A_663 : i32 to index
      %get3A_731 = arith.constant 48 : index
      %get3A_732 = tpu.vector_load %arg8[%get3A_729, %get3A_730, %get3A_731] {strides = array<i32>} : memref<2x80x128xf32, #tpu.memory_space<vmem>>, vector<1x1x16xf32>,
      %get3A_733 = vector.shape_cast %get3A_732 : vector<1x1x16xf32> to vector<16xf32>
      %mul3A_734 = arith.mulf %get3A_733, %bitcast_convert_type3A_713 : vector<16xf32>
      %swap3A_735 = arith.constant 0 : i32
      %swap3A_736 = arith.index_cast %swap3A_735 : i32 to index
      %swap3A_737 = arith.index_cast %scan3A_663 : i32 to index
      %swap3A_738 = arith.constant 48 : index
      %swap3A_739 = tpu.vector_load %arg8[%swap3A_736, %swap3A_737, %swap3A_738] {strides = array<i32>} : memref<2x80x128xf32, #tpu.memory_space<vmem>>, vector<1x1x16xf32>,
      %swap3A_740 = vector.shape_cast %swap3A_739 : vector<1x1x16xf32> to vector<16xf32>
      %swap3A_741 = vector.shape_cast %mul3A_734 : vector<16xf32> to vector<1x1x16xf32>
      tpu.vector_store %arg8[%swap3A_736, %swap3A_737, %swap3A_738], %swap3A_741 {strides = array<i32>} : memref<2x80x128xf32, #tpu.memory_space<vmem>>, vector<1x1x16xf32>,
      %get3A_742 = arith.constant 0 : i32
      %get3A_743 = arith.index_cast %get3A_742 : i32 to index
      %get3A_744 = arith.index_cast %scan3A_663 : i32 to index
      %get3A_745 = arith.constant 32 : index
      %get3A_746 = tpu.vector_load %arg9[%get3A_743, %get3A_744, %get3A_745] {strides = array<i32>} : memref<2x80x64xi32, #tpu.memory_space<vmem>>, vector<1x1x16xi32>,
      %get3A_747 = vector.shape_cast %get3A_746 : vector<1x1x16xi32> to vector<16xi32>
      %shift_left3A_748 = arith.constant 16 : i32
      %shift_left3A_749 = vector.broadcast %shift_left3A_748 : i32 to vector<16xi32>
      %shift_left3A_750 = arith.shli %get3A_747, %shift_left3A_749 : vector<16xi32>
      %bitcast_convert_type3A_751 = tpu.bitcast %shift_left3A_750 : vector<16xi32> -> vector<16xf32>
      %and3A_752 = arith.andi %get3A_747, %broadcast_in_dim3A_635 : vector<16xi32>
      %bitcast_convert_type3A_753 = tpu.bitcast %and3A_752 : vector<16xi32> -> vector<16xf32>
      %get3A_754 = arith.constant 0 : i32
      %get3A_755 = arith.index_cast %get3A_754 : i32 to index
      %get3A_756 = arith.index_cast %scan3A_663 : i32 to index
      %get3A_757 = arith.constant 64 : index
      %get3A_758 = tpu.vector_load %arg8[%get3A_755, %get3A_756, %get3A_757] {strides = array<i32>} : memref<2x80x128xf32, #tpu.memory_space<vmem>>, vector<1x1x16xf32>,
      %get3A_759 = vector.shape_cast %get3A_758 : vector<1x1x16xf32> to vector<16xf32>
      %mul3A_760 = arith.mulf %get3A_759, %bitcast_convert_type3A_751 : vector<16xf32>
      %swap3A_761 = arith.constant 0 : i32
      %swap3A_762 = arith.index_cast %swap3A_761 : i32 to index
      %swap3A_763 = arith.index_cast %scan3A_663 : i32 to index
      %swap3A_764 = arith.constant 64 : index
      %swap3A_765 = tpu.vector_load %arg8[%swap3A_762, %swap3A_763, %swap3A_764] {strides = array<i32>} : memref<2x80x128xf32, #tpu.memory_space<vmem>>, vector<1x1x16xf32>,
      %swap3A_766 = vector.shape_cast %swap3A_765 : vector<1x1x16xf32> to vector<16xf32>
      %swap3A_767 = vector.shape_cast %mul3A_760 : vector<16xf32> to vector<1x1x16xf32>
      tpu.vector_store %arg8[%swap3A_762, %swap3A_763, %swap3A_764], %swap3A_767 {strides = array<i32>} : memref<2x80x128xf32, #tpu.memory_space<vmem>>, vector<1x1x16xf32>,
      %get3A_768 = arith.constant 0 : i32
      %get3A_769 = arith.index_cast %get3A_768 : i32 to index
      %get3A_770 = arith.index_cast %scan3A_663 : i32 to index
      %get3A_771 = arith.constant 80 : index
      %get3A_772 = tpu.vector_load %arg8[%get3A_769, %get3A_770, %get3A_771] {strides = array<i32>} : memref<2x80x128xf32, #tpu.memory_space<vmem>>, vector<1x1x16xf32>,
      %get3A_773 = vector.shape_cast %get3A_772 : vector<1x1x16xf32> to vector<16xf32>
      %mul3A_774 = arith.mulf %get3A_773, %bitcast_convert_type3A_753 : vector<16xf32>
      %swap3A_775 = arith.constant 0 : i32
      %swap3A_776 = arith.index_cast %swap3A_775 : i32 to index
      %swap3A_777 = arith.index_cast %scan3A_663 : i32 to index
      %swap3A_778 = arith.constant 80 : index
      %swap3A_779 = tpu.vector_load %arg8[%swap3A_776, %swap3A_777, %swap3A_778] {strides = array<i32>} : memref<2x80x128xf32, #tpu.memory_space<vmem>>, vector<1x1x16xf32>,
      %swap3A_780 = vector.shape_cast %swap3A_779 : vector<1x1x16xf32> to vector<16xf32>
      %swap3A_781 = vector.shape_cast %mul3A_774 : vector<16xf32> to vector<1x1x16xf32>
      tpu.vector_store %arg8[%swap3A_776, %swap3A_777, %swap3A_778], %swap3A_781 {strides = array<i32>} : memref<2x80x128xf32, #tpu.memory_space<vmem>>, vector<1x1x16xf32>,
      %get3A_782 = arith.constant 0 : i32
      %get3A_783 = arith.index_cast %get3A_782 : i32 to index
      %get3A_784 = arith.index_cast %scan3A_663 : i32 to index
      %get3A_785 = arith.constant 48 : index
      %get3A_786 = tpu.vector_load %arg9[%get3A_783, %get3A_784, %get3A_785] {strides = array<i32>} : memref<2x80x64xi32, #tpu.memory_space<vmem>>, vector<1x1x16xi32>,
      %get3A_787 = vector.shape_cast %get3A_786 : vector<1x1x16xi32> to vector<16xi32>
      %shift_left3A_788 = arith.constant 16 : i32
      %shift_left3A_789 = vector.broadcast %shift_left3A_788 : i32 to vector<16xi32>
      %shift_left3A_790 = arith.shli %get3A_787, %shift_left3A_789 : vector<16xi32>
      %bitcast_convert_type3A_791 = tpu.bitcast %shift_left3A_790 : vector<16xi32> -> vector<16xf32>
      %and3A_792 = arith.andi %get3A_787, %broadcast_in_dim3A_635 : vector<16xi32>
      %bitcast_convert_type3A_793 = tpu.bitcast %and3A_792 : vector<16xi32> -> vector<16xf32>
      %get3A_794 = arith.constant 0 : i32
      %get3A_795 = arith.index_cast %get3A_794 : i32 to index
      %get3A_796 = arith.index_cast %scan3A_663 : i32 to index
      %get3A_797 = arith.constant 96 : index
      %get3A_798 = tpu.vector_load %arg8[%get3A_795, %get3A_796, %get3A_797] {strides = array<i32>} : memref<2x80x128xf32, #tpu.memory_space<vmem>>, vector<1x1x16xf32>,
      %get3A_799 = vector.shape_cast %get3A_798 : vector<1x1x16xf32> to vector<16xf32>
      %mul3A_800 = arith.mulf %get3A_799, %bitcast_convert_type3A_791 : vector<16xf32>
      %swap3A_801 = arith.constant 0 : i32
      %swap3A_802 = arith.index_cast %swap3A_801 : i32 to index
      %swap3A_803 = arith.index_cast %scan3A_663 : i32 to index
      %swap3A_804 = arith.constant 96 : index
      %swap3A_805 = tpu.vector_load %arg8[%swap3A_802, %swap3A_803, %swap3A_804] {strides = array<i32>} : memref<2x80x128xf32, #tpu.memory_space<vmem>>, vector<1x1x16xf32>,
      %swap3A_806 = vector.shape_cast %swap3A_805 : vector<1x1x16xf32> to vector<16xf32>
      %swap3A_807 = vector.shape_cast %mul3A_800 : vector<16xf32> to vector<1x1x16xf32>
      tpu.vector_store %arg8[%swap3A_802, %swap3A_803, %swap3A_804], %swap3A_807 {strides = array<i32>} : memref<2x80x128xf32, #tpu.memory_space<vmem>>, vector<1x1x16xf32>,
      %get3A_808 = arith.constant 0 : i32
      %get3A_809 = arith.index_cast %get3A_808 : i32 to index
      %get3A_810 = arith.index_cast %scan3A_663 : i32 to index
      %get3A_811 = arith.constant 112 : index
      %get3A_812 = tpu.vector_load %arg8[%get3A_809, %get3A_810, %get3A_811] {strides = array<i32>} : memref<2x80x128xf32, #tpu.memory_space<vmem>>, vector<1x1x16xf32>,
      %get3A_813 = vector.shape_cast %get3A_812 : vector<1x1x16xf32> to vector<16xf32>
      %mul3A_814 = arith.mulf %get3A_813, %bitcast_convert_type3A_793 : vector<16xf32>
      %swap3A_815 = arith.constant 0 : i32
      %swap3A_816 = arith.index_cast %swap3A_815 : i32 to index
      %swap3A_817 = arith.index_cast %scan3A_663 : i32 to index
      %swap3A_818 = arith.constant 112 : index
      %swap3A_819 = tpu.vector_load %arg8[%swap3A_816, %swap3A_817, %swap3A_818] {strides = array<i32>} : memref<2x80x128xf32, #tpu.memory_space<vmem>>, vector<1x1x16xf32>,
      %swap3A_820 = vector.shape_cast %swap3A_819 : vector<1x1x16xf32> to vector<16xf32>
      %swap3A_821 = vector.shape_cast %mul3A_814 : vector<16xf32> to vector<1x1x16xf32>
      tpu.vector_store %arg8[%swap3A_816, %swap3A_817, %swap3A_818], %swap3A_821 {strides = array<i32>} : memref<2x80x128xf32, #tpu.memory_space<vmem>>, vector<1x1x16xf32>,
      %scan3A_822 = arith.constant 0 : i32
      scf.yield %scan3A_822 : i32
    }
    %scan3A_642 = arith.constant 80 : i32
    %run_scoped3A_643 = arith.constant 0 : i32
    %run_scoped3A_644 = arith.constant 0 : i32
    "tpu.region"() ({
      %run_scoped3A_663 = tpu.sem_alloc : memref<!tpu.dma_semaphore, #tpu.memory_space<semaphore_mem>>
      %dma_start3A_664 = arith.constant 0 : i32
      %dma_start3A_665 = arith.constant 0 : i32
      %dma_start3A_666 = tpu.memref_slice %arg8[%run_scoped3A_643, %dma_start3A_664, %dma_start3A_665] : memref<2x80x128xf32, #tpu.memory_space<vmem>> -> memref<1x80x128xf32, #tpu.memory_space<vmem>>
      %dma_start3A_667 = tpu.memref_squeeze %dma_start3A_666 : memref<1x80x128xf32, #tpu.memory_space<vmem>> -> memref<80x128xf32, #tpu.memory_space<vmem>>
      %dma_start3A_668 = arith.constant 0 : i32
      %dma_start3A_669 = tpu.memref_slice %arg7[%run_scoped3A_644, %dma_start3A_668] : memref<2x80xi32, #tpu.memory_space<vmem>> -> memref<1x80xi32, #tpu.memory_space<vmem>>
      %dma_start3A_670 = tpu.memref_squeeze %dma_start3A_669 : memref<1x80xi32, #tpu.memory_space<vmem>> -> memref<80xi32, #tpu.memory_space<vmem>>
      %dma_start3A_671 = arith.constant 0 : i32
      %dma_start3A_672 = arith.constant 0 : i32
      %dma_start3A_673 = tpu.memref_slice %arg11[%dma_start3A_671, %dma_start3A_672] : memref<10000x128xf32, #tpu.memory_space<vmem_shared>> -> memref<10000x128xf32, #tpu.memory_space<vmem_shared>>
      tpu.enqueue_indirect_dma source(%dma_start3A_667 : memref<80x128xf32, #tpu.memory_space<vmem>>) target(%dma_start3A_673 : memref<10000x128xf32, #tpu.memory_space<vmem_shared>>) offsets(%dma_start3A_670 : memref<80xi32, #tpu.memory_space<vmem>>) semaphore(%run_scoped3A_663 : memref<!tpu.dma_semaphore, #tpu.memory_space<semaphore_mem>>) {add = true}
      %dma_wait3A_674 = arith.constant 0 : i32
      %dma_wait3A_675 = arith.constant 0 : i32
      %dma_wait3A_676 = tpu.memref_slice %arg8[%run_scoped3A_643, %dma_wait3A_674, %dma_wait3A_675] : memref<2x80x128xf32, #tpu.memory_space<vmem>> -> memref<1x80x128xf32, #tpu.memory_space<vmem>>
      %dma_wait3A_677 = tpu.memref_squeeze %dma_wait3A_676 : memref<1x80x128xf32, #tpu.memory_space<vmem>> -> memref<80x128xf32, #tpu.memory_space<vmem>>
      %dma_wait3A_678 = arith.constant 0 : i32
      %dma_wait3A_679 = tpu.memref_slice %arg7[%run_scoped3A_644, %dma_wait3A_678] : memref<2x80xi32, #tpu.memory_space<vmem>> -> memref<1x80xi32, #tpu.memory_space<vmem>>
      %dma_wait3A_680 = tpu.memref_squeeze %dma_wait3A_679 : memref<1x80xi32, #tpu.memory_space<vmem>> -> memref<80xi32, #tpu.memory_space<vmem>>
      %dma_wait3A_681 = arith.constant 0 : i32
      %dma_wait3A_682 = arith.constant 0 : i32
      %dma_wait3A_683 = tpu.memref_slice %arg11[%dma_wait3A_681, %dma_wait3A_682] : memref<10000x128xf32, #tpu.memory_space<vmem_shared>> -> memref<10000x128xf32, #tpu.memory_space<vmem_shared>>
      tpu.wait_indirect_dma semaphore(%run_scoped3A_663 : memref<!tpu.dma_semaphore, #tpu.memory_space<semaphore_mem>>) src(%dma_wait3A_677 : memref<80x128xf32, #tpu.memory_space<vmem>>) dst(%dma_wait3A_683 : memref<10000x128xf32, #tpu.memory_space<vmem_shared>>)
      tpu.yield
    }) : () -> ()
    %add3A_645 = arith.constant 124 : i32
    %add3A_646 = arith.constant 2 : i32
    %add3A_647 = arith.addi %add3A_645, %add3A_646 : i32
    %lt3A_648 = arith.constant 125 : i32
    %lt3A_649 = arith.cmpi slt, %add3A_647, %lt3A_648 : i32
    %convert_element_type3A_650 = arith.extui %lt3A_649 : i1 to i32
    %cond3A_651 = arith.constant 124 : i32
    %cond3A_652 = arith.constant 0 : i32
    %cond3A_653 = arith.cmpi ne, %convert_element_type3A_650, %cond3A_652 : i32
    scf.if %cond3A_653 {
      %add3A_663 = arith.constant 2 : i32
      %add3A_664 = arith.addi %cond3A_651, %add3A_663 : i32
      %mul3A_665 = arith.constant 80 : i32
      %mul3A_666 = arith.muli %add3A_664, %mul3A_665 : i32
      %add3A_667 = arith.addi %add3A_423, %mul3A_666 : i32
      %dma_start3A_668 = arith.constant 0 : i32
      %dma_start3A_669 = arith.constant 0 : i32
      %dma_start3A_670 = tpu.memref_slice %arg6[%dma_start3A_668, %dma_start3A_669] : memref<2x80xi32, #tpu.memory_space<vmem>> -> memref<1x80xi32, #tpu.memory_space<vmem>>
      %dma_start3A_671 = tpu.memref_squeeze %dma_start3A_670 : memref<1x80xi32, #tpu.memory_space<vmem>> -> memref<80xi32, #tpu.memory_space<vmem>>
      %dma_start3A_672 = tpu.memref_slice %arg3[%add3A_667] : memref<1280000xi32, #tpu.memory_space<hbm>> -> memref<80xi32, #tpu.memory_space<hbm>>
      %dma_start3A_673 = arith.constant 0 : i32
      %dma_start3A_674 = tpu.memref_slice %arg6[%dma_start3A_668, %dma_start3A_673] : memref<2x80xi32, #tpu.memory_space<vmem>> -> memref<1x80xi32, #tpu.memory_space<vmem>>
      %dma_start3A_675 = tpu.memref_squeeze %dma_start3A_674 : memref<1x80xi32, #tpu.memory_space<vmem>> -> memref<80xi32, #tpu.memory_space<vmem>>
      %dma_start3A_676 = tpu.memref_slice %arg3[%add3A_667] : memref<1280000xi32, #tpu.memory_space<hbm>> -> memref<80xi32, #tpu.memory_space<hbm>>
      tpu.enqueue_dma source(%dma_start3A_676 : memref<80xi32, #tpu.memory_space<hbm>>) target(%dma_start3A_675 : memref<80xi32, #tpu.memory_space<vmem>>) target_semaphore(%arg12 : memref<!tpu.dma_semaphore, #tpu.memory_space<semaphore_mem>>)
      %mul3A_677 = arith.constant 80 : i32
      %mul3A_678 = arith.muli %add3A_664, %mul3A_677 : i32
      %add3A_679 = arith.addi %add3A_425, %mul3A_678 : i32
      %dma_start3A_680 = arith.constant 0 : i32
      %dma_start3A_681 = arith.constant 0 : i32
      %dma_start3A_682 = tpu.memref_slice %arg7[%dma_start3A_680, %dma_start3A_681] : memref<2x80xi32, #tpu.memory_space<vmem>> -> memref<1x80xi32, #tpu.memory_space<vmem>>
      %dma_start3A_683 = tpu.memref_squeeze %dma_start3A_682 : memref<1x80xi32, #tpu.memory_space<vmem>> -> memref<80xi32, #tpu.memory_space<vmem>>
      %dma_start3A_684 = tpu.memref_slice %arg3[%add3A_679] : memref<1280000xi32, #tpu.memory_space<hbm>> -> memref<80xi32, #tpu.memory_space<hbm>>
      %dma_start3A_685 = arith.constant 0 : i32
      %dma_start3A_686 = tpu.memref_slice %arg7[%dma_start3A_680, %dma_start3A_685] : memref<2x80xi32, #tpu.memory_space<vmem>> -> memref<1x80xi32, #tpu.memory_space<vmem>>
      %dma_start3A_687 = tpu.memref_squeeze %dma_start3A_686 : memref<1x80xi32, #tpu.memory_space<vmem>> -> memref<80xi32, #tpu.memory_space<vmem>>
      %dma_start3A_688 = tpu.memref_slice %arg3[%add3A_679] : memref<1280000xi32, #tpu.memory_space<hbm>> -> memref<80xi32, #tpu.memory_space<hbm>>
      tpu.enqueue_dma source(%dma_start3A_688 : memref<80xi32, #tpu.memory_space<hbm>>) target(%dma_start3A_687 : memref<80xi32, #tpu.memory_space<vmem>>) target_semaphore(%arg12 : memref<!tpu.dma_semaphore, #tpu.memory_space<semaphore_mem>>)
    } else {
    }
    %barrier3A_654 = arith.constant 0 : index
    tpu.barrier barrier_id(%barrier3A_654)
    %mul3A_655 = arith.constant 10000 : i32
    %mul3A_656 = arith.muli %add3A_416, %mul3A_655 : i32
    %add3A_657 = arith.addi %mul3A_656, %mul3A_7 : i32
    "tpu.region"() ({
      %run_scoped3A_663 = tpu.sem_alloc : memref<!tpu.dma_semaphore, #tpu.memory_space<semaphore_mem>>
      %dma_start3A_664 = arith.constant 0 : i32
      %dma_start3A_665 = tpu.memref_slice %arg5[%add3A_657, %dma_start3A_664] : memref<40000x128xf32, #tpu.memory_space<hbm>> -> memref<624x128xf32, #tpu.memory_space<hbm>>
      %dma_start3A_666 = arith.constant 0 : i32
      %dma_start3A_667 = tpu.memref_slice %arg11[%mul3A_7, %dma_start3A_666] : memref<10000x128xf32, #tpu.memory_space<vmem_shared>> -> memref<624x128xf32, #tpu.memory_space<vmem_shared>>
      tpu.enqueue_dma source(%dma_start3A_667 : memref<624x128xf32, #tpu.memory_space<vmem_shared>>) target(%dma_start3A_665 : memref<624x128xf32, #tpu.memory_space<hbm>>) target_semaphore(%run_scoped3A_663 : memref<!tpu.dma_semaphore, #tpu.memory_space<semaphore_mem>>)
      %dma_wait3A_668 = arith.constant 0 : i32
      %dma_wait3A_669 = tpu.memref_slice %arg5[%add3A_657, %dma_wait3A_668] : memref<40000x128xf32, #tpu.memory_space<hbm>> -> memref<624x128xf32, #tpu.memory_space<hbm>>
      %dma_wait3A_670 = arith.constant 0 : i32
      %dma_wait3A_671 = tpu.memref_slice %arg11[%mul3A_7, %dma_wait3A_670] : memref<10000x128xf32, #tpu.memory_space<vmem_shared>> -> memref<624x128xf32, #tpu.memory_space<vmem_shared>>
      tpu.wait_dma2 semaphore(%run_scoped3A_663 : memref<!tpu.dma_semaphore, #tpu.memory_space<semaphore_mem>>) src(%dma_wait3A_671 : memref<624x128xf32, #tpu.memory_space<vmem_shared>>) dst(%dma_wait3A_669 : memref<624x128xf32, #tpu.memory_space<hbm>>)
      tpu.yield
    }) : () -> ()
    %eq3A_658 = arith.constant 15 : i32
    %eq3A_659 = arith.cmpi eq, %arg1, %eq3A_658 : i32
    %convert_element_type3A_660 = arith.extui %eq3A_659 : i1 to i32
    %cond3A_661 = arith.constant 0 : i32
    %cond3A_662 = arith.cmpi ne, %convert_element_type3A_660, %cond3A_661 : i32
    scf.if %cond3A_662 {
      %mul3A_663 = arith.constant 10000 : i32
      %mul3A_664 = arith.muli %add3A_416, %mul3A_663 : i32
      %add3A_665 = arith.constant 9984 : i32
      %add3A_666 = arith.addi %mul3A_664, %add3A_665 : i32
      "tpu.region"() ({
        %run_scoped3A_667 = tpu.sem_alloc : memref<!tpu.dma_semaphore, #tpu.memory_space<semaphore_mem>>
        %dma_start3A_668 = arith.constant 0 : i32
        %dma_start3A_669 = tpu.memref_slice %arg5[%add3A_666, %dma_start3A_668] : memref<40000x128xf32, #tpu.memory_space<hbm>> -> memref<16x128xf32, #tpu.memory_space<hbm>>
        %dma_start3A_670 = arith.constant 9984 : i32
        %dma_start3A_671 = arith.constant 0 : i32
        %dma_start3A_672 = tpu.memref_slice %arg11[%dma_start3A_670, %dma_start3A_671] : memref<10000x128xf32, #tpu.memory_space<vmem_shared>> -> memref<16x128xf32, #tpu.memory_space<vmem_shared>>
        tpu.enqueue_dma source(%dma_start3A_672 : memref<16x128xf32, #tpu.memory_space<vmem_shared>>) target(%dma_start3A_669 : memref<16x128xf32, #tpu.memory_space<hbm>>) target_semaphore(%run_scoped3A_667 : memref<!tpu.dma_semaphore, #tpu.memory_space<semaphore_mem>>)
        %dma_wait3A_673 = arith.constant 0 : i32
        %dma_wait3A_674 = tpu.memref_slice %arg5[%add3A_666, %dma_wait3A_673] : memref<40000x128xf32, #tpu.memory_space<hbm>> -> memref<16x128xf32, #tpu.memory_space<hbm>>
        %dma_wait3A_675 = arith.constant 9984 : i32
        %dma_wait3A_676 = arith.constant 0 : i32
        %dma_wait3A_677 = tpu.memref_slice %arg11[%dma_wait3A_675, %dma_wait3A_676] : memref<10000x128xf32, #tpu.memory_space<vmem_shared>> -> memref<16x128xf32, #tpu.memory_space<vmem_shared>>
        tpu.wait_dma2 semaphore(%run_scoped3A_667 : memref<!tpu.dma_semaphore, #tpu.memory_space<semaphore_mem>>) src(%dma_wait3A_677 : memref<16x128xf32, #tpu.memory_space<vmem_shared>>) dst(%dma_wait3A_674 : memref<16x128xf32, #tpu.memory_space<hbm>>)
        tpu.yield
      }) : () -> ()
    } else {
    }
    return
  }
}

module attributes {stable_mosaic.version = 14 : i64} {
  func.func @_linear_pack_body(%arg0: i32, %arg1: memref<5000x16xf32, #tpu.memory_space<vmem>>, %arg2: memref<16x128xf32, #tpu.memory_space<vmem>>, %arg3: memref<1x128xf32, #tpu.memory_space<vmem>>, %arg4: memref<5000x64xi32, #tpu.memory_space<vmem>>) attributes {dimension_semantics = [#tpu.dimension_semantics<arbitrary>], iteration_bounds = array<i64: 128>, scalar_prefetch = 0 : i64, scratch_operands = 0 : i64, tpu.core_type = #tpu.core_type<tc>, window_params = [{transform_indices = @transform_0, window_bounds = array<i64: 5000, 16>}, {pipeline_mode = #tpu.pipeline_mode<synchronous>, transform_indices = @transform_1, window_bounds = array<i64: 16, 128>}, {pipeline_mode = #tpu.pipeline_mode<synchronous>, transform_indices = @transform_2, window_bounds = array<i64: 1, 128>}, {transform_indices = @transform_3, window_bounds = array<i64: 5000, 64>}]} {
    %get3A = arith.constant 0 : index
    %get3A_0 = arith.constant 0 : index
    %get3A_1 = vector.load %arg1[%get3A, %get3A_0] : memref<5000x16xf32, #tpu.memory_space<vmem>>, vector<5000x16xf32>
    %get3A_2 = arith.constant 0 : index
    %get3A_3 = arith.constant 0 : index
    %get3A_4 = vector.load %arg2[%get3A_2, %get3A_3] : memref<16x128xf32, #tpu.memory_space<vmem>>, vector<16x128xf32>
    %dot_general3A = arith.constant dense<0.000000e+00> : vector<5000x128xf32>
    %dot_general3A_5 = tpu.matmul %get3A_1, %get3A_4, %dot_general3A {dimension_numbers = #tpu.dot_dimension_numbers<[1], [0], [0], [1], [0, 0, 1, 1], [], []>, transpose_lhs_hint = false} : vector<5000x16xf32>, vector<16x128xf32>, vector<5000x128xf32> -> vector<5000x128xf32>
    %get3A_6 = arith.constant 0 : index
    %get3A_7 = arith.constant 0 : index
    %get3A_8 = vector.load %arg3[%get3A_6, %get3A_7] : memref<1x128xf32, #tpu.memory_space<vmem>>, vector<1x128xf32>
    %add3A = vector.broadcast %get3A_8 : vector<1x128xf32> to vector<5000x128xf32>
    %add3A_9 = arith.addf %dot_general3A_5, %add3A : vector<5000x128xf32>
    %bitcast_convert_type3A = tpu.bitcast %add3A_9 : vector<5000x128xf32> -> vector<5000x128xi32>
    %add3A_10 = arith.constant 32768 : i32
    %add3A_11 = vector.broadcast %add3A_10 : i32 to vector<5000x128xi32>
    %add3A_12 = arith.addi %bitcast_convert_type3A, %add3A_11 : vector<5000x128xi32>
    %slice3A = vector.extract_strided_slice %add3A_12 {offsets = [0, 0], sizes = [5000, 64], strides = [1, 1]} : vector<5000x128xi32> to vector<5000x64xi32>
    %shift_right_logical3A = arith.constant 16 : i32
    %shift_right_logical3A_13 = vector.broadcast %shift_right_logical3A : i32 to vector<5000x64xi32>
    %shift_right_logical3A_14 = arith.shrui %slice3A, %shift_right_logical3A_13 : vector<5000x64xi32>
    %slice3A_15 = vector.extract_strided_slice %add3A_12 {offsets = [0, 64], sizes = [5000, 64], strides = [1, 1]} : vector<5000x128xi32> to vector<5000x64xi32>
    %and3A = arith.constant -65536 : i32
    %and3A_16 = vector.broadcast %and3A : i32 to vector<5000x64xi32>
    %and3A_17 = arith.andi %slice3A_15, %and3A_16 : vector<5000x64xi32>
    %or3A = arith.ori %shift_right_logical3A_14, %and3A_17 : vector<5000x64xi32>
    %swap3A = arith.constant 0 : index
    %swap3A_18 = arith.constant 0 : index
    %swap3A_19 = vector.load %arg4[%swap3A, %swap3A_18] : memref<5000x64xi32, #tpu.memory_space<vmem>>, vector<5000x64xi32>
    tpu.vector_store %arg4[%swap3A, %swap3A_18], %or3A {strides = array<i32>} : memref<5000x64xi32, #tpu.memory_space<vmem>>, vector<5000x64xi32>,
    return
  }
  func.func @transform_0(%arg0: i32) -> (i32, i32) {
    %c0_i32 = arith.constant 0 : i32
    %c0_i32_0 = arith.constant 0 : i32
    return %arg0, %c0_i32 : i32, i32
  }
  func.func @transform_1(%arg0: i32) -> (i32, i32) {
    %c0_i32 = arith.constant 0 : i32
    %c0_i32_0 = arith.constant 0 : i32
    %c0_i32_1 = arith.constant 0 : i32
    return %c0_i32, %c0_i32_0 : i32, i32
  }
  func.func @transform_2(%arg0: i32) -> (i32, i32) {
    %c0_i32 = arith.constant 0 : i32
    %c0_i32_0 = arith.constant 0 : i32
    %c0_i32_1 = arith.constant 0 : i32
    return %c0_i32, %c0_i32_0 : i32, i32
  }
  func.func @transform_3(%arg0: i32) -> (i32, i32) {
    %c0_i32 = arith.constant 0 : i32
    %c0_i32_0 = arith.constant 0 : i32
    return %arg0, %c0_i32 : i32, i32
  }
}

module attributes {stable_mosaic.version = 14 : i64} {
  func.func @_linear_body(%arg0: i32, %arg1: memref<5000x128xf32, #tpu.memory_space<vmem>>, %arg2: memref<128x128xf32, #tpu.memory_space<vmem>>, %arg3: memref<1x128xf32, #tpu.memory_space<vmem>>, %arg4: memref<5000x128xf32, #tpu.memory_space<vmem>>) attributes {dimension_semantics = [#tpu.dimension_semantics<arbitrary>], iteration_bounds = array<i64: 8>, scalar_prefetch = 0 : i64, scratch_operands = 0 : i64, tpu.core_type = #tpu.core_type<tc>, window_params = [{transform_indices = @transform_0, window_bounds = array<i64: 5000, 128>}, {pipeline_mode = #tpu.pipeline_mode<synchronous>, transform_indices = @transform_1, window_bounds = array<i64: 128, 128>}, {pipeline_mode = #tpu.pipeline_mode<synchronous>, transform_indices = @transform_2, window_bounds = array<i64: 1, 128>}, {transform_indices = @transform_3, window_bounds = array<i64: 5000, 128>}]} {
    %get3A = arith.constant 0 : index
    %get3A_0 = arith.constant 0 : index
    %get3A_1 = vector.load %arg1[%get3A, %get3A_0] : memref<5000x128xf32, #tpu.memory_space<vmem>>, vector<5000x128xf32>
    %get3A_2 = arith.constant 0 : index
    %get3A_3 = arith.constant 0 : index
    %get3A_4 = vector.load %arg2[%get3A_2, %get3A_3] : memref<128x128xf32, #tpu.memory_space<vmem>>, vector<128x128xf32>
    %dot_general3A = arith.constant dense<0.000000e+00> : vector<5000x128xf32>
    %dot_general3A_5 = tpu.matmul %get3A_1, %get3A_4, %dot_general3A {dimension_numbers = #tpu.dot_dimension_numbers<[1], [0], [0], [1], [0, 0, 1, 1], [], []>, transpose_lhs_hint = false} : vector<5000x128xf32>, vector<128x128xf32>, vector<5000x128xf32> -> vector<5000x128xf32>
    %get3A_6 = arith.constant 0 : index
    %get3A_7 = arith.constant 0 : index
    %get3A_8 = vector.load %arg3[%get3A_6, %get3A_7] : memref<1x128xf32, #tpu.memory_space<vmem>>, vector<1x128xf32>
    %add3A = vector.broadcast %get3A_8 : vector<1x128xf32> to vector<5000x128xf32>
    %add3A_9 = arith.addf %dot_general3A_5, %add3A : vector<5000x128xf32>
    %max3A = arith.constant 0.000000e+00 : f32
    %max3A_10 = vector.broadcast %max3A : f32 to vector<5000x128xf32>
    %max3A_11 = arith.maximumf %add3A_9, %max3A_10 : vector<5000x128xf32>
    %swap3A = arith.constant 0 : index
    %swap3A_12 = arith.constant 0 : index
    %swap3A_13 = vector.load %arg4[%swap3A, %swap3A_12] : memref<5000x128xf32, #tpu.memory_space<vmem>>, vector<5000x128xf32>
    tpu.vector_store %arg4[%swap3A, %swap3A_12], %max3A_11 {strides = array<i32>} : memref<5000x128xf32, #tpu.memory_space<vmem>>, vector<5000x128xf32>,
    return
  }
  func.func @transform_0(%arg0: i32) -> (i32, i32) {
    %c0_i32 = arith.constant 0 : i32
    %c0_i32_0 = arith.constant 0 : i32
    return %arg0, %c0_i32 : i32, i32
  }
  func.func @transform_1(%arg0: i32) -> (i32, i32) {
    %c0_i32 = arith.constant 0 : i32
    %c0_i32_0 = arith.constant 0 : i32
    %c0_i32_1 = arith.constant 0 : i32
    return %c0_i32, %c0_i32_0 : i32, i32
  }
  func.func @transform_2(%arg0: i32) -> (i32, i32) {
    %c0_i32 = arith.constant 0 : i32
    %c0_i32_0 = arith.constant 0 : i32
    %c0_i32_1 = arith.constant 0 : i32
    return %c0_i32, %c0_i32_0 : i32, i32
  }
  func.func @transform_3(%arg0: i32) -> (i32, i32) {
    %c0_i32 = arith.constant 0 : i32
    %c0_i32_0 = arith.constant 0 : i32
    return %arg0, %c0_i32 : i32, i32
  }
}

module attributes {stable_mosaic.version = 14 : i64} {
  func.func @_linear_body(%arg0: i32, %arg1: memref<5000x128xf32, #tpu.memory_space<vmem>>, %arg2: memref<128x128xf32, #tpu.memory_space<vmem>>, %arg3: memref<1x128xf32, #tpu.memory_space<vmem>>, %arg4: memref<5000x128xf32, #tpu.memory_space<vmem>>) attributes {dimension_semantics = [#tpu.dimension_semantics<arbitrary>], iteration_bounds = array<i64: 8>, scalar_prefetch = 0 : i64, scratch_operands = 0 : i64, tpu.core_type = #tpu.core_type<tc>, window_params = [{transform_indices = @transform_0, window_bounds = array<i64: 5000, 128>}, {pipeline_mode = #tpu.pipeline_mode<synchronous>, transform_indices = @transform_1, window_bounds = array<i64: 128, 128>}, {pipeline_mode = #tpu.pipeline_mode<synchronous>, transform_indices = @transform_2, window_bounds = array<i64: 1, 128>}, {transform_indices = @transform_3, window_bounds = array<i64: 5000, 128>}]} {
    %get3A = arith.constant 0 : index
    %get3A_0 = arith.constant 0 : index
    %get3A_1 = vector.load %arg1[%get3A, %get3A_0] : memref<5000x128xf32, #tpu.memory_space<vmem>>, vector<5000x128xf32>
    %get3A_2 = arith.constant 0 : index
    %get3A_3 = arith.constant 0 : index
    %get3A_4 = vector.load %arg2[%get3A_2, %get3A_3] : memref<128x128xf32, #tpu.memory_space<vmem>>, vector<128x128xf32>
    %dot_general3A = arith.constant dense<0.000000e+00> : vector<5000x128xf32>
    %dot_general3A_5 = tpu.matmul %get3A_1, %get3A_4, %dot_general3A {dimension_numbers = #tpu.dot_dimension_numbers<[1], [0], [0], [1], [0, 0, 1, 1], [], []>, transpose_lhs_hint = false} : vector<5000x128xf32>, vector<128x128xf32>, vector<5000x128xf32> -> vector<5000x128xf32>
    %get3A_6 = arith.constant 0 : index
    %get3A_7 = arith.constant 0 : index
    %get3A_8 = vector.load %arg3[%get3A_6, %get3A_7] : memref<1x128xf32, #tpu.memory_space<vmem>>, vector<1x128xf32>
    %add3A = vector.broadcast %get3A_8 : vector<1x128xf32> to vector<5000x128xf32>
    %add3A_9 = arith.addf %dot_general3A_5, %add3A : vector<5000x128xf32>
    %swap3A = arith.constant 0 : index
    %swap3A_10 = arith.constant 0 : index
    %swap3A_11 = vector.load %arg4[%swap3A, %swap3A_10] : memref<5000x128xf32, #tpu.memory_space<vmem>>, vector<5000x128xf32>
    tpu.vector_store %arg4[%swap3A, %swap3A_10], %add3A_9 {strides = array<i32>} : memref<5000x128xf32, #tpu.memory_space<vmem>>, vector<5000x128xf32>,
    return
  }
  func.func @transform_0(%arg0: i32) -> (i32, i32) {
    %c0_i32 = arith.constant 0 : i32
    %c0_i32_0 = arith.constant 0 : i32
    return %arg0, %c0_i32 : i32, i32
  }
  func.func @transform_1(%arg0: i32) -> (i32, i32) {
    %c0_i32 = arith.constant 0 : i32
    %c0_i32_0 = arith.constant 0 : i32
    %c0_i32_1 = arith.constant 0 : i32
    return %c0_i32, %c0_i32_0 : i32, i32
  }
  func.func @transform_2(%arg0: i32) -> (i32, i32) {
    %c0_i32 = arith.constant 0 : i32
    %c0_i32_0 = arith.constant 0 : i32
    %c0_i32_1 = arith.constant 0 : i32
    return %c0_i32, %c0_i32_0 : i32, i32
  }
  func.func @transform_3(%arg0: i32) -> (i32, i32) {
    %c0_i32 = arith.constant 0 : i32
    %c0_i32_0 = arith.constant 0 : i32
    return %arg0, %c0_i32 : i32, i32
  }
}

</mosaic_0001>

<sc_bundles>
// kernel: kernel.6.cloned.1.call-start
scs
__scs_entry_jumppad:
0x0: {  	(pc) =	sbr.rel $0x88, $3  }
0x1: {  	(tag) =	ssettag $0x0;
	lr =	simm.s32 $0x1  }
0x2: {  	[smem:$0x3F98] =	sst lr;
	_ =	strace $0xD0000000  }
0x3: {  	_ = 	snop  }
0x4: {  	_ = 	snop  }
0x5: {  	_ = 	snop  }
0x6: {  	_ = 	snop  }
0x7: {  	_ = 	snop  }
__scs_overlays_trampoline_lowered:
0x8: {  	[smem:$0x3FA7] =	sst s0  }
0x9: {  	[smem:$0x3FA8] =	sst s1  }
0xa: {  	[smem:$0x3FA9] =	sst s2  }
0xb: {  	[smem:$0x3FAA] =	sst s3  }
0xc: {  	[smem:$0x3FAB] =	sst s4  }
0xd: {  	[smem:$0x3FAC] =	sst s5  }
0xe: {  	[smem:$0x3FAD] =	sst s6  }
0xf: {  	[smem:$0x3FAE] =	sst s7  }
0x10: {  	[smem:$0x3FAF] =	sst s8  }
0x11: {  	[smem:$0x3FB0] =	sst s9;
	s0 =	simm.s32 @!p0 $0x0  }
0x12: {  	s1 =	sld [smem:$0x3F96];
	s0 =	simm.s32 @p0 $0x1  }
0x13: {  	[smem:$0x3FB1] =	sst s0;
	s0 =	simm.s32 @!p1 $0x0  }
0x14: {  	s2 =	sld [smem:$0x3F95];
	s0 =	simm.s32 @p1 $0x1  }
0x15: {  	[smem:$0x3FB2] =	sst s0;
	s0 =	simm.s32 @!p2 $0x0  }
0x16: {  	s3 =	sld [smem:$0x3FDB];
	s0 =	simm.s32 @p2 $0x1  }
0x17: {  	s4 =	simm.s32 $0x1BF5;
	[smem:$0x3FB4] =	sst s0  }
0x18: {  	s0 =	sld [smem:$0x3F97];
	_ =	swait.ge [sflag:s4], $0x0  }
0x19: {  	s7 =	sld [smem:$0x3F98]  }
0x1a: {  	s8 =	sadd.s32 $0xFFFFE003, lr  }
0x1b: {  	s9 =	sadd.s32 $0xFFFFFEF7, lr;
	s5 =	simm.s32 $0xFFFFFFFF;
	p2 =	slt.u32 s8, $0xFFFFF086  }
0x1c: {  	p1 =	slt.u32 s9, $0xF7A;
	s5 =	simm.s32 @!p2 $0x0  }
0x1d: {  	s5 =	simm.s32 @p1 $0x1;
	p0 =	seq.s32 s7, s2  }
0x1e: {  	s7 =	smul.u32 @!p0 $0xF7A, s2;
	p2 =	seq.s32 @!p0 s5, $0x0  }
0x1f: {  	s9 =	smul.u32 $0xF7A, s1;
	s8 =	simm.s32 @!p0 $0x1BF5;
	p2 =	por !p2, p0  }
0x20: {  	[sflag:s8] =	ssyncset.s32 @!p0 $0xFFFFF086;
	s6 =	sadd.s32 @!p0 s3, s7;
	s7 =	simm.s32 @!p0 $0x108  }
0x21: {  	s3 =	sadd.s32 s3, s9;
	s6 =	sadd.s32 @!p0 $0x88, s6;
	s7 =	simm.s32 @p2 $0x1082  }
0x22: {  	[simem:s7], [sflag:s8] =	dma.local @!p0 [hbm:s6], $0xF7A  }
0x23: {  	s9 =	sor.u32 $0xD0000000, s2;
	s6 =	simm.s32 $0x108;
	_ =	swait.ge @!p0 [sflag:s8], $0x0  }
0x24: {  	s3 =	sadd.s32 $0x88, s3;
	s6 =	simm.s32 @!p1 $0x1082;
	[sflag:s4] =	ssyncset.s32 $0xFFFFF086  }
0x25: {  	[simem:s6], [sflag:s4] =	dma.local [hbm:s3], $0xF7A  }
0x26: {  	[smem:$0x3F98] =	sst s1;
	(tag) =	ssettag s2;
	_ =	strace s9  }
0x27: {  	s1 =	sld [smem:$0x3FA8]  }
0x28: {  	s2 =	sld [smem:$0x3FA9]  }
0x29: {  	s4 =	sld [smem:$0x3FAB]  }
0x2a: {  	p0 =	seq.s32 s5, $0x0;
	s5 =	sld [smem:$0x3FAC]  }
0x2b: {  	s6 =	sld [smem:$0x3FAD]  }
0x2c: {  	s7 =	sld [smem:$0x3FAE]  }
0x2d: {  	s3 =	simm.s32 $0x108;
	s8 =	sld [smem:$0x3FAF]  }
0x2e: {  	s3 =	simm.s32 @!p0 $0x1082;
	s9 =	sld [smem:$0x3FB0]  }
0x2f: {  	lr =	sadd.s32 s0, s3;
	s0 =	sld [smem:$0x3FA7]  }
0x30: {  	s3 =	sld [smem:$0x3FAA]  }
0x31: {  	[smem:$0x3FB3] =	sst s10  }
0x32: {  	s10 =	sld [smem:$0x3FB1];
	_ =	sdelay $0x3  }
0x33: {  	p0 =	seq.s32 s10, $0x1;
	s10 =	sld [smem:$0x3FB3];
	_ =	sdelay $0x3  }
0x34: {  	[smem:$0x3FB3] =	sst s10  }
0x35: {  	s10 =	sld [smem:$0x3FB2];
	_ =	sdelay $0x3  }
0x36: {  	p1 =	seq.s32 s10, $0x1;
	s10 =	sld [smem:$0x3FB3];
	_ =	sdelay $0x3  }
0x37: {  	[smem:$0x3FB3] =	sst s10  }
0x38: {  	s10 =	sld [smem:$0x3FB4]  }
0x39: {  	_ = 	snop;
	(pc) =	sbr.ind lr, $3  }
0x3a: {  	_ = 	snop  }
0x3b: {  	_ = 	snop  }
0x3c: {  	p2 =	seq.s32 s10, $0x1;
	s10 =	sld [smem:$0x3FB3]  }
0x3d: {  	_ =	shalt  }
0x3e: {  	_ =	shalt  }
0x3f: {  	_ =	shalt  }
0x40: {  	_ =	shalt  }
0x41: {  	_ =	shalt  }
0x42: {  	_ =	shalt  }
0x43: {  	_ =	shalt  }
0x44: {  	_ =	shalt  }
0x45: {  	_ =	shalt  }
0x46: {  	_ =	shalt  }
0x47: {  	_ =	shalt  }
0x48: {  	_ =	shalt  }
0x49: {  	_ =	shalt  }
0x4a: {  	_ =	shalt  }
0x4b: {  	_ =	shalt  }
0x4c: {  	_ =	shalt  }
0x4d: {  	_ =	shalt  }
0x4e: {  	_ =	shalt  }
0x4f: {  	_ =	shalt  }
0x50: {  	_ =	shalt  }
0x51: {  	_ =	shalt  }
0x52: {  	_ =	shalt  }
0x53: {  	_ =	shalt  }
0x54: {  	_ =	shalt  }
0x55: {  	_ =	shalt  }
0x56: {  	_ =	shalt  }
0x57: {  	_ =	shalt  }
0x58: {  	_ =	shalt  }
0x59: {  	_ =	shalt  }
0x5a: {  	_ =	shalt  }
0x5b: {  	_ =	shalt  }
0x5c: {  	_ =	shalt  }
0x5d: {  	_ =	shalt  }
0x5e: {  	_ =	shalt  }
0x5f: {  	_ =	shalt  }
0x60: {  	_ =	shalt  }
0x61: {  	_ =	shalt  }
0x62: {  	_ =	shalt  }
0x63: {  	_ =	shalt  }
0x64: {  	_ =	shalt  }
0x65: {  	_ =	shalt  }
0x66: {  	_ =	shalt  }
0x67: {  	_ =	shalt  }
0x68: {  	_ =	shalt  }
0x69: {  	_ =	shalt  }
0x6a: {  	_ =	shalt  }
0x6b: {  	_ =	shalt  }
0x6c: {  	_ =	shalt  }
0x6d: {  	_ =	shalt  }
0x6e: {  	_ =	shalt  }
0x6f: {  	_ =	shalt  }
0x70: {  	_ =	shalt  }
0x71: {  	_ =	shalt  }
0x72: {  	_ =	shalt  }
0x73: {  	_ =	shalt  }
0x74: {  	_ =	shalt  }
0x75: {  	_ =	shalt  }
0x76: {  	_ =	shalt  }
0x77: {  	_ =	shalt  }
0x78: {  	_ =	shalt  }
0x79: {  	_ =	shalt  }
0x7a: {  	_ =	shalt  }
0x7b: {  	_ =	shalt  }
0x7c: {  	_ =	shalt  }
0x7d: {  	_ =	shalt  }
0x7e: {  	_ =	shalt  }
0x7f: {  	_ =	shalt  }
0x80: {  	_ =	shalt  }
0x81: {  	_ =	shalt  }
0x82: {  	_ =	shalt  }
0x83: {  	_ =	shalt  }
0x84: {  	_ =	shalt  }
0x85: {  	_ =	shalt  }
0x86: {  	_ =	shalt  }
0x87: {  	_ =	shalt  }
.Lfunc_end0:
.L_simem_size_0:
called_computation_lowered:
.L_overlay_start_0:
0x88: {  	s2 =	sld [smem:$0x3FD9]  }
0x89: {  	s3 =	sld [smem:$0x3FFE];
	_ =	sdelay $0x1  }
0x8a: {  	s1 =	srdreg.scid  }
0x8b: {  	s0 =	sand.u32 $0x1, s1  }
0x8c: {  	s17 =	sshll.u32 s0, $0xA;
	s2 =	sadd.s32 s3, s2  }
0x8d: {  	s2 =	sadd.s32 s2, s17  }
0x8e: {  	[smem:$0x3FBF] =	sst s2  }
0x8f: {  	_ = 	snop  }
0x90: {  	s2 =	sld [smem:$0x3FD0];
	(tm) =	ssettm $0x1  }
0x91: {  	s18 =	sld [smem:$0x3FFB];
	_ =	sdelay $0x3  }
0x92: {  	_ =	strace s18  }
0x93: {  	s3 =	sld [smem:$0x3FFC];
	_ =	sdelay $0x3  }
0x94: {  	_ =	strace s3  }
0x95: {  	s3 =	sld [smem:$0x3FFD];
	_ =	sdelay $0x3  }
0x96: {  	_ =	strace s3  }
0x97: {  	_ =	strace $0x8FFFFFFF  }
0x98: {  	s19 =	sld [smem:$0x3FDB];
	_ =	sdelay $0x1  }
0x99: {  	s4 =	simm.s32 $_scs_section_size  }
0x9a: {  	s5 =	simm.s32 $_size__tile_overlayer_lowered;
	s6 =	simm.s32 $_tile_overlayer_lowered  }
0x9b: {  	s22 =	simm.s32 $0x1BFF;
	s21 =	sshll.u32 s6, $0x1;
	s3 =	sadd.s32 s4, s19  }
0x9c: {  	s7 =	simm.s32 $0x0;
	s20 =	sshll.u32 s5, $0x1;
	s5 =	sadd.s32 s21, s3  }
0x9d: {  	[timem:s7], [sflag:s22] =	dma.local [hbm:s5], s20  }
0x9e: {  	_ =	swait.ge [sflag:s22], s20  }
0x9f: {  	s4 =	ssub.s32 $0x0, s20;
	[sflag:s22] =	ssyncset.done $0x0  }
0xa0: {  	[sflag:s22] =	ssyncadd.s32 s4;
	_ =	sdelay $0x1  }
0xa1: {  	s23 =	simm.s32 $0x1B8B  }
0xa2: {  	_ =	swait.ge [sflag:s23], $0x1  }
0xa3: {  	[sflag:s23] =	ssyncset.done $0x0  }
0xa4: {  	s25 =	simm.s32 $0x1B8E;
	s24 =	sld [smem:$0x3FFE];
	[sflag:s23] =	ssyncadd.s32 $0xFFFFFFFF  }
0xa5: {  	s26 =	simm.s32 $execute0_lowered;
	[smem:$0x3FD2] =	sst s25  }
0xa6: {  	s5 =	sshll.u32 s26, $0x1;
	_ =	strace $0x80000046;
	[dreg:$0x1] =	wrdreg $0xFFFFFFFF  }
0xa7: {  	s28 =	simm.s32 $_size_execute0_lowered;
	s3 =	sadd.s32 s3, s5;
	[dreg:$0x0] =	wrdreg $0x0  }
0xa8: {  	s5 =	sshll.u32 s28, $0x1;
	[dreg:$0x2] =	wrdreg s3  }
0xa9: {  	[dreg:$0x3] =	wrdreg s5  }
0xaa: {  	[dreg:$0x4] =	wrdreg $0xC0  }
0xab: {  	_ =	task [dreg:s7], $0x5FFFF  }
0xac: {  	[dreg:$0x1] =	wrdreg $0xFFFFFFFF  }
0xad: {  	[dreg:$0x0] =	wrdreg $0x60  }
0xae: {  	[dreg:$0x2] =	wrdreg s2  }
0xaf: {  	[dreg:$0x3] =	wrdreg s24  }
0xb0: {  	[dreg:$0x4] =	wrdreg $0xAA000  }
0xb1: {  	[dreg:$0x5] =	wrdreg $0x9  }
0xb2: {  	_ =	task.clear_ibuf [dreg:s7], $0x6FFFF;
	_ =	strace $0x90000046  }
0xb3: {  	s29 =	simm.s32 $0x9;
	_ =	strace $0x80000048  }
0xb4: {  	_ =	swait.ge [sflag:s29], $0x1  }
0xb5: {  	[sflag:s29] =	ssyncadd.s32 $0xFFFFFFFF  }
0xb6: {  	_ =	strace $0x90000048  }
0xb7: {  	_ =	sfence  }
0xb8: {  	s30 =	sld [smem:$0x0];
	_ =	sdelay $0x2  }
0xb9: {  	s31 =	sshll.u32 s1, $0xD;
	s1 =	sshrl.u32 s1, $0x2  }
0xba: {  	s3 =	sand.u32 $0x4000, s31;
	s1 =	sadd.s32 s1, s30  }
0xbb: {  	s0 =	sor.u32 s3, s0;
	s1 =	sshll.u32 s1, $0x11  }
0xbc: {  	s0 =	sor.u32 s1, s0  }
0xbd: {  	s0 =	sadd.s32 $0x8F2B, s0  }
0xbe: {  	[sflag:s0] =	ssyncadd.remote.s32 $0x1  }
0xbf: {  	_ =	sfence.sel $0xFFFF  }
0xc0: {  	[dreg:$0x0] =	wrdreg $0xFFFFFFFF;
	(pc) =	sbr.abs _section_cstart, $3  }
0xc1: {  	[dreg:$0x1] =	wrdreg $0xFFFFFFFF  }
0xc2: {  	_ =	task.clear_ibuf [dreg:s7], $0x2FFFF;
	_ =	strace $0x9FFFFFFF  }
0xc3: {  	(tm) =	ssettm $0x7FFFFFFF  }
tec
execute0_lowered:
.L_overlay_start_1:
0x0: {  	(tag) =	ssettag $0x1  }
0x1: {  	s1 =	rddreg [dreg:$0x0]  }
0x2: {  	s0 =	rddreg [dreg:$0x1]  }
0x3: {  	s3 =	rddreg [dreg:$0x2];
	s19 =	stileid.u32  }
0x4: {  	s4 =	simm.s32 $0x0;
	s2 =	srdreg.scid;
	s7 =	smul.u32 $0x4E000, s19  }
0x5: {  	[smem:$0x7FF] =	sst s4;
	s11 =	smul.u32 $0x2710, s19;
	s5 =	sadd.s32 $0x9C5600, s0  }
0x6: {  	s2 =	sand.u32 $0x1, s2;
	s6 =	sadd.s32 $0x9EC800, s0;
	s13 =	smul.u32 $0x270, s19  }
0x7: {  	p0 =	sne.s32 s19, $0xF;
	s8 =	ssub.s32 $0x2, s2;
	s10 =	smul.u32 $0x9C400, s2  }
0x8: {  	s26 =	smul.u32 $0x4E200, s2;
	s9 =	sshrl.u32 s8, $0x1;
	s25 =	sshrl.u32 s7, $0x2  }
0x9: {  	_ =	strace $0x80000047;
	s12 =	ssub.s32 s8, s9;
	s20 =	sadd.s32 s25, s3  }
0xa: {  	s7 =	sadd.s32 s11, s10;
	s21 =	sadd.s32 s11, s26;
	[dreg:$0x4] =	wrdreg s20  }
0xb: {  	s16 =	sshll.u32 s21, $0x4;
	s19 =	sadd.s32 $0x3000, s20;
	[dreg:$0x5] =	wrdreg s21  }
0xc: {  	s28 =	sshrl.u32 s7, $0x3;
	s10 =	sadd.s32 s6, s16;
	[dreg:$0x16] =	wrdreg s19  }
0xd: {  	s22 =	sadd.s32 s5, s28;
	s28 =	smax.u32 s12, $0x1;
	[dreg:$0x8] =	wrdreg s10  }
0xe: {  	s12 =	sadd.s32 $0x1000, s20;
	[dreg:$0x10] =	wrdreg s28  }
0xf: {  	s9 =	sadd.s32 $0x27100, s7;
	s19 =	sadd.s32 $0x8800, s20;
	[dreg:$0x12] =	wrdreg s12  }
0x10: {  	s14 =	sshrl.u32 s9, $0x3;
	[smem:$0x7E1] =	sst s19  }
0x11: {  	s8 =	smul.u32 $0x4E20, s2;
	s15 =	sadd.s32 s5, s14;
	[dreg:$0x6] =	wrdreg s22  }
0x12: {  	s0 =	sadd.s32 $0x1600, s0;
	s28 =	sadd.s32 $0x5800, s20;
	[dreg:$0x7] =	wrdreg s15  }
0x13: {  	s18 =	sadd.s32 s13, s8;
	s12 =	sadd.s32 $0x6800, s20;
	[dreg:$0x1b] =	wrdreg s28  }
0x14: {  	s10 =	sshll.u32 s18, $0x4;
	s19 =	sadd.s32 $0xE000, s20;
	[dreg:$0x1d] =	wrdreg s12  }
0x15: {  	s17 =	smul.u32 $0x271000, s2;
	s10 =	sadd.s32 s0, s10;
	[smem:$0x7EC] =	sst s19  }
0x16: {  	s2 =	sshllo.u32 s2, $0x1;
	s28 =	sadd.s32 $0xB000, s20;
	[dreg:$0x9] =	wrdreg s10  }
0x17: {  	s14 =	sshrl.u32 s17, $0x3;
	s12 =	sadd.s32 $0xC000, s20;
	[smem:$0x7E6] =	sst s28  }
0x18: {  	s14 =	sadd.s32 s0, s14;
	s19 =	sadd.s32 $0x138000, s3;
	[smem:$0x7E8] =	sst s12  }
0x19: {  	s18 =	smul.u32 $0x27100, s2;
	s14 =	sadd.s32 $0x27000, s14;
	[smem:$0x7F7] =	sst s19  }
0x1a: {  	s15 =	smul.u32 $0x4E200, s2;
	s28 =	sadd.s32 $0x10800, s20;
	[dreg:$0xa] =	wrdreg s14  }
0x1b: {  	s10 =	smul.u32 $0x2710, s2;
	s12 =	sadd.s32 $0x11800, s20;
	[smem:$0x7F1] =	sst s28  }
0x1c: {  	s16 =	sadd.s32 s11, s15;
	s15 =	sadd.s32 $0x2000, s20;
	[smem:$0x7F3] =	sst s12  }
0x1d: {  	s14 =	sadd.s32 s11, s18;
	s18 =	sadd.s32 $0x2800, s20;
	[dreg:$0x14] =	wrdreg s15  }
0x1e: {  	s23 =	sadd.s32 s13, s10;
	s13 =	sadd.s32 $0x1800, s20;
	[dreg:$0x15] =	wrdreg s18  }
0x1f: {  	s15 =	sadd.s32 $0x7800, s20;
	[dreg:$0x13] =	wrdreg s13  }
0x20: {  	s18 =	sadd.s32 $0x8000, s20;
	[dreg:$0x1f] =	wrdreg s15  }
0x21: {  	s28 =	sadd.s32 $0x50, s14;
	[smem:$0x7E0] =	sst s18  }
0x22: {  	s11 =	sshll.u32 s23, $0x4;
	s23 =	sadd.s32 $0x3800, s20;
	[smem:$0x7FD] =	sst s28  }
0x23: {  	s2 =	smul.u32 $0x138800, s2;
	s13 =	sadd.s32 $0x7000, s20;
	[dreg:$0x17] =	wrdreg s23  }
0x24: {  	s17 =	sadd.s32 $0x27100, s16;
	s15 =	sadd.s32 $0xD000, s20;
	[dreg:$0x1e] =	wrdreg s13  }
0x25: {  	s2 =	sshrl.u32 s2, $0x3;
	s18 =	sadd.s32 $0xD800, s20;
	[smem:$0x7EA] =	sst s15  }
0x26: {  	s25 =	sshrl.u32 s17, $0x3;
	s11 =	sadd.s32 s0, s11;
	[smem:$0x7EB] =	sst s18  }
0x27: {  	s0 =	sadd.s32 s0, s2;
	s2 =	sadd.s32 s5, s25;
	[dreg:$0xb] =	wrdreg s11  }
0x28: {  	s25 =	sadd.s32 $0x4800, s20;
	[dreg:$0xd] =	wrdreg s2  }
0x29: {  	s23 =	sadd.s32 $0x9000, s20;
	[dreg:$0x19] =	wrdreg s25  }
0x2a: {  	s13 =	sadd.s32 $0xC800, s20;
	[smem:$0x7E2] =	sst s23  }
0x2b: {  	s15 =	sadd.s32 $0x12800, s20;
	[smem:$0x7E9] =	sst s13  }
0x2c: {  	s26 =	sshll.u32 s14, $0x4;
	s18 =	sadd.s32 $0x13000, s20;
	[smem:$0x7F5] =	sst s15  }
0x2d: {  	s2 =	sadd.s32 s6, s26;
	[smem:$0x7F6] =	sst s18  }
0x2e: {  	s24 =	sshrl.u32 s16, $0x3;
	s0 =	sadd.s32 $0x27000, s0;
	[dreg:$0xe] =	wrdreg s2  }
0x2f: {  	s11 =	sadd.s32 s5, s24;
	s24 =	sadd.s32 $0x4000, s20;
	[dreg:$0xf] =	wrdreg s0  }
0x30: {  	s26 =	sadd.s32 $0x5000, s20;
	[dreg:$0x18] =	wrdreg s24  }
0x31: {  	s25 =	sadd.s32 $0xA000, s20;
	[dreg:$0x1a] =	wrdreg s26  }
0x32: {  	s23 =	sadd.s32 $0xE800, s20;
	[smem:$0x7E4] =	sst s25  }
0x33: {  	s13 =	sadd.s32 $0x12000, s20;
	[smem:$0x7ED] =	sst s23  }
0x34: {  	s29 =	simm.s32 $0xA200;
	[smem:$0x7F4] =	sst s13  }
0x35: {  	s30 =	simm.s32 $0x7;
	s2 =	sadd.s32 $0x800, s20;
	[dreg:$0xc] =	wrdreg s11  }
0x36: {  	s31 =	simm.s32 $0x100;
	s24 =	sadd.s32 $0x9800, s20;
	[dreg:$0x11] =	wrdreg s2  }
0x37: {  	s19 =	simm.s32 $0x2;
	s26 =	sadd.s32 $0xA800, s20;
	[smem:$0x7E3] =	sst s24  }
0x38: {  	s12 =	simm.s32 $0x200;
	s25 =	sadd.s32 $0xF800, s20;
	[smem:$0x7E5] =	sst s26  }
0x39: {  	s15 =	simm.s32 $0x180;
	s23 =	sadd.s32 $0x4E2A, s22;
	[smem:$0x7EF] =	sst s25  }
0x3a: {  	s18 =	simm.s32 $0x0;
	s2 =	sadd.s32 $0x6000, s20;
	[smem:$0x7F9] =	sst s23  }
0x3b: {  	s0 =	simm.s32 $0x1;
	s24 =	sadd.s32 $0xF000, s20;
	[dreg:$0x1c] =	wrdreg s2  }
0x3c: {  	s13 =	simm.s32 $0x5200;
	s26 =	sadd.s32 $0x10000, s20;
	[smem:$0x7EE] =	sst s24  }
0x3d: {  	s25 =	sadd.s32 $0xA, s11;
	s23 =	simm.s32 $0x3;
	[smem:$0x7F0] =	sst s26  }
0x3e: {  	s2 =	sadd.s32 $0xB800, s20;
	s24 =	sadd.s32 $0x50, s21;
	[smem:$0x7FB] =	sst s25  }
0x3f: {  	s26 =	sadd.s32 $0x4E2A, s11;
	s21 =	simm.s32 $0x2A00;
	[smem:$0x7E7] =	sst s2  }
0x40: {  	s11 =	simm.s32 $0x4;
	s2 =	sadd.s32 $0x11000, s20;
	[smem:$0x7FA] =	sst s24  }
0x41: {  	s20 =	sadd.s32 $0xA, s22;
	[smem:$0x7FC] =	sst s26;
	s22 =	smov.u32 s14  }
0x42: {  	s14 =	simm.s32 $0x80;
	s24 =	simm.s32 $0x5;
	[smem:$0x7F2] =	sst s2  }
0x43: {  	v2 =	vimm.f32 $0.0e+00;
	v0 =	vmov s8;
	v1 =	vmov s10;
	[smem:$0x7F8] =	sst s20;
	s2 =	simm.s32 $0x50;
	s20 =	simm.s32 $0x6  }
.LBB2_1:
0x44: {  	[smem:$0x7DF] =	sst s18;
	s8 =	simm.s32 $0x0;
	s10 =	simm.s32 $0x200  }
.LBB2_2:
0x45: {  	p1 =	sne.s32 s10, $0x1E00;
	[tilespmem:s8+$0xA270] =	vst v2  }
0x46: {  	[tilespmem:s8+$0xA200] =	vst v2  }
0x47: {  	[tilespmem:s8+$0xA210] =	vst v2  }
.Ltmp0:
0x48: {  	[tilespmem:s8+$0xA220] =	vst v2;
	(pc) =	sbr.rel @p1 .LBB2_2-.Ltmp0, $4  }
0x49: {  	[tilespmem:s8+$0xA230] =	vst v2  }
0x4a: {  	[tilespmem:s8+$0xA240] =	vst v2  }
0x4b: {  	[tilespmem:s8+$0xA250] =	vst v2  }
0x4c: {  	[tilespmem:s8+$0xA260] =	vst v2;
	s8 =	sshra.s32 s10, $0x2;
	s10 =	sadd.s32 $0x200, s10  }
0x4d: {  	[tilespmem:s8+$0xA270] =	vst v2  }
0x4e: {  	[tilespmem:s8+$0xA200] =	vst v2  }
0x4f: {  	[tilespmem:s8+$0xA210] =	vst v2  }
0x50: {  	[tilespmem:s8+$0xA220] =	vst v2  }
0x51: {  	[tilespmem:s8+$0xA230] =	vst v2  }
0x52: {  	[tilespmem:s8+$0xA240] =	vst v2  }
0x53: {  	[tilespmem:s8+$0xA250] =	vst v2  }
0x54: {  	[tilespmem:s8+$0xA260] =	vst v2;
	s10 =	rddreg [dreg:$0x4]  }
0x55: {  	[spmem:s10] =	stream.linear.scatter [tilespmem:s29], [sflag:$0x7], $0x800, $0x38;
	[tilespmem:$0x1E280] =	vst v63  }
0x56: {  	_ =	swait.ge [sflag:s30], $0x800  }
0x57: {  	[sflag:s30] =	ssyncset.done $0x0  }
0x58: {  	s18 =	rddreg [dreg:$0x11];
	[sflag:s30] =	ssyncadd.s32 $0xFFFFF800  }
0x59: {  	[spmem:s18] =	stream.linear.scatter [tilespmem:s29], [sflag:$0x7], $0x800, $0x38;
	[tilespmem:$0x1E280] =	vst v63  }
0x5a: {  	_ =	swait.ge [sflag:s30], $0x800  }
0x5b: {  	[sflag:s30] =	ssyncset.done $0x0  }
0x5c: {  	s25 =	rddreg [dreg:$0x12];
	[sflag:s30] =	ssyncadd.s32 $0xFFFFF800  }
0x5d: {  	[spmem:s25] =	stream.linear.scatter [tilespmem:s29], [sflag:$0x7], $0x800, $0x38;
	[tilespmem:$0x1E280] =	vst v63  }
0x5e: {  	_ =	swait.ge [sflag:s30], $0x800  }
0x5f: {  	[sflag:s30] =	ssyncset.done $0x0  }
0x60: {  	s26 =	rddreg [dreg:$0x13];
	[sflag:s30] =	ssyncadd.s32 $0xFFFFF800  }
0x61: {  	[spmem:s26] =	stream.linear.scatter [tilespmem:s29], [sflag:$0x7], $0x800, $0x38;
	[tilespmem:$0x1E280] =	vst v63  }
0x62: {  	_ =	swait.ge [sflag:s30], $0x800  }
0x63: {  	[sflag:s30] =	ssyncset.done $0x0  }
0x64: {  	s28 =	rddreg [dreg:$0x14];
	[sflag:s30] =	ssyncadd.s32 $0xFFFFF800  }
0x65: {  	[spmem:s28] =	stream.linear.scatter [tilespmem:s29], [sflag:$0x7], $0x800, $0x38;
	[tilespmem:$0x1E280] =	vst v63  }
0x66: {  	_ =	swait.ge [sflag:s30], $0x800  }
0x67: {  	[sflag:s30] =	ssyncset.done $0x0  }
0x68: {  	s10 =	rddreg [dreg:$0x15];
	[sflag:s30] =	ssyncadd.s32 $0xFFFFF800  }
0x69: {  	[spmem:s10] =	stream.linear.scatter [tilespmem:s29], [sflag:$0x7], $0x800, $0x38;
	[tilespmem:$0x1E280] =	vst v63  }
0x6a: {  	_ =	swait.ge [sflag:s30], $0x800  }
0x6b: {  	[sflag:s30] =	ssyncset.done $0x0  }
0x6c: {  	s18 =	rddreg [dreg:$0x16];
	[sflag:s30] =	ssyncadd.s32 $0xFFFFF800  }
0x6d: {  	[spmem:s18] =	stream.linear.scatter [tilespmem:s29], [sflag:$0x7], $0x800, $0x38;
	[tilespmem:$0x1E280] =	vst v63  }
0x6e: {  	_ =	swait.ge [sflag:s30], $0x800  }
0x6f: {  	[sflag:s30] =	ssyncset.done $0x0  }
0x70: {  	s25 =	rddreg [dreg:$0x17];
	[sflag:s30] =	ssyncadd.s32 $0xFFFFF800  }
0x71: {  	[spmem:s25] =	stream.linear.scatter [tilespmem:s29], [sflag:$0x7], $0x800, $0x38;
	[tilespmem:$0x1E280] =	vst v63  }
0x72: {  	_ =	swait.ge [sflag:s30], $0x800  }
0x73: {  	[sflag:s30] =	ssyncset.done $0x0  }
0x74: {  	s26 =	rddreg [dreg:$0x18];
	[sflag:s30] =	ssyncadd.s32 $0xFFFFF800  }
0x75: {  	[spmem:s26] =	stream.linear.scatter [tilespmem:s29], [sflag:$0x7], $0x800, $0x38;
	[tilespmem:$0x1E280] =	vst v63  }
0x76: {  	_ =	swait.ge [sflag:s30], $0x800  }
0x77: {  	[sflag:s30] =	ssyncset.done $0x0  }
0x78: {  	s28 =	rddreg [dreg:$0x19];
	[sflag:s30] =	ssyncadd.s32 $0xFFFFF800  }
0x79: {  	[spmem:s28] =	stream.linear.scatter [tilespmem:s29], [sflag:$0x7], $0x800, $0x38;
	[tilespmem:$0x1E280] =	vst v63  }
0x7a: {  	_ =	swait.ge [sflag:s30], $0x800  }
0x7b: {  	[sflag:s30] =	ssyncset.done $0x0  }
0x7c: {  	s10 =	rddreg [dreg:$0x1a];
	[sflag:s30] =	ssyncadd.s32 $0xFFFFF800  }
0x7d: {  	[spmem:s10] =	stream.linear.scatter [tilespmem:s29], [sflag:$0x7], $0x800, $0x38;
	[tilespmem:$0x1E280] =	vst v63  }
0x7e: {  	_ =	swait.ge [sflag:s30], $0x800  }
0x7f: {  	[sflag:s30] =	ssyncset.done $0x0  }
0x80: {  	s18 =	rddreg [dreg:$0x1b];
	[sflag:s30] =	ssyncadd.s32 $0xFFFFF800  }
0x81: {  	[spmem:s18] =	stream.linear.scatter [tilespmem:s29], [sflag:$0x7], $0x800, $0x38;
	[tilespmem:$0x1E280] =	vst v63  }
0x82: {  	_ =	swait.ge [sflag:s30], $0x800  }
0x83: {  	[sflag:s30] =	ssyncset.done $0x0  }
0x84: {  	s25 =	rddreg [dreg:$0x1c];
	[sflag:s30] =	ssyncadd.s32 $0xFFFFF800  }
0x85: {  	[spmem:s25] =	stream.linear.scatter [tilespmem:s29], [sflag:$0x7], $0x800, $0x38;
	[tilespmem:$0x1E280] =	vst v63  }
0x86: {  	_ =	swait.ge [sflag:s30], $0x800  }
0x87: {  	[sflag:s30] =	ssyncset.done $0x0  }
0x88: {  	s26 =	rddreg [dreg:$0x1d];
	[sflag:s30] =	ssyncadd.s32 $0xFFFFF800  }
0x89: {  	[spmem:s26] =	stream.linear.scatter [tilespmem:s29], [sflag:$0x7], $0x800, $0x38;
	[tilespmem:$0x1E280] =	vst v63  }
0x8a: {  	_ =	swait.ge [sflag:s30], $0x800  }
0x8b: {  	[sflag:s30] =	ssyncset.done $0x0  }
0x8c: {  	s28 =	rddreg [dreg:$0x1e];
	[sflag:s30] =	ssyncadd.s32 $0xFFFFF800  }
0x8d: {  	[spmem:s28] =	stream.linear.scatter [tilespmem:s29], [sflag:$0x7], $0x800, $0x38;
	[tilespmem:$0x1E280] =	vst v63  }
0x8e: {  	_ =	swait.ge [sflag:s30], $0x800  }
0x8f: {  	[sflag:s30] =	ssyncset.done $0x0  }
0x90: {  	s10 =	rddreg [dreg:$0x1f];
	[sflag:s30] =	ssyncadd.s32 $0xFFFFF800  }
0x91: {  	[spmem:s10] =	stream.linear.scatter [tilespmem:s29], [sflag:$0x7], $0x800, $0x38;
	[tilespmem:$0x1E280] =	vst v63  }
0x92: {  	_ =	swait.ge [sflag:s30], $0x800  }
0x93: {  	s18 =	sld [smem:$0x7E0]  }
0x94: {  	[sflag:s30] =	ssyncset.done $0x0  }
0x95: {  	[sflag:s30] =	ssyncadd.s32 $0xFFFFF800  }
0x96: {  	[spmem:s18] =	stream.linear.scatter [tilespmem:s29], [sflag:$0x7], $0x800, $0x38;
	[tilespmem:$0x1E280] =	vst v63  }
0x97: {  	_ =	swait.ge [sflag:s30], $0x800  }
0x98: {  	s25 =	sld [smem:$0x7E1]  }
0x99: {  	[sflag:s30] =	ssyncset.done $0x0  }
0x9a: {  	[sflag:s30] =	ssyncadd.s32 $0xFFFFF800  }
0x9b: {  	[spmem:s25] =	stream.linear.scatter [tilespmem:s29], [sflag:$0x7], $0x800, $0x38;
	[tilespmem:$0x1E280] =	vst v63  }
0x9c: {  	_ =	swait.ge [sflag:s30], $0x800  }
0x9d: {  	s26 =	sld [smem:$0x7E2]  }
0x9e: {  	[sflag:s30] =	ssyncset.done $0x0  }
0x9f: {  	[sflag:s30] =	ssyncadd.s32 $0xFFFFF800  }
0xa0: {  	[spmem:s26] =	stream.linear.scatter [tilespmem:s29], [sflag:$0x7], $0x800, $0x38;
	[tilespmem:$0x1E280] =	vst v63  }
0xa1: {  	_ =	swait.ge [sflag:s30], $0x800  }
0xa2: {  	s28 =	sld [smem:$0x7E3]  }
0xa3: {  	[sflag:s30] =	ssyncset.done $0x0  }
0xa4: {  	[sflag:s30] =	ssyncadd.s32 $0xFFFFF800  }
0xa5: {  	[spmem:s28] =	stream.linear.scatter [tilespmem:s29], [sflag:$0x7], $0x800, $0x38;
	[tilespmem:$0x1E280] =	vst v63  }
0xa6: {  	_ =	swait.ge [sflag:s30], $0x800  }
0xa7: {  	s10 =	sld [smem:$0x7E4]  }
0xa8: {  	[sflag:s30] =	ssyncset.done $0x0  }
0xa9: {  	[sflag:s30] =	ssyncadd.s32 $0xFFFFF800  }
0xaa: {  	[spmem:s10] =	stream.linear.scatter [tilespmem:s29], [sflag:$0x7], $0x800, $0x38;
	[tilespmem:$0x1E280] =	vst v63  }
0xab: {  	_ =	swait.ge [sflag:s30], $0x800  }
0xac: {  	s18 =	sld [smem:$0x7E5]  }
0xad: {  	[sflag:s30] =	ssyncset.done $0x0  }
0xae: {  	[sflag:s30] =	ssyncadd.s32 $0xFFFFF800  }
0xaf: {  	[spmem:s18] =	stream.linear.scatter [tilespmem:s29], [sflag:$0x7], $0x800, $0x38;
	[tilespmem:$0x1E280] =	vst v63  }
0xb0: {  	_ =	swait.ge [sflag:s30], $0x800  }
0xb1: {  	s25 =	sld [smem:$0x7E6]  }
0xb2: {  	[sflag:s30] =	ssyncset.done $0x0  }
0xb3: {  	[sflag:s30] =	ssyncadd.s32 $0xFFFFF800  }
0xb4: {  	[spmem:s25] =	stream.linear.scatter [tilespmem:s29], [sflag:$0x7], $0x800, $0x38;
	[tilespmem:$0x1E280] =	vst v63  }
0xb5: {  	_ =	swait.ge [sflag:s30], $0x800  }
0xb6: {  	s26 =	sld [smem:$0x7E7]  }
0xb7: {  	[sflag:s30] =	ssyncset.done $0x0  }
0xb8: {  	[sflag:s30] =	ssyncadd.s32 $0xFFFFF800  }
0xb9: {  	[spmem:s26] =	stream.linear.scatter [tilespmem:s29], [sflag:$0x7], $0x800, $0x38;
	[tilespmem:$0x1E280] =	vst v63  }
0xba: {  	_ =	swait.ge [sflag:s30], $0x800  }
0xbb: {  	s28 =	sld [smem:$0x7E8]  }
0xbc: {  	[sflag:s30] =	ssyncset.done $0x0  }
0xbd: {  	[sflag:s30] =	ssyncadd.s32 $0xFFFFF800  }
0xbe: {  	[spmem:s28] =	stream.linear.scatter [tilespmem:s29], [sflag:$0x7], $0x800, $0x38;
	[tilespmem:$0x1E280] =	vst v63  }
0xbf: {  	_ =	swait.ge [sflag:s30], $0x800  }
0xc0: {  	s10 =	sld [smem:$0x7E9]  }
0xc1: {  	[sflag:s30] =	ssyncset.done $0x0  }
0xc2: {  	[sflag:s30] =	ssyncadd.s32 $0xFFFFF800  }
0xc3: {  	[spmem:s10] =	stream.linear.scatter [tilespmem:s29], [sflag:$0x7], $0x800, $0x38;
	[tilespmem:$0x1E280] =	vst v63  }
0xc4: {  	_ =	swait.ge [sflag:s30], $0x800  }
0xc5: {  	s18 =	sld [smem:$0x7EA]  }
0xc6: {  	[sflag:s30] =	ssyncset.done $0x0  }
0xc7: {  	[sflag:s30] =	ssyncadd.s32 $0xFFFFF800  }
0xc8: {  	[spmem:s18] =	stream.linear.scatter [tilespmem:s29], [sflag:$0x7], $0x800, $0x38;
	[tilespmem:$0x1E280] =	vst v63  }
0xc9: {  	_ =	swait.ge [sflag:s30], $0x800  }
0xca: {  	s25 =	sld [smem:$0x7EB]  }
0xcb: {  	[sflag:s30] =	ssyncset.done $0x0  }
0xcc: {  	[sflag:s30] =	ssyncadd.s32 $0xFFFFF800  }
0xcd: {  	[spmem:s25] =	stream.linear.scatter [tilespmem:s29], [sflag:$0x7], $0x800, $0x38;
	[tilespmem:$0x1E280] =	vst v63  }
0xce: {  	_ =	swait.ge [sflag:s30], $0x800  }
0xcf: {  	s26 =	sld [smem:$0x7EC]  }
0xd0: {  	[sflag:s30] =	ssyncset.done $0x0  }
0xd1: {  	[sflag:s30] =	ssyncadd.s32 $0xFFFFF800  }
0xd2: {  	[spmem:s26] =	stream.linear.scatter [tilespmem:s29], [sflag:$0x7], $0x800, $0x38;
	[tilespmem:$0x1E280] =	vst v63  }
0xd3: {  	_ =	swait.ge [sflag:s30], $0x800  }
0xd4: {  	s28 =	sld [smem:$0x7ED]  }
0xd5: {  	[sflag:s30] =	ssyncset.done $0x0  }
0xd6: {  	[sflag:s30] =	ssyncadd.s32 $0xFFFFF800  }
0xd7: {  	[spmem:s28] =	stream.linear.scatter [tilespmem:s29], [sflag:$0x7], $0x800, $0x38;
	[tilespmem:$0x1E280] =	vst v63  }
0xd8: {  	_ =	swait.ge [sflag:s30], $0x800  }
0xd9: {  	s10 =	sld [smem:$0x7EE]  }
0xda: {  	[sflag:s30] =	ssyncset.done $0x0  }
0xdb: {  	[sflag:s30] =	ssyncadd.s32 $0xFFFFF800  }
0xdc: {  	[spmem:s10] =	stream.linear.scatter [tilespmem:s29], [sflag:$0x7], $0x800, $0x38;
	[tilespmem:$0x1E280] =	vst v63  }
0xdd: {  	_ =	swait.ge [sflag:s30], $0x800  }
0xde: {  	s18 =	sld [smem:$0x7EF]  }
0xdf: {  	[sflag:s30] =	ssyncset.done $0x0  }
0xe0: {  	[sflag:s30] =	ssyncadd.s32 $0xFFFFF800  }
0xe1: {  	[spmem:s18] =	stream.linear.scatter [tilespmem:s29], [sflag:$0x7], $0x800, $0x38;
	[tilespmem:$0x1E280] =	vst v63  }
0xe2: {  	_ =	swait.ge [sflag:s30], $0x800  }
0xe3: {  	s25 =	sld [smem:$0x7F0]  }
0xe4: {  	[sflag:s30] =	ssyncset.done $0x0  }
0xe5: {  	[sflag:s30] =	ssyncadd.s32 $0xFFFFF800  }
0xe6: {  	[spmem:s25] =	stream.linear.scatter [tilespmem:s29], [sflag:$0x7], $0x800, $0x38;
	[tilespmem:$0x1E280] =	vst v63  }
0xe7: {  	_ =	swait.ge [sflag:s30], $0x800  }
0xe8: {  	s26 =	sld [smem:$0x7F1]  }
0xe9: {  	[sflag:s30] =	ssyncset.done $0x0  }
0xea: {  	[sflag:s30] =	ssyncadd.s32 $0xFFFFF800  }
0xeb: {  	[spmem:s26] =	stream.linear.scatter [tilespmem:s29], [sflag:$0x7], $0x800, $0x38;
	[tilespmem:$0x1E280] =	vst v63  }
0xec: {  	_ =	swait.ge [sflag:s30], $0x800  }
0xed: {  	s28 =	sld [smem:$0x7F2]  }
0xee: {  	[sflag:s30] =	ssyncset.done $0x0  }
0xef: {  	[sflag:s30] =	ssyncadd.s32 $0xFFFFF800  }
0xf0: {  	[spmem:s28] =	stream.linear.scatter [tilespmem:s29], [sflag:$0x7], $0x800, $0x38;
	[tilespmem:$0x1E280] =	vst v63  }
0xf1: {  	_ =	swait.ge [sflag:s30], $0x800  }
0xf2: {  	s10 =	sld [smem:$0x7F3]  }
0xf3: {  	[sflag:s30] =	ssyncset.done $0x0  }
0xf4: {  	[sflag:s30] =	ssyncadd.s32 $0xFFFFF800  }
0xf5: {  	[spmem:s10] =	stream.linear.scatter [tilespmem:s29], [sflag:$0x7], $0x800, $0x38;
	[tilespmem:$0x1E280] =	vst v63  }
0xf6: {  	_ =	swait.ge [sflag:s30], $0x800  }
0xf7: {  	s18 =	sld [smem:$0x7F4]  }
0xf8: {  	[sflag:s30] =	ssyncset.done $0x0  }
0xf9: {  	[sflag:s30] =	ssyncadd.s32 $0xFFFFF800  }
0xfa: {  	[spmem:s18] =	stream.linear.scatter [tilespmem:s29], [sflag:$0x7], $0x800, $0x38;
	[tilespmem:$0x1E280] =	vst v63  }
0xfb: {  	_ =	swait.ge [sflag:s30], $0x800  }
0xfc: {  	s25 =	sld [smem:$0x7F5]  }
0xfd: {  	[sflag:s30] =	ssyncset.done $0x0  }
0xfe: {  	[sflag:s30] =	ssyncadd.s32 $0xFFFFF800  }
0xff: {  	[spmem:s25] =	stream.linear.scatter [tilespmem:s29], [sflag:$0x7], $0x800, $0x38;
	[tilespmem:$0x1E280] =	vst v63  }
0x100: {  	_ =	swait.ge [sflag:s30], $0x800  }
0x101: {  	s26 =	sld [smem:$0x7F6]  }
0x102: {  	[sflag:s30] =	ssyncset.done $0x0  }
0x103: {  	[sflag:s30] =	ssyncadd.s32 $0xFFFFF800  }
0x104: {  	[spmem:s26] =	stream.linear.scatter [tilespmem:s29], [sflag:$0x7], $0x800, $0x38;
	[tilespmem:$0x1E280] =	vst v63  }
0x105: {  	_ =	swait.ge [sflag:s30], $0x800  }
0x106: {  	s10 =	sld [smem:$0x7F7]  }
0x107: {  	[sflag:s30] =	ssyncset.done $0x0  }
0x108: {  	s8 =	simm.s32 @!p0 $0xA200;
	[sflag:s30] =	ssyncadd.s32 $0xFFFFF800  }
0x109: {  	[spmem:s10] =	stream.linear.scatter @!p0 [tilespmem:s8], [sflag:$0x7], $0x800, $0x38;
	[tilespmem:$0x1E280] =	vst v63  }
0x10a: {  	s8 =	simm.s32 @!p0 $0x7  }
0x10b: {  	_ =	swait.ge @!p0 [sflag:s8], $0x800  }
0x10c: {  	[sflag:s8] =	ssyncset.done @!p0 $0x0  }
0x10d: {  	[sflag:s8] =	ssyncadd.s32 @!p0 $0xFFFFF800  }
0x10e: {  	[bflag:$0x0] =	sbarrier.arrive $0xFFFF  }
0x10f: {  	s8 =	simm.s32 $0x0;
	s28 =	rddreg [dreg:$0x6]  }
0x110: {  	[tilespmem:s8], [sflag:$0x1] =	stream.linear.gather [hbm4b:s28+s8], $0x50, $0x38;
	[tilespmem:$0x1E280] =	vst v63  }
0x111: {  	s18 =	rddreg [dreg:$0x7]  }
0x112: {  	[tilespmem:s31], [sflag:$0x1] =	stream.linear.gather [hbm4b:s18+s8], $0x50, $0x38;
	[tilespmem:$0x1E280] =	vst v63  }
0x113: {  	_ =	swait.ge [sflag:s0], $0x50  }
0x114: {  	[sflag:s0] =	ssyncset.done $0x0  }
0x115: {  	[sflag:s0] =	ssyncadd.s32 $0xFFFFFFB0  }
0x116: {  	_ =	swait.ge [sflag:s0], $0x50  }
0x117: {  	[sflag:s0] =	ssyncset.done $0x0  }
0x118: {  	[sflag:s0] =	ssyncadd.s32 $0xFFFFFFB0  }
0x119: {  	v3 =	vld [tilespmem:$0x0]  }
0x11a: {  	v4 =	vld [tilespmem:$0x10]  }
0x11b: {  	v5 =	vld [tilespmem:$0x20]  }
0x11c: {  	v6 =	vld [tilespmem:$0x30]  }
0x11d: {  	v7 =	vld [tilespmem:$0x40]  }
0x11e: {  	v3 =	vadd.s32 v0, v3  }
0x11f: {  	[tilespmem:$0x0] =	vst v3;
	v3 =	vadd.s32 v0, v4  }
0x120: {  	[tilespmem:$0x10] =	vst v3;
	v3 =	vadd.s32 v0, v5  }
0x121: {  	[tilespmem:$0x20] =	vst v3;
	v3 =	vadd.s32 v0, v6  }
0x122: {  	[tilespmem:$0x30] =	vst v3;
	v3 =	vadd.s32 v0, v7  }
0x123: {  	s25 =	rddreg [dreg:$0x8];
	[tilespmem:$0x40] =	vst v3  }
0x124: {  	[tilespmem:s12], [sflag:$0x3] =	stream.indirect.gather [hbm4b:s1+s2], $0x80, s8, s2, $0xb8;
	[tilespmem:$0x1E280] =	vst v63  }
0x125: {  	s26 =	sld [smem:$0x7F8]  }
0x126: {  	[tilespmem:s13], [sflag:$0x5] =	stream.linear.gather [hbm4b:s25+s8], $0x2800, $0x38;
	[tilespmem:$0x1E280] =	vst v63  }
0x127: {  	s28 =	sld [smem:$0x7F9]  }
0x128: {  	[tilespmem:s14], [sflag:$0x2] =	stream.linear.gather [hbm4b:s26+s8], $0x50, $0x38;
	[tilespmem:$0x1E280] =	vst v63  }
0x129: {  	s25 =	simm.s32 $0x0  }
0x12a: {  	[tilespmem:s15], [sflag:$0x2] =	stream.linear.gather [hbm4b:s28+s8], $0x50, $0x38;
	[tilespmem:$0x1E280] =	vst v63  }
.LBB2_4:
0x12b: {  	_ =	swait.ge [sflag:s19], $0x50  }
0x12c: {  	[sflag:s19] =	ssyncset.done $0x0  }
0x12d: {  	[sflag:s19] =	ssyncadd.s32 $0xFFFFFFB0  }
0x12e: {  	_ =	swait.ge [sflag:s19], $0x50  }
0x12f: {  	[sflag:s19] =	ssyncset.done $0x0  }
0x130: {  	[sflag:s19] =	ssyncadd.s32 $0xFFFFFFB0  }
0x131: {  	v3 =	vld [tilespmem:$0x80]  }
0x132: {  	v4 =	vld [tilespmem:$0x90]  }
0x133: {  	v5 =	vld [tilespmem:$0xA0]  }
0x134: {  	v6 =	vld [tilespmem:$0xB0]  }
0x135: {  	v7 =	vld [tilespmem:$0xC0]  }
0x136: {  	v3 =	vadd.s32 v0, v3  }
0x137: {  	s18 =	sld [smem:$0x7FA];
	[tilespmem:$0x80] =	vst v3;
	v3 =	vadd.s32 v0, v4  }
0x138: {  	s10 =	smul.u32 $0xA0, s25;
	[tilespmem:$0x90] =	vst v3;
	v3 =	vadd.s32 v0, v5  }
0x139: {  	[tilespmem:$0xA0] =	vst v3;
	v3 =	vadd.s32 v0, v6  }
0x13a: {  	s18 =	sadd.s32 s10, s18;
	[tilespmem:$0xB0] =	vst v3;
	v3 =	vadd.s32 v0, v7  }
0x13b: {  	s18 =	sshll.u32 s18, $0x4;
	[tilespmem:$0xC0] =	vst v3  }
0x13c: {  	[tilespmem:s21], [sflag:$0x4] =	stream.indirect.gather [hbm4b:s1+s2], $0x80, s14, s2, $0xb8;
	[tilespmem:$0x1E280] =	vst v63  }
0x13d: {  	s26 =	simm.s32 $0x7A00;
	s18 =	sadd.s32 s6, s18  }
0x13e: {  	[tilespmem:s26], [sflag:$0x6] =	stream.linear.gather [hbm4b:s18+s8], $0x2800, $0x38;
	[tilespmem:$0x1E280] =	vst v63  }
0x13f: {  	_ =	swait.ge [sflag:s23], $0x2800  }
0x140: {  	[sflag:s23] =	ssyncset.done $0x0  }
0x141: {  	[sflag:s23] =	ssyncadd.s32 $0xFFFFD800  }
0x142: {  	_ =	swait.ge [sflag:s24], $0x2800  }
0x143: {  	[sflag:s24] =	ssyncset.done $0x0  }
0x144: {  	s18 =	simm.s32 $0x0;
	[sflag:s24] =	ssyncadd.s32 $0xFFFFD800  }
0x145: {  	v7 =	vld [tilespmem:s18+$0x5200]  }
0x146: {  	v5 =	vld [tilespmem:s18+$0x5210]  }
0x147: {  	v4 =	vld [tilespmem:s18+$0x5220]  }
0x148: {  	v3 =	vld [tilespmem:s18+$0x5230]  }
0x149: {  	v11 =	vld [tilespmem:s18+$0x200]  }
0x14a: {  	v10 =	vld [tilespmem:s18+$0x210]  }
0x14b: {  	v9 =	vld [tilespmem:s18+$0x220]  }
0x14c: {  	v8 =	vld [tilespmem:s18+$0x230]  }
0x14d: {  	v6 =	vld [tilespmem:s18+$0x240];
	v13 =	vshll.u32 v7, $0x10  }
0x14e: {  	s26 =	simm.s32 $0x200;
	v12 =	vand.u32 $0xFFFF0000, v7;
	v7 =	vld [tilespmem:s18+$0x250];
	v11 =	vmul.f32 v13, v11  }
.LBB2_5:
0x14f: {  	p1 =	sne.s32 s26, $0x9E00;
	v10 =	vmul.f32 v12, v10;
	v12 =	vshll.u32 v5, $0x10;
	v13 =	vld [tilespmem:s18+$0x260]  }
0x150: {  	s28 =	sshra.s32 s26, $0x2;
	v5 =	vand.u32 $0xFFFF0000, v5;
	[tilespmem:s18+$0x200] =	vst v11;
	v9 =	vmul.f32 v12, v9;
	v11 =	vld [tilespmem:s18+$0x270]  }
0x151: {  	v12 =	vld [tilespmem:s28+$0x5200];
	[tilespmem:s18+$0x210] =	vst v10;
	v8 =	vmul.f32 v5, v8;
	v10 =	vshll.u32 v4, $0x10  }
0x152: {  	v5 =	vld [tilespmem:s28+$0x5210];
	[tilespmem:s18+$0x220] =	vst v9;
	v9 =	vand.u32 $0xFFFF0000, v4;
	v6 =	vmul.f32 v10, v6  }
0x153: {  	v4 =	vld [tilespmem:s28+$0x5220];
	[tilespmem:s18+$0x230] =	vst v8;
	v7 =	vmul.f32 v9, v7;
	v8 =	vshll.u32 v3, $0x10  }
0x154: {  	[tilespmem:s18+$0x240] =	vst v6;
	v6 =	vand.u32 $0xFFFF0000, v3;
	v3 =	vld [tilespmem:s28+$0x5230];
	v8 =	vmul.f32 v8, v13  }
0x155: {  	v13 =	vld [tilespmem:s28+$0x200];
	[tilespmem:s18+$0x250] =	vst v7;
	v6 =	vmul.f32 v6, v11  }
.Ltmp1:
0x156: {  	v10 =	vld [tilespmem:s28+$0x210];
	[tilespmem:s18+$0x260] =	vst v8;
	(pc) =	sbr.rel @p1 .LBB2_5-.Ltmp1, $4  }
0x157: {  	v9 =	vld [tilespmem:s28+$0x220];
	[tilespmem:s18+$0x270] =	vst v6;
	s18 =	smov.u32 s28  }
0x158: {  	v8 =	vld [tilespmem:s18+$0x230]  }
0x159: {  	v7 =	vshll.u32 v12, $0x10;
	v6 =	vld [tilespmem:s18+$0x240]  }
0x15a: {  	s26 =	sadd.s32 $0x200, s26;
	v12 =	vand.u32 $0xFFFF0000, v12;
	v11 =	vmul.f32 v7, v13;
	v7 =	vld [tilespmem:s18+$0x250]  }
0x15b: {  	v13 =	vld [tilespmem:s18+$0x260];
	v10 =	vmul.f32 v12, v10;
	v12 =	vshll.u32 v5, $0x10  }
0x15c: {  	v5 =	vand.u32 $0xFFFF0000, v5;
	[tilespmem:s18+$0x200] =	vst v11;
	v9 =	vmul.f32 v12, v9;
	v11 =	vld [tilespmem:s18+$0x270]  }
0x15d: {  	[tilespmem:s18+$0x210] =	vst v10;
	v5 =	vmul.f32 v5, v8;
	v8 =	vshll.u32 v4, $0x10  }
0x15e: {  	v4 =	vand.u32 $0xFFFF0000, v4;
	[tilespmem:s18+$0x220] =	vst v9;
	v6 =	vmul.f32 v8, v6  }
0x15f: {  	[tilespmem:s18+$0x230] =	vst v5;
	v4 =	vmul.f32 v4, v7;
	v5 =	vshll.u32 v3, $0x10  }
0x160: {  	v3 =	vand.u32 $0xFFFF0000, v3;
	[tilespmem:s18+$0x240] =	vst v6;
	v5 =	vmul.f32 v5, v13  }
0x161: {  	[tilespmem:s18+$0x250] =	vst v4;
	v3 =	vmul.f32 v3, v11  }
0x162: {  	[tilespmem:s18+$0x260] =	vst v5  }
0x163: {  	[tilespmem:s18+$0x270] =	vst v3;
	s18 =	sadd.s32 $0xA0, s10  }
0x164: {  	[spmem:s3] =	stream.indirect.scatter.add.f32 [tilespmem:s12], [sflag:$0x7], $0x80, s31, s2, $0xb8;
	[tilespmem:$0x1E280] =	vst v63  }
0x165: {  	s26 =	sadd.s32 s7, s18;
	_ =	swait.ge [sflag:s30], $0x2800  }
0x166: {  	s26 =	sshrl.u32 s26, $0x3;
	[sflag:s30] =	ssyncset.done $0x0  }
0x167: {  	s28 =	simm.s32 $0x0;
	s26 =	sadd.s32 s5, s26;
	[sflag:s30] =	ssyncadd.s32 $0xFFFFD800  }
0x168: {  	[tilespmem:s28], [sflag:$0x1] =	stream.linear.gather [hbm4b:s26+s28], $0x50, $0x38;
	[tilespmem:$0x1E280] =	vst v63  }
0x169: {  	s26 =	sadd.s32 s9, s18  }
0x16a: {  	s26 =	sshrl.u32 s26, $0x3  }
0x16b: {  	s26 =	sadd.s32 s5, s26  }
0x16c: {  	[tilespmem:s31], [sflag:$0x1] =	stream.linear.gather [hbm4b:s26+s28], $0x50, $0x38;
	[tilespmem:$0x1E280] =	vst v63  }
0x16d: {  	_ =	swait.ge [sflag:s0], $0x50  }
0x16e: {  	[sflag:s0] =	ssyncset.done $0x0  }
0x16f: {  	[sflag:s0] =	ssyncadd.s32 $0xFFFFFFB0  }
0x170: {  	_ =	swait.ge [sflag:s0], $0x50  }
0x171: {  	[sflag:s0] =	ssyncset.done $0x0  }
0x172: {  	[sflag:s0] =	ssyncadd.s32 $0xFFFFFFB0  }
0x173: {  	v3 =	vld [tilespmem:$0x0]  }
0x174: {  	v4 =	vld [tilespmem:$0x10]  }
0x175: {  	v5 =	vld [tilespmem:$0x20]  }
0x176: {  	v6 =	vld [tilespmem:$0x30]  }
0x177: {  	v7 =	vld [tilespmem:$0x40]  }
0x178: {  	v3 =	vadd.s32 v0, v3  }
0x179: {  	[tilespmem:$0x0] =	vst v3;
	v3 =	vadd.s32 v0, v4  }
0x17a: {  	[tilespmem:$0x10] =	vst v3;
	v3 =	vadd.s32 v0, v5  }
0x17b: {  	s26 =	rddreg [dreg:$0x5];
	[tilespmem:$0x20] =	vst v3;
	v3 =	vadd.s32 v0, v6  }
0x17c: {  	s18 =	sadd.s32 s26, s18;
	[tilespmem:$0x30] =	vst v3;
	v3 =	vadd.s32 v0, v7  }
0x17d: {  	s18 =	sshll.u32 s18, $0x4;
	[tilespmem:$0x40] =	vst v3  }
0x17e: {  	[tilespmem:s12], [sflag:$0x3] =	stream.indirect.gather [hbm4b:s1+s2], $0x80, s28, s2, $0xb8;
	[tilespmem:$0x1E280] =	vst v63  }
0x17f: {  	s18 =	sadd.s32 s6, s18  }
0x180: {  	[tilespmem:s13], [sflag:$0x5] =	stream.linear.gather [hbm4b:s18+s28], $0x2800, $0x38;
	[tilespmem:$0x1E280] =	vst v63  }
0x181: {  	_ =	swait.ge [sflag:s11], $0x2800  }
0x182: {  	[sflag:s11] =	ssyncset.done $0x0  }
0x183: {  	[sflag:s11] =	ssyncadd.s32 $0xFFFFD800  }
0x184: {  	_ =	swait.ge [sflag:s20], $0x2800  }
0x185: {  	[sflag:s20] =	ssyncset.done $0x0  }
0x186: {  	s18 =	simm.s32 $0x0;
	[sflag:s20] =	ssyncadd.s32 $0xFFFFD800  }
0x187: {  	v7 =	vld [tilespmem:s18+$0x7A00]  }
0x188: {  	v5 =	vld [tilespmem:s18+$0x7A10]  }
0x189: {  	v4 =	vld [tilespmem:s18+$0x7A20]  }
0x18a: {  	v3 =	vld [tilespmem:s18+$0x7A30]  }
0x18b: {  	v11 =	vld [tilespmem:s18+$0x2A00]  }
0x18c: {  	v10 =	vld [tilespmem:s18+$0x2A10]  }
0x18d: {  	v9 =	vld [tilespmem:s18+$0x2A20]  }
0x18e: {  	v8 =	vld [tilespmem:s18+$0x2A30]  }
0x18f: {  	v6 =	vld [tilespmem:s18+$0x2A40];
	v13 =	vshll.u32 v7, $0x10  }
0x190: {  	s26 =	simm.s32 $0x200;
	v12 =	vand.u32 $0xFFFF0000, v7;
	v7 =	vld [tilespmem:s18+$0x2A50];
	v11 =	vmul.f32 v13, v11  }
.LBB2_7:
0x191: {  	p1 =	sne.s32 s26, $0x9E00;
	v10 =	vmul.f32 v12, v10;
	v12 =	vshll.u32 v5, $0x10;
	v13 =	vld [tilespmem:s18+$0x2A60]  }
0x192: {  	s28 =	sshra.s32 s26, $0x2;
	v5 =	vand.u32 $0xFFFF0000, v5;
	[tilespmem:s18+$0x2A00] =	vst v11;
	v9 =	vmul.f32 v12, v9;
	v11 =	vld [tilespmem:s18+$0x2A70]  }
0x193: {  	v12 =	vld [tilespmem:s28+$0x7A00];
	[tilespmem:s18+$0x2A10] =	vst v10;
	v8 =	vmul.f32 v5, v8;
	v10 =	vshll.u32 v4, $0x10  }
0x194: {  	v5 =	vld [tilespmem:s28+$0x7A10];
	[tilespmem:s18+$0x2A20] =	vst v9;
	v9 =	vand.u32 $0xFFFF0000, v4;
	v6 =	vmul.f32 v10, v6  }
0x195: {  	v4 =	vld [tilespmem:s28+$0x7A20];
	[tilespmem:s18+$0x2A30] =	vst v8;
	v7 =	vmul.f32 v9, v7;
	v8 =	vshll.u32 v3, $0x10  }
0x196: {  	[tilespmem:s18+$0x2A40] =	vst v6;
	v6 =	vand.u32 $0xFFFF0000, v3;
	v3 =	vld [tilespmem:s28+$0x7A30];
	v8 =	vmul.f32 v8, v13  }
0x197: {  	v13 =	vld [tilespmem:s28+$0x2A00];
	[tilespmem:s18+$0x2A50] =	vst v7;
	v6 =	vmul.f32 v6, v11  }
.Ltmp2:
0x198: {  	v10 =	vld [tilespmem:s28+$0x2A10];
	[tilespmem:s18+$0x2A60] =	vst v8;
	(pc) =	sbr.rel @p1 .LBB2_7-.Ltmp2, $4  }
0x199: {  	v9 =	vld [tilespmem:s28+$0x2A20];
	[tilespmem:s18+$0x2A70] =	vst v6;
	s18 =	smov.u32 s28  }
0x19a: {  	v8 =	vld [tilespmem:s18+$0x2A30]  }
0x19b: {  	v7 =	vshll.u32 v12, $0x10;
	v6 =	vld [tilespmem:s18+$0x2A40]  }
0x19c: {  	s26 =	sadd.s32 $0x200, s26;
	v12 =	vand.u32 $0xFFFF0000, v12;
	v11 =	vmul.f32 v7, v13;
	v7 =	vld [tilespmem:s18+$0x2A50]  }
0x19d: {  	v13 =	vld [tilespmem:s18+$0x2A60];
	v10 =	vmul.f32 v12, v10;
	v58 =	vshll.u32 v5, $0x10  }
0x19e: {  	v59 =	vand.u32 $0xFFFF0000, v5;
	v60 =	vld [tilespmem:s18+$0x2A70];
	[tilespmem:s18+$0x2A00] =	vst v11;
	v9 =	vmul.f32 v58, v9  }
0x19f: {  	v61 =	vshll.u32 v4, $0x10;
	[tilespmem:s18+$0x2A10] =	vst v10;
	v5 =	vmul.f32 v59, v8  }
0x1a0: {  	v62 =	vand.u32 $0xFFFF0000, v4;
	[tilespmem:s18+$0x2A20] =	vst v9;
	v6 =	vmul.f32 v61, v6  }
0x1a1: {  	v63 =	vshll.u32 v3, $0x10;
	[tilespmem:s18+$0x2A30] =	vst v5;
	v4 =	vmul.f32 v62, v7  }
0x1a2: {  	v3 =	vand.u32 $0xFFFF0000, v3;
	[tilespmem:s18+$0x2A40] =	vst v6;
	v5 =	vmul.f32 v63, v13  }
0x1a3: {  	v3 =	vmul.f32 v3, v60;
	[tilespmem:s18+$0x2A50] =	vst v4  }
0x1a4: {  	p1 =	seq.s32 s25, $0x3D;
	[tilespmem:s18+$0x2A60] =	vst v5  }
.Ltmp3:
0x1a5: {  	[tilespmem:s18+$0x2A70] =	vst v3;
	(pc) =	sbr.rel @p1 .LBB2_10-.Ltmp3, $4  }
0x1a6: {  	[spmem:s3] =	stream.indirect.scatter.add.f32 [tilespmem:s21], [sflag:$0x7], $0x80, s15, s2, $0xb8;
	[tilespmem:$0x1E280] =	vst v63  }
0x1a7: {  	_ =	swait.ge [sflag:s30], $0x2800  }
0x1a8: {  	[sflag:s30] =	ssyncset.done $0x0  }
0x1a9: {  	[sflag:s30] =	ssyncadd.s32 $0xFFFFD800  }
0x1aa: {  	s10 =	sadd.s32 $0xF0, s10  }
0x1ab: {  	s18 =	sadd.s32 s7, s10  }
.Ltmp4:
0x1ac: {  	s10 =	sadd.s32 s9, s10;
	s18 =	sshrl.u32 s18, $0x3;
	(pc) =	sbr.rel .LBB2_4-.Ltmp4, $4  }
0x1ad: {  	s10 =	sshrl.u32 s10, $0x3;
	s18 =	sadd.s32 s5, s18  }
0x1ae: {  	[tilespmem:s14], [sflag:$0x2] =	stream.linear.gather [hbm4b:s18+s4], $0x50, $0x38;
	[tilespmem:$0x1E280] =	vst v63  }
0x1af: {  	s25 =	sadd.s32 $0x1, s25;
	s10 =	sadd.s32 s5, s10  }
0x1b0: {  	[tilespmem:s15], [sflag:$0x2] =	stream.linear.gather [hbm4b:s10+s4], $0x50, $0x38;
	[tilespmem:$0x1E280] =	vst v63  }
.LBB2_10:
0x1b1: {  	_ =	swait.ge [sflag:s23], $0x2800  }
0x1b2: {  	[sflag:s23] =	ssyncset.done $0x0  }
0x1b3: {  	[sflag:s23] =	ssyncadd.s32 $0xFFFFD800  }
0x1b4: {  	_ =	swait.ge [sflag:s24], $0x2800  }
0x1b5: {  	[sflag:s24] =	ssyncset.done $0x0  }
0x1b6: {  	s8 =	simm.s32 $0x0;
	[sflag:s24] =	ssyncadd.s32 $0xFFFFD800  }
0x1b7: {  	v7 =	vld [tilespmem:s8+$0x5200]  }
0x1b8: {  	v5 =	vld [tilespmem:s8+$0x5210]  }
0x1b9: {  	v4 =	vld [tilespmem:s8+$0x5220]  }
0x1ba: {  	v3 =	vld [tilespmem:s8+$0x5230]  }
0x1bb: {  	v11 =	vld [tilespmem:s8+$0x200]  }
0x1bc: {  	v10 =	vld [tilespmem:s8+$0x210]  }
0x1bd: {  	v9 =	vld [tilespmem:s8+$0x220]  }
0x1be: {  	v8 =	vld [tilespmem:s8+$0x230]  }
0x1bf: {  	v6 =	vld [tilespmem:s8+$0x240];
	v13 =	vshll.u32 v7, $0x10  }
0x1c0: {  	s10 =	simm.s32 $0x200;
	v12 =	vand.u32 $0xFFFF0000, v7;
	v7 =	vld [tilespmem:s8+$0x250];
	v11 =	vmul.f32 v13, v11  }
.LBB2_11:
0x1c1: {  	p1 =	sne.s32 s10, $0x9E00;
	v10 =	vmul.f32 v12, v10;
	v12 =	vshll.u32 v5, $0x10;
	v13 =	vld [tilespmem:s8+$0x260]  }
0x1c2: {  	s18 =	sshra.s32 s10, $0x2;
	v5 =	vand.u32 $0xFFFF0000, v5;
	[tilespmem:s8+$0x200] =	vst v11;
	v9 =	vmul.f32 v12, v9;
	v11 =	vld [tilespmem:s8+$0x270]  }
0x1c3: {  	v12 =	vld [tilespmem:s18+$0x5200];
	[tilespmem:s8+$0x210] =	vst v10;
	v8 =	vmul.f32 v5, v8;
	v10 =	vshll.u32 v4, $0x10  }
0x1c4: {  	v5 =	vld [tilespmem:s18+$0x5210];
	[tilespmem:s8+$0x220] =	vst v9;
	v9 =	vand.u32 $0xFFFF0000, v4;
	v6 =	vmul.f32 v10, v6  }
0x1c5: {  	v4 =	vld [tilespmem:s18+$0x5220];
	[tilespmem:s8+$0x230] =	vst v8;
	v7 =	vmul.f32 v9, v7;
	v8 =	vshll.u32 v3, $0x10  }
0x1c6: {  	[tilespmem:s8+$0x240] =	vst v6;
	v6 =	vand.u32 $0xFFFF0000, v3;
	v3 =	vld [tilespmem:s18+$0x5230];
	v8 =	vmul.f32 v8, v13  }
0x1c7: {  	v13 =	vld [tilespmem:s18+$0x200];
	[tilespmem:s8+$0x250] =	vst v7;
	v6 =	vmul.f32 v6, v11  }
.Ltmp5:
0x1c8: {  	v10 =	vld [tilespmem:s18+$0x210];
	[tilespmem:s8+$0x260] =	vst v8;
	(pc) =	sbr.rel @p1 .LBB2_11-.Ltmp5, $4  }
0x1c9: {  	v9 =	vld [tilespmem:s18+$0x220];
	[tilespmem:s8+$0x270] =	vst v6;
	s8 =	smov.u32 s18  }
0x1ca: {  	v8 =	vld [tilespmem:s8+$0x230]  }
0x1cb: {  	v7 =	vshll.u32 v12, $0x10;
	v6 =	vld [tilespmem:s8+$0x240]  }
0x1cc: {  	s10 =	sadd.s32 $0x200, s10;
	v12 =	vand.u32 $0xFFFF0000, v12;
	v11 =	vmul.f32 v7, v13;
	v7 =	vld [tilespmem:s8+$0x250]  }
0x1cd: {  	v13 =	vld [tilespmem:s8+$0x260];
	v10 =	vmul.f32 v12, v10;
	v54 =	vshll.u32 v5, $0x10  }
0x1ce: {  	v55 =	vand.u32 $0xFFFF0000, v5;
	v56 =	vld [tilespmem:s8+$0x270];
	[tilespmem:s8+$0x200] =	vst v11;
	v9 =	vmul.f32 v54, v9  }
0x1cf: {  	v57 =	vshll.u32 v4, $0x10;
	[tilespmem:s8+$0x210] =	vst v10;
	v5 =	vmul.f32 v55, v8  }
0x1d0: {  	v58 =	vand.u32 $0xFFFF0000, v4;
	[tilespmem:s8+$0x220] =	vst v9;
	v6 =	vmul.f32 v57, v6  }
0x1d1: {  	v59 =	vshll.u32 v3, $0x10;
	[tilespmem:s8+$0x230] =	vst v5;
	v4 =	vmul.f32 v58, v7  }
0x1d2: {  	v3 =	vand.u32 $0xFFFF0000, v3;
	[tilespmem:s8+$0x240] =	vst v6;
	v5 =	vmul.f32 v59, v13  }
0x1d3: {  	v3 =	vmul.f32 v3, v56;
	[tilespmem:s8+$0x250] =	vst v4  }
0x1d4: {  	[tilespmem:s8+$0x260] =	vst v5  }
0x1d5: {  	[tilespmem:s8+$0x270] =	vst v3  }
0x1d6: {  	[spmem:s3] =	stream.indirect.scatter.add.f32 [tilespmem:s12], [sflag:$0x7], $0x80, s31, s2, $0xb8;
	[tilespmem:$0x1E280] =	vst v63  }
0x1d7: {  	_ =	swait.ge [sflag:s30], $0x2800  }
0x1d8: {  	[sflag:s30] =	ssyncset.done $0x0  }
0x1d9: {  	[sflag:s30] =	ssyncadd.s32 $0xFFFFD800  }
0x1da: {  	[bflag:$0x0] =	sbarrier.arrive $0xFFFF  }
0x1db: {  	s26 =	stileid.u32;
	s10 =	rddreg [dreg:$0x4]  }
0x1dc: {  	s8 =	sshll.u32 s26, $0x6;
	s28 =	rddreg [dreg:$0x9];
	s18 =	sshrl.u32 s10, $0x3  }
0x1dd: {  	s25 =	sor.u32 $0x1C07, s8;
	[smem:$0x7DC] =	sst s18  }
0x1de: {  	[hbm:s28], [sflag:s25] =	dma.local [spmem:s18], $0x2700  }
0x1df: {  	_ =	swait.ge [sflag:s30], $0x2700  }
0x1e0: {  	s18 =	sld [smem:$0x7F7];
	_ =	sdelay $0x1  }
0x1e1: {  	s8 =	rddreg [dreg:$0xa]  }
0x1e2: {  	[sflag:s30] =	ssyncset.done $0x0;
	[smem:$0x7DD] =	sst s25;
	s26 =	sshrl.u32 @!p0 s18, $0x3  }
0x1e3: {  	[sflag:s30] =	ssyncadd.s32 $0xFFFFD900;
	[smem:$0x7DE] =	sst s26  }
0x1e4: {  	[hbm:s8], [sflag:s25] =	dma.local @!p0 [spmem:s26], $0x100  }
0x1e5: {  	s8 =	simm.s32 @!p0 $0x7  }
0x1e6: {  	_ =	swait.ge @!p0 [sflag:s8], $0x100  }
0x1e7: {  	[sflag:s8] =	ssyncset.done @!p0 $0x0  }
0x1e8: {  	[sflag:s8] =	ssyncadd.s32 @!p0 $0xFFFFFF00  }
0x1e9: {  	[spmem:s10] =	stream.linear.scatter [tilespmem:s29], [sflag:$0x7], $0x800, $0x38;
	[tilespmem:$0x1E280] =	vst v63  }
0x1ea: {  	_ =	swait.ge [sflag:s30], $0x800  }
0x1eb: {  	[sflag:s30] =	ssyncset.done $0x0  }
0x1ec: {  	s25 =	rddreg [dreg:$0x11];
	[sflag:s30] =	ssyncadd.s32 $0xFFFFF800  }
0x1ed: {  	[spmem:s25] =	stream.linear.scatter [tilespmem:s29], [sflag:$0x7], $0x800, $0x38;
	[tilespmem:$0x1E280] =	vst v63  }
0x1ee: {  	_ =	swait.ge [sflag:s30], $0x800  }
0x1ef: {  	[sflag:s30] =	ssyncset.done $0x0  }
0x1f0: {  	s26 =	rddreg [dreg:$0x12];
	[sflag:s30] =	ssyncadd.s32 $0xFFFFF800  }
0x1f1: {  	[spmem:s26] =	stream.linear.scatter [tilespmem:s29], [sflag:$0x7], $0x800, $0x38;
	[tilespmem:$0x1E280] =	vst v63  }
0x1f2: {  	_ =	swait.ge [sflag:s30], $0x800  }
0x1f3: {  	[sflag:s30] =	ssyncset.done $0x0  }
0x1f4: {  	s28 =	rddreg [dreg:$0x13];
	[sflag:s30] =	ssyncadd.s32 $0xFFFFF800  }
0x1f5: {  	[spmem:s28] =	stream.linear.scatter [tilespmem:s29], [sflag:$0x7], $0x800, $0x38;
	[tilespmem:$0x1E280] =	vst v63  }
0x1f6: {  	_ =	swait.ge [sflag:s30], $0x800  }
0x1f7: {  	[sflag:s30] =	ssyncset.done $0x0  }
0x1f8: {  	s25 =	rddreg [dreg:$0x14];
	[sflag:s30] =	ssyncadd.s32 $0xFFFFF800  }
0x1f9: {  	[spmem:s25] =	stream.linear.scatter [tilespmem:s29], [sflag:$0x7], $0x800, $0x38;
	[tilespmem:$0x1E280] =	vst v63  }
0x1fa: {  	_ =	swait.ge [sflag:s30], $0x800  }
0x1fb: {  	[sflag:s30] =	ssyncset.done $0x0  }
0x1fc: {  	s26 =	rddreg [dreg:$0x15];
	[sflag:s30] =	ssyncadd.s32 $0xFFFFF800  }
0x1fd: {  	[spmem:s26] =	stream.linear.scatter [tilespmem:s29], [sflag:$0x7], $0x800, $0x38;
	[tilespmem:$0x1E280] =	vst v63  }
0x1fe: {  	_ =	swait.ge [sflag:s30], $0x800  }
0x1ff: {  	[sflag:s30] =	ssyncset.done $0x0  }
0x200: {  	s28 =	rddreg [dreg:$0x16];
	[sflag:s30] =	ssyncadd.s32 $0xFFFFF800  }
0x201: {  	[spmem:s28] =	stream.linear.scatter [tilespmem:s29], [sflag:$0x7], $0x800, $0x38;
	[tilespmem:$0x1E280] =	vst v63  }
0x202: {  	_ =	swait.ge [sflag:s30], $0x800  }
0x203: {  	[sflag:s30] =	ssyncset.done $0x0  }
0x204: {  	s25 =	rddreg [dreg:$0x17];
	[sflag:s30] =	ssyncadd.s32 $0xFFFFF800  }
0x205: {  	[spmem:s25] =	stream.linear.scatter [tilespmem:s29], [sflag:$0x7], $0x800, $0x38;
	[tilespmem:$0x1E280] =	vst v63  }
0x206: {  	_ =	swait.ge [sflag:s30], $0x800  }
0x207: {  	[sflag:s30] =	ssyncset.done $0x0  }
0x208: {  	s26 =	rddreg [dreg:$0x18];
	[sflag:s30] =	ssyncadd.s32 $0xFFFFF800  }
0x209: {  	[spmem:s26] =	stream.linear.scatter [tilespmem:s29], [sflag:$0x7], $0x800, $0x38;
	[tilespmem:$0x1E280] =	vst v63  }
0x20a: {  	_ =	swait.ge [sflag:s30], $0x800  }
0x20b: {  	[sflag:s30] =	ssyncset.done $0x0  }
0x20c: {  	s28 =	rddreg [dreg:$0x19];
	[sflag:s30] =	ssyncadd.s32 $0xFFFFF800  }
0x20d: {  	[spmem:s28] =	stream.linear.scatter [tilespmem:s29], [sflag:$0x7], $0x800, $0x38;
	[tilespmem:$0x1E280] =	vst v63  }
0x20e: {  	_ =	swait.ge [sflag:s30], $0x800  }
0x20f: {  	[sflag:s30] =	ssyncset.done $0x0  }
0x210: {  	s25 =	rddreg [dreg:$0x1a];
	[sflag:s30] =	ssyncadd.s32 $0xFFFFF800  }
0x211: {  	[spmem:s25] =	stream.linear.scatter [tilespmem:s29], [sflag:$0x7], $0x800, $0x38;
	[tilespmem:$0x1E280] =	vst v63  }
0x212: {  	_ =	swait.ge [sflag:s30], $0x800  }
0x213: {  	[sflag:s30] =	ssyncset.done $0x0  }
0x214: {  	s26 =	rddreg [dreg:$0x1b];
	[sflag:s30] =	ssyncadd.s32 $0xFFFFF800  }
0x215: {  	[spmem:s26] =	stream.linear.scatter [tilespmem:s29], [sflag:$0x7], $0x800, $0x38;
	[tilespmem:$0x1E280] =	vst v63  }
0x216: {  	_ =	swait.ge [sflag:s30], $0x800  }
0x217: {  	[sflag:s30] =	ssyncset.done $0x0  }
0x218: {  	s28 =	rddreg [dreg:$0x1c];
	[sflag:s30] =	ssyncadd.s32 $0xFFFFF800  }
0x219: {  	[spmem:s28] =	stream.linear.scatter [tilespmem:s29], [sflag:$0x7], $0x800, $0x38;
	[tilespmem:$0x1E280] =	vst v63  }
0x21a: {  	_ =	swait.ge [sflag:s30], $0x800  }
0x21b: {  	[sflag:s30] =	ssyncset.done $0x0  }
0x21c: {  	s25 =	rddreg [dreg:$0x1d];
	[sflag:s30] =	ssyncadd.s32 $0xFFFFF800  }
0x21d: {  	[spmem:s25] =	stream.linear.scatter [tilespmem:s29], [sflag:$0x7], $0x800, $0x38;
	[tilespmem:$0x1E280] =	vst v63  }
0x21e: {  	_ =	swait.ge [sflag:s30], $0x800  }
0x21f: {  	[sflag:s30] =	ssyncset.done $0x0  }
0x220: {  	s26 =	rddreg [dreg:$0x1e];
	[sflag:s30] =	ssyncadd.s32 $0xFFFFF800  }
0x221: {  	[spmem:s26] =	stream.linear.scatter [tilespmem:s29], [sflag:$0x7], $0x800, $0x38;
	[tilespmem:$0x1E280] =	vst v63  }
0x222: {  	_ =	swait.ge [sflag:s30], $0x800  }
0x223: {  	[sflag:s30] =	ssyncset.done $0x0  }
0x224: {  	s28 =	rddreg [dreg:$0x1f];
	[sflag:s30] =	ssyncadd.s32 $0xFFFFF800  }
0x225: {  	[spmem:s28] =	stream.linear.scatter [tilespmem:s29], [sflag:$0x7], $0x800, $0x38;
	[tilespmem:$0x1E280] =	vst v63  }
0x226: {  	_ =	swait.ge [sflag:s30], $0x800  }
0x227: {  	s25 =	sld [smem:$0x7E0]  }
0x228: {  	[sflag:s30] =	ssyncset.done $0x0  }
0x229: {  	[sflag:s30] =	ssyncadd.s32 $0xFFFFF800  }
0x22a: {  	[spmem:s25] =	stream.linear.scatter [tilespmem:s29], [sflag:$0x7], $0x800, $0x38;
	[tilespmem:$0x1E280] =	vst v63  }
0x22b: {  	_ =	swait.ge [sflag:s30], $0x800  }
0x22c: {  	s26 =	sld [smem:$0x7E1]  }
0x22d: {  	[sflag:s30] =	ssyncset.done $0x0  }
0x22e: {  	[sflag:s30] =	ssyncadd.s32 $0xFFFFF800  }
0x22f: {  	[spmem:s26] =	stream.linear.scatter [tilespmem:s29], [sflag:$0x7], $0x800, $0x38;
	[tilespmem:$0x1E280] =	vst v63  }
0x230: {  	_ =	swait.ge [sflag:s30], $0x800  }
0x231: {  	s28 =	sld [smem:$0x7E2]  }
0x232: {  	[sflag:s30] =	ssyncset.done $0x0  }
0x233: {  	[sflag:s30] =	ssyncadd.s32 $0xFFFFF800  }
0x234: {  	[spmem:s28] =	stream.linear.scatter [tilespmem:s29], [sflag:$0x7], $0x800, $0x38;
	[tilespmem:$0x1E280] =	vst v63  }
0x235: {  	_ =	swait.ge [sflag:s30], $0x800  }
0x236: {  	s25 =	sld [smem:$0x7E3]  }
0x237: {  	[sflag:s30] =	ssyncset.done $0x0  }
0x238: {  	[sflag:s30] =	ssyncadd.s32 $0xFFFFF800  }
0x239: {  	[spmem:s25] =	stream.linear.scatter [tilespmem:s29], [sflag:$0x7], $0x800, $0x38;
	[tilespmem:$0x1E280] =	vst v63  }
0x23a: {  	_ =	swait.ge [sflag:s30], $0x800  }
0x23b: {  	s26 =	sld [smem:$0x7E4]  }
0x23c: {  	[sflag:s30] =	ssyncset.done $0x0  }
0x23d: {  	[sflag:s30] =	ssyncadd.s32 $0xFFFFF800  }
0x23e: {  	[spmem:s26] =	stream.linear.scatter [tilespmem:s29], [sflag:$0x7], $0x800, $0x38;
	[tilespmem:$0x1E280] =	vst v63  }
0x23f: {  	_ =	swait.ge [sflag:s30], $0x800  }
0x240: {  	s28 =	sld [smem:$0x7E5]  }
0x241: {  	[sflag:s30] =	ssyncset.done $0x0  }
0x242: {  	[sflag:s30] =	ssyncadd.s32 $0xFFFFF800  }
0x243: {  	[spmem:s28] =	stream.linear.scatter [tilespmem:s29], [sflag:$0x7], $0x800, $0x38;
	[tilespmem:$0x1E280] =	vst v63  }
0x244: {  	_ =	swait.ge [sflag:s30], $0x800  }
0x245: {  	s25 =	sld [smem:$0x7E6]  }
0x246: {  	[sflag:s30] =	ssyncset.done $0x0  }
0x247: {  	[sflag:s30] =	ssyncadd.s32 $0xFFFFF800  }
0x248: {  	[spmem:s25] =	stream.linear.scatter [tilespmem:s29], [sflag:$0x7], $0x800, $0x38;
	[tilespmem:$0x1E280] =	vst v63  }
0x249: {  	_ =	swait.ge [sflag:s30], $0x800  }
0x24a: {  	s26 =	sld [smem:$0x7E7]  }
0x24b: {  	[sflag:s30] =	ssyncset.done $0x0  }
0x24c: {  	[sflag:s30] =	ssyncadd.s32 $0xFFFFF800  }
0x24d: {  	[spmem:s26] =	stream.linear.scatter [tilespmem:s29], [sflag:$0x7], $0x800, $0x38;
	[tilespmem:$0x1E280] =	vst v63  }
0x24e: {  	_ =	swait.ge [sflag:s30], $0x800  }
0x24f: {  	s28 =	sld [smem:$0x7E8]  }
0x250: {  	[sflag:s30] =	ssyncset.done $0x0  }
0x251: {  	[sflag:s30] =	ssyncadd.s32 $0xFFFFF800  }
0x252: {  	[spmem:s28] =	stream.linear.scatter [tilespmem:s29], [sflag:$0x7], $0x800, $0x38;
	[tilespmem:$0x1E280] =	vst v63  }
0x253: {  	_ =	swait.ge [sflag:s30], $0x800  }
0x254: {  	s25 =	sld [smem:$0x7E9]  }
0x255: {  	[sflag:s30] =	ssyncset.done $0x0  }
0x256: {  	[sflag:s30] =	ssyncadd.s32 $0xFFFFF800  }
0x257: {  	[spmem:s25] =	stream.linear.scatter [tilespmem:s29], [sflag:$0x7], $0x800, $0x38;
	[tilespmem:$0x1E280] =	vst v63  }
0x258: {  	_ =	swait.ge [sflag:s30], $0x800  }
0x259: {  	s26 =	sld [smem:$0x7EA]  }
0x25a: {  	[sflag:s30] =	ssyncset.done $0x0  }
0x25b: {  	[sflag:s30] =	ssyncadd.s32 $0xFFFFF800  }
0x25c: {  	[spmem:s26] =	stream.linear.scatter [tilespmem:s29], [sflag:$0x7], $0x800, $0x38;
	[tilespmem:$0x1E280] =	vst v63  }
0x25d: {  	_ =	swait.ge [sflag:s30], $0x800  }
0x25e: {  	s28 =	sld [smem:$0x7EB]  }
0x25f: {  	[sflag:s30] =	ssyncset.done $0x0  }
0x260: {  	[sflag:s30] =	ssyncadd.s32 $0xFFFFF800  }
0x261: {  	[spmem:s28] =	stream.linear.scatter [tilespmem:s29], [sflag:$0x7], $0x800, $0x38;
	[tilespmem:$0x1E280] =	vst v63  }
0x262: {  	_ =	swait.ge [sflag:s30], $0x800  }
0x263: {  	s25 =	sld [smem:$0x7EC]  }
0x264: {  	[sflag:s30] =	ssyncset.done $0x0  }
0x265: {  	[sflag:s30] =	ssyncadd.s32 $0xFFFFF800  }
0x266: {  	[spmem:s25] =	stream.linear.scatter [tilespmem:s29], [sflag:$0x7], $0x800, $0x38;
	[tilespmem:$0x1E280] =	vst v63  }
0x267: {  	_ =	swait.ge [sflag:s30], $0x800  }
0x268: {  	s26 =	sld [smem:$0x7ED]  }
0x269: {  	[sflag:s30] =	ssyncset.done $0x0  }
0x26a: {  	[sflag:s30] =	ssyncadd.s32 $0xFFFFF800  }
0x26b: {  	[spmem:s26] =	stream.linear.scatter [tilespmem:s29], [sflag:$0x7], $0x800, $0x38;
	[tilespmem:$0x1E280] =	vst v63  }
0x26c: {  	_ =	swait.ge [sflag:s30], $0x800  }
0x26d: {  	s28 =	sld [smem:$0x7EE]  }
0x26e: {  	[sflag:s30] =	ssyncset.done $0x0  }
0x26f: {  	[sflag:s30] =	ssyncadd.s32 $0xFFFFF800  }
0x270: {  	[spmem:s28] =	stream.linear.scatter [tilespmem:s29], [sflag:$0x7], $0x800, $0x38;
	[tilespmem:$0x1E280] =	vst v63  }
0x271: {  	_ =	swait.ge [sflag:s30], $0x800  }
0x272: {  	s25 =	sld [smem:$0x7EF]  }
0x273: {  	[sflag:s30] =	ssyncset.done $0x0  }
0x274: {  	[sflag:s30] =	ssyncadd.s32 $0xFFFFF800  }
0x275: {  	[spmem:s25] =	stream.linear.scatter [tilespmem:s29], [sflag:$0x7], $0x800, $0x38;
	[tilespmem:$0x1E280] =	vst v63  }
0x276: {  	_ =	swait.ge [sflag:s30], $0x800  }
0x277: {  	s26 =	sld [smem:$0x7F0]  }
0x278: {  	[sflag:s30] =	ssyncset.done $0x0  }
0x279: {  	[sflag:s30] =	ssyncadd.s32 $0xFFFFF800  }
0x27a: {  	[spmem:s26] =	stream.linear.scatter [tilespmem:s29], [sflag:$0x7], $0x800, $0x38;
	[tilespmem:$0x1E280] =	vst v63  }
0x27b: {  	_ =	swait.ge [sflag:s30], $0x800  }
0x27c: {  	s28 =	sld [smem:$0x7F1]  }
0x27d: {  	[sflag:s30] =	ssyncset.done $0x0  }
0x27e: {  	[sflag:s30] =	ssyncadd.s32 $0xFFFFF800  }
0x27f: {  	[spmem:s28] =	stream.linear.scatter [tilespmem:s29], [sflag:$0x7], $0x800, $0x38;
	[tilespmem:$0x1E280] =	vst v63  }
0x280: {  	_ =	swait.ge [sflag:s30], $0x800  }
0x281: {  	s25 =	sld [smem:$0x7F2]  }
0x282: {  	[sflag:s30] =	ssyncset.done $0x0  }
0x283: {  	[sflag:s30] =	ssyncadd.s32 $0xFFFFF800  }
0x284: {  	[spmem:s25] =	stream.linear.scatter [tilespmem:s29], [sflag:$0x7], $0x800, $0x38;
	[tilespmem:$0x1E280] =	vst v63  }
0x285: {  	_ =	swait.ge [sflag:s30], $0x800  }
0x286: {  	s26 =	sld [smem:$0x7F3]  }
0x287: {  	[sflag:s30] =	ssyncset.done $0x0  }
0x288: {  	[sflag:s30] =	ssyncadd.s32 $0xFFFFF800  }
0x289: {  	[spmem:s26] =	stream.linear.scatter [tilespmem:s29], [sflag:$0x7], $0x800, $0x38;
	[tilespmem:$0x1E280] =	vst v63  }
0x28a: {  	_ =	swait.ge [sflag:s30], $0x800  }
0x28b: {  	s28 =	sld [smem:$0x7F4]  }
0x28c: {  	[sflag:s30] =	ssyncset.done $0x0  }
0x28d: {  	[sflag:s30] =	ssyncadd.s32 $0xFFFFF800  }
0x28e: {  	[spmem:s28] =	stream.linear.scatter [tilespmem:s29], [sflag:$0x7], $0x800, $0x38;
	[tilespmem:$0x1E280] =	vst v63  }
0x28f: {  	_ =	swait.ge [sflag:s30], $0x800  }
0x290: {  	s25 =	sld [smem:$0x7F5]  }
0x291: {  	[sflag:s30] =	ssyncset.done $0x0  }
0x292: {  	[sflag:s30] =	ssyncadd.s32 $0xFFFFF800  }
0x293: {  	[spmem:s25] =	stream.linear.scatter [tilespmem:s29], [sflag:$0x7], $0x800, $0x38;
	[tilespmem:$0x1E280] =	vst v63  }
0x294: {  	_ =	swait.ge [sflag:s30], $0x800  }
0x295: {  	s26 =	sld [smem:$0x7F6]  }
0x296: {  	[sflag:s30] =	ssyncset.done $0x0  }
0x297: {  	[sflag:s30] =	ssyncadd.s32 $0xFFFFF800  }
0x298: {  	[spmem:s26] =	stream.linear.scatter [tilespmem:s29], [sflag:$0x7], $0x800, $0x38;
	[tilespmem:$0x1E280] =	vst v63  }
0x299: {  	_ =	swait.ge [sflag:s30], $0x800  }
0x29a: {  	[sflag:s30] =	ssyncset.done $0x0  }
0x29b: {  	s10 =	simm.s32 @!p0 $0xA200;
	[sflag:s30] =	ssyncadd.s32 $0xFFFFF800  }
0x29c: {  	[spmem:s18] =	stream.linear.scatter @!p0 [tilespmem:s10], [sflag:$0x7], $0x800, $0x38;
	[tilespmem:$0x1E280] =	vst v63  }
0x29d: {  	_ =	swait.ge @!p0 [sflag:s8], $0x800  }
0x29e: {  	[sflag:s8] =	ssyncset.done @!p0 $0x0  }
0x29f: {  	[sflag:s8] =	ssyncadd.s32 @!p0 $0xFFFFF800  }
0x2a0: {  	[bflag:$0x0] =	sbarrier.arrive $0xFFFF  }
0x2a1: {  	s25 =	simm.s32 $0x0;
	s28 =	rddreg [dreg:$0xc]  }
0x2a2: {  	[tilespmem:s25], [sflag:$0x1] =	stream.linear.gather [hbm4b:s28+s25], $0x50, $0x38;
	[tilespmem:$0x1E280] =	vst v63  }
0x2a3: {  	s10 =	rddreg [dreg:$0xd]  }
0x2a4: {  	[tilespmem:s31], [sflag:$0x1] =	stream.linear.gather [hbm4b:s10+s25], $0x50, $0x38;
	[tilespmem:$0x1E280] =	vst v63  }
0x2a5: {  	_ =	swait.ge [sflag:s0], $0x50  }
0x2a6: {  	[sflag:s0] =	ssyncset.done $0x0  }
0x2a7: {  	[sflag:s0] =	ssyncadd.s32 $0xFFFFFFB0  }
0x2a8: {  	_ =	swait.ge [sflag:s0], $0x50  }
0x2a9: {  	[sflag:s0] =	ssyncset.done $0x0  }
0x2aa: {  	[sflag:s0] =	ssyncadd.s32 $0xFFFFFFB0  }
0x2ab: {  	v3 =	vld [tilespmem:$0x0]  }
0x2ac: {  	v60 =	vld [tilespmem:$0x10]  }
0x2ad: {  	v61 =	vld [tilespmem:$0x20]  }
0x2ae: {  	v62 =	vld [tilespmem:$0x30]  }
0x2af: {  	v63 =	vld [tilespmem:$0x40]  }
0x2b0: {  	v3 =	vadd.s32 v1, v3  }
0x2b1: {  	[tilespmem:$0x0] =	vst v3;
	v3 =	vadd.s32 v1, v60  }
0x2b2: {  	[tilespmem:$0x10] =	vst v3;
	v3 =	vadd.s32 v1, v61  }
0x2b3: {  	[tilespmem:$0x20] =	vst v3;
	v3 =	vadd.s32 v1, v62  }
0x2b4: {  	[tilespmem:$0x30] =	vst v3;
	v3 =	vadd.s32 v1, v63  }
0x2b5: {  	s18 =	rddreg [dreg:$0xe];
	[tilespmem:$0x40] =	vst v3  }
0x2b6: {  	[tilespmem:s12], [sflag:$0x3] =	stream.indirect.gather [hbm4b:s1+s2], $0x80, s25, s2, $0xb8;
	[tilespmem:$0x1E280] =	vst v63  }
0x2b7: {  	s26 =	sld [smem:$0x7FB]  }
0x2b8: {  	[tilespmem:s13], [sflag:$0x5] =	stream.linear.gather [hbm4b:s18+s25], $0x2800, $0x38;
	[tilespmem:$0x1E280] =	vst v63  }
0x2b9: {  	s28 =	sld [smem:$0x7FC]  }
0x2ba: {  	[tilespmem:s14], [sflag:$0x2] =	stream.linear.gather [hbm4b:s26+s25], $0x50, $0x38;
	[tilespmem:$0x1E280] =	vst v63  }
0x2bb: {  	s8 =	simm.s32 $0x0  }
0x2bc: {  	[tilespmem:s15], [sflag:$0x2] =	stream.linear.gather [hbm4b:s28+s25], $0x50, $0x38;
	[tilespmem:$0x1E280] =	vst v63  }
.LBB2_13:
0x2bd: {  	_ =	swait.ge [sflag:s19], $0x50  }
0x2be: {  	[sflag:s19] =	ssyncset.done $0x0  }
0x2bf: {  	[sflag:s19] =	ssyncadd.s32 $0xFFFFFFB0  }
0x2c0: {  	_ =	swait.ge [sflag:s19], $0x50  }
0x2c1: {  	[sflag:s19] =	ssyncset.done $0x0  }
0x2c2: {  	[sflag:s19] =	ssyncadd.s32 $0xFFFFFFB0  }
0x2c3: {  	v3 =	vld [tilespmem:$0x80]  }
0x2c4: {  	v4 =	vld [tilespmem:$0x90]  }
0x2c5: {  	v5 =	vld [tilespmem:$0xA0]  }
0x2c6: {  	v6 =	vld [tilespmem:$0xB0]  }
0x2c7: {  	v7 =	vld [tilespmem:$0xC0]  }
0x2c8: {  	v3 =	vadd.s32 v1, v3  }
0x2c9: {  	s18 =	sld [smem:$0x7FD];
	[tilespmem:$0x80] =	vst v3;
	v3 =	vadd.s32 v1, v4  }
0x2ca: {  	s10 =	smul.u32 $0xA0, s8;
	[tilespmem:$0x90] =	vst v3;
	v3 =	vadd.s32 v1, v5  }
0x2cb: {  	[tilespmem:$0xA0] =	vst v3;
	v3 =	vadd.s32 v1, v6  }
0x2cc: {  	s18 =	sadd.s32 s10, s18;
	[tilespmem:$0xB0] =	vst v3;
	v3 =	vadd.s32 v1, v7  }
0x2cd: {  	s18 =	sshll.u32 s18, $0x4;
	[tilespmem:$0xC0] =	vst v3  }
0x2ce: {  	[tilespmem:s21], [sflag:$0x4] =	stream.indirect.gather [hbm4b:s1+s2], $0x80, s14, s2, $0xb8;
	[tilespmem:$0x1E280] =	vst v63  }
0x2cf: {  	s26 =	simm.s32 $0x7A00;
	s18 =	sadd.s32 s6, s18  }
0x2d0: {  	[tilespmem:s26], [sflag:$0x6] =	stream.linear.gather [hbm4b:s18+s25], $0x2800, $0x38;
	[tilespmem:$0x1E280] =	vst v63  }
0x2d1: {  	_ =	swait.ge [sflag:s23], $0x2800  }
0x2d2: {  	[sflag:s23] =	ssyncset.done $0x0  }
0x2d3: {  	[sflag:s23] =	ssyncadd.s32 $0xFFFFD800  }
0x2d4: {  	_ =	swait.ge [sflag:s24], $0x2800  }
0x2d5: {  	[sflag:s24] =	ssyncset.done $0x0  }
0x2d6: {  	s18 =	simm.s32 $0x0;
	[sflag:s24] =	ssyncadd.s32 $0xFFFFD800  }
0x2d7: {  	v7 =	vld [tilespmem:s18+$0x5200]  }
0x2d8: {  	v5 =	vld [tilespmem:s18+$0x5210]  }
0x2d9: {  	v4 =	vld [tilespmem:s18+$0x5220]  }
0x2da: {  	v3 =	vld [tilespmem:s18+$0x5230]  }
0x2db: {  	v11 =	vld [tilespmem:s18+$0x200]  }
0x2dc: {  	v10 =	vld [tilespmem:s18+$0x210]  }
0x2dd: {  	v9 =	vld [tilespmem:s18+$0x220]  }
0x2de: {  	v8 =	vld [tilespmem:s18+$0x230]  }
0x2df: {  	v6 =	vld [tilespmem:s18+$0x240];
	v13 =	vshll.u32 v7, $0x10  }
0x2e0: {  	s26 =	simm.s32 $0x200;
	v12 =	vand.u32 $0xFFFF0000, v7;
	v7 =	vld [tilespmem:s18+$0x250];
	v11 =	vmul.f32 v13, v11  }
.LBB2_14:
0x2e1: {  	p1 =	sne.s32 s26, $0x9E00;
	v10 =	vmul.f32 v12, v10;
	v12 =	vshll.u32 v5, $0x10;
	v13 =	vld [tilespmem:s18+$0x260]  }
0x2e2: {  	s28 =	sshra.s32 s26, $0x2;
	v5 =	vand.u32 $0xFFFF0000, v5;
	[tilespmem:s18+$0x200] =	vst v11;
	v9 =	vmul.f32 v12, v9;
	v11 =	vld [tilespmem:s18+$0x270]  }
0x2e3: {  	v12 =	vld [tilespmem:s28+$0x5200];
	[tilespmem:s18+$0x210] =	vst v10;
	v8 =	vmul.f32 v5, v8;
	v10 =	vshll.u32 v4, $0x10  }
0x2e4: {  	v5 =	vld [tilespmem:s28+$0x5210];
	[tilespmem:s18+$0x220] =	vst v9;
	v9 =	vand.u32 $0xFFFF0000, v4;
	v6 =	vmul.f32 v10, v6  }
0x2e5: {  	v4 =	vld [tilespmem:s28+$0x5220];
	[tilespmem:s18+$0x230] =	vst v8;
	v7 =	vmul.f32 v9, v7;
	v8 =	vshll.u32 v3, $0x10  }
0x2e6: {  	[tilespmem:s18+$0x240] =	vst v6;
	v6 =	vand.u32 $0xFFFF0000, v3;
	v3 =	vld [tilespmem:s28+$0x5230];
	v8 =	vmul.f32 v8, v13  }
0x2e7: {  	v13 =	vld [tilespmem:s28+$0x200];
	[tilespmem:s18+$0x250] =	vst v7;
	v6 =	vmul.f32 v6, v11  }
.Ltmp6:
0x2e8: {  	v10 =	vld [tilespmem:s28+$0x210];
	[tilespmem:s18+$0x260] =	vst v8;
	(pc) =	sbr.rel @p1 .LBB2_14-.Ltmp6, $4  }
0x2e9: {  	v9 =	vld [tilespmem:s28+$0x220];
	[tilespmem:s18+$0x270] =	vst v6;
	s18 =	smov.u32 s28  }
0x2ea: {  	v8 =	vld [tilespmem:s18+$0x230]  }
0x2eb: {  	v7 =	vshll.u32 v12, $0x10;
	v6 =	vld [tilespmem:s18+$0x240]  }
0x2ec: {  	s26 =	sadd.s32 $0x200, s26;
	v12 =	vand.u32 $0xFFFF0000, v12;
	v11 =	vmul.f32 v7, v13;
	v7 =	vld [tilespmem:s18+$0x250]  }
0x2ed: {  	v13 =	vld [tilespmem:s18+$0x260];
	v10 =	vmul.f32 v12, v10;
	v12 =	vshll.u32 v5, $0x10  }
0x2ee: {  	v5 =	vand.u32 $0xFFFF0000, v5;
	[tilespmem:s18+$0x200] =	vst v11;
	v9 =	vmul.f32 v12, v9;
	v11 =	vld [tilespmem:s18+$0x270]  }
0x2ef: {  	[tilespmem:s18+$0x210] =	vst v10;
	v5 =	vmul.f32 v5, v8;
	v8 =	vshll.u32 v4, $0x10  }
0x2f0: {  	v4 =	vand.u32 $0xFFFF0000, v4;
	[tilespmem:s18+$0x220] =	vst v9;
	v6 =	vmul.f32 v8, v6  }
0x2f1: {  	[tilespmem:s18+$0x230] =	vst v5;
	v4 =	vmul.f32 v4, v7;
	v5 =	vshll.u32 v3, $0x10  }
0x2f2: {  	v3 =	vand.u32 $0xFFFF0000, v3;
	[tilespmem:s18+$0x240] =	vst v6;
	v5 =	vmul.f32 v5, v13  }
0x2f3: {  	[tilespmem:s18+$0x250] =	vst v4;
	v3 =	vmul.f32 v3, v11  }
0x2f4: {  	[tilespmem:s18+$0x260] =	vst v5  }
0x2f5: {  	[tilespmem:s18+$0x270] =	vst v3;
	s18 =	sadd.s32 $0xA0, s10  }
0x2f6: {  	[spmem:s3] =	stream.indirect.scatter.add.f32 [tilespmem:s12], [sflag:$0x7], $0x80, s31, s2, $0xb8;
	[tilespmem:$0x1E280] =	vst v63  }
0x2f7: {  	s26 =	sadd.s32 s16, s18;
	_ =	swait.ge [sflag:s30], $0x2800  }
0x2f8: {  	s26 =	sshrl.u32 s26, $0x3;
	[sflag:s30] =	ssyncset.done $0x0  }
0x2f9: {  	s28 =	simm.s32 $0x0;
	s26 =	sadd.s32 s5, s26;
	[sflag:s30] =	ssyncadd.s32 $0xFFFFD800  }
0x2fa: {  	[tilespmem:s28], [sflag:$0x1] =	stream.linear.gather [hbm4b:s26+s28], $0x50, $0x38;
	[tilespmem:$0x1E280] =	vst v63  }
0x2fb: {  	s26 =	sadd.s32 s17, s18  }
0x2fc: {  	s26 =	sshrl.u32 s26, $0x3  }
0x2fd: {  	s26 =	sadd.s32 s5, s26  }
0x2fe: {  	[tilespmem:s31], [sflag:$0x1] =	stream.linear.gather [hbm4b:s26+s28], $0x50, $0x38;
	[tilespmem:$0x1E280] =	vst v63  }
0x2ff: {  	_ =	swait.ge [sflag:s0], $0x50  }
0x300: {  	[sflag:s0] =	ssyncset.done $0x0  }
0x301: {  	[sflag:s0] =	ssyncadd.s32 $0xFFFFFFB0  }
0x302: {  	_ =	swait.ge [sflag:s0], $0x50  }
0x303: {  	[sflag:s0] =	ssyncset.done $0x0  }
0x304: {  	[sflag:s0] =	ssyncadd.s32 $0xFFFFFFB0  }
0x305: {  	v3 =	vld [tilespmem:$0x0]  }
0x306: {  	v4 =	vld [tilespmem:$0x10]  }
0x307: {  	v5 =	vld [tilespmem:$0x20]  }
0x308: {  	v6 =	vld [tilespmem:$0x30]  }
0x309: {  	v7 =	vld [tilespmem:$0x40]  }
0x30a: {  	v3 =	vadd.s32 v1, v3  }
0x30b: {  	[tilespmem:$0x0] =	vst v3;
	v3 =	vadd.s32 v1, v4  }
0x30c: {  	[tilespmem:$0x10] =	vst v3;
	v3 =	vadd.s32 v1, v5  }
0x30d: {  	[tilespmem:$0x20] =	vst v3;
	v3 =	vadd.s32 v1, v6  }
0x30e: {  	s18 =	sadd.s32 s22, s18;
	[tilespmem:$0x30] =	vst v3;
	v3 =	vadd.s32 v1, v7  }
0x30f: {  	s18 =	sshll.u32 s18, $0x4;
	[tilespmem:$0x40] =	vst v3  }
0x310: {  	[tilespmem:s12], [sflag:$0x3] =	stream.indirect.gather [hbm4b:s1+s2], $0x80, s28, s2, $0xb8;
	[tilespmem:$0x1E280] =	vst v63  }
0x311: {  	s18 =	sadd.s32 s6, s18  }
0x312: {  	[tilespmem:s13], [sflag:$0x5] =	stream.linear.gather [hbm4b:s18+s28], $0x2800, $0x38;
	[tilespmem:$0x1E280] =	vst v63  }
0x313: {  	_ =	swait.ge [sflag:s11], $0x2800  }
0x314: {  	[sflag:s11] =	ssyncset.done $0x0  }
0x315: {  	[sflag:s11] =	ssyncadd.s32 $0xFFFFD800  }
0x316: {  	_ =	swait.ge [sflag:s20], $0x2800  }
0x317: {  	[sflag:s20] =	ssyncset.done $0x0  }
0x318: {  	s18 =	simm.s32 $0x0;
	[sflag:s20] =	ssyncadd.s32 $0xFFFFD800  }
0x319: {  	v7 =	vld [tilespmem:s18+$0x7A00]  }
0x31a: {  	v5 =	vld [tilespmem:s18+$0x7A10]  }
0x31b: {  	v4 =	vld [tilespmem:s18+$0x7A20]  }
0x31c: {  	v3 =	vld [tilespmem:s18+$0x7A30]  }
0x31d: {  	v11 =	vld [tilespmem:s18+$0x2A00]  }
0x31e: {  	v10 =	vld [tilespmem:s18+$0x2A10]  }
0x31f: {  	v9 =	vld [tilespmem:s18+$0x2A20]  }
0x320: {  	v8 =	vld [tilespmem:s18+$0x2A30]  }
0x321: {  	v6 =	vld [tilespmem:s18+$0x2A40];
	v13 =	vshll.u32 v7, $0x10  }
0x322: {  	s26 =	simm.s32 $0x200;
	v12 =	vand.u32 $0xFFFF0000, v7;
	v7 =	vld [tilespmem:s18+$0x2A50];
	v11 =	vmul.f32 v13, v11  }
.LBB2_16:
0x323: {  	p1 =	sne.s32 s26, $0x9E00;
	v10 =	vmul.f32 v12, v10;
	v12 =	vshll.u32 v5, $0x10;
	v13 =	vld [tilespmem:s18+$0x2A60]  }
0x324: {  	s28 =	sshra.s32 s26, $0x2;
	v5 =	vand.u32 $0xFFFF0000, v5;
	[tilespmem:s18+$0x2A00] =	vst v11;
	v9 =	vmul.f32 v12, v9;
	v11 =	vld [tilespmem:s18+$0x2A70]  }
0x325: {  	v12 =	vld [tilespmem:s28+$0x7A00];
	[tilespmem:s18+$0x2A10] =	vst v10;
	v8 =	vmul.f32 v5, v8;
	v10 =	vshll.u32 v4, $0x10  }
0x326: {  	v5 =	vld [tilespmem:s28+$0x7A10];
	[tilespmem:s18+$0x2A20] =	vst v9;
	v9 =	vand.u32 $0xFFFF0000, v4;
	v6 =	vmul.f32 v10, v6  }
0x327: {  	v4 =	vld [tilespmem:s28+$0x7A20];
	[tilespmem:s18+$0x2A30] =	vst v8;
	v7 =	vmul.f32 v9, v7;
	v8 =	vshll.u32 v3, $0x10  }
0x328: {  	[tilespmem:s18+$0x2A40] =	vst v6;
	v6 =	vand.u32 $0xFFFF0000, v3;
	v3 =	vld [tilespmem:s28+$0x7A30];
	v8 =	vmul.f32 v8, v13  }
0x329: {  	v13 =	vld [tilespmem:s28+$0x2A00];
	[tilespmem:s18+$0x2A50] =	vst v7;
	v6 =	vmul.f32 v6, v11  }
.Ltmp7:
0x32a: {  	v10 =	vld [tilespmem:s28+$0x2A10];
	[tilespmem:s18+$0x2A60] =	vst v8;
	(pc) =	sbr.rel @p1 .LBB2_16-.Ltmp7, $4  }
0x32b: {  	v9 =	vld [tilespmem:s28+$0x2A20];
	[tilespmem:s18+$0x2A70] =	vst v6;
	s18 =	smov.u32 s28  }
0x32c: {  	v8 =	vld [tilespmem:s18+$0x2A30]  }
0x32d: {  	v7 =	vshll.u32 v12, $0x10;
	v6 =	vld [tilespmem:s18+$0x2A40]  }
0x32e: {  	s26 =	sadd.s32 $0x200, s26;
	v12 =	vand.u32 $0xFFFF0000, v12;
	v11 =	vmul.f32 v7, v13;
	v7 =	vld [tilespmem:s18+$0x2A50]  }
0x32f: {  	v13 =	vld [tilespmem:s18+$0x2A60];
	v10 =	vmul.f32 v12, v10;
	v58 =	vshll.u32 v5, $0x10  }
0x330: {  	v59 =	vand.u32 $0xFFFF0000, v5;
	v60 =	vld [tilespmem:s18+$0x2A70];
	[tilespmem:s18+$0x2A00] =	vst v11;
	v9 =	vmul.f32 v58, v9  }
0x331: {  	v61 =	vshll.u32 v4, $0x10;
	[tilespmem:s18+$0x2A10] =	vst v10;
	v5 =	vmul.f32 v59, v8  }
0x332: {  	v62 =	vand.u32 $0xFFFF0000, v4;
	[tilespmem:s18+$0x2A20] =	vst v9;
	v6 =	vmul.f32 v61, v6  }
0x333: {  	v63 =	vshll.u32 v3, $0x10;
	[tilespmem:s18+$0x2A30] =	vst v5;
	v4 =	vmul.f32 v62, v7  }
0x334: {  	v3 =	vand.u32 $0xFFFF0000, v3;
	[tilespmem:s18+$0x2A40] =	vst v6;
	v5 =	vmul.f32 v63, v13  }
0x335: {  	v3 =	vmul.f32 v3, v60;
	[tilespmem:s18+$0x2A50] =	vst v4  }
0x336: {  	p1 =	seq.s32 s8, $0x3D;
	[tilespmem:s18+$0x2A60] =	vst v5  }
.Ltmp8:
0x337: {  	[tilespmem:s18+$0x2A70] =	vst v3;
	(pc) =	sbr.rel @p1 .LBB2_19-.Ltmp8, $4  }
0x338: {  	[spmem:s3] =	stream.indirect.scatter.add.f32 [tilespmem:s21], [sflag:$0x7], $0x80, s15, s2, $0xb8;
	[tilespmem:$0x1E280] =	vst v63  }
0x339: {  	_ =	swait.ge [sflag:s30], $0x2800  }
0x33a: {  	[sflag:s30] =	ssyncset.done $0x0  }
0x33b: {  	[sflag:s30] =	ssyncadd.s32 $0xFFFFD800  }
0x33c: {  	s10 =	sadd.s32 $0xF0, s10  }
0x33d: {  	s18 =	sadd.s32 s16, s10  }
.Ltmp9:
0x33e: {  	s10 =	sadd.s32 s17, s10;
	s18 =	sshrl.u32 s18, $0x3;
	(pc) =	sbr.rel .LBB2_13-.Ltmp9, $4  }
0x33f: {  	s10 =	sshrl.u32 s10, $0x3;
	s18 =	sadd.s32 s5, s18  }
0x340: {  	[tilespmem:s14], [sflag:$0x2] =	stream.linear.gather [hbm4b:s18+s4], $0x50, $0x38;
	[tilespmem:$0x1E280] =	vst v63  }
0x341: {  	s8 =	sadd.s32 $0x1, s8;
	s10 =	sadd.s32 s5, s10  }
0x342: {  	[tilespmem:s15], [sflag:$0x2] =	stream.linear.gather [hbm4b:s10+s4], $0x50, $0x38;
	[tilespmem:$0x1E280] =	vst v63  }
.LBB2_19:
0x343: {  	_ =	swait.ge [sflag:s23], $0x2800  }
0x344: {  	[sflag:s23] =	ssyncset.done $0x0  }
0x345: {  	[sflag:s23] =	ssyncadd.s32 $0xFFFFD800  }
0x346: {  	_ =	swait.ge [sflag:s24], $0x2800  }
0x347: {  	[sflag:s24] =	ssyncset.done $0x0  }
0x348: {  	s8 =	simm.s32 $0x0;
	[sflag:s24] =	ssyncadd.s32 $0xFFFFD800  }
0x349: {  	v7 =	vld [tilespmem:s8+$0x5200]  }
0x34a: {  	v5 =	vld [tilespmem:s8+$0x5210]  }
0x34b: {  	v4 =	vld [tilespmem:s8+$0x5220]  }
0x34c: {  	v3 =	vld [tilespmem:s8+$0x5230]  }
0x34d: {  	v11 =	vld [tilespmem:s8+$0x200]  }
0x34e: {  	v10 =	vld [tilespmem:s8+$0x210]  }
0x34f: {  	v9 =	vld [tilespmem:s8+$0x220]  }
0x350: {  	v8 =	vld [tilespmem:s8+$0x230]  }
0x351: {  	v6 =	vld [tilespmem:s8+$0x240];
	v13 =	vshll.u32 v7, $0x10  }
0x352: {  	s10 =	simm.s32 $0x200;
	v12 =	vand.u32 $0xFFFF0000, v7;
	v7 =	vld [tilespmem:s8+$0x250];
	v11 =	vmul.f32 v13, v11  }
.LBB2_20:
0x353: {  	p1 =	sne.s32 s10, $0x9E00;
	v10 =	vmul.f32 v12, v10;
	v12 =	vshll.u32 v5, $0x10;
	v13 =	vld [tilespmem:s8+$0x260]  }
0x354: {  	s18 =	sshra.s32 s10, $0x2;
	v5 =	vand.u32 $0xFFFF0000, v5;
	[tilespmem:s8+$0x200] =	vst v11;
	v9 =	vmul.f32 v12, v9;
	v11 =	vld [tilespmem:s8+$0x270]  }
0x355: {  	v12 =	vld [tilespmem:s18+$0x5200];
	[tilespmem:s8+$0x210] =	vst v10;
	v8 =	vmul.f32 v5, v8;
	v10 =	vshll.u32 v4, $0x10  }
0x356: {  	v5 =	vld [tilespmem:s18+$0x5210];
	[tilespmem:s8+$0x220] =	vst v9;
	v9 =	vand.u32 $0xFFFF0000, v4;
	v6 =	vmul.f32 v10, v6  }
0x357: {  	v4 =	vld [tilespmem:s18+$0x5220];
	[tilespmem:s8+$0x230] =	vst v8;
	v7 =	vmul.f32 v9, v7;
	v8 =	vshll.u32 v3, $0x10  }
0x358: {  	[tilespmem:s8+$0x240] =	vst v6;
	v6 =	vand.u32 $0xFFFF0000, v3;
	v3 =	vld [tilespmem:s18+$0x5230];
	v8 =	vmul.f32 v8, v13  }
0x359: {  	v13 =	vld [tilespmem:s18+$0x200];
	[tilespmem:s8+$0x250] =	vst v7;
	v6 =	vmul.f32 v6, v11  }
.Ltmp10:
0x35a: {  	v10 =	vld [tilespmem:s18+$0x210];
	[tilespmem:s8+$0x260] =	vst v8;
	(pc) =	sbr.rel @p1 .LBB2_20-.Ltmp10, $4  }
0x35b: {  	v9 =	vld [tilespmem:s18+$0x220];
	[tilespmem:s8+$0x270] =	vst v6;
	s8 =	smov.u32 s18  }
0x35c: {  	v8 =	vld [tilespmem:s8+$0x230]  }
0x35d: {  	v7 =	vshll.u32 v12, $0x10;
	v6 =	vld [tilespmem:s8+$0x240]  }
0x35e: {  	s10 =	sadd.s32 $0x200, s10;
	v12 =	vand.u32 $0xFFFF0000, v12;
	v11 =	vmul.f32 v7, v13;
	v7 =	vld [tilespmem:s8+$0x250]  }
0x35f: {  	v13 =	vld [tilespmem:s8+$0x260];
	v10 =	vmul.f32 v12, v10;
	v58 =	vshll.u32 v5, $0x10  }
0x360: {  	v59 =	vand.u32 $0xFFFF0000, v5;
	v60 =	vld [tilespmem:s8+$0x270];
	[tilespmem:s8+$0x200] =	vst v11;
	v9 =	vmul.f32 v58, v9  }
0x361: {  	v61 =	vshll.u32 v4, $0x10;
	[tilespmem:s8+$0x210] =	vst v10;
	v5 =	vmul.f32 v59, v8  }
0x362: {  	v62 =	vand.u32 $0xFFFF0000, v4;
	[tilespmem:s8+$0x220] =	vst v9;
	v6 =	vmul.f32 v61, v6  }
0x363: {  	v63 =	vshll.u32 v3, $0x10;
	[tilespmem:s8+$0x230] =	vst v5;
	v4 =	vmul.f32 v62, v7  }
0x364: {  	v3 =	vand.u32 $0xFFFF0000, v3;
	[tilespmem:s8+$0x240] =	vst v6;
	v5 =	vmul.f32 v63, v13  }
0x365: {  	v3 =	vmul.f32 v3, v60;
	[tilespmem:s8+$0x250] =	vst v4  }
0x366: {  	[tilespmem:s8+$0x260] =	vst v5  }
0x367: {  	[tilespmem:s8+$0x270] =	vst v3  }
0x368: {  	[spmem:s3] =	stream.indirect.scatter.add.f32 [tilespmem:s12], [sflag:$0x7], $0x80, s31, s2, $0xb8;
	[tilespmem:$0x1E280] =	vst v63  }
0x369: {  	_ =	swait.ge [sflag:s30], $0x2800  }
0x36a: {  	[sflag:s30] =	ssyncset.done $0x0  }
0x36b: {  	[sflag:s30] =	ssyncadd.s32 $0xFFFFD800  }
0x36c: {  	[bflag:$0x0] =	sbarrier.arrive $0xFFFF  }
0x36d: {  	s10 =	sld [smem:$0x7DD]  }
0x36e: {  	s18 =	sld [smem:$0x7DC];
	_ =	sdelay $0x1  }
0x36f: {  	s25 =	rddreg [dreg:$0xb]  }
0x370: {  	[hbm:s25], [sflag:s10] =	dma.local [spmem:s18], $0x2700  }
0x371: {  	_ =	swait.ge [sflag:s30], $0x2700  }
0x372: {  	s18 =	sld [smem:$0x7DE]  }
0x373: {  	[sflag:s30] =	ssyncset.done $0x0  }
0x374: {  	s8 =	rddreg [dreg:$0xf];
	[sflag:s30] =	ssyncadd.s32 $0xFFFFD900  }
0x375: {  	[hbm:s8], [sflag:s10] =	dma.local @!p0 [spmem:s18], $0x100  }
0x376: {  	s8 =	simm.s32 @!p0 $0x7  }
0x377: {  	_ =	swait.ge @!p0 [sflag:s8], $0x100  }
0x378: {  	s26 =	sld [smem:$0x7DF];
	_ =	sdelay $0x2  }
0x379: {  	s28 =	rddreg [dreg:$0x10];
	s18 =	sadd.s32 $0x1, s26  }
0x37a: {  	p1 =	sne.s32 s18, s28  }
.Ltmp11:
0x37b: {  	_ = 	snop;
	(pc) =	sbr.rel @p1 .LBB2_1-.Ltmp11, $3  }
0x37c: {  	_ =	sdelay $0x1  }
0x37d: {  	[sflag:s8] =	ssyncset.done @!p0 $0x0  }
0x37e: {  	[sflag:s8] =	ssyncadd.s32 @!p0 $0xFFFFFF00  }
0x37f: {  	_ =	sfence.sel $0x180000  }
0x380: {  	[bflag:$0x0] =	sbarrier.arrive $0xFFFF  }
0x381: {  	_ =	strace $0x90000047  }
0x382: {  	s0 =	stileid.u32;
	[bflag:$0x2] =	sbarrier.arrive $0xFFFF  }
0x383: {  	p0 =	sne.s32 s0, $0x0;
	s0 =	rddreg [dreg:$0x3]  }
0x384: {  	s0 =	sadd.s32 @!p0 $0x100000, s0  }
0x385: {  	[sflag:s0] =	ssyncadd.tile.s32 @!p0 $0x1;
	_ =	shalt  }
.Lfunc_end2:
_tile_overlayer_lowered:
.L_overlay_start_2:
0x386: {  	(tag) =	ssettag $0x2  }
0x387: {  	s0 =	rddreg [dreg:$0x0];
	s2 =	stileid.u32  }
0x388: {  	s1 =	rddreg [dreg:$0x1];
	p0 =	sne.s32 s2, $0x0  }
0x389: {  	s3 =	rddreg [dreg:$0x2];
	[bflag:$0x3] =	sbarrier.arrive $0xFFFF;
	s2 =	simm.s32 @!p0 $0x1C07  }
0x38a: {  	[timem:s3], [sflag:s2] =	dma.local @!p0 [hbm:s0], s1  }
0x38b: {  	s0 =	simm.s32 @!p0 $0x7  }
0x38c: {  	_ =	swait.ge @!p0 [sflag:s0], s1  }
0x38d: {  	s1 =	ssub.s32 @!p0 $0x0, s1;
	[sflag:s0] =	ssyncset.done @!p0 $0x0  }
0x38e: {  	[sflag:s0] =	ssyncadd.s32 @!p0 s1  }
0x38f: {  	[bflag:$0x3] =	sbarrier.arrive $0xFFFF  }
0x390: {  	_ =	shalt  }

</sc_bundles>
